<compile_context>
chip_gen: v7x
topology: tpu7x:2x2x1
jax: 0.10.2.dev20260603
libtpu: 0.0.44.dev20260713+nightly
codegen_flags: <defaults>
</compile_context>

<pallas_src>
import functools

import jax
import jax.numpy as jnp
from jax import lax
from jax.experimental import pallas as pl
from jax.experimental.pallas import tpu as pltpu
from jax.experimental.pallas import tpu_sc as plsc

_THRESH = 0.7
_N_MIN = 131072
_N_CLASSES = 19
_NPIX = 8 * 512 * 512
_NW = 32
_CHUNK = _NPIX // _NW
_NB1 = 2048
_NB3 = 1024
_CPAD = 32
_TH07_BITS = 0x3F333333


def _phase_a(logits, labels, *, interpret=False):
    N, C, H, W = logits.shape
    BH = 64
    grid = (N, H // BH)

    def body(lg_ref, lb_ref, pick_ref, nll_ref, c07_ref):
        x = lg_ref[0]
        lab = lb_ref[0]
        m = jnp.max(x, axis=0)
        e = jnp.exp(x - m[None])
        s = jnp.sum(e, axis=0)
        cls = lax.broadcasted_iota(jnp.int32, (C, BH, W), 0)
        onehot = cls == lab[None]
        picked = jnp.sum(jnp.where(onehot, x, 0.0), axis=0)
        nll = (m - picked) + jnp.log(s)
        pick = jnp.exp(-nll)
        pick_ref[0] = lax.bitcast_convert_type(pick, jnp.int32)
        nll_ref[0] = nll
        nle = jnp.sum((pick <= jnp.float32(_THRESH)).astype(jnp.float32))

        @pl.when((pl.program_id(0) == 0) & (pl.program_id(1) == 0))
        def _():
            c07_ref[0, 0] = 0.0
        c07_ref[0, 0] += nle

    return pl.pallas_call(
        body,
        grid=grid,
        in_specs=[
            pl.BlockSpec((1, C, BH, W), lambda n, h: (n, 0, h, 0)),
            pl.BlockSpec((1, BH, W), lambda n, h: (n, h, 0)),
        ],
        out_specs=[
            pl.BlockSpec((1, BH, W), lambda n, h: (n, h, 0)),
            pl.BlockSpec((1, BH, W), lambda n, h: (n, h, 0)),
            pl.BlockSpec(memory_space=pltpu.MemorySpace.SMEM,
                         index_map=lambda n, h: (0, 0)),
        ],
        out_shape=[
            jax.ShapeDtypeStruct((N, H, W), jnp.int32),
            jax.ShapeDtypeStruct((N, H, W), jnp.float32),
            jax.ShapeDtypeStruct((1, 1), jnp.float32),
        ],
        interpret=interpret,
    )(logits, labels)


def _hist_pass(shift, nbins, prev_shift, *, interpret=False):
    mesh = plsc.VectorSubcoreMesh(core_axis_name="c", subcore_axis_name="s", num_cores=2, num_subcores=16)
    masked = prev_shift is not None

    scratch = [
        pltpu.VMEM((_CHUNK,), jnp.int32),
        pltpu.VMEM((16 * nbins,), jnp.int32),
        pltpu.VMEM((nbins,), jnp.int32),
    ]
    if masked:
        scratch.append(pltpu.VMEM((128,), jnp.int32))

    def body(picks_hbm, *rest):
        if masked:
            state_hbm, out_hbm, chunk_v, hist_v, row_v, pref_v = rest
        else:
            out_hbm, chunk_v, hist_v, row_v = rest
        wid = lax.axis_index("s") * 2 + lax.axis_index("c")
        base = wid * _CHUNK
        pltpu.sync_copy(picks_hbm.at[pl.ds(base, _CHUNK)], chunk_v)
        if masked:
            pltpu.sync_copy(state_hbm.at[0], pref_v)
            prefv = pref_v[pl.ds(0, 16)]

        zeros16 = jnp.zeros((16,), jnp.int32)

        def zbody(j, _):
            hist_v[pl.ds(j * 16, 16)] = zeros16
            return 0
        lax.fori_loop(0, (16 * nbins) // 16, zbody, 0, unroll=8)

        iota = lax.iota(jnp.int32, 16)
        lane_off = iota * nbins
        ones16 = jnp.ones((16,), jnp.int32)
        shift_v = jnp.full((16,), shift, jnp.int32)
        maskbins = jnp.full((16,), nbins - 1, jnp.int32)
        if masked:
            pshift_v = jnp.full((16,), prev_shift, jnp.int32)

        def hbody(i, _):
            bits = chunk_v[pl.ds(i * 16, 16)]
            b = (lax.shift_right_logical(bits, shift_v) & maskbins) + lane_off
            if masked:
                m = lax.shift_right_logical(bits, pshift_v) == prefv
                plsc.addupdate_scatter(hist_v, [b], ones16, mask=m)
            else:
                plsc.addupdate_scatter(hist_v, [b], ones16)
            return 0
        lax.fori_loop(0, _CHUNK // 16, hbody, 0, unroll=8)

        def sbody(j, _):
            acc = hist_v[pl.ds(j * 16, 16)]
            for l in range(1, 16):
                acc = acc + hist_v[pl.ds(l * nbins + j * 16, 16)]
            row_v[pl.ds(j * 16, 16)] = acc
            return 0
        lax.fori_loop(0, nbins // 16, sbody, 0, unroll=4)

        pltpu.sync_copy(row_v, out_hbm.at[wid])

    return functools.partial(
        pl.kernel,
        out_type=jax.ShapeDtypeStruct((_NW, nbins), jnp.int32),
        mesh=mesh,
        scratch_types=scratch,
        compiler_params=pltpu.CompilerParams(needs_layout_passes=False),
        interpret=interpret,
    )(body)


def _find_bin(width, *, final=False, interpret=False):

    def body(hist_ref, st_ref, out_ref):
        hf = hist_ref[...].astype(jnp.float32)
        h = jnp.sum(hf, axis=0)
        R = h.shape[0]
        r_i = st_ref[1, 0]
        p_i = st_ref[0, 0]
        r_f = r_i.astype(jnp.float32)
        tri = (lax.broadcasted_iota(jnp.int32, (128, 128), 0)
               <= lax.broadcasted_iota(jnp.int32, (128, 128), 1))
        rowcum = jax.lax.dot(h, tri.astype(jnp.float32),
                             preferred_element_type=jnp.float32)
        rowtot = rowcum[:, 127:128]
        stri = (lax.broadcasted_iota(jnp.int32, (R, R), 1)
                < lax.broadcasted_iota(jnp.int32, (R, R), 0))
        prev = jax.lax.dot(stri.astype(jnp.float32), rowtot,
                           preferred_element_type=jnp.float32)
        c = rowcum + prev
        mask = c <= r_f
        bin_i = jnp.sum(mask.astype(jnp.int32))
        cbefore = jnp.max(jnp.where(mask, c, 0.0))
        newrank = r_i - cbefore.astype(jnp.int32)
        newprefix = lax.shift_left(p_i, width) | bin_i
        if final:
            q = lax.bitcast_convert_type(newprefix, jnp.float32)
            th = jnp.maximum(q, jnp.float32(_THRESH))
            thr = -jnp.log(th)
            for j in range(16):
                out_ref[0, j] = thr
        else:
            for j in range(16):
                out_ref[0, j] = newprefix
                out_ref[1, j] = newrank

    out_dtype = jnp.float32 if final else jnp.int32
    return pl.pallas_call(
        body,
        in_specs=[
            pl.BlockSpec(memory_space=pltpu.MemorySpace.VMEM),
            pl.BlockSpec(memory_space=pltpu.MemorySpace.SMEM),
        ],
        out_specs=pl.BlockSpec(memory_space=pltpu.MemorySpace.SMEM),
        out_shape=jax.ShapeDtypeStruct((8, 128), out_dtype),
        interpret=interpret,
    )


def _class_sums(*, interpret=False):
    mesh = plsc.VectorSubcoreMesh(core_axis_name="c", subcore_axis_name="s",
                                  num_cores=2, num_subcores=16)
    ROWS = 32

    def body(labels_hbm, nll_hbm, thr_hbm,
             cnt_out, sum_out,
             lab_v, nll_v, thr_v, ca_v, cb_v, sa_v, sb_v):
        wid = lax.axis_index("s") * 2 + lax.axis_index("c")
        rbase = wid * 128
        pltpu.sync_copy(thr_hbm.at[0], thr_v)
        thrv = thr_v[pl.ds(0, 16)]

        zeros16 = jnp.zeros((16,), jnp.float32)
        for i in range(_CPAD):
            ca_v[pl.ds(i * 16, 16)] = zeros16
            cb_v[pl.ds(i * 16, 16)] = zeros16
            sa_v[pl.ds(i * 16, 16)] = zeros16
            sb_v[pl.ds(i * 16, 16)] = zeros16

        iota = lax.iota(jnp.int32, 16)
        ones16 = jnp.ones((16,), jnp.float32)

        def outer(k, _):
            pltpu.sync_copy(labels_hbm.at[pl.ds(rbase + k * ROWS, ROWS)], lab_v)
            pltpu.sync_copy(nll_hbm.at[pl.ds(rbase + k * ROWS, ROWS)], nll_v)

            def row(r, _):
                for j in range(32):
                    lb = lab_v[r, pl.ds(j * 16, 16)]
                    nl = nll_v[r, pl.ds(j * 16, 16)]
                    valid = nl >= thrv
                    idx = lb * 16 + iota
                    if j % 2 == 0:
                        plsc.addupdate_scatter(ca_v, [idx], ones16,
                                               mask=valid)
                        plsc.addupdate_scatter(sa_v, [idx], nl, mask=valid)
                    else:
                        plsc.addupdate_scatter(cb_v, [idx], ones16,
                                               mask=valid)
                        plsc.addupdate_scatter(sb_v, [idx], nl, mask=valid)
                return 0
            lax.fori_loop(0, ROWS, row, 0)
            return 0
        lax.fori_loop(0, 128 // ROWS, outer, 0)

        def merge(i, _):
            ca_v[pl.ds(i * 16, 16)] += cb_v[pl.ds(i * 16, 16)]
            sa_v[pl.ds(i * 16, 16)] += sb_v[pl.ds(i * 16, 16)]
            return 0
        lax.fori_loop(0, _CPAD, merge, 0, unroll=8)

        pltpu.sync_copy(ca_v, cnt_out.at[wid])
        pltpu.sync_copy(sa_v, sum_out.at[wid])

    return functools.partial(
        pl.kernel,
        out_type=[
            jax.ShapeDtypeStruct((_NW, _CPAD * 16), jnp.float32),
            jax.ShapeDtypeStruct((_NW, _CPAD * 16), jnp.float32),
        ],
        mesh=mesh,
        scratch_types=[
            pltpu.VMEM((ROWS, 512), jnp.int32),
            pltpu.VMEM((ROWS, 512), jnp.float32),
            pltpu.VMEM((128,), jnp.float32),
            pltpu.VMEM((_CPAD * 16,), jnp.float32),
            pltpu.VMEM((_CPAD * 16,), jnp.float32),
            pltpu.VMEM((_CPAD * 16,), jnp.float32),
            pltpu.VMEM((_CPAD * 16,), jnp.float32),
        ],
        compiler_params=pltpu.CompilerParams(needs_layout_passes=False),
        interpret=interpret,
    )(body)


def _finalize(*, interpret=False):
    def body(cnt_ref, sum_ref, out_ref):
        c = jnp.sum(cnt_ref[...], axis=0)
        s = jnp.sum(sum_ref[...], axis=0)
        ccls = jnp.sum(c, axis=1, keepdims=True)
        scls = jnp.sum(s, axis=1, keepdims=True)
        total = jnp.sum(ccls)
        prop = ccls / total
        wts = 1.0 / jnp.log(1.02 + prop)
        num = jnp.sum(wts * scls)
        den = jnp.sum(wts * ccls)
        out_ref[0, 0] = num / den

    return pl.pallas_call(
        body,
        in_specs=[
            pl.BlockSpec(memory_space=pltpu.MemorySpace.VMEM),
            pl.BlockSpec(memory_space=pltpu.MemorySpace.VMEM),
        ],
        out_specs=pl.BlockSpec(memory_space=pltpu.MemorySpace.SMEM),
        out_shape=jax.ShapeDtypeStruct((1, 1), jnp.float32),
        interpret=interpret,
    )


def _ohem_loss(logits, labels, *, interpret=False, sc_interpret=False):
    picks2d, nll2d, cnt07 = _phase_a(logits, labels, interpret=interpret)
    picks = picks2d.reshape(-1)
    labs2d = labels.reshape(8 * 512, 512)
    nll2d_m = nll2d.reshape(8 * 512, 512)

    def _radix_path(picks):
        state0 = jnp.zeros((8, 128), jnp.int32).at[1, :].set(_N_MIN)
        h1 = _hist_pass(21, _NB1, None, interpret=sc_interpret)(picks)
        st1 = _find_bin(11, interpret=interpret)(
            h1.reshape(_NW, 16, 128), state0)
        h2 = _hist_pass(10, _NB1, 21, interpret=sc_interpret)(picks, st1)
        st2 = _find_bin(11, interpret=interpret)(
            h2.reshape(_NW, 16, 128), st1)
        h3 = _hist_pass(0, _NB3, 10, interpret=sc_interpret)(picks, st2)
        return _find_bin(10, final=True, interpret=interpret)(
            h3.reshape(_NW, 8, 128), st2)

    thr = lax.cond(
        cnt07[0, 0] >= jnp.float32(_N_MIN + 1),
        lambda p: jnp.full((8, 128), -jnp.log(jnp.float32(_THRESH)),
                           jnp.float32),
        _radix_path,
        picks)

    cnt, sums = _class_sums(interpret=sc_interpret)(labs2d, nll2d_m, thr)
    loss = _finalize(interpret=interpret)(
        cnt.reshape(_NW, _CPAD, 16), sums.reshape(_NW, _CPAD, 16))
    return loss[0, 0]


def kernel(logits, labels):
    return _ohem_loss(logits, labels)

# --- scband reference (transcript-rebuilt; emitter-appended) ---
"""Pipeline reference for scband-ohem-celoss-weighted-64123861729852 (READ-ONLY COPY).

The authoritative reference and input builder live on the scoring server;
editing this copy changes nothing except your own understanding.
"""

import jax, jax.numpy as jnp
import numpy as np

THRESH = 0.7
N_MIN = 131072
N_CLASSES = 19
IGNORE = 255


def setup_inputs(seed: int = 0) -> dict:
    key = jax.random.key(seed)
    k1, k2 = jax.random.split(key)
    logits = jax.random.normal(k1, (8, 19, 512, 512), dtype=jnp.float32)
    labels = jax.random.randint(k2, (8, 512, 512), 0, 19, dtype=jnp.int32)
    return {"logits": logits, "labels": labels}


def reference(logits, labels):
    N, C, H, W = logits.shape
    n_pixs = N * H * W
    lg = jnp.transpose(logits, (0, 2, 3, 1)).reshape(-1, C)
    lb = labels.reshape(-1)
    # OHEM selection is done under torch.no_grad() -> stop_gradient here
    scores = jax.lax.stop_gradient(jax.nn.softmax(lg, axis=1))
    invalid = lb == IGNORE
    lb0 = jnp.where(invalid, 0, lb)
    picks = jnp.take_along_axis(scores, lb0[:, None], axis=1)[:, 0]
    picks = jnp.where(invalid, 1.0, picks)
    sorteds = jnp.sort(picks)
    th = jnp.where(sorteds[N_MIN] < THRESH, THRESH, sorteds[N_MIN])
    # pixels with pick prob > thresh (easy examples) get ignored
    lb2 = jnp.where(picks > th, IGNORE, lb0)
    valid = lb2 != IGNORE
    lab_safe = jnp.where(valid, lb2, 0)
    # enet_weighing: class weights from post-OHEM label histogram
    counts = jnp.bincount(lab_safe, weights=valid.astype(jnp.float32), length=N_CLASSES)
    total = jnp.sum(valid).astype(jnp.float32)
    propensity = counts / total
    wts = (1.0 / jnp.log(1.02 + propensity)).astype(jnp.float32)
    # weighted cross entropy with ignore_index (PyTorch weighted-mean reduction)
    logp = jax.nn.log_softmax(lg, axis=1)
    nll = -jnp.take_along_axis(logp, lab_safe[:, None], axis=1)[:, 0]
    w_i = wts[lab_safe] * valid.astype(jnp.float32)
    loss = jnp.sum(w_i * nll) / jnp.sum(w_i)
    return loss

if __name__ == "__main__":
    import jax
    _d = setup_inputs()
    print(jax.jit(kernel)(*tuple(_d.values())))

</pallas_src>

<mosaic_0001>
#map = affine_map<(d0, d1) -> (0, 0)>
module attributes {stable_mosaic.version = 14 : i64} {
  func.func @body(%arg0: i32, %arg1: i32, %arg2: memref<4096x512xi32, #tpu.memory_space<hbm>>, %arg3: memref<4096x512xf32, #tpu.memory_space<hbm>>, %arg4: memref<8x128xf32, #tpu.memory_space<hbm>>, %arg5: memref<32x512xf32, #tpu.memory_space<hbm>>, %arg6: memref<32x512xf32, #tpu.memory_space<hbm>>, %arg7: memref<32x512xi32, #tpu.memory_space<vmem>>, %arg8: memref<32x512xf32, #tpu.memory_space<vmem>>, %arg9: memref<128xf32, #tpu.memory_space<vmem>>, %arg10: memref<512xf32, #tpu.memory_space<vmem>>, %arg11: memref<512xf32, #tpu.memory_space<vmem>>, %arg12: memref<512xf32, #tpu.memory_space<vmem>>, %arg13: memref<512xf32, #tpu.memory_space<vmem>>) attributes {dimension_semantics = [#tpu.dimension_semantics<core_parallel>, #tpu.dimension_semantics<subcore_parallel>], iteration_bounds = array<i64: 2, 16>, scalar_prefetch = 0 : i64, scratch_operands = 7 : i64, tpu.core_type = #tpu.core_type<sc_vector_subcore>, window_params = [{transform_indices = #map}, {transform_indices = #map}, {transform_indices = #map}, {transform_indices = #map}, {transform_indices = #map}]} {
    %mul3A = arith.constant 2 : i32
    %mul3A_0 = arith.muli %arg1, %mul3A : i32
    %add3A = arith.addi %mul3A_0, %arg0 : i32
    %mul3A_1 = arith.constant 128 : i32
    %mul3A_2 = arith.muli %add3A, %mul3A_1 : i32
    %run_scoped3A = arith.constant 0 : i32
    "tpu.region"() ({
      %run_scoped3A_275 = tpu.sem_alloc : memref<!tpu.dma_semaphore, #tpu.memory_space<semaphore_mem>>
      %dma_start3A = arith.constant 0 : i32
      %dma_start3A_276 = tpu.memref_slice %arg4[%run_scoped3A, %dma_start3A] : memref<8x128xf32, #tpu.memory_space<hbm>> -> memref<1x128xf32, #tpu.memory_space<hbm>>
      %dma_start3A_277 = tpu.memref_squeeze %dma_start3A_276 : memref<1x128xf32, #tpu.memory_space<hbm>> -> memref<128xf32, #tpu.memory_space<hbm>>
      %dma_start3A_278 = arith.constant 0 : i32
      %dma_start3A_279 = tpu.memref_slice %arg4[%run_scoped3A, %dma_start3A_278] : memref<8x128xf32, #tpu.memory_space<hbm>> -> memref<1x128xf32, #tpu.memory_space<hbm>>
      %dma_start3A_280 = tpu.memref_squeeze %dma_start3A_279 : memref<1x128xf32, #tpu.memory_space<hbm>> -> memref<128xf32, #tpu.memory_space<hbm>>
      tpu.enqueue_dma source(%dma_start3A_280 : memref<128xf32, #tpu.memory_space<hbm>>) target(%arg9 : memref<128xf32, #tpu.memory_space<vmem>>) target_semaphore(%run_scoped3A_275 : memref<!tpu.dma_semaphore, #tpu.memory_space<semaphore_mem>>)
      %dma_wait3A = arith.constant 0 : i32
      %dma_wait3A_281 = tpu.memref_slice %arg4[%run_scoped3A, %dma_wait3A] : memref<8x128xf32, #tpu.memory_space<hbm>> -> memref<1x128xf32, #tpu.memory_space<hbm>>
      %dma_wait3A_282 = tpu.memref_squeeze %dma_wait3A_281 : memref<1x128xf32, #tpu.memory_space<hbm>> -> memref<128xf32, #tpu.memory_space<hbm>>
      %dma_wait3A_283 = arith.constant 0 : i32
      %dma_wait3A_284 = tpu.memref_slice %arg4[%run_scoped3A, %dma_wait3A_283] : memref<8x128xf32, #tpu.memory_space<hbm>> -> memref<1x128xf32, #tpu.memory_space<hbm>>
      %dma_wait3A_285 = tpu.memref_squeeze %dma_wait3A_284 : memref<1x128xf32, #tpu.memory_space<hbm>> -> memref<128xf32, #tpu.memory_space<hbm>>
      tpu.wait_dma2 semaphore(%run_scoped3A_275 : memref<!tpu.dma_semaphore, #tpu.memory_space<semaphore_mem>>) src(%dma_wait3A_285 : memref<128xf32, #tpu.memory_space<hbm>>) dst(%arg9 : memref<128xf32, #tpu.memory_space<vmem>>)
      tpu.yield
    }) : () -> ()
    %get3A = arith.constant 0 : index
    %get3A_3 = tpu.vector_load %arg9[%get3A] {strides = array<i32>} : memref<128xf32, #tpu.memory_space<vmem>>, vector<16xf32>,
    %broadcast_in_dim3A = arith.constant 0.000000e+00 : f32
    %broadcast_in_dim3A_4 = vector.broadcast %broadcast_in_dim3A : f32 to vector<16xf32>
    %swap3A = arith.constant 0 : index
    %swap3A_5 = tpu.vector_load %arg10[%swap3A] {strides = array<i32>} : memref<512xf32, #tpu.memory_space<vmem>>, vector<16xf32>,
    tpu.vector_store %arg10[%swap3A], %broadcast_in_dim3A_4 {strides = array<i32>} : memref<512xf32, #tpu.memory_space<vmem>>, vector<16xf32>,
    %swap3A_6 = arith.constant 0 : index
    %swap3A_7 = tpu.vector_load %arg11[%swap3A_6] {strides = array<i32>} : memref<512xf32, #tpu.memory_space<vmem>>, vector<16xf32>,
    tpu.vector_store %arg11[%swap3A_6], %broadcast_in_dim3A_4 {strides = array<i32>} : memref<512xf32, #tpu.memory_space<vmem>>, vector<16xf32>,
    %swap3A_8 = arith.constant 0 : index
    %swap3A_9 = tpu.vector_load %arg12[%swap3A_8] {strides = array<i32>} : memref<512xf32, #tpu.memory_space<vmem>>, vector<16xf32>,
    tpu.vector_store %arg12[%swap3A_8], %broadcast_in_dim3A_4 {strides = array<i32>} : memref<512xf32, #tpu.memory_space<vmem>>, vector<16xf32>,
    %swap3A_10 = arith.constant 0 : index
    %swap3A_11 = tpu.vector_load %arg13[%swap3A_10] {strides = array<i32>} : memref<512xf32, #tpu.memory_space<vmem>>, vector<16xf32>,
    tpu.vector_store %arg13[%swap3A_10], %broadcast_in_dim3A_4 {strides = array<i32>} : memref<512xf32, #tpu.memory_space<vmem>>, vector<16xf32>,
    %swap3A_12 = arith.constant 16 : index
    %swap3A_13 = tpu.vector_load %arg10[%swap3A_12] {strides = array<i32>} : memref<512xf32, #tpu.memory_space<vmem>>, vector<16xf32>,
    tpu.vector_store %arg10[%swap3A_12], %broadcast_in_dim3A_4 {strides = array<i32>} : memref<512xf32, #tpu.memory_space<vmem>>, vector<16xf32>,
    %swap3A_14 = arith.constant 16 : index
    %swap3A_15 = tpu.vector_load %arg11[%swap3A_14] {strides = array<i32>} : memref<512xf32, #tpu.memory_space<vmem>>, vector<16xf32>,
    tpu.vector_store %arg11[%swap3A_14], %broadcast_in_dim3A_4 {strides = array<i32>} : memref<512xf32, #tpu.memory_space<vmem>>, vector<16xf32>,
    %swap3A_16 = arith.constant 16 : index
    %swap3A_17 = tpu.vector_load %arg12[%swap3A_16] {strides = array<i32>} : memref<512xf32, #tpu.memory_space<vmem>>, vector<16xf32>,
    tpu.vector_store %arg12[%swap3A_16], %broadcast_in_dim3A_4 {strides = array<i32>} : memref<512xf32, #tpu.memory_space<vmem>>, vector<16xf32>,
    %swap3A_18 = arith.constant 16 : index
    %swap3A_19 = tpu.vector_load %arg13[%swap3A_18] {strides = array<i32>} : memref<512xf32, #tpu.memory_space<vmem>>, vector<16xf32>,
    tpu.vector_store %arg13[%swap3A_18], %broadcast_in_dim3A_4 {strides = array<i32>} : memref<512xf32, #tpu.memory_space<vmem>>, vector<16xf32>,
    %swap3A_20 = arith.constant 32 : index
    %swap3A_21 = tpu.vector_load %arg10[%swap3A_20] {strides = array<i32>} : memref<512xf32, #tpu.memory_space<vmem>>, vector<16xf32>,
    tpu.vector_store %arg10[%swap3A_20], %broadcast_in_dim3A_4 {strides = array<i32>} : memref<512xf32, #tpu.memory_space<vmem>>, vector<16xf32>,
    %swap3A_22 = arith.constant 32 : index
    %swap3A_23 = tpu.vector_load %arg11[%swap3A_22] {strides = array<i32>} : memref<512xf32, #tpu.memory_space<vmem>>, vector<16xf32>,
    tpu.vector_store %arg11[%swap3A_22], %broadcast_in_dim3A_4 {strides = array<i32>} : memref<512xf32, #tpu.memory_space<vmem>>, vector<16xf32>,
    %swap3A_24 = arith.constant 32 : index
    %swap3A_25 = tpu.vector_load %arg12[%swap3A_24] {strides = array<i32>} : memref<512xf32, #tpu.memory_space<vmem>>, vector<16xf32>,
    tpu.vector_store %arg12[%swap3A_24], %broadcast_in_dim3A_4 {strides = array<i32>} : memref<512xf32, #tpu.memory_space<vmem>>, vector<16xf32>,
    %swap3A_26 = arith.constant 32 : index
    %swap3A_27 = tpu.vector_load %arg13[%swap3A_26] {strides = array<i32>} : memref<512xf32, #tpu.memory_space<vmem>>, vector<16xf32>,
    tpu.vector_store %arg13[%swap3A_26], %broadcast_in_dim3A_4 {strides = array<i32>} : memref<512xf32, #tpu.memory_space<vmem>>, vector<16xf32>,
    %swap3A_28 = arith.constant 48 : index
    %swap3A_29 = tpu.vector_load %arg10[%swap3A_28] {strides = array<i32>} : memref<512xf32, #tpu.memory_space<vmem>>, vector<16xf32>,
    tpu.vector_store %arg10[%swap3A_28], %broadcast_in_dim3A_4 {strides = array<i32>} : memref<512xf32, #tpu.memory_space<vmem>>, vector<16xf32>,
    %swap3A_30 = arith.constant 48 : index
    %swap3A_31 = tpu.vector_load %arg11[%swap3A_30] {strides = array<i32>} : memref<512xf32, #tpu.memory_space<vmem>>, vector<16xf32>,
    tpu.vector_store %arg11[%swap3A_30], %broadcast_in_dim3A_4 {strides = array<i32>} : memref<512xf32, #tpu.memory_space<vmem>>, vector<16xf32>,
    %swap3A_32 = arith.constant 48 : index
    %swap3A_33 = tpu.vector_load %arg12[%swap3A_32] {strides = array<i32>} : memref<512xf32, #tpu.memory_space<vmem>>, vector<16xf32>,
    tpu.vector_store %arg12[%swap3A_32], %broadcast_in_dim3A_4 {strides = array<i32>} : memref<512xf32, #tpu.memory_space<vmem>>, vector<16xf32>,
    %swap3A_34 = arith.constant 48 : index
    %swap3A_35 = tpu.vector_load %arg13[%swap3A_34] {strides = array<i32>} : memref<512xf32, #tpu.memory_space<vmem>>, vector<16xf32>,
    tpu.vector_store %arg13[%swap3A_34], %broadcast_in_dim3A_4 {strides = array<i32>} : memref<512xf32, #tpu.memory_space<vmem>>, vector<16xf32>,
    %swap3A_36 = arith.constant 64 : index
    %swap3A_37 = tpu.vector_load %arg10[%swap3A_36] {strides = array<i32>} : memref<512xf32, #tpu.memory_space<vmem>>, vector<16xf32>,
    tpu.vector_store %arg10[%swap3A_36], %broadcast_in_dim3A_4 {strides = array<i32>} : memref<512xf32, #tpu.memory_space<vmem>>, vector<16xf32>,
    %swap3A_38 = arith.constant 64 : index
    %swap3A_39 = tpu.vector_load %arg11[%swap3A_38] {strides = array<i32>} : memref<512xf32, #tpu.memory_space<vmem>>, vector<16xf32>,
    tpu.vector_store %arg11[%swap3A_38], %broadcast_in_dim3A_4 {strides = array<i32>} : memref<512xf32, #tpu.memory_space<vmem>>, vector<16xf32>,
    %swap3A_40 = arith.constant 64 : index
    %swap3A_41 = tpu.vector_load %arg12[%swap3A_40] {strides = array<i32>} : memref<512xf32, #tpu.memory_space<vmem>>, vector<16xf32>,
    tpu.vector_store %arg12[%swap3A_40], %broadcast_in_dim3A_4 {strides = array<i32>} : memref<512xf32, #tpu.memory_space<vmem>>, vector<16xf32>,
    %swap3A_42 = arith.constant 64 : index
    %swap3A_43 = tpu.vector_load %arg13[%swap3A_42] {strides = array<i32>} : memref<512xf32, #tpu.memory_space<vmem>>, vector<16xf32>,
    tpu.vector_store %arg13[%swap3A_42], %broadcast_in_dim3A_4 {strides = array<i32>} : memref<512xf32, #tpu.memory_space<vmem>>, vector<16xf32>,
    %swap3A_44 = arith.constant 80 : index
    %swap3A_45 = tpu.vector_load %arg10[%swap3A_44] {strides = array<i32>} : memref<512xf32, #tpu.memory_space<vmem>>, vector<16xf32>,
    tpu.vector_store %arg10[%swap3A_44], %broadcast_in_dim3A_4 {strides = array<i32>} : memref<512xf32, #tpu.memory_space<vmem>>, vector<16xf32>,
    %swap3A_46 = arith.constant 80 : index
    %swap3A_47 = tpu.vector_load %arg11[%swap3A_46] {strides = array<i32>} : memref<512xf32, #tpu.memory_space<vmem>>, vector<16xf32>,
    tpu.vector_store %arg11[%swap3A_46], %broadcast_in_dim3A_4 {strides = array<i32>} : memref<512xf32, #tpu.memory_space<vmem>>, vector<16xf32>,
    %swap3A_48 = arith.constant 80 : index
    %swap3A_49 = tpu.vector_load %arg12[%swap3A_48] {strides = array<i32>} : memref<512xf32, #tpu.memory_space<vmem>>, vector<16xf32>,
    tpu.vector_store %arg12[%swap3A_48], %broadcast_in_dim3A_4 {strides = array<i32>} : memref<512xf32, #tpu.memory_space<vmem>>, vector<16xf32>,
    %swap3A_50 = arith.constant 80 : index
    %swap3A_51 = tpu.vector_load %arg13[%swap3A_50] {strides = array<i32>} : memref<512xf32, #tpu.memory_space<vmem>>, vector<16xf32>,
    tpu.vector_store %arg13[%swap3A_50], %broadcast_in_dim3A_4 {strides = array<i32>} : memref<512xf32, #tpu.memory_space<vmem>>, vector<16xf32>,
    %swap3A_52 = arith.constant 96 : index
    %swap3A_53 = tpu.vector_load %arg10[%swap3A_52] {strides = array<i32>} : memref<512xf32, #tpu.memory_space<vmem>>, vector<16xf32>,
    tpu.vector_store %arg10[%swap3A_52], %broadcast_in_dim3A_4 {strides = array<i32>} : memref<512xf32, #tpu.memory_space<vmem>>, vector<16xf32>,
    %swap3A_54 = arith.constant 96 : index
    %swap3A_55 = tpu.vector_load %arg11[%swap3A_54] {strides = array<i32>} : memref<512xf32, #tpu.memory_space<vmem>>, vector<16xf32>,
    tpu.vector_store %arg11[%swap3A_54], %broadcast_in_dim3A_4 {strides = array<i32>} : memref<512xf32, #tpu.memory_space<vmem>>, vector<16xf32>,
    %swap3A_56 = arith.constant 96 : index
    %swap3A_57 = tpu.vector_load %arg12[%swap3A_56] {strides = array<i32>} : memref<512xf32, #tpu.memory_space<vmem>>, vector<16xf32>,
    tpu.vector_store %arg12[%swap3A_56], %broadcast_in_dim3A_4 {strides = array<i32>} : memref<512xf32, #tpu.memory_space<vmem>>, vector<16xf32>,
    %swap3A_58 = arith.constant 96 : index
    %swap3A_59 = tpu.vector_load %arg13[%swap3A_58] {strides = array<i32>} : memref<512xf32, #tpu.memory_space<vmem>>, vector<16xf32>,
    tpu.vector_store %arg13[%swap3A_58], %broadcast_in_dim3A_4 {strides = array<i32>} : memref<512xf32, #tpu.memory_space<vmem>>, vector<16xf32>,
    %swap3A_60 = arith.constant 112 : index
    %swap3A_61 = tpu.vector_load %arg10[%swap3A_60] {strides = array<i32>} : memref<512xf32, #tpu.memory_space<vmem>>, vector<16xf32>,
    tpu.vector_store %arg10[%swap3A_60], %broadcast_in_dim3A_4 {strides = array<i32>} : memref<512xf32, #tpu.memory_space<vmem>>, vector<16xf32>,
    %swap3A_62 = arith.constant 112 : index
    %swap3A_63 = tpu.vector_load %arg11[%swap3A_62] {strides = array<i32>} : memref<512xf32, #tpu.memory_space<vmem>>, vector<16xf32>,
    tpu.vector_store %arg11[%swap3A_62], %broadcast_in_dim3A_4 {strides = array<i32>} : memref<512xf32, #tpu.memory_space<vmem>>, vector<16xf32>,
    %swap3A_64 = arith.constant 112 : index
    %swap3A_65 = tpu.vector_load %arg12[%swap3A_64] {strides = array<i32>} : memref<512xf32, #tpu.memory_space<vmem>>, vector<16xf32>,
    tpu.vector_store %arg12[%swap3A_64], %broadcast_in_dim3A_4 {strides = array<i32>} : memref<512xf32, #tpu.memory_space<vmem>>, vector<16xf32>,
    %swap3A_66 = arith.constant 112 : index
    %swap3A_67 = tpu.vector_load %arg13[%swap3A_66] {strides = array<i32>} : memref<512xf32, #tpu.memory_space<vmem>>, vector<16xf32>,
    tpu.vector_store %arg13[%swap3A_66], %broadcast_in_dim3A_4 {strides = array<i32>} : memref<512xf32, #tpu.memory_space<vmem>>, vector<16xf32>,
    %swap3A_68 = arith.constant 128 : index
    %swap3A_69 = tpu.vector_load %arg10[%swap3A_68] {strides = array<i32>} : memref<512xf32, #tpu.memory_space<vmem>>, vector<16xf32>,
    tpu.vector_store %arg10[%swap3A_68], %broadcast_in_dim3A_4 {strides = array<i32>} : memref<512xf32, #tpu.memory_space<vmem>>, vector<16xf32>,
    %swap3A_70 = arith.constant 128 : index
    %swap3A_71 = tpu.vector_load %arg11[%swap3A_70] {strides = array<i32>} : memref<512xf32, #tpu.memory_space<vmem>>, vector<16xf32>,
    tpu.vector_store %arg11[%swap3A_70], %broadcast_in_dim3A_4 {strides = array<i32>} : memref<512xf32, #tpu.memory_space<vmem>>, vector<16xf32>,
    %swap3A_72 = arith.constant 128 : index
    %swap3A_73 = tpu.vector_load %arg12[%swap3A_72] {strides = array<i32>} : memref<512xf32, #tpu.memory_space<vmem>>, vector<16xf32>,
    tpu.vector_store %arg12[%swap3A_72], %broadcast_in_dim3A_4 {strides = array<i32>} : memref<512xf32, #tpu.memory_space<vmem>>, vector<16xf32>,
    %swap3A_74 = arith.constant 128 : index
    %swap3A_75 = tpu.vector_load %arg13[%swap3A_74] {strides = array<i32>} : memref<512xf32, #tpu.memory_space<vmem>>, vector<16xf32>,
    tpu.vector_store %arg13[%swap3A_74], %broadcast_in_dim3A_4 {strides = array<i32>} : memref<512xf32, #tpu.memory_space<vmem>>, vector<16xf32>,
    %swap3A_76 = arith.constant 144 : index
    %swap3A_77 = tpu.vector_load %arg10[%swap3A_76] {strides = array<i32>} : memref<512xf32, #tpu.memory_space<vmem>>, vector<16xf32>,
    tpu.vector_store %arg10[%swap3A_76], %broadcast_in_dim3A_4 {strides = array<i32>} : memref<512xf32, #tpu.memory_space<vmem>>, vector<16xf32>,
    %swap3A_78 = arith.constant 144 : index
    %swap3A_79 = tpu.vector_load %arg11[%swap3A_78] {strides = array<i32>} : memref<512xf32, #tpu.memory_space<vmem>>, vector<16xf32>,
    tpu.vector_store %arg11[%swap3A_78], %broadcast_in_dim3A_4 {strides = array<i32>} : memref<512xf32, #tpu.memory_space<vmem>>, vector<16xf32>,
    %swap3A_80 = arith.constant 144 : index
    %swap3A_81 = tpu.vector_load %arg12[%swap3A_80] {strides = array<i32>} : memref<512xf32, #tpu.memory_space<vmem>>, vector<16xf32>,
    tpu.vector_store %arg12[%swap3A_80], %broadcast_in_dim3A_4 {strides = array<i32>} : memref<512xf32, #tpu.memory_space<vmem>>, vector<16xf32>,
    %swap3A_82 = arith.constant 144 : index
    %swap3A_83 = tpu.vector_load %arg13[%swap3A_82] {strides = array<i32>} : memref<512xf32, #tpu.memory_space<vmem>>, vector<16xf32>,
    tpu.vector_store %arg13[%swap3A_82], %broadcast_in_dim3A_4 {strides = array<i32>} : memref<512xf32, #tpu.memory_space<vmem>>, vector<16xf32>,
    %swap3A_84 = arith.constant 160 : index
    %swap3A_85 = tpu.vector_load %arg10[%swap3A_84] {strides = array<i32>} : memref<512xf32, #tpu.memory_space<vmem>>, vector<16xf32>,
    tpu.vector_store %arg10[%swap3A_84], %broadcast_in_dim3A_4 {strides = array<i32>} : memref<512xf32, #tpu.memory_space<vmem>>, vector<16xf32>,
    %swap3A_86 = arith.constant 160 : index
    %swap3A_87 = tpu.vector_load %arg11[%swap3A_86] {strides = array<i32>} : memref<512xf32, #tpu.memory_space<vmem>>, vector<16xf32>,
    tpu.vector_store %arg11[%swap3A_86], %broadcast_in_dim3A_4 {strides = array<i32>} : memref<512xf32, #tpu.memory_space<vmem>>, vector<16xf32>,
    %swap3A_88 = arith.constant 160 : index
    %swap3A_89 = tpu.vector_load %arg12[%swap3A_88] {strides = array<i32>} : memref<512xf32, #tpu.memory_space<vmem>>, vector<16xf32>,
    tpu.vector_store %arg12[%swap3A_88], %broadcast_in_dim3A_4 {strides = array<i32>} : memref<512xf32, #tpu.memory_space<vmem>>, vector<16xf32>,
    %swap3A_90 = arith.constant 160 : index
    %swap3A_91 = tpu.vector_load %arg13[%swap3A_90] {strides = array<i32>} : memref<512xf32, #tpu.memory_space<vmem>>, vector<16xf32>,
    tpu.vector_store %arg13[%swap3A_90], %broadcast_in_dim3A_4 {strides = array<i32>} : memref<512xf32, #tpu.memory_space<vmem>>, vector<16xf32>,
    %swap3A_92 = arith.constant 176 : index
    %swap3A_93 = tpu.vector_load %arg10[%swap3A_92] {strides = array<i32>} : memref<512xf32, #tpu.memory_space<vmem>>, vector<16xf32>,
    tpu.vector_store %arg10[%swap3A_92], %broadcast_in_dim3A_4 {strides = array<i32>} : memref<512xf32, #tpu.memory_space<vmem>>, vector<16xf32>,
    %swap3A_94 = arith.constant 176 : index
    %swap3A_95 = tpu.vector_load %arg11[%swap3A_94] {strides = array<i32>} : memref<512xf32, #tpu.memory_space<vmem>>, vector<16xf32>,
    tpu.vector_store %arg11[%swap3A_94], %broadcast_in_dim3A_4 {strides = array<i32>} : memref<512xf32, #tpu.memory_space<vmem>>, vector<16xf32>,
    %swap3A_96 = arith.constant 176 : index
    %swap3A_97 = tpu.vector_load %arg12[%swap3A_96] {strides = array<i32>} : memref<512xf32, #tpu.memory_space<vmem>>, vector<16xf32>,
    tpu.vector_store %arg12[%swap3A_96], %broadcast_in_dim3A_4 {strides = array<i32>} : memref<512xf32, #tpu.memory_space<vmem>>, vector<16xf32>,
    %swap3A_98 = arith.constant 176 : index
    %swap3A_99 = tpu.vector_load %arg13[%swap3A_98] {strides = array<i32>} : memref<512xf32, #tpu.memory_space<vmem>>, vector<16xf32>,
    tpu.vector_store %arg13[%swap3A_98], %broadcast_in_dim3A_4 {strides = array<i32>} : memref<512xf32, #tpu.memory_space<vmem>>, vector<16xf32>,
    %swap3A_100 = arith.constant 192 : index
    %swap3A_101 = tpu.vector_load %arg10[%swap3A_100] {strides = array<i32>} : memref<512xf32, #tpu.memory_space<vmem>>, vector<16xf32>,
    tpu.vector_store %arg10[%swap3A_100], %broadcast_in_dim3A_4 {strides = array<i32>} : memref<512xf32, #tpu.memory_space<vmem>>, vector<16xf32>,
    %swap3A_102 = arith.constant 192 : index
    %swap3A_103 = tpu.vector_load %arg11[%swap3A_102] {strides = array<i32>} : memref<512xf32, #tpu.memory_space<vmem>>, vector<16xf32>,
    tpu.vector_store %arg11[%swap3A_102], %broadcast_in_dim3A_4 {strides = array<i32>} : memref<512xf32, #tpu.memory_space<vmem>>, vector<16xf32>,
    %swap3A_104 = arith.constant 192 : index
    %swap3A_105 = tpu.vector_load %arg12[%swap3A_104] {strides = array<i32>} : memref<512xf32, #tpu.memory_space<vmem>>, vector<16xf32>,
    tpu.vector_store %arg12[%swap3A_104], %broadcast_in_dim3A_4 {strides = array<i32>} : memref<512xf32, #tpu.memory_space<vmem>>, vector<16xf32>,
    %swap3A_106 = arith.constant 192 : index
    %swap3A_107 = tpu.vector_load %arg13[%swap3A_106] {strides = array<i32>} : memref<512xf32, #tpu.memory_space<vmem>>, vector<16xf32>,
    tpu.vector_store %arg13[%swap3A_106], %broadcast_in_dim3A_4 {strides = array<i32>} : memref<512xf32, #tpu.memory_space<vmem>>, vector<16xf32>,
    %swap3A_108 = arith.constant 208 : index
    %swap3A_109 = tpu.vector_load %arg10[%swap3A_108] {strides = array<i32>} : memref<512xf32, #tpu.memory_space<vmem>>, vector<16xf32>,
    tpu.vector_store %arg10[%swap3A_108], %broadcast_in_dim3A_4 {strides = array<i32>} : memref<512xf32, #tpu.memory_space<vmem>>, vector<16xf32>,
    %swap3A_110 = arith.constant 208 : index
    %swap3A_111 = tpu.vector_load %arg11[%swap3A_110] {strides = array<i32>} : memref<512xf32, #tpu.memory_space<vmem>>, vector<16xf32>,
    tpu.vector_store %arg11[%swap3A_110], %broadcast_in_dim3A_4 {strides = array<i32>} : memref<512xf32, #tpu.memory_space<vmem>>, vector<16xf32>,
    %swap3A_112 = arith.constant 208 : index
    %swap3A_113 = tpu.vector_load %arg12[%swap3A_112] {strides = array<i32>} : memref<512xf32, #tpu.memory_space<vmem>>, vector<16xf32>,
    tpu.vector_store %arg12[%swap3A_112], %broadcast_in_dim3A_4 {strides = array<i32>} : memref<512xf32, #tpu.memory_space<vmem>>, vector<16xf32>,
    %swap3A_114 = arith.constant 208 : index
    %swap3A_115 = tpu.vector_load %arg13[%swap3A_114] {strides = array<i32>} : memref<512xf32, #tpu.memory_space<vmem>>, vector<16xf32>,
    tpu.vector_store %arg13[%swap3A_114], %broadcast_in_dim3A_4 {strides = array<i32>} : memref<512xf32, #tpu.memory_space<vmem>>, vector<16xf32>,
    %swap3A_116 = arith.constant 224 : index
    %swap3A_117 = tpu.vector_load %arg10[%swap3A_116] {strides = array<i32>} : memref<512xf32, #tpu.memory_space<vmem>>, vector<16xf32>,
    tpu.vector_store %arg10[%swap3A_116], %broadcast_in_dim3A_4 {strides = array<i32>} : memref<512xf32, #tpu.memory_space<vmem>>, vector<16xf32>,
    %swap3A_118 = arith.constant 224 : index
    %swap3A_119 = tpu.vector_load %arg11[%swap3A_118] {strides = array<i32>} : memref<512xf32, #tpu.memory_space<vmem>>, vector<16xf32>,
    tpu.vector_store %arg11[%swap3A_118], %broadcast_in_dim3A_4 {strides = array<i32>} : memref<512xf32, #tpu.memory_space<vmem>>, vector<16xf32>,
    %swap3A_120 = arith.constant 224 : index
    %swap3A_121 = tpu.vector_load %arg12[%swap3A_120] {strides = array<i32>} : memref<512xf32, #tpu.memory_space<vmem>>, vector<16xf32>,
    tpu.vector_store %arg12[%swap3A_120], %broadcast_in_dim3A_4 {strides = array<i32>} : memref<512xf32, #tpu.memory_space<vmem>>, vector<16xf32>,
    %swap3A_122 = arith.constant 224 : index
    %swap3A_123 = tpu.vector_load %arg13[%swap3A_122] {strides = array<i32>} : memref<512xf32, #tpu.memory_space<vmem>>, vector<16xf32>,
    tpu.vector_store %arg13[%swap3A_122], %broadcast_in_dim3A_4 {strides = array<i32>} : memref<512xf32, #tpu.memory_space<vmem>>, vector<16xf32>,
    %swap3A_124 = arith.constant 240 : index
    %swap3A_125 = tpu.vector_load %arg10[%swap3A_124] {strides = array<i32>} : memref<512xf32, #tpu.memory_space<vmem>>, vector<16xf32>,
    tpu.vector_store %arg10[%swap3A_124], %broadcast_in_dim3A_4 {strides = array<i32>} : memref<512xf32, #tpu.memory_space<vmem>>, vector<16xf32>,
    %swap3A_126 = arith.constant 240 : index
    %swap3A_127 = tpu.vector_load %arg11[%swap3A_126] {strides = array<i32>} : memref<512xf32, #tpu.memory_space<vmem>>, vector<16xf32>,
    tpu.vector_store %arg11[%swap3A_126], %broadcast_in_dim3A_4 {strides = array<i32>} : memref<512xf32, #tpu.memory_space<vmem>>, vector<16xf32>,
    %swap3A_128 = arith.constant 240 : index
    %swap3A_129 = tpu.vector_load %arg12[%swap3A_128] {strides = array<i32>} : memref<512xf32, #tpu.memory_space<vmem>>, vector<16xf32>,
    tpu.vector_store %arg12[%swap3A_128], %broadcast_in_dim3A_4 {strides = array<i32>} : memref<512xf32, #tpu.memory_space<vmem>>, vector<16xf32>,
    %swap3A_130 = arith.constant 240 : index
    %swap3A_131 = tpu.vector_load %arg13[%swap3A_130] {strides = array<i32>} : memref<512xf32, #tpu.memory_space<vmem>>, vector<16xf32>,
    tpu.vector_store %arg13[%swap3A_130], %broadcast_in_dim3A_4 {strides = array<i32>} : memref<512xf32, #tpu.memory_space<vmem>>, vector<16xf32>,
    %swap3A_132 = arith.constant 256 : index
    %swap3A_133 = tpu.vector_load %arg10[%swap3A_132] {strides = array<i32>} : memref<512xf32, #tpu.memory_space<vmem>>, vector<16xf32>,
    tpu.vector_store %arg10[%swap3A_132], %broadcast_in_dim3A_4 {strides = array<i32>} : memref<512xf32, #tpu.memory_space<vmem>>, vector<16xf32>,
    %swap3A_134 = arith.constant 256 : index
    %swap3A_135 = tpu.vector_load %arg11[%swap3A_134] {strides = array<i32>} : memref<512xf32, #tpu.memory_space<vmem>>, vector<16xf32>,
    tpu.vector_store %arg11[%swap3A_134], %broadcast_in_dim3A_4 {strides = array<i32>} : memref<512xf32, #tpu.memory_space<vmem>>, vector<16xf32>,
    %swap3A_136 = arith.constant 256 : index
    %swap3A_137 = tpu.vector_load %arg12[%swap3A_136] {strides = array<i32>} : memref<512xf32, #tpu.memory_space<vmem>>, vector<16xf32>,
    tpu.vector_store %arg12[%swap3A_136], %broadcast_in_dim3A_4 {strides = array<i32>} : memref<512xf32, #tpu.memory_space<vmem>>, vector<16xf32>,
    %swap3A_138 = arith.constant 256 : index
    %swap3A_139 = tpu.vector_load %arg13[%swap3A_138] {strides = array<i32>} : memref<512xf32, #tpu.memory_space<vmem>>, vector<16xf32>,
    tpu.vector_store %arg13[%swap3A_138], %broadcast_in_dim3A_4 {strides = array<i32>} : memref<512xf32, #tpu.memory_space<vmem>>, vector<16xf32>,
    %swap3A_140 = arith.constant 272 : index
    %swap3A_141 = tpu.vector_load %arg10[%swap3A_140] {strides = array<i32>} : memref<512xf32, #tpu.memory_space<vmem>>, vector<16xf32>,
    tpu.vector_store %arg10[%swap3A_140], %broadcast_in_dim3A_4 {strides = array<i32>} : memref<512xf32, #tpu.memory_space<vmem>>, vector<16xf32>,
    %swap3A_142 = arith.constant 272 : index
    %swap3A_143 = tpu.vector_load %arg11[%swap3A_142] {strides = array<i32>} : memref<512xf32, #tpu.memory_space<vmem>>, vector<16xf32>,
    tpu.vector_store %arg11[%swap3A_142], %broadcast_in_dim3A_4 {strides = array<i32>} : memref<512xf32, #tpu.memory_space<vmem>>, vector<16xf32>,
    %swap3A_144 = arith.constant 272 : index
    %swap3A_145 = tpu.vector_load %arg12[%swap3A_144] {strides = array<i32>} : memref<512xf32, #tpu.memory_space<vmem>>, vector<16xf32>,
    tpu.vector_store %arg12[%swap3A_144], %broadcast_in_dim3A_4 {strides = array<i32>} : memref<512xf32, #tpu.memory_space<vmem>>, vector<16xf32>,
    %swap3A_146 = arith.constant 272 : index
    %swap3A_147 = tpu.vector_load %arg13[%swap3A_146] {strides = array<i32>} : memref<512xf32, #tpu.memory_space<vmem>>, vector<16xf32>,
    tpu.vector_store %arg13[%swap3A_146], %broadcast_in_dim3A_4 {strides = array<i32>} : memref<512xf32, #tpu.memory_space<vmem>>, vector<16xf32>,
    %swap3A_148 = arith.constant 288 : index
    %swap3A_149 = tpu.vector_load %arg10[%swap3A_148] {strides = array<i32>} : memref<512xf32, #tpu.memory_space<vmem>>, vector<16xf32>,
    tpu.vector_store %arg10[%swap3A_148], %broadcast_in_dim3A_4 {strides = array<i32>} : memref<512xf32, #tpu.memory_space<vmem>>, vector<16xf32>,
    %swap3A_150 = arith.constant 288 : index
    %swap3A_151 = tpu.vector_load %arg11[%swap3A_150] {strides = array<i32>} : memref<512xf32, #tpu.memory_space<vmem>>, vector<16xf32>,
    tpu.vector_store %arg11[%swap3A_150], %broadcast_in_dim3A_4 {strides = array<i32>} : memref<512xf32, #tpu.memory_space<vmem>>, vector<16xf32>,
    %swap3A_152 = arith.constant 288 : index
    %swap3A_153 = tpu.vector_load %arg12[%swap3A_152] {strides = array<i32>} : memref<512xf32, #tpu.memory_space<vmem>>, vector<16xf32>,
    tpu.vector_store %arg12[%swap3A_152], %broadcast_in_dim3A_4 {strides = array<i32>} : memref<512xf32, #tpu.memory_space<vmem>>, vector<16xf32>,
    %swap3A_154 = arith.constant 288 : index
    %swap3A_155 = tpu.vector_load %arg13[%swap3A_154] {strides = array<i32>} : memref<512xf32, #tpu.memory_space<vmem>>, vector<16xf32>,
    tpu.vector_store %arg13[%swap3A_154], %broadcast_in_dim3A_4 {strides = array<i32>} : memref<512xf32, #tpu.memory_space<vmem>>, vector<16xf32>,
    %swap3A_156 = arith.constant 304 : index
    %swap3A_157 = tpu.vector_load %arg10[%swap3A_156] {strides = array<i32>} : memref<512xf32, #tpu.memory_space<vmem>>, vector<16xf32>,
    tpu.vector_store %arg10[%swap3A_156], %broadcast_in_dim3A_4 {strides = array<i32>} : memref<512xf32, #tpu.memory_space<vmem>>, vector<16xf32>,
    %swap3A_158 = arith.constant 304 : index
    %swap3A_159 = tpu.vector_load %arg11[%swap3A_158] {strides = array<i32>} : memref<512xf32, #tpu.memory_space<vmem>>, vector<16xf32>,
    tpu.vector_store %arg11[%swap3A_158], %broadcast_in_dim3A_4 {strides = array<i32>} : memref<512xf32, #tpu.memory_space<vmem>>, vector<16xf32>,
    %swap3A_160 = arith.constant 304 : index
    %swap3A_161 = tpu.vector_load %arg12[%swap3A_160] {strides = array<i32>} : memref<512xf32, #tpu.memory_space<vmem>>, vector<16xf32>,
    tpu.vector_store %arg12[%swap3A_160], %broadcast_in_dim3A_4 {strides = array<i32>} : memref<512xf32, #tpu.memory_space<vmem>>, vector<16xf32>,
    %swap3A_162 = arith.constant 304 : index
    %swap3A_163 = tpu.vector_load %arg13[%swap3A_162] {strides = array<i32>} : memref<512xf32, #tpu.memory_space<vmem>>, vector<16xf32>,
    tpu.vector_store %arg13[%swap3A_162], %broadcast_in_dim3A_4 {strides = array<i32>} : memref<512xf32, #tpu.memory_space<vmem>>, vector<16xf32>,
    %swap3A_164 = arith.constant 320 : index
    %swap3A_165 = tpu.vector_load %arg10[%swap3A_164] {strides = array<i32>} : memref<512xf32, #tpu.memory_space<vmem>>, vector<16xf32>,
    tpu.vector_store %arg10[%swap3A_164], %broadcast_in_dim3A_4 {strides = array<i32>} : memref<512xf32, #tpu.memory_space<vmem>>, vector<16xf32>,
    %swap3A_166 = arith.constant 320 : index
    %swap3A_167 = tpu.vector_load %arg11[%swap3A_166] {strides = array<i32>} : memref<512xf32, #tpu.memory_space<vmem>>, vector<16xf32>,
    tpu.vector_store %arg11[%swap3A_166], %broadcast_in_dim3A_4 {strides = array<i32>} : memref<512xf32, #tpu.memory_space<vmem>>, vector<16xf32>,
    %swap3A_168 = arith.constant 320 : index
    %swap3A_169 = tpu.vector_load %arg12[%swap3A_168] {strides = array<i32>} : memref<512xf32, #tpu.memory_space<vmem>>, vector<16xf32>,
    tpu.vector_store %arg12[%swap3A_168], %broadcast_in_dim3A_4 {strides = array<i32>} : memref<512xf32, #tpu.memory_space<vmem>>, vector<16xf32>,
    %swap3A_170 = arith.constant 320 : index
    %swap3A_171 = tpu.vector_load %arg13[%swap3A_170] {strides = array<i32>} : memref<512xf32, #tpu.memory_space<vmem>>, vector<16xf32>,
    tpu.vector_store %arg13[%swap3A_170], %broadcast_in_dim3A_4 {strides = array<i32>} : memref<512xf32, #tpu.memory_space<vmem>>, vector<16xf32>,
    %swap3A_172 = arith.constant 336 : index
    %swap3A_173 = tpu.vector_load %arg10[%swap3A_172] {strides = array<i32>} : memref<512xf32, #tpu.memory_space<vmem>>, vector<16xf32>,
    tpu.vector_store %arg10[%swap3A_172], %broadcast_in_dim3A_4 {strides = array<i32>} : memref<512xf32, #tpu.memory_space<vmem>>, vector<16xf32>,
    %swap3A_174 = arith.constant 336 : index
    %swap3A_175 = tpu.vector_load %arg11[%swap3A_174] {strides = array<i32>} : memref<512xf32, #tpu.memory_space<vmem>>, vector<16xf32>,
    tpu.vector_store %arg11[%swap3A_174], %broadcast_in_dim3A_4 {strides = array<i32>} : memref<512xf32, #tpu.memory_space<vmem>>, vector<16xf32>,
    %swap3A_176 = arith.constant 336 : index
    %swap3A_177 = tpu.vector_load %arg12[%swap3A_176] {strides = array<i32>} : memref<512xf32, #tpu.memory_space<vmem>>, vector<16xf32>,
    tpu.vector_store %arg12[%swap3A_176], %broadcast_in_dim3A_4 {strides = array<i32>} : memref<512xf32, #tpu.memory_space<vmem>>, vector<16xf32>,
    %swap3A_178 = arith.constant 336 : index
    %swap3A_179 = tpu.vector_load %arg13[%swap3A_178] {strides = array<i32>} : memref<512xf32, #tpu.memory_space<vmem>>, vector<16xf32>,
    tpu.vector_store %arg13[%swap3A_178], %broadcast_in_dim3A_4 {strides = array<i32>} : memref<512xf32, #tpu.memory_space<vmem>>, vector<16xf32>,
    %swap3A_180 = arith.constant 352 : index
    %swap3A_181 = tpu.vector_load %arg10[%swap3A_180] {strides = array<i32>} : memref<512xf32, #tpu.memory_space<vmem>>, vector<16xf32>,
    tpu.vector_store %arg10[%swap3A_180], %broadcast_in_dim3A_4 {strides = array<i32>} : memref<512xf32, #tpu.memory_space<vmem>>, vector<16xf32>,
    %swap3A_182 = arith.constant 352 : index
    %swap3A_183 = tpu.vector_load %arg11[%swap3A_182] {strides = array<i32>} : memref<512xf32, #tpu.memory_space<vmem>>, vector<16xf32>,
    tpu.vector_store %arg11[%swap3A_182], %broadcast_in_dim3A_4 {strides = array<i32>} : memref<512xf32, #tpu.memory_space<vmem>>, vector<16xf32>,
    %swap3A_184 = arith.constant 352 : index
    %swap3A_185 = tpu.vector_load %arg12[%swap3A_184] {strides = array<i32>} : memref<512xf32, #tpu.memory_space<vmem>>, vector<16xf32>,
    tpu.vector_store %arg12[%swap3A_184], %broadcast_in_dim3A_4 {strides = array<i32>} : memref<512xf32, #tpu.memory_space<vmem>>, vector<16xf32>,
    %swap3A_186 = arith.constant 352 : index
    %swap3A_187 = tpu.vector_load %arg13[%swap3A_186] {strides = array<i32>} : memref<512xf32, #tpu.memory_space<vmem>>, vector<16xf32>,
    tpu.vector_store %arg13[%swap3A_186], %broadcast_in_dim3A_4 {strides = array<i32>} : memref<512xf32, #tpu.memory_space<vmem>>, vector<16xf32>,
    %swap3A_188 = arith.constant 368 : index
    %swap3A_189 = tpu.vector_load %arg10[%swap3A_188] {strides = array<i32>} : memref<512xf32, #tpu.memory_space<vmem>>, vector<16xf32>,
    tpu.vector_store %arg10[%swap3A_188], %broadcast_in_dim3A_4 {strides = array<i32>} : memref<512xf32, #tpu.memory_space<vmem>>, vector<16xf32>,
    %swap3A_190 = arith.constant 368 : index
    %swap3A_191 = tpu.vector_load %arg11[%swap3A_190] {strides = array<i32>} : memref<512xf32, #tpu.memory_space<vmem>>, vector<16xf32>,
    tpu.vector_store %arg11[%swap3A_190], %broadcast_in_dim3A_4 {strides = array<i32>} : memref<512xf32, #tpu.memory_space<vmem>>, vector<16xf32>,
    %swap3A_192 = arith.constant 368 : index
    %swap3A_193 = tpu.vector_load %arg12[%swap3A_192] {strides = array<i32>} : memref<512xf32, #tpu.memory_space<vmem>>, vector<16xf32>,
    tpu.vector_store %arg12[%swap3A_192], %broadcast_in_dim3A_4 {strides = array<i32>} : memref<512xf32, #tpu.memory_space<vmem>>, vector<16xf32>,
    %swap3A_194 = arith.constant 368 : index
    %swap3A_195 = tpu.vector_load %arg13[%swap3A_194] {strides = array<i32>} : memref<512xf32, #tpu.memory_space<vmem>>, vector<16xf32>,
    tpu.vector_store %arg13[%swap3A_194], %broadcast_in_dim3A_4 {strides = array<i32>} : memref<512xf32, #tpu.memory_space<vmem>>, vector<16xf32>,
    %swap3A_196 = arith.constant 384 : index
    %swap3A_197 = tpu.vector_load %arg10[%swap3A_196] {strides = array<i32>} : memref<512xf32, #tpu.memory_space<vmem>>, vector<16xf32>,
    tpu.vector_store %arg10[%swap3A_196], %broadcast_in_dim3A_4 {strides = array<i32>} : memref<512xf32, #tpu.memory_space<vmem>>, vector<16xf32>,
    %swap3A_198 = arith.constant 384 : index
    %swap3A_199 = tpu.vector_load %arg11[%swap3A_198] {strides = array<i32>} : memref<512xf32, #tpu.memory_space<vmem>>, vector<16xf32>,
    tpu.vector_store %arg11[%swap3A_198], %broadcast_in_dim3A_4 {strides = array<i32>} : memref<512xf32, #tpu.memory_space<vmem>>, vector<16xf32>,
    %swap3A_200 = arith.constant 384 : index
    %swap3A_201 = tpu.vector_load %arg12[%swap3A_200] {strides = array<i32>} : memref<512xf32, #tpu.memory_space<vmem>>, vector<16xf32>,
    tpu.vector_store %arg12[%swap3A_200], %broadcast_in_dim3A_4 {strides = array<i32>} : memref<512xf32, #tpu.memory_space<vmem>>, vector<16xf32>,
    %swap3A_202 = arith.constant 384 : index
    %swap3A_203 = tpu.vector_load %arg13[%swap3A_202] {strides = array<i32>} : memref<512xf32, #tpu.memory_space<vmem>>, vector<16xf32>,
    tpu.vector_store %arg13[%swap3A_202], %broadcast_in_dim3A_4 {strides = array<i32>} : memref<512xf32, #tpu.memory_space<vmem>>, vector<16xf32>,
    %swap3A_204 = arith.constant 400 : index
    %swap3A_205 = tpu.vector_load %arg10[%swap3A_204] {strides = array<i32>} : memref<512xf32, #tpu.memory_space<vmem>>, vector<16xf32>,
    tpu.vector_store %arg10[%swap3A_204], %broadcast_in_dim3A_4 {strides = array<i32>} : memref<512xf32, #tpu.memory_space<vmem>>, vector<16xf32>,
    %swap3A_206 = arith.constant 400 : index
    %swap3A_207 = tpu.vector_load %arg11[%swap3A_206] {strides = array<i32>} : memref<512xf32, #tpu.memory_space<vmem>>, vector<16xf32>,
    tpu.vector_store %arg11[%swap3A_206], %broadcast_in_dim3A_4 {strides = array<i32>} : memref<512xf32, #tpu.memory_space<vmem>>, vector<16xf32>,
    %swap3A_208 = arith.constant 400 : index
    %swap3A_209 = tpu.vector_load %arg12[%swap3A_208] {strides = array<i32>} : memref<512xf32, #tpu.memory_space<vmem>>, vector<16xf32>,
    tpu.vector_store %arg12[%swap3A_208], %broadcast_in_dim3A_4 {strides = array<i32>} : memref<512xf32, #tpu.memory_space<vmem>>, vector<16xf32>,
    %swap3A_210 = arith.constant 400 : index
    %swap3A_211 = tpu.vector_load %arg13[%swap3A_210] {strides = array<i32>} : memref<512xf32, #tpu.memory_space<vmem>>, vector<16xf32>,
    tpu.vector_store %arg13[%swap3A_210], %broadcast_in_dim3A_4 {strides = array<i32>} : memref<512xf32, #tpu.memory_space<vmem>>, vector<16xf32>,
    %swap3A_212 = arith.constant 416 : index
    %swap3A_213 = tpu.vector_load %arg10[%swap3A_212] {strides = array<i32>} : memref<512xf32, #tpu.memory_space<vmem>>, vector<16xf32>,
    tpu.vector_store %arg10[%swap3A_212], %broadcast_in_dim3A_4 {strides = array<i32>} : memref<512xf32, #tpu.memory_space<vmem>>, vector<16xf32>,
    %swap3A_214 = arith.constant 416 : index
    %swap3A_215 = tpu.vector_load %arg11[%swap3A_214] {strides = array<i32>} : memref<512xf32, #tpu.memory_space<vmem>>, vector<16xf32>,
    tpu.vector_store %arg11[%swap3A_214], %broadcast_in_dim3A_4 {strides = array<i32>} : memref<512xf32, #tpu.memory_space<vmem>>, vector<16xf32>,
    %swap3A_216 = arith.constant 416 : index
    %swap3A_217 = tpu.vector_load %arg12[%swap3A_216] {strides = array<i32>} : memref<512xf32, #tpu.memory_space<vmem>>, vector<16xf32>,
    tpu.vector_store %arg12[%swap3A_216], %broadcast_in_dim3A_4 {strides = array<i32>} : memref<512xf32, #tpu.memory_space<vmem>>, vector<16xf32>,
    %swap3A_218 = arith.constant 416 : index
    %swap3A_219 = tpu.vector_load %arg13[%swap3A_218] {strides = array<i32>} : memref<512xf32, #tpu.memory_space<vmem>>, vector<16xf32>,
    tpu.vector_store %arg13[%swap3A_218], %broadcast_in_dim3A_4 {strides = array<i32>} : memref<512xf32, #tpu.memory_space<vmem>>, vector<16xf32>,
    %swap3A_220 = arith.constant 432 : index
    %swap3A_221 = tpu.vector_load %arg10[%swap3A_220] {strides = array<i32>} : memref<512xf32, #tpu.memory_space<vmem>>, vector<16xf32>,
    tpu.vector_store %arg10[%swap3A_220], %broadcast_in_dim3A_4 {strides = array<i32>} : memref<512xf32, #tpu.memory_space<vmem>>, vector<16xf32>,
    %swap3A_222 = arith.constant 432 : index
    %swap3A_223 = tpu.vector_load %arg11[%swap3A_222] {strides = array<i32>} : memref<512xf32, #tpu.memory_space<vmem>>, vector<16xf32>,
    tpu.vector_store %arg11[%swap3A_222], %broadcast_in_dim3A_4 {strides = array<i32>} : memref<512xf32, #tpu.memory_space<vmem>>, vector<16xf32>,
    %swap3A_224 = arith.constant 432 : index
    %swap3A_225 = tpu.vector_load %arg12[%swap3A_224] {strides = array<i32>} : memref<512xf32, #tpu.memory_space<vmem>>, vector<16xf32>,
    tpu.vector_store %arg12[%swap3A_224], %broadcast_in_dim3A_4 {strides = array<i32>} : memref<512xf32, #tpu.memory_space<vmem>>, vector<16xf32>,
    %swap3A_226 = arith.constant 432 : index
    %swap3A_227 = tpu.vector_load %arg13[%swap3A_226] {strides = array<i32>} : memref<512xf32, #tpu.memory_space<vmem>>, vector<16xf32>,
    tpu.vector_store %arg13[%swap3A_226], %broadcast_in_dim3A_4 {strides = array<i32>} : memref<512xf32, #tpu.memory_space<vmem>>, vector<16xf32>,
    %swap3A_228 = arith.constant 448 : index
    %swap3A_229 = tpu.vector_load %arg10[%swap3A_228] {strides = array<i32>} : memref<512xf32, #tpu.memory_space<vmem>>, vector<16xf32>,
    tpu.vector_store %arg10[%swap3A_228], %broadcast_in_dim3A_4 {strides = array<i32>} : memref<512xf32, #tpu.memory_space<vmem>>, vector<16xf32>,
    %swap3A_230 = arith.constant 448 : index
    %swap3A_231 = tpu.vector_load %arg11[%swap3A_230] {strides = array<i32>} : memref<512xf32, #tpu.memory_space<vmem>>, vector<16xf32>,
    tpu.vector_store %arg11[%swap3A_230], %broadcast_in_dim3A_4 {strides = array<i32>} : memref<512xf32, #tpu.memory_space<vmem>>, vector<16xf32>,
    %swap3A_232 = arith.constant 448 : index
    %swap3A_233 = tpu.vector_load %arg12[%swap3A_232] {strides = array<i32>} : memref<512xf32, #tpu.memory_space<vmem>>, vector<16xf32>,
    tpu.vector_store %arg12[%swap3A_232], %broadcast_in_dim3A_4 {strides = array<i32>} : memref<512xf32, #tpu.memory_space<vmem>>, vector<16xf32>,
    %swap3A_234 = arith.constant 448 : index
    %swap3A_235 = tpu.vector_load %arg13[%swap3A_234] {strides = array<i32>} : memref<512xf32, #tpu.memory_space<vmem>>, vector<16xf32>,
    tpu.vector_store %arg13[%swap3A_234], %broadcast_in_dim3A_4 {strides = array<i32>} : memref<512xf32, #tpu.memory_space<vmem>>, vector<16xf32>,
    %swap3A_236 = arith.constant 464 : index
    %swap3A_237 = tpu.vector_load %arg10[%swap3A_236] {strides = array<i32>} : memref<512xf32, #tpu.memory_space<vmem>>, vector<16xf32>,
    tpu.vector_store %arg10[%swap3A_236], %broadcast_in_dim3A_4 {strides = array<i32>} : memref<512xf32, #tpu.memory_space<vmem>>, vector<16xf32>,
    %swap3A_238 = arith.constant 464 : index
    %swap3A_239 = tpu.vector_load %arg11[%swap3A_238] {strides = array<i32>} : memref<512xf32, #tpu.memory_space<vmem>>, vector<16xf32>,
    tpu.vector_store %arg11[%swap3A_238], %broadcast_in_dim3A_4 {strides = array<i32>} : memref<512xf32, #tpu.memory_space<vmem>>, vector<16xf32>,
    %swap3A_240 = arith.constant 464 : index
    %swap3A_241 = tpu.vector_load %arg12[%swap3A_240] {strides = array<i32>} : memref<512xf32, #tpu.memory_space<vmem>>, vector<16xf32>,
    tpu.vector_store %arg12[%swap3A_240], %broadcast_in_dim3A_4 {strides = array<i32>} : memref<512xf32, #tpu.memory_space<vmem>>, vector<16xf32>,
    %swap3A_242 = arith.constant 464 : index
    %swap3A_243 = tpu.vector_load %arg13[%swap3A_242] {strides = array<i32>} : memref<512xf32, #tpu.memory_space<vmem>>, vector<16xf32>,
    tpu.vector_store %arg13[%swap3A_242], %broadcast_in_dim3A_4 {strides = array<i32>} : memref<512xf32, #tpu.memory_space<vmem>>, vector<16xf32>,
    %swap3A_244 = arith.constant 480 : index
    %swap3A_245 = tpu.vector_load %arg10[%swap3A_244] {strides = array<i32>} : memref<512xf32, #tpu.memory_space<vmem>>, vector<16xf32>,
    tpu.vector_store %arg10[%swap3A_244], %broadcast_in_dim3A_4 {strides = array<i32>} : memref<512xf32, #tpu.memory_space<vmem>>, vector<16xf32>,
    %swap3A_246 = arith.constant 480 : index
    %swap3A_247 = tpu.vector_load %arg11[%swap3A_246] {strides = array<i32>} : memref<512xf32, #tpu.memory_space<vmem>>, vector<16xf32>,
    tpu.vector_store %arg11[%swap3A_246], %broadcast_in_dim3A_4 {strides = array<i32>} : memref<512xf32, #tpu.memory_space<vmem>>, vector<16xf32>,
    %swap3A_248 = arith.constant 480 : index
    %swap3A_249 = tpu.vector_load %arg12[%swap3A_248] {strides = array<i32>} : memref<512xf32, #tpu.memory_space<vmem>>, vector<16xf32>,
    tpu.vector_store %arg12[%swap3A_248], %broadcast_in_dim3A_4 {strides = array<i32>} : memref<512xf32, #tpu.memory_space<vmem>>, vector<16xf32>,
    %swap3A_250 = arith.constant 480 : index
    %swap3A_251 = tpu.vector_load %arg13[%swap3A_250] {strides = array<i32>} : memref<512xf32, #tpu.memory_space<vmem>>, vector<16xf32>,
    tpu.vector_store %arg13[%swap3A_250], %broadcast_in_dim3A_4 {strides = array<i32>} : memref<512xf32, #tpu.memory_space<vmem>>, vector<16xf32>,
    %swap3A_252 = arith.constant 496 : index
    %swap3A_253 = tpu.vector_load %arg10[%swap3A_252] {strides = array<i32>} : memref<512xf32, #tpu.memory_space<vmem>>, vector<16xf32>,
    tpu.vector_store %arg10[%swap3A_252], %broadcast_in_dim3A_4 {strides = array<i32>} : memref<512xf32, #tpu.memory_space<vmem>>, vector<16xf32>,
    %swap3A_254 = arith.constant 496 : index
    %swap3A_255 = tpu.vector_load %arg11[%swap3A_254] {strides = array<i32>} : memref<512xf32, #tpu.memory_space<vmem>>, vector<16xf32>,
    tpu.vector_store %arg11[%swap3A_254], %broadcast_in_dim3A_4 {strides = array<i32>} : memref<512xf32, #tpu.memory_space<vmem>>, vector<16xf32>,
    %swap3A_256 = arith.constant 496 : index
    %swap3A_257 = tpu.vector_load %arg12[%swap3A_256] {strides = array<i32>} : memref<512xf32, #tpu.memory_space<vmem>>, vector<16xf32>,
    tpu.vector_store %arg12[%swap3A_256], %broadcast_in_dim3A_4 {strides = array<i32>} : memref<512xf32, #tpu.memory_space<vmem>>, vector<16xf32>,
    %swap3A_258 = arith.constant 496 : index
    %swap3A_259 = tpu.vector_load %arg13[%swap3A_258] {strides = array<i32>} : memref<512xf32, #tpu.memory_space<vmem>>, vector<16xf32>,
    tpu.vector_store %arg13[%swap3A_258], %broadcast_in_dim3A_4 {strides = array<i32>} : memref<512xf32, #tpu.memory_space<vmem>>, vector<16xf32>,
    %iota3A = tpu.iota {dimensions = array<i32: 0>} : vector<16xi32>
    %broadcast_in_dim3A_260 = arith.constant 1.000000e+00 : f32
    %broadcast_in_dim3A_261 = vector.broadcast %broadcast_in_dim3A_260 : f32 to vector<16xf32>
    %scan3A = arith.constant 0 : i32
    %scan3A_262 = arith.constant 0 : i32
    %scan3A_263 = arith.constant 4 : i32
    %scan3A_264 = arith.addi %scan3A_262, %scan3A_263 : i32
    %scan3A_265 = arith.constant 1 : i32
    %scan3A_266 = scf.for %scan3A_275 = %scan3A_262 to %scan3A_264 step %scan3A_265 iter_args(%scan3A_276 = %scan3A) -> (i32)  : i32 {
      %mul3A_277 = arith.constant 32 : i32
      %mul3A_278 = arith.muli %scan3A_275, %mul3A_277 : i32
      %add3A_279 = arith.addi %mul3A_2, %mul3A_278 : i32
      "tpu.region"() ({
        %run_scoped3A_291 = tpu.sem_alloc : memref<!tpu.dma_semaphore, #tpu.memory_space<semaphore_mem>>
        %dma_start3A = arith.constant 0 : i32
        %dma_start3A_292 = tpu.memref_slice %arg2[%add3A_279, %dma_start3A] : memref<4096x512xi32, #tpu.memory_space<hbm>> -> memref<32x512xi32, #tpu.memory_space<hbm>>
        %dma_start3A_293 = arith.constant 0 : i32
        %dma_start3A_294 = tpu.memref_slice %arg2[%add3A_279, %dma_start3A_293] : memref<4096x512xi32, #tpu.memory_space<hbm>> -> memref<32x512xi32, #tpu.memory_space<hbm>>
        tpu.enqueue_dma source(%dma_start3A_294 : memref<32x512xi32, #tpu.memory_space<hbm>>) target(%arg7 : memref<32x512xi32, #tpu.memory_space<vmem>>) target_semaphore(%run_scoped3A_291 : memref<!tpu.dma_semaphore, #tpu.memory_space<semaphore_mem>>)
        %dma_wait3A = arith.constant 0 : i32
        %dma_wait3A_295 = tpu.memref_slice %arg2[%add3A_279, %dma_wait3A] : memref<4096x512xi32, #tpu.memory_space<hbm>> -> memref<32x512xi32, #tpu.memory_space<hbm>>
        %dma_wait3A_296 = arith.constant 0 : i32
        %dma_wait3A_297 = tpu.memref_slice %arg2[%add3A_279, %dma_wait3A_296] : memref<4096x512xi32, #tpu.memory_space<hbm>> -> memref<32x512xi32, #tpu.memory_space<hbm>>
        tpu.wait_dma2 semaphore(%run_scoped3A_291 : memref<!tpu.dma_semaphore, #tpu.memory_space<semaphore_mem>>) src(%dma_wait3A_297 : memref<32x512xi32, #tpu.memory_space<hbm>>) dst(%arg7 : memref<32x512xi32, #tpu.memory_space<vmem>>)
        tpu.yield
      }) : () -> ()
      %mul3A_280 = arith.constant 32 : i32
      %mul3A_281 = arith.muli %scan3A_275, %mul3A_280 : i32
      %add3A_282 = arith.addi %mul3A_2, %mul3A_281 : i32
      "tpu.region"() ({
        %run_scoped3A_291 = tpu.sem_alloc : memref<!tpu.dma_semaphore, #tpu.memory_space<semaphore_mem>>
        %dma_start3A = arith.constant 0 : i32
        %dma_start3A_292 = tpu.memref_slice %arg3[%add3A_282, %dma_start3A] : memref<4096x512xf32, #tpu.memory_space<hbm>> -> memref<32x512xf32, #tpu.memory_space<hbm>>
        %dma_start3A_293 = arith.constant 0 : i32
        %dma_start3A_294 = tpu.memref_slice %arg3[%add3A_282, %dma_start3A_293] : memref<4096x512xf32, #tpu.memory_space<hbm>> -> memref<32x512xf32, #tpu.memory_space<hbm>>
        tpu.enqueue_dma source(%dma_start3A_294 : memref<32x512xf32, #tpu.memory_space<hbm>>) target(%arg8 : memref<32x512xf32, #tpu.memory_space<vmem>>) target_semaphore(%run_scoped3A_291 : memref<!tpu.dma_semaphore, #tpu.memory_space<semaphore_mem>>)
        %dma_wait3A = arith.constant 0 : i32
        %dma_wait3A_295 = tpu.memref_slice %arg3[%add3A_282, %dma_wait3A] : memref<4096x512xf32, #tpu.memory_space<hbm>> -> memref<32x512xf32, #tpu.memory_space<hbm>>
        %dma_wait3A_296 = arith.constant 0 : i32
        %dma_wait3A_297 = tpu.memref_slice %arg3[%add3A_282, %dma_wait3A_296] : memref<4096x512xf32, #tpu.memory_space<hbm>> -> memref<32x512xf32, #tpu.memory_space<hbm>>
        tpu.wait_dma2 semaphore(%run_scoped3A_291 : memref<!tpu.dma_semaphore, #tpu.memory_space<semaphore_mem>>) src(%dma_wait3A_297 : memref<32x512xf32, #tpu.memory_space<hbm>>) dst(%arg8 : memref<32x512xf32, #tpu.memory_space<vmem>>)
        tpu.yield
      }) : () -> ()
      %scan3A_283 = arith.constant 0 : i32
      %scan3A_284 = arith.constant 0 : i32
      %scan3A_285 = arith.constant 32 : i32
      %scan3A_286 = arith.addi %scan3A_284, %scan3A_285 : i32
      %scan3A_287 = arith.constant 1 : i32
      %scan3A_288 = scf.for %scan3A_291 = %scan3A_284 to %scan3A_286 step %scan3A_287 iter_args(%scan3A_292 = %scan3A_283) -> (i32)  : i32 {
        %get3A_293 = arith.index_cast %scan3A_291 : i32 to index
        %get3A_294 = arith.constant 0 : index
        %get3A_295 = tpu.vector_load %arg7[%get3A_293, %get3A_294] {strides = array<i32>} : memref<32x512xi32, #tpu.memory_space<vmem>>, vector<16xi32>,
        %get3A_296 = arith.index_cast %scan3A_291 : i32 to index
        %get3A_297 = arith.constant 0 : index
        %get3A_298 = tpu.vector_load %arg8[%get3A_296, %get3A_297] {strides = array<i32>} : memref<32x512xf32, #tpu.memory_space<vmem>>, vector<16xf32>,
        %ge3A = arith.cmpf oge, %get3A_298, %get3A_3 : vector<16xf32>
        %mul3A_299 = arith.constant 16 : i32
        %mul3A_300 = vector.broadcast %mul3A_299 : i32 to vector<16xi32>
        %mul3A_301 = arith.muli %get3A_295, %mul3A_300 : vector<16xi32>
        %add3A_302 = arith.addi %mul3A_301, %iota3A : vector<16xi32>
        tpu.vector_store_idx %arg10[%add3A_302], %broadcast_in_dim3A_261 masked %ge3A {add = true} : memref<512xf32, #tpu.memory_space<vmem>>[vector<16xi32>], vector<16xf32>, vector<16xi1>
        tpu.vector_store_idx %arg12[%add3A_302], %get3A_298 masked %ge3A {add = true} : memref<512xf32, #tpu.memory_space<vmem>>[vector<16xi32>], vector<16xf32>, vector<16xi1>
        %get3A_303 = arith.index_cast %scan3A_291 : i32 to index
        %get3A_304 = arith.constant 16 : index
        %get3A_305 = tpu.vector_load %arg7[%get3A_303, %get3A_304] {strides = array<i32>} : memref<32x512xi32, #tpu.memory_space<vmem>>, vector<16xi32>,
        %get3A_306 = arith.index_cast %scan3A_291 : i32 to index
        %get3A_307 = arith.constant 16 : index
        %get3A_308 = tpu.vector_load %arg8[%get3A_306, %get3A_307] {strides = array<i32>} : memref<32x512xf32, #tpu.memory_space<vmem>>, vector<16xf32>,
        %ge3A_309 = arith.cmpf oge, %get3A_308, %get3A_3 : vector<16xf32>
        %mul3A_310 = arith.constant 16 : i32
        %mul3A_311 = vector.broadcast %mul3A_310 : i32 to vector<16xi32>
        %mul3A_312 = arith.muli %get3A_305, %mul3A_311 : vector<16xi32>
        %add3A_313 = arith.addi %mul3A_312, %iota3A : vector<16xi32>
        tpu.vector_store_idx %arg11[%add3A_313], %broadcast_in_dim3A_261 masked %ge3A_309 {add = true} : memref<512xf32, #tpu.memory_space<vmem>>[vector<16xi32>], vector<16xf32>, vector<16xi1>
        tpu.vector_store_idx %arg13[%add3A_313], %get3A_308 masked %ge3A_309 {add = true} : memref<512xf32, #tpu.memory_space<vmem>>[vector<16xi32>], vector<16xf32>, vector<16xi1>
        %get3A_314 = arith.index_cast %scan3A_291 : i32 to index
        %get3A_315 = arith.constant 32 : index
        %get3A_316 = tpu.vector_load %arg7[%get3A_314, %get3A_315] {strides = array<i32>} : memref<32x512xi32, #tpu.memory_space<vmem>>, vector<16xi32>,
        %get3A_317 = arith.index_cast %scan3A_291 : i32 to index
        %get3A_318 = arith.constant 32 : index
        %get3A_319 = tpu.vector_load %arg8[%get3A_317, %get3A_318] {strides = array<i32>} : memref<32x512xf32, #tpu.memory_space<vmem>>, vector<16xf32>,
        %ge3A_320 = arith.cmpf oge, %get3A_319, %get3A_3 : vector<16xf32>
        %mul3A_321 = arith.constant 16 : i32
        %mul3A_322 = vector.broadcast %mul3A_321 : i32 to vector<16xi32>
        %mul3A_323 = arith.muli %get3A_316, %mul3A_322 : vector<16xi32>
        %add3A_324 = arith.addi %mul3A_323, %iota3A : vector<16xi32>
        tpu.vector_store_idx %arg10[%add3A_324], %broadcast_in_dim3A_261 masked %ge3A_320 {add = true} : memref<512xf32, #tpu.memory_space<vmem>>[vector<16xi32>], vector<16xf32>, vector<16xi1>
        tpu.vector_store_idx %arg12[%add3A_324], %get3A_319 masked %ge3A_320 {add = true} : memref<512xf32, #tpu.memory_space<vmem>>[vector<16xi32>], vector<16xf32>, vector<16xi1>
        %get3A_325 = arith.index_cast %scan3A_291 : i32 to index
        %get3A_326 = arith.constant 48 : index
        %get3A_327 = tpu.vector_load %arg7[%get3A_325, %get3A_326] {strides = array<i32>} : memref<32x512xi32, #tpu.memory_space<vmem>>, vector<16xi32>,
        %get3A_328 = arith.index_cast %scan3A_291 : i32 to index
        %get3A_329 = arith.constant 48 : index
        %get3A_330 = tpu.vector_load %arg8[%get3A_328, %get3A_329] {strides = array<i32>} : memref<32x512xf32, #tpu.memory_space<vmem>>, vector<16xf32>,
        %ge3A_331 = arith.cmpf oge, %get3A_330, %get3A_3 : vector<16xf32>
        %mul3A_332 = arith.constant 16 : i32
        %mul3A_333 = vector.broadcast %mul3A_332 : i32 to vector<16xi32>
        %mul3A_334 = arith.muli %get3A_327, %mul3A_333 : vector<16xi32>
        %add3A_335 = arith.addi %mul3A_334, %iota3A : vector<16xi32>
        tpu.vector_store_idx %arg11[%add3A_335], %broadcast_in_dim3A_261 masked %ge3A_331 {add = true} : memref<512xf32, #tpu.memory_space<vmem>>[vector<16xi32>], vector<16xf32>, vector<16xi1>
        tpu.vector_store_idx %arg13[%add3A_335], %get3A_330 masked %ge3A_331 {add = true} : memref<512xf32, #tpu.memory_space<vmem>>[vector<16xi32>], vector<16xf32>, vector<16xi1>
        %get3A_336 = arith.index_cast %scan3A_291 : i32 to index
        %get3A_337 = arith.constant 64 : index
        %get3A_338 = tpu.vector_load %arg7[%get3A_336, %get3A_337] {strides = array<i32>} : memref<32x512xi32, #tpu.memory_space<vmem>>, vector<16xi32>,
        %get3A_339 = arith.index_cast %scan3A_291 : i32 to index
        %get3A_340 = arith.constant 64 : index
        %get3A_341 = tpu.vector_load %arg8[%get3A_339, %get3A_340] {strides = array<i32>} : memref<32x512xf32, #tpu.memory_space<vmem>>, vector<16xf32>,
        %ge3A_342 = arith.cmpf oge, %get3A_341, %get3A_3 : vector<16xf32>
        %mul3A_343 = arith.constant 16 : i32
        %mul3A_344 = vector.broadcast %mul3A_343 : i32 to vector<16xi32>
        %mul3A_345 = arith.muli %get3A_338, %mul3A_344 : vector<16xi32>
        %add3A_346 = arith.addi %mul3A_345, %iota3A : vector<16xi32>
        tpu.vector_store_idx %arg10[%add3A_346], %broadcast_in_dim3A_261 masked %ge3A_342 {add = true} : memref<512xf32, #tpu.memory_space<vmem>>[vector<16xi32>], vector<16xf32>, vector<16xi1>
        tpu.vector_store_idx %arg12[%add3A_346], %get3A_341 masked %ge3A_342 {add = true} : memref<512xf32, #tpu.memory_space<vmem>>[vector<16xi32>], vector<16xf32>, vector<16xi1>
        %get3A_347 = arith.index_cast %scan3A_291 : i32 to index
        %get3A_348 = arith.constant 80 : index
        %get3A_349 = tpu.vector_load %arg7[%get3A_347, %get3A_348] {strides = array<i32>} : memref<32x512xi32, #tpu.memory_space<vmem>>, vector<16xi32>,
        %get3A_350 = arith.index_cast %scan3A_291 : i32 to index
        %get3A_351 = arith.constant 80 : index
        %get3A_352 = tpu.vector_load %arg8[%get3A_350, %get3A_351] {strides = array<i32>} : memref<32x512xf32, #tpu.memory_space<vmem>>, vector<16xf32>,
        %ge3A_353 = arith.cmpf oge, %get3A_352, %get3A_3 : vector<16xf32>
        %mul3A_354 = arith.constant 16 : i32
        %mul3A_355 = vector.broadcast %mul3A_354 : i32 to vector<16xi32>
        %mul3A_356 = arith.muli %get3A_349, %mul3A_355 : vector<16xi32>
        %add3A_357 = arith.addi %mul3A_356, %iota3A : vector<16xi32>
        tpu.vector_store_idx %arg11[%add3A_357], %broadcast_in_dim3A_261 masked %ge3A_353 {add = true} : memref<512xf32, #tpu.memory_space<vmem>>[vector<16xi32>], vector<16xf32>, vector<16xi1>
        tpu.vector_store_idx %arg13[%add3A_357], %get3A_352 masked %ge3A_353 {add = true} : memref<512xf32, #tpu.memory_space<vmem>>[vector<16xi32>], vector<16xf32>, vector<16xi1>
        %get3A_358 = arith.index_cast %scan3A_291 : i32 to index
        %get3A_359 = arith.constant 96 : index
        %get3A_360 = tpu.vector_load %arg7[%get3A_358, %get3A_359] {strides = array<i32>} : memref<32x512xi32, #tpu.memory_space<vmem>>, vector<16xi32>,
        %get3A_361 = arith.index_cast %scan3A_291 : i32 to index
        %get3A_362 = arith.constant 96 : index
        %get3A_363 = tpu.vector_load %arg8[%get3A_361, %get3A_362] {strides = array<i32>} : memref<32x512xf32, #tpu.memory_space<vmem>>, vector<16xf32>,
        %ge3A_364 = arith.cmpf oge, %get3A_363, %get3A_3 : vector<16xf32>
        %mul3A_365 = arith.constant 16 : i32
        %mul3A_366 = vector.broadcast %mul3A_365 : i32 to vector<16xi32>
        %mul3A_367 = arith.muli %get3A_360, %mul3A_366 : vector<16xi32>
        %add3A_368 = arith.addi %mul3A_367, %iota3A : vector<16xi32>
        tpu.vector_store_idx %arg10[%add3A_368], %broadcast_in_dim3A_261 masked %ge3A_364 {add = true} : memref<512xf32, #tpu.memory_space<vmem>>[vector<16xi32>], vector<16xf32>, vector<16xi1>
        tpu.vector_store_idx %arg12[%add3A_368], %get3A_363 masked %ge3A_364 {add = true} : memref<512xf32, #tpu.memory_space<vmem>>[vector<16xi32>], vector<16xf32>, vector<16xi1>
        %get3A_369 = arith.index_cast %scan3A_291 : i32 to index
        %get3A_370 = arith.constant 112 : index
        %get3A_371 = tpu.vector_load %arg7[%get3A_369, %get3A_370] {strides = array<i32>} : memref<32x512xi32, #tpu.memory_space<vmem>>, vector<16xi32>,
        %get3A_372 = arith.index_cast %scan3A_291 : i32 to index
        %get3A_373 = arith.constant 112 : index
        %get3A_374 = tpu.vector_load %arg8[%get3A_372, %get3A_373] {strides = array<i32>} : memref<32x512xf32, #tpu.memory_space<vmem>>, vector<16xf32>,
        %ge3A_375 = arith.cmpf oge, %get3A_374, %get3A_3 : vector<16xf32>
        %mul3A_376 = arith.constant 16 : i32
        %mul3A_377 = vector.broadcast %mul3A_376 : i32 to vector<16xi32>
        %mul3A_378 = arith.muli %get3A_371, %mul3A_377 : vector<16xi32>
        %add3A_379 = arith.addi %mul3A_378, %iota3A : vector<16xi32>
        tpu.vector_store_idx %arg11[%add3A_379], %broadcast_in_dim3A_261 masked %ge3A_375 {add = true} : memref<512xf32, #tpu.memory_space<vmem>>[vector<16xi32>], vector<16xf32>, vector<16xi1>
        tpu.vector_store_idx %arg13[%add3A_379], %get3A_374 masked %ge3A_375 {add = true} : memref<512xf32, #tpu.memory_space<vmem>>[vector<16xi32>], vector<16xf32>, vector<16xi1>
        %get3A_380 = arith.index_cast %scan3A_291 : i32 to index
        %get3A_381 = arith.constant 128 : index
        %get3A_382 = tpu.vector_load %arg7[%get3A_380, %get3A_381] {strides = array<i32>} : memref<32x512xi32, #tpu.memory_space<vmem>>, vector<16xi32>,
        %get3A_383 = arith.index_cast %scan3A_291 : i32 to index
        %get3A_384 = arith.constant 128 : index
        %get3A_385 = tpu.vector_load %arg8[%get3A_383, %get3A_384] {strides = array<i32>} : memref<32x512xf32, #tpu.memory_space<vmem>>, vector<16xf32>,
        %ge3A_386 = arith.cmpf oge, %get3A_385, %get3A_3 : vector<16xf32>
        %mul3A_387 = arith.constant 16 : i32
        %mul3A_388 = vector.broadcast %mul3A_387 : i32 to vector<16xi32>
        %mul3A_389 = arith.muli %get3A_382, %mul3A_388 : vector<16xi32>
        %add3A_390 = arith.addi %mul3A_389, %iota3A : vector<16xi32>
        tpu.vector_store_idx %arg10[%add3A_390], %broadcast_in_dim3A_261 masked %ge3A_386 {add = true} : memref<512xf32, #tpu.memory_space<vmem>>[vector<16xi32>], vector<16xf32>, vector<16xi1>
        tpu.vector_store_idx %arg12[%add3A_390], %get3A_385 masked %ge3A_386 {add = true} : memref<512xf32, #tpu.memory_space<vmem>>[vector<16xi32>], vector<16xf32>, vector<16xi1>
        %get3A_391 = arith.index_cast %scan3A_291 : i32 to index
        %get3A_392 = arith.constant 144 : index
        %get3A_393 = tpu.vector_load %arg7[%get3A_391, %get3A_392] {strides = array<i32>} : memref<32x512xi32, #tpu.memory_space<vmem>>, vector<16xi32>,
        %get3A_394 = arith.index_cast %scan3A_291 : i32 to index
        %get3A_395 = arith.constant 144 : index
        %get3A_396 = tpu.vector_load %arg8[%get3A_394, %get3A_395] {strides = array<i32>} : memref<32x512xf32, #tpu.memory_space<vmem>>, vector<16xf32>,
        %ge3A_397 = arith.cmpf oge, %get3A_396, %get3A_3 : vector<16xf32>
        %mul3A_398 = arith.constant 16 : i32
        %mul3A_399 = vector.broadcast %mul3A_398 : i32 to vector<16xi32>
        %mul3A_400 = arith.muli %get3A_393, %mul3A_399 : vector<16xi32>
        %add3A_401 = arith.addi %mul3A_400, %iota3A : vector<16xi32>
        tpu.vector_store_idx %arg11[%add3A_401], %broadcast_in_dim3A_261 masked %ge3A_397 {add = true} : memref<512xf32, #tpu.memory_space<vmem>>[vector<16xi32>], vector<16xf32>, vector<16xi1>
        tpu.vector_store_idx %arg13[%add3A_401], %get3A_396 masked %ge3A_397 {add = true} : memref<512xf32, #tpu.memory_space<vmem>>[vector<16xi32>], vector<16xf32>, vector<16xi1>
        %get3A_402 = arith.index_cast %scan3A_291 : i32 to index
        %get3A_403 = arith.constant 160 : index
        %get3A_404 = tpu.vector_load %arg7[%get3A_402, %get3A_403] {strides = array<i32>} : memref<32x512xi32, #tpu.memory_space<vmem>>, vector<16xi32>,
        %get3A_405 = arith.index_cast %scan3A_291 : i32 to index
        %get3A_406 = arith.constant 160 : index
        %get3A_407 = tpu.vector_load %arg8[%get3A_405, %get3A_406] {strides = array<i32>} : memref<32x512xf32, #tpu.memory_space<vmem>>, vector<16xf32>,
        %ge3A_408 = arith.cmpf oge, %get3A_407, %get3A_3 : vector<16xf32>
        %mul3A_409 = arith.constant 16 : i32
        %mul3A_410 = vector.broadcast %mul3A_409 : i32 to vector<16xi32>
        %mul3A_411 = arith.muli %get3A_404, %mul3A_410 : vector<16xi32>
        %add3A_412 = arith.addi %mul3A_411, %iota3A : vector<16xi32>
        tpu.vector_store_idx %arg10[%add3A_412], %broadcast_in_dim3A_261 masked %ge3A_408 {add = true} : memref<512xf32, #tpu.memory_space<vmem>>[vector<16xi32>], vector<16xf32>, vector<16xi1>
        tpu.vector_store_idx %arg12[%add3A_412], %get3A_407 masked %ge3A_408 {add = true} : memref<512xf32, #tpu.memory_space<vmem>>[vector<16xi32>], vector<16xf32>, vector<16xi1>
        %get3A_413 = arith.index_cast %scan3A_291 : i32 to index
        %get3A_414 = arith.constant 176 : index
        %get3A_415 = tpu.vector_load %arg7[%get3A_413, %get3A_414] {strides = array<i32>} : memref<32x512xi32, #tpu.memory_space<vmem>>, vector<16xi32>,
        %get3A_416 = arith.index_cast %scan3A_291 : i32 to index
        %get3A_417 = arith.constant 176 : index
        %get3A_418 = tpu.vector_load %arg8[%get3A_416, %get3A_417] {strides = array<i32>} : memref<32x512xf32, #tpu.memory_space<vmem>>, vector<16xf32>,
        %ge3A_419 = arith.cmpf oge, %get3A_418, %get3A_3 : vector<16xf32>
        %mul3A_420 = arith.constant 16 : i32
        %mul3A_421 = vector.broadcast %mul3A_420 : i32 to vector<16xi32>
        %mul3A_422 = arith.muli %get3A_415, %mul3A_421 : vector<16xi32>
        %add3A_423 = arith.addi %mul3A_422, %iota3A : vector<16xi32>
        tpu.vector_store_idx %arg11[%add3A_423], %broadcast_in_dim3A_261 masked %ge3A_419 {add = true} : memref<512xf32, #tpu.memory_space<vmem>>[vector<16xi32>], vector<16xf32>, vector<16xi1>
        tpu.vector_store_idx %arg13[%add3A_423], %get3A_418 masked %ge3A_419 {add = true} : memref<512xf32, #tpu.memory_space<vmem>>[vector<16xi32>], vector<16xf32>, vector<16xi1>
        %get3A_424 = arith.index_cast %scan3A_291 : i32 to index
        %get3A_425 = arith.constant 192 : index
        %get3A_426 = tpu.vector_load %arg7[%get3A_424, %get3A_425] {strides = array<i32>} : memref<32x512xi32, #tpu.memory_space<vmem>>, vector<16xi32>,
        %get3A_427 = arith.index_cast %scan3A_291 : i32 to index
        %get3A_428 = arith.constant 192 : index
        %get3A_429 = tpu.vector_load %arg8[%get3A_427, %get3A_428] {strides = array<i32>} : memref<32x512xf32, #tpu.memory_space<vmem>>, vector<16xf32>,
        %ge3A_430 = arith.cmpf oge, %get3A_429, %get3A_3 : vector<16xf32>
        %mul3A_431 = arith.constant 16 : i32
        %mul3A_432 = vector.broadcast %mul3A_431 : i32 to vector<16xi32>
        %mul3A_433 = arith.muli %get3A_426, %mul3A_432 : vector<16xi32>
        %add3A_434 = arith.addi %mul3A_433, %iota3A : vector<16xi32>
        tpu.vector_store_idx %arg10[%add3A_434], %broadcast_in_dim3A_261 masked %ge3A_430 {add = true} : memref<512xf32, #tpu.memory_space<vmem>>[vector<16xi32>], vector<16xf32>, vector<16xi1>
        tpu.vector_store_idx %arg12[%add3A_434], %get3A_429 masked %ge3A_430 {add = true} : memref<512xf32, #tpu.memory_space<vmem>>[vector<16xi32>], vector<16xf32>, vector<16xi1>
        %get3A_435 = arith.index_cast %scan3A_291 : i32 to index
        %get3A_436 = arith.constant 208 : index
        %get3A_437 = tpu.vector_load %arg7[%get3A_435, %get3A_436] {strides = array<i32>} : memref<32x512xi32, #tpu.memory_space<vmem>>, vector<16xi32>,
        %get3A_438 = arith.index_cast %scan3A_291 : i32 to index
        %get3A_439 = arith.constant 208 : index
        %get3A_440 = tpu.vector_load %arg8[%get3A_438, %get3A_439] {strides = array<i32>} : memref<32x512xf32, #tpu.memory_space<vmem>>, vector<16xf32>,
        %ge3A_441 = arith.cmpf oge, %get3A_440, %get3A_3 : vector<16xf32>
        %mul3A_442 = arith.constant 16 : i32
        %mul3A_443 = vector.broadcast %mul3A_442 : i32 to vector<16xi32>
        %mul3A_444 = arith.muli %get3A_437, %mul3A_443 : vector<16xi32>
        %add3A_445 = arith.addi %mul3A_444, %iota3A : vector<16xi32>
        tpu.vector_store_idx %arg11[%add3A_445], %broadcast_in_dim3A_261 masked %ge3A_441 {add = true} : memref<512xf32, #tpu.memory_space<vmem>>[vector<16xi32>], vector<16xf32>, vector<16xi1>
        tpu.vector_store_idx %arg13[%add3A_445], %get3A_440 masked %ge3A_441 {add = true} : memref<512xf32, #tpu.memory_space<vmem>>[vector<16xi32>], vector<16xf32>, vector<16xi1>
        %get3A_446 = arith.index_cast %scan3A_291 : i32 to index
        %get3A_447 = arith.constant 224 : index
        %get3A_448 = tpu.vector_load %arg7[%get3A_446, %get3A_447] {strides = array<i32>} : memref<32x512xi32, #tpu.memory_space<vmem>>, vector<16xi32>,
        %get3A_449 = arith.index_cast %scan3A_291 : i32 to index
        %get3A_450 = arith.constant 224 : index
        %get3A_451 = tpu.vector_load %arg8[%get3A_449, %get3A_450] {strides = array<i32>} : memref<32x512xf32, #tpu.memory_space<vmem>>, vector<16xf32>,
        %ge3A_452 = arith.cmpf oge, %get3A_451, %get3A_3 : vector<16xf32>
        %mul3A_453 = arith.constant 16 : i32
        %mul3A_454 = vector.broadcast %mul3A_453 : i32 to vector<16xi32>
        %mul3A_455 = arith.muli %get3A_448, %mul3A_454 : vector<16xi32>
        %add3A_456 = arith.addi %mul3A_455, %iota3A : vector<16xi32>
        tpu.vector_store_idx %arg10[%add3A_456], %broadcast_in_dim3A_261 masked %ge3A_452 {add = true} : memref<512xf32, #tpu.memory_space<vmem>>[vector<16xi32>], vector<16xf32>, vector<16xi1>
        tpu.vector_store_idx %arg12[%add3A_456], %get3A_451 masked %ge3A_452 {add = true} : memref<512xf32, #tpu.memory_space<vmem>>[vector<16xi32>], vector<16xf32>, vector<16xi1>
        %get3A_457 = arith.index_cast %scan3A_291 : i32 to index
        %get3A_458 = arith.constant 240 : index
        %get3A_459 = tpu.vector_load %arg7[%get3A_457, %get3A_458] {strides = array<i32>} : memref<32x512xi32, #tpu.memory_space<vmem>>, vector<16xi32>,
        %get3A_460 = arith.index_cast %scan3A_291 : i32 to index
        %get3A_461 = arith.constant 240 : index
        %get3A_462 = tpu.vector_load %arg8[%get3A_460, %get3A_461] {strides = array<i32>} : memref<32x512xf32, #tpu.memory_space<vmem>>, vector<16xf32>,
        %ge3A_463 = arith.cmpf oge, %get3A_462, %get3A_3 : vector<16xf32>
        %mul3A_464 = arith.constant 16 : i32
        %mul3A_465 = vector.broadcast %mul3A_464 : i32 to vector<16xi32>
        %mul3A_466 = arith.muli %get3A_459, %mul3A_465 : vector<16xi32>
        %add3A_467 = arith.addi %mul3A_466, %iota3A : vector<16xi32>
        tpu.vector_store_idx %arg11[%add3A_467], %broadcast_in_dim3A_261 masked %ge3A_463 {add = true} : memref<512xf32, #tpu.memory_space<vmem>>[vector<16xi32>], vector<16xf32>, vector<16xi1>
        tpu.vector_store_idx %arg13[%add3A_467], %get3A_462 masked %ge3A_463 {add = true} : memref<512xf32, #tpu.memory_space<vmem>>[vector<16xi32>], vector<16xf32>, vector<16xi1>
        %get3A_468 = arith.index_cast %scan3A_291 : i32 to index
        %get3A_469 = arith.constant 256 : index
        %get3A_470 = tpu.vector_load %arg7[%get3A_468, %get3A_469] {strides = array<i32>} : memref<32x512xi32, #tpu.memory_space<vmem>>, vector<16xi32>,
        %get3A_471 = arith.index_cast %scan3A_291 : i32 to index
        %get3A_472 = arith.constant 256 : index
        %get3A_473 = tpu.vector_load %arg8[%get3A_471, %get3A_472] {strides = array<i32>} : memref<32x512xf32, #tpu.memory_space<vmem>>, vector<16xf32>,
        %ge3A_474 = arith.cmpf oge, %get3A_473, %get3A_3 : vector<16xf32>
        %mul3A_475 = arith.constant 16 : i32
        %mul3A_476 = vector.broadcast %mul3A_475 : i32 to vector<16xi32>
        %mul3A_477 = arith.muli %get3A_470, %mul3A_476 : vector<16xi32>
        %add3A_478 = arith.addi %mul3A_477, %iota3A : vector<16xi32>
        tpu.vector_store_idx %arg10[%add3A_478], %broadcast_in_dim3A_261 masked %ge3A_474 {add = true} : memref<512xf32, #tpu.memory_space<vmem>>[vector<16xi32>], vector<16xf32>, vector<16xi1>
        tpu.vector_store_idx %arg12[%add3A_478], %get3A_473 masked %ge3A_474 {add = true} : memref<512xf32, #tpu.memory_space<vmem>>[vector<16xi32>], vector<16xf32>, vector<16xi1>
        %get3A_479 = arith.index_cast %scan3A_291 : i32 to index
        %get3A_480 = arith.constant 272 : index
        %get3A_481 = tpu.vector_load %arg7[%get3A_479, %get3A_480] {strides = array<i32>} : memref<32x512xi32, #tpu.memory_space<vmem>>, vector<16xi32>,
        %get3A_482 = arith.index_cast %scan3A_291 : i32 to index
        %get3A_483 = arith.constant 272 : index
        %get3A_484 = tpu.vector_load %arg8[%get3A_482, %get3A_483] {strides = array<i32>} : memref<32x512xf32, #tpu.memory_space<vmem>>, vector<16xf32>,
        %ge3A_485 = arith.cmpf oge, %get3A_484, %get3A_3 : vector<16xf32>
        %mul3A_486 = arith.constant 16 : i32
        %mul3A_487 = vector.broadcast %mul3A_486 : i32 to vector<16xi32>
        %mul3A_488 = arith.muli %get3A_481, %mul3A_487 : vector<16xi32>
        %add3A_489 = arith.addi %mul3A_488, %iota3A : vector<16xi32>
        tpu.vector_store_idx %arg11[%add3A_489], %broadcast_in_dim3A_261 masked %ge3A_485 {add = true} : memref<512xf32, #tpu.memory_space<vmem>>[vector<16xi32>], vector<16xf32>, vector<16xi1>
        tpu.vector_store_idx %arg13[%add3A_489], %get3A_484 masked %ge3A_485 {add = true} : memref<512xf32, #tpu.memory_space<vmem>>[vector<16xi32>], vector<16xf32>, vector<16xi1>
        %get3A_490 = arith.index_cast %scan3A_291 : i32 to index
        %get3A_491 = arith.constant 288 : index
        %get3A_492 = tpu.vector_load %arg7[%get3A_490, %get3A_491] {strides = array<i32>} : memref<32x512xi32, #tpu.memory_space<vmem>>, vector<16xi32>,
        %get3A_493 = arith.index_cast %scan3A_291 : i32 to index
        %get3A_494 = arith.constant 288 : index
        %get3A_495 = tpu.vector_load %arg8[%get3A_493, %get3A_494] {strides = array<i32>} : memref<32x512xf32, #tpu.memory_space<vmem>>, vector<16xf32>,
        %ge3A_496 = arith.cmpf oge, %get3A_495, %get3A_3 : vector<16xf32>
        %mul3A_497 = arith.constant 16 : i32
        %mul3A_498 = vector.broadcast %mul3A_497 : i32 to vector<16xi32>
        %mul3A_499 = arith.muli %get3A_492, %mul3A_498 : vector<16xi32>
        %add3A_500 = arith.addi %mul3A_499, %iota3A : vector<16xi32>
        tpu.vector_store_idx %arg10[%add3A_500], %broadcast_in_dim3A_261 masked %ge3A_496 {add = true} : memref<512xf32, #tpu.memory_space<vmem>>[vector<16xi32>], vector<16xf32>, vector<16xi1>
        tpu.vector_store_idx %arg12[%add3A_500], %get3A_495 masked %ge3A_496 {add = true} : memref<512xf32, #tpu.memory_space<vmem>>[vector<16xi32>], vector<16xf32>, vector<16xi1>
        %get3A_501 = arith.index_cast %scan3A_291 : i32 to index
        %get3A_502 = arith.constant 304 : index
        %get3A_503 = tpu.vector_load %arg7[%get3A_501, %get3A_502] {strides = array<i32>} : memref<32x512xi32, #tpu.memory_space<vmem>>, vector<16xi32>,
        %get3A_504 = arith.index_cast %scan3A_291 : i32 to index
        %get3A_505 = arith.constant 304 : index
        %get3A_506 = tpu.vector_load %arg8[%get3A_504, %get3A_505] {strides = array<i32>} : memref<32x512xf32, #tpu.memory_space<vmem>>, vector<16xf32>,
        %ge3A_507 = arith.cmpf oge, %get3A_506, %get3A_3 : vector<16xf32>
        %mul3A_508 = arith.constant 16 : i32
        %mul3A_509 = vector.broadcast %mul3A_508 : i32 to vector<16xi32>
        %mul3A_510 = arith.muli %get3A_503, %mul3A_509 : vector<16xi32>
        %add3A_511 = arith.addi %mul3A_510, %iota3A : vector<16xi32>
        tpu.vector_store_idx %arg11[%add3A_511], %broadcast_in_dim3A_261 masked %ge3A_507 {add = true} : memref<512xf32, #tpu.memory_space<vmem>>[vector<16xi32>], vector<16xf32>, vector<16xi1>
        tpu.vector_store_idx %arg13[%add3A_511], %get3A_506 masked %ge3A_507 {add = true} : memref<512xf32, #tpu.memory_space<vmem>>[vector<16xi32>], vector<16xf32>, vector<16xi1>
        %get3A_512 = arith.index_cast %scan3A_291 : i32 to index
        %get3A_513 = arith.constant 320 : index
        %get3A_514 = tpu.vector_load %arg7[%get3A_512, %get3A_513] {strides = array<i32>} : memref<32x512xi32, #tpu.memory_space<vmem>>, vector<16xi32>,
        %get3A_515 = arith.index_cast %scan3A_291 : i32 to index
        %get3A_516 = arith.constant 320 : index
        %get3A_517 = tpu.vector_load %arg8[%get3A_515, %get3A_516] {strides = array<i32>} : memref<32x512xf32, #tpu.memory_space<vmem>>, vector<16xf32>,
        %ge3A_518 = arith.cmpf oge, %get3A_517, %get3A_3 : vector<16xf32>
        %mul3A_519 = arith.constant 16 : i32
        %mul3A_520 = vector.broadcast %mul3A_519 : i32 to vector<16xi32>
        %mul3A_521 = arith.muli %get3A_514, %mul3A_520 : vector<16xi32>
        %add3A_522 = arith.addi %mul3A_521, %iota3A : vector<16xi32>
        tpu.vector_store_idx %arg10[%add3A_522], %broadcast_in_dim3A_261 masked %ge3A_518 {add = true} : memref<512xf32, #tpu.memory_space<vmem>>[vector<16xi32>], vector<16xf32>, vector<16xi1>
        tpu.vector_store_idx %arg12[%add3A_522], %get3A_517 masked %ge3A_518 {add = true} : memref<512xf32, #tpu.memory_space<vmem>>[vector<16xi32>], vector<16xf32>, vector<16xi1>
        %get3A_523 = arith.index_cast %scan3A_291 : i32 to index
        %get3A_524 = arith.constant 336 : index
        %get3A_525 = tpu.vector_load %arg7[%get3A_523, %get3A_524] {strides = array<i32>} : memref<32x512xi32, #tpu.memory_space<vmem>>, vector<16xi32>,
        %get3A_526 = arith.index_cast %scan3A_291 : i32 to index
        %get3A_527 = arith.constant 336 : index
        %get3A_528 = tpu.vector_load %arg8[%get3A_526, %get3A_527] {strides = array<i32>} : memref<32x512xf32, #tpu.memory_space<vmem>>, vector<16xf32>,
        %ge3A_529 = arith.cmpf oge, %get3A_528, %get3A_3 : vector<16xf32>
        %mul3A_530 = arith.constant 16 : i32
        %mul3A_531 = vector.broadcast %mul3A_530 : i32 to vector<16xi32>
        %mul3A_532 = arith.muli %get3A_525, %mul3A_531 : vector<16xi32>
        %add3A_533 = arith.addi %mul3A_532, %iota3A : vector<16xi32>
        tpu.vector_store_idx %arg11[%add3A_533], %broadcast_in_dim3A_261 masked %ge3A_529 {add = true} : memref<512xf32, #tpu.memory_space<vmem>>[vector<16xi32>], vector<16xf32>, vector<16xi1>
        tpu.vector_store_idx %arg13[%add3A_533], %get3A_528 masked %ge3A_529 {add = true} : memref<512xf32, #tpu.memory_space<vmem>>[vector<16xi32>], vector<16xf32>, vector<16xi1>
        %get3A_534 = arith.index_cast %scan3A_291 : i32 to index
        %get3A_535 = arith.constant 352 : index
        %get3A_536 = tpu.vector_load %arg7[%get3A_534, %get3A_535] {strides = array<i32>} : memref<32x512xi32, #tpu.memory_space<vmem>>, vector<16xi32>,
        %get3A_537 = arith.index_cast %scan3A_291 : i32 to index
        %get3A_538 = arith.constant 352 : index
        %get3A_539 = tpu.vector_load %arg8[%get3A_537, %get3A_538] {strides = array<i32>} : memref<32x512xf32, #tpu.memory_space<vmem>>, vector<16xf32>,
        %ge3A_540 = arith.cmpf oge, %get3A_539, %get3A_3 : vector<16xf32>
        %mul3A_541 = arith.constant 16 : i32
        %mul3A_542 = vector.broadcast %mul3A_541 : i32 to vector<16xi32>
        %mul3A_543 = arith.muli %get3A_536, %mul3A_542 : vector<16xi32>
        %add3A_544 = arith.addi %mul3A_543, %iota3A : vector<16xi32>
        tpu.vector_store_idx %arg10[%add3A_544], %broadcast_in_dim3A_261 masked %ge3A_540 {add = true} : memref<512xf32, #tpu.memory_space<vmem>>[vector<16xi32>], vector<16xf32>, vector<16xi1>
        tpu.vector_store_idx %arg12[%add3A_544], %get3A_539 masked %ge3A_540 {add = true} : memref<512xf32, #tpu.memory_space<vmem>>[vector<16xi32>], vector<16xf32>, vector<16xi1>
        %get3A_545 = arith.index_cast %scan3A_291 : i32 to index
        %get3A_546 = arith.constant 368 : index
        %get3A_547 = tpu.vector_load %arg7[%get3A_545, %get3A_546] {strides = array<i32>} : memref<32x512xi32, #tpu.memory_space<vmem>>, vector<16xi32>,
        %get3A_548 = arith.index_cast %scan3A_291 : i32 to index
        %get3A_549 = arith.constant 368 : index
        %get3A_550 = tpu.vector_load %arg8[%get3A_548, %get3A_549] {strides = array<i32>} : memref<32x512xf32, #tpu.memory_space<vmem>>, vector<16xf32>,
        %ge3A_551 = arith.cmpf oge, %get3A_550, %get3A_3 : vector<16xf32>
        %mul3A_552 = arith.constant 16 : i32
        %mul3A_553 = vector.broadcast %mul3A_552 : i32 to vector<16xi32>
        %mul3A_554 = arith.muli %get3A_547, %mul3A_553 : vector<16xi32>
        %add3A_555 = arith.addi %mul3A_554, %iota3A : vector<16xi32>
        tpu.vector_store_idx %arg11[%add3A_555], %broadcast_in_dim3A_261 masked %ge3A_551 {add = true} : memref<512xf32, #tpu.memory_space<vmem>>[vector<16xi32>], vector<16xf32>, vector<16xi1>
        tpu.vector_store_idx %arg13[%add3A_555], %get3A_550 masked %ge3A_551 {add = true} : memref<512xf32, #tpu.memory_space<vmem>>[vector<16xi32>], vector<16xf32>, vector<16xi1>
        %get3A_556 = arith.index_cast %scan3A_291 : i32 to index
        %get3A_557 = arith.constant 384 : index
        %get3A_558 = tpu.vector_load %arg7[%get3A_556, %get3A_557] {strides = array<i32>} : memref<32x512xi32, #tpu.memory_space<vmem>>, vector<16xi32>,
        %get3A_559 = arith.index_cast %scan3A_291 : i32 to index
        %get3A_560 = arith.constant 384 : index
        %get3A_561 = tpu.vector_load %arg8[%get3A_559, %get3A_560] {strides = array<i32>} : memref<32x512xf32, #tpu.memory_space<vmem>>, vector<16xf32>,
        %ge3A_562 = arith.cmpf oge, %get3A_561, %get3A_3 : vector<16xf32>
        %mul3A_563 = arith.constant 16 : i32
        %mul3A_564 = vector.broadcast %mul3A_563 : i32 to vector<16xi32>
        %mul3A_565 = arith.muli %get3A_558, %mul3A_564 : vector<16xi32>
        %add3A_566 = arith.addi %mul3A_565, %iota3A : vector<16xi32>
        tpu.vector_store_idx %arg10[%add3A_566], %broadcast_in_dim3A_261 masked %ge3A_562 {add = true} : memref<512xf32, #tpu.memory_space<vmem>>[vector<16xi32>], vector<16xf32>, vector<16xi1>
        tpu.vector_store_idx %arg12[%add3A_566], %get3A_561 masked %ge3A_562 {add = true} : memref<512xf32, #tpu.memory_space<vmem>>[vector<16xi32>], vector<16xf32>, vector<16xi1>
        %get3A_567 = arith.index_cast %scan3A_291 : i32 to index
        %get3A_568 = arith.constant 400 : index
        %get3A_569 = tpu.vector_load %arg7[%get3A_567, %get3A_568] {strides = array<i32>} : memref<32x512xi32, #tpu.memory_space<vmem>>, vector<16xi32>,
        %get3A_570 = arith.index_cast %scan3A_291 : i32 to index
        %get3A_571 = arith.constant 400 : index
        %get3A_572 = tpu.vector_load %arg8[%get3A_570, %get3A_571] {strides = array<i32>} : memref<32x512xf32, #tpu.memory_space<vmem>>, vector<16xf32>,
        %ge3A_573 = arith.cmpf oge, %get3A_572, %get3A_3 : vector<16xf32>
        %mul3A_574 = arith.constant 16 : i32
        %mul3A_575 = vector.broadcast %mul3A_574 : i32 to vector<16xi32>
        %mul3A_576 = arith.muli %get3A_569, %mul3A_575 : vector<16xi32>
        %add3A_577 = arith.addi %mul3A_576, %iota3A : vector<16xi32>
        tpu.vector_store_idx %arg11[%add3A_577], %broadcast_in_dim3A_261 masked %ge3A_573 {add = true} : memref<512xf32, #tpu.memory_space<vmem>>[vector<16xi32>], vector<16xf32>, vector<16xi1>
        tpu.vector_store_idx %arg13[%add3A_577], %get3A_572 masked %ge3A_573 {add = true} : memref<512xf32, #tpu.memory_space<vmem>>[vector<16xi32>], vector<16xf32>, vector<16xi1>
        %get3A_578 = arith.index_cast %scan3A_291 : i32 to index
        %get3A_579 = arith.constant 416 : index
        %get3A_580 = tpu.vector_load %arg7[%get3A_578, %get3A_579] {strides = array<i32>} : memref<32x512xi32, #tpu.memory_space<vmem>>, vector<16xi32>,
        %get3A_581 = arith.index_cast %scan3A_291 : i32 to index
        %get3A_582 = arith.constant 416 : index
        %get3A_583 = tpu.vector_load %arg8[%get3A_581, %get3A_582] {strides = array<i32>} : memref<32x512xf32, #tpu.memory_space<vmem>>, vector<16xf32>,
        %ge3A_584 = arith.cmpf oge, %get3A_583, %get3A_3 : vector<16xf32>
        %mul3A_585 = arith.constant 16 : i32
        %mul3A_586 = vector.broadcast %mul3A_585 : i32 to vector<16xi32>
        %mul3A_587 = arith.muli %get3A_580, %mul3A_586 : vector<16xi32>
        %add3A_588 = arith.addi %mul3A_587, %iota3A : vector<16xi32>
        tpu.vector_store_idx %arg10[%add3A_588], %broadcast_in_dim3A_261 masked %ge3A_584 {add = true} : memref<512xf32, #tpu.memory_space<vmem>>[vector<16xi32>], vector<16xf32>, vector<16xi1>
        tpu.vector_store_idx %arg12[%add3A_588], %get3A_583 masked %ge3A_584 {add = true} : memref<512xf32, #tpu.memory_space<vmem>>[vector<16xi32>], vector<16xf32>, vector<16xi1>
        %get3A_589 = arith.index_cast %scan3A_291 : i32 to index
        %get3A_590 = arith.constant 432 : index
        %get3A_591 = tpu.vector_load %arg7[%get3A_589, %get3A_590] {strides = array<i32>} : memref<32x512xi32, #tpu.memory_space<vmem>>, vector<16xi32>,
        %get3A_592 = arith.index_cast %scan3A_291 : i32 to index
        %get3A_593 = arith.constant 432 : index
        %get3A_594 = tpu.vector_load %arg8[%get3A_592, %get3A_593] {strides = array<i32>} : memref<32x512xf32, #tpu.memory_space<vmem>>, vector<16xf32>,
        %ge3A_595 = arith.cmpf oge, %get3A_594, %get3A_3 : vector<16xf32>
        %mul3A_596 = arith.constant 16 : i32
        %mul3A_597 = vector.broadcast %mul3A_596 : i32 to vector<16xi32>
        %mul3A_598 = arith.muli %get3A_591, %mul3A_597 : vector<16xi32>
        %add3A_599 = arith.addi %mul3A_598, %iota3A : vector<16xi32>
        tpu.vector_store_idx %arg11[%add3A_599], %broadcast_in_dim3A_261 masked %ge3A_595 {add = true} : memref<512xf32, #tpu.memory_space<vmem>>[vector<16xi32>], vector<16xf32>, vector<16xi1>
        tpu.vector_store_idx %arg13[%add3A_599], %get3A_594 masked %ge3A_595 {add = true} : memref<512xf32, #tpu.memory_space<vmem>>[vector<16xi32>], vector<16xf32>, vector<16xi1>
        %get3A_600 = arith.index_cast %scan3A_291 : i32 to index
        %get3A_601 = arith.constant 448 : index
        %get3A_602 = tpu.vector_load %arg7[%get3A_600, %get3A_601] {strides = array<i32>} : memref<32x512xi32, #tpu.memory_space<vmem>>, vector<16xi32>,
        %get3A_603 = arith.index_cast %scan3A_291 : i32 to index
        %get3A_604 = arith.constant 448 : index
        %get3A_605 = tpu.vector_load %arg8[%get3A_603, %get3A_604] {strides = array<i32>} : memref<32x512xf32, #tpu.memory_space<vmem>>, vector<16xf32>,
        %ge3A_606 = arith.cmpf oge, %get3A_605, %get3A_3 : vector<16xf32>
        %mul3A_607 = arith.constant 16 : i32
        %mul3A_608 = vector.broadcast %mul3A_607 : i32 to vector<16xi32>
        %mul3A_609 = arith.muli %get3A_602, %mul3A_608 : vector<16xi32>
        %add3A_610 = arith.addi %mul3A_609, %iota3A : vector<16xi32>
        tpu.vector_store_idx %arg10[%add3A_610], %broadcast_in_dim3A_261 masked %ge3A_606 {add = true} : memref<512xf32, #tpu.memory_space<vmem>>[vector<16xi32>], vector<16xf32>, vector<16xi1>
        tpu.vector_store_idx %arg12[%add3A_610], %get3A_605 masked %ge3A_606 {add = true} : memref<512xf32, #tpu.memory_space<vmem>>[vector<16xi32>], vector<16xf32>, vector<16xi1>
        %get3A_611 = arith.index_cast %scan3A_291 : i32 to index
        %get3A_612 = arith.constant 464 : index
        %get3A_613 = tpu.vector_load %arg7[%get3A_611, %get3A_612] {strides = array<i32>} : memref<32x512xi32, #tpu.memory_space<vmem>>, vector<16xi32>,
        %get3A_614 = arith.index_cast %scan3A_291 : i32 to index
        %get3A_615 = arith.constant 464 : index
        %get3A_616 = tpu.vector_load %arg8[%get3A_614, %get3A_615] {strides = array<i32>} : memref<32x512xf32, #tpu.memory_space<vmem>>, vector<16xf32>,
        %ge3A_617 = arith.cmpf oge, %get3A_616, %get3A_3 : vector<16xf32>
        %mul3A_618 = arith.constant 16 : i32
        %mul3A_619 = vector.broadcast %mul3A_618 : i32 to vector<16xi32>
        %mul3A_620 = arith.muli %get3A_613, %mul3A_619 : vector<16xi32>
        %add3A_621 = arith.addi %mul3A_620, %iota3A : vector<16xi32>
        tpu.vector_store_idx %arg11[%add3A_621], %broadcast_in_dim3A_261 masked %ge3A_617 {add = true} : memref<512xf32, #tpu.memory_space<vmem>>[vector<16xi32>], vector<16xf32>, vector<16xi1>
        tpu.vector_store_idx %arg13[%add3A_621], %get3A_616 masked %ge3A_617 {add = true} : memref<512xf32, #tpu.memory_space<vmem>>[vector<16xi32>], vector<16xf32>, vector<16xi1>
        %get3A_622 = arith.index_cast %scan3A_291 : i32 to index
        %get3A_623 = arith.constant 480 : index
        %get3A_624 = tpu.vector_load %arg7[%get3A_622, %get3A_623] {strides = array<i32>} : memref<32x512xi32, #tpu.memory_space<vmem>>, vector<16xi32>,
        %get3A_625 = arith.index_cast %scan3A_291 : i32 to index
        %get3A_626 = arith.constant 480 : index
        %get3A_627 = tpu.vector_load %arg8[%get3A_625, %get3A_626] {strides = array<i32>} : memref<32x512xf32, #tpu.memory_space<vmem>>, vector<16xf32>,
        %ge3A_628 = arith.cmpf oge, %get3A_627, %get3A_3 : vector<16xf32>
        %mul3A_629 = arith.constant 16 : i32
        %mul3A_630 = vector.broadcast %mul3A_629 : i32 to vector<16xi32>
        %mul3A_631 = arith.muli %get3A_624, %mul3A_630 : vector<16xi32>
        %add3A_632 = arith.addi %mul3A_631, %iota3A : vector<16xi32>
        tpu.vector_store_idx %arg10[%add3A_632], %broadcast_in_dim3A_261 masked %ge3A_628 {add = true} : memref<512xf32, #tpu.memory_space<vmem>>[vector<16xi32>], vector<16xf32>, vector<16xi1>
        tpu.vector_store_idx %arg12[%add3A_632], %get3A_627 masked %ge3A_628 {add = true} : memref<512xf32, #tpu.memory_space<vmem>>[vector<16xi32>], vector<16xf32>, vector<16xi1>
        %get3A_633 = arith.index_cast %scan3A_291 : i32 to index
        %get3A_634 = arith.constant 496 : index
        %get3A_635 = tpu.vector_load %arg7[%get3A_633, %get3A_634] {strides = array<i32>} : memref<32x512xi32, #tpu.memory_space<vmem>>, vector<16xi32>,
        %get3A_636 = arith.index_cast %scan3A_291 : i32 to index
        %get3A_637 = arith.constant 496 : index
        %get3A_638 = tpu.vector_load %arg8[%get3A_636, %get3A_637] {strides = array<i32>} : memref<32x512xf32, #tpu.memory_space<vmem>>, vector<16xf32>,
        %ge3A_639 = arith.cmpf oge, %get3A_638, %get3A_3 : vector<16xf32>
        %mul3A_640 = arith.constant 16 : i32
        %mul3A_641 = vector.broadcast %mul3A_640 : i32 to vector<16xi32>
        %mul3A_642 = arith.muli %get3A_635, %mul3A_641 : vector<16xi32>
        %add3A_643 = arith.addi %mul3A_642, %iota3A : vector<16xi32>
        tpu.vector_store_idx %arg11[%add3A_643], %broadcast_in_dim3A_261 masked %ge3A_639 {add = true} : memref<512xf32, #tpu.memory_space<vmem>>[vector<16xi32>], vector<16xf32>, vector<16xi1>
        tpu.vector_store_idx %arg13[%add3A_643], %get3A_638 masked %ge3A_639 {add = true} : memref<512xf32, #tpu.memory_space<vmem>>[vector<16xi32>], vector<16xf32>, vector<16xi1>
        %scan3A_644 = arith.constant 0 : i32
        scf.yield %scan3A_644 : i32
      }
      %scan3A_289 = arith.constant 32 : i32
      %scan3A_290 = arith.constant 0 : i32
      scf.yield %scan3A_290 : i32
    }
    %scan3A_267 = arith.constant 4 : i32
    %scan3A_268 = arith.constant 0 : i32
    %scan3A_269 = arith.constant 0 : i32
    %scan3A_270 = arith.constant 32 : i32
    %scan3A_271 = arith.addi %scan3A_269, %scan3A_270 : i32
    %scan3A_272 = arith.constant 8 : i32
    %scan3A_273 = scf.for %scan3A_275 = %scan3A_269 to %scan3A_271 step %scan3A_272 iter_args(%scan3A_276 = %scan3A_268) -> (i32)  : i32 {
      %mul3A_277 = arith.constant 16 : i32
      %mul3A_278 = arith.muli %scan3A_275, %mul3A_277 : i32
      %get3A_279 = arith.index_cast %mul3A_278 : i32 to index
      %get3A_280 = tpu.vector_load %arg10[%get3A_279] {strides = array<i32>} : memref<512xf32, #tpu.memory_space<vmem>>, vector<16xf32>,
      %mul3A_281 = arith.constant 16 : i32
      %mul3A_282 = arith.muli %scan3A_275, %mul3A_281 : i32
      %get3A_283 = arith.index_cast %mul3A_282 : i32 to index
      %get3A_284 = tpu.vector_load %arg11[%get3A_283] {strides = array<i32>} : memref<512xf32, #tpu.memory_space<vmem>>, vector<16xf32>,
      %add3A_285 = arith.addf %get3A_280, %get3A_284 : vector<16xf32>
      %swap3A_286 = arith.index_cast %mul3A_278 : i32 to index
      %swap3A_287 = tpu.vector_load %arg10[%swap3A_286] {strides = array<i32>} : memref<512xf32, #tpu.memory_space<vmem>>, vector<16xf32>,
      tpu.vector_store %arg10[%swap3A_286], %add3A_285 {strides = array<i32>} : memref<512xf32, #tpu.memory_space<vmem>>, vector<16xf32>,
      %mul3A_288 = arith.constant 16 : i32
      %mul3A_289 = arith.muli %scan3A_275, %mul3A_288 : i32
      %get3A_290 = arith.index_cast %mul3A_289 : i32 to index
      %get3A_291 = tpu.vector_load %arg12[%get3A_290] {strides = array<i32>} : memref<512xf32, #tpu.memory_space<vmem>>, vector<16xf32>,
      %mul3A_292 = arith.constant 16 : i32
      %mul3A_293 = arith.muli %scan3A_275, %mul3A_292 : i32
      %get3A_294 = arith.index_cast %mul3A_293 : i32 to index
      %get3A_295 = tpu.vector_load %arg13[%get3A_294] {strides = array<i32>} : memref<512xf32, #tpu.memory_space<vmem>>, vector<16xf32>,
      %add3A_296 = arith.addf %get3A_291, %get3A_295 : vector<16xf32>
      %swap3A_297 = arith.index_cast %mul3A_289 : i32 to index
      %swap3A_298 = tpu.vector_load %arg12[%swap3A_297] {strides = array<i32>} : memref<512xf32, #tpu.memory_space<vmem>>, vector<16xf32>,
      tpu.vector_store %arg12[%swap3A_297], %add3A_296 {strides = array<i32>} : memref<512xf32, #tpu.memory_space<vmem>>, vector<16xf32>,
      %scan3A_299 = arith.constant 0 : i32
      %scan3A_300 = arith.constant 1 : i32
      %scan3A_301 = arith.addi %scan3A_275, %scan3A_300 : i32
      %mul3A_302 = arith.constant 16 : i32
      %mul3A_303 = arith.muli %scan3A_301, %mul3A_302 : i32
      %get3A_304 = arith.index_cast %mul3A_303 : i32 to index
      %get3A_305 = tpu.vector_load %arg10[%get3A_304] {strides = array<i32>} : memref<512xf32, #tpu.memory_space<vmem>>, vector<16xf32>,
      %mul3A_306 = arith.constant 16 : i32
      %mul3A_307 = arith.muli %scan3A_301, %mul3A_306 : i32
      %get3A_308 = arith.index_cast %mul3A_307 : i32 to index
      %get3A_309 = tpu.vector_load %arg11[%get3A_308] {strides = array<i32>} : memref<512xf32, #tpu.memory_space<vmem>>, vector<16xf32>,
      %add3A_310 = arith.addf %get3A_305, %get3A_309 : vector<16xf32>
      %swap3A_311 = arith.index_cast %mul3A_303 : i32 to index
      %swap3A_312 = tpu.vector_load %arg10[%swap3A_311] {strides = array<i32>} : memref<512xf32, #tpu.memory_space<vmem>>, vector<16xf32>,
      tpu.vector_store %arg10[%swap3A_311], %add3A_310 {strides = array<i32>} : memref<512xf32, #tpu.memory_space<vmem>>, vector<16xf32>,
      %mul3A_313 = arith.constant 16 : i32
      %mul3A_314 = arith.muli %scan3A_301, %mul3A_313 : i32
      %get3A_315 = arith.index_cast %mul3A_314 : i32 to index
      %get3A_316 = tpu.vector_load %arg12[%get3A_315] {strides = array<i32>} : memref<512xf32, #tpu.memory_space<vmem>>, vector<16xf32>,
      %mul3A_317 = arith.constant 16 : i32
      %mul3A_318 = arith.muli %scan3A_301, %mul3A_317 : i32
      %get3A_319 = arith.index_cast %mul3A_318 : i32 to index
      %get3A_320 = tpu.vector_load %arg13[%get3A_319] {strides = array<i32>} : memref<512xf32, #tpu.memory_space<vmem>>, vector<16xf32>,
      %add3A_321 = arith.addf %get3A_316, %get3A_320 : vector<16xf32>
      %swap3A_322 = arith.index_cast %mul3A_314 : i32 to index
      %swap3A_323 = tpu.vector_load %arg12[%swap3A_322] {strides = array<i32>} : memref<512xf32, #tpu.memory_space<vmem>>, vector<16xf32>,
      tpu.vector_store %arg12[%swap3A_322], %add3A_321 {strides = array<i32>} : memref<512xf32, #tpu.memory_space<vmem>>, vector<16xf32>,
      %scan3A_324 = arith.constant 0 : i32
      %scan3A_325 = arith.constant 2 : i32
      %scan3A_326 = arith.addi %scan3A_275, %scan3A_325 : i32
      %mul3A_327 = arith.constant 16 : i32
      %mul3A_328 = arith.muli %scan3A_326, %mul3A_327 : i32
      %get3A_329 = arith.index_cast %mul3A_328 : i32 to index
      %get3A_330 = tpu.vector_load %arg10[%get3A_329] {strides = array<i32>} : memref<512xf32, #tpu.memory_space<vmem>>, vector<16xf32>,
      %mul3A_331 = arith.constant 16 : i32
      %mul3A_332 = arith.muli %scan3A_326, %mul3A_331 : i32
      %get3A_333 = arith.index_cast %mul3A_332 : i32 to index
      %get3A_334 = tpu.vector_load %arg11[%get3A_333] {strides = array<i32>} : memref<512xf32, #tpu.memory_space<vmem>>, vector<16xf32>,
      %add3A_335 = arith.addf %get3A_330, %get3A_334 : vector<16xf32>
      %swap3A_336 = arith.index_cast %mul3A_328 : i32 to index
      %swap3A_337 = tpu.vector_load %arg10[%swap3A_336] {strides = array<i32>} : memref<512xf32, #tpu.memory_space<vmem>>, vector<16xf32>,
      tpu.vector_store %arg10[%swap3A_336], %add3A_335 {strides = array<i32>} : memref<512xf32, #tpu.memory_space<vmem>>, vector<16xf32>,
      %mul3A_338 = arith.constant 16 : i32
      %mul3A_339 = arith.muli %scan3A_326, %mul3A_338 : i32
      %get3A_340 = arith.index_cast %mul3A_339 : i32 to index
      %get3A_341 = tpu.vector_load %arg12[%get3A_340] {strides = array<i32>} : memref<512xf32, #tpu.memory_space<vmem>>, vector<16xf32>,
      %mul3A_342 = arith.constant 16 : i32
      %mul3A_343 = arith.muli %scan3A_326, %mul3A_342 : i32
      %get3A_344 = arith.index_cast %mul3A_343 : i32 to index
      %get3A_345 = tpu.vector_load %arg13[%get3A_344] {strides = array<i32>} : memref<512xf32, #tpu.memory_space<vmem>>, vector<16xf32>,
      %add3A_346 = arith.addf %get3A_341, %get3A_345 : vector<16xf32>
      %swap3A_347 = arith.index_cast %mul3A_339 : i32 to index
      %swap3A_348 = tpu.vector_load %arg12[%swap3A_347] {strides = array<i32>} : memref<512xf32, #tpu.memory_space<vmem>>, vector<16xf32>,
      tpu.vector_store %arg12[%swap3A_347], %add3A_346 {strides = array<i32>} : memref<512xf32, #tpu.memory_space<vmem>>, vector<16xf32>,
      %scan3A_349 = arith.constant 0 : i32
      %scan3A_350 = arith.constant 3 : i32
      %scan3A_351 = arith.addi %scan3A_275, %scan3A_350 : i32
      %mul3A_352 = arith.constant 16 : i32
      %mul3A_353 = arith.muli %scan3A_351, %mul3A_352 : i32
      %get3A_354 = arith.index_cast %mul3A_353 : i32 to index
      %get3A_355 = tpu.vector_load %arg10[%get3A_354] {strides = array<i32>} : memref<512xf32, #tpu.memory_space<vmem>>, vector<16xf32>,
      %mul3A_356 = arith.constant 16 : i32
      %mul3A_357 = arith.muli %scan3A_351, %mul3A_356 : i32
      %get3A_358 = arith.index_cast %mul3A_357 : i32 to index
      %get3A_359 = tpu.vector_load %arg11[%get3A_358] {strides = array<i32>} : memref<512xf32, #tpu.memory_space<vmem>>, vector<16xf32>,
      %add3A_360 = arith.addf %get3A_355, %get3A_359 : vector<16xf32>
      %swap3A_361 = arith.index_cast %mul3A_353 : i32 to index
      %swap3A_362 = tpu.vector_load %arg10[%swap3A_361] {strides = array<i32>} : memref<512xf32, #tpu.memory_space<vmem>>, vector<16xf32>,
      tpu.vector_store %arg10[%swap3A_361], %add3A_360 {strides = array<i32>} : memref<512xf32, #tpu.memory_space<vmem>>, vector<16xf32>,
      %mul3A_363 = arith.constant 16 : i32
      %mul3A_364 = arith.muli %scan3A_351, %mul3A_363 : i32
      %get3A_365 = arith.index_cast %mul3A_364 : i32 to index
      %get3A_366 = tpu.vector_load %arg12[%get3A_365] {strides = array<i32>} : memref<512xf32, #tpu.memory_space<vmem>>, vector<16xf32>,
      %mul3A_367 = arith.constant 16 : i32
      %mul3A_368 = arith.muli %scan3A_351, %mul3A_367 : i32
      %get3A_369 = arith.index_cast %mul3A_368 : i32 to index
      %get3A_370 = tpu.vector_load %arg13[%get3A_369] {strides = array<i32>} : memref<512xf32, #tpu.memory_space<vmem>>, vector<16xf32>,
      %add3A_371 = arith.addf %get3A_366, %get3A_370 : vector<16xf32>
      %swap3A_372 = arith.index_cast %mul3A_364 : i32 to index
      %swap3A_373 = tpu.vector_load %arg12[%swap3A_372] {strides = array<i32>} : memref<512xf32, #tpu.memory_space<vmem>>, vector<16xf32>,
      tpu.vector_store %arg12[%swap3A_372], %add3A_371 {strides = array<i32>} : memref<512xf32, #tpu.memory_space<vmem>>, vector<16xf32>,
      %scan3A_374 = arith.constant 0 : i32
      %scan3A_375 = arith.constant 4 : i32
      %scan3A_376 = arith.addi %scan3A_275, %scan3A_375 : i32
      %mul3A_377 = arith.constant 16 : i32
      %mul3A_378 = arith.muli %scan3A_376, %mul3A_377 : i32
      %get3A_379 = arith.index_cast %mul3A_378 : i32 to index
      %get3A_380 = tpu.vector_load %arg10[%get3A_379] {strides = array<i32>} : memref<512xf32, #tpu.memory_space<vmem>>, vector<16xf32>,
      %mul3A_381 = arith.constant 16 : i32
      %mul3A_382 = arith.muli %scan3A_376, %mul3A_381 : i32
      %get3A_383 = arith.index_cast %mul3A_382 : i32 to index
      %get3A_384 = tpu.vector_load %arg11[%get3A_383] {strides = array<i32>} : memref<512xf32, #tpu.memory_space<vmem>>, vector<16xf32>,
      %add3A_385 = arith.addf %get3A_380, %get3A_384 : vector<16xf32>
      %swap3A_386 = arith.index_cast %mul3A_378 : i32 to index
      %swap3A_387 = tpu.vector_load %arg10[%swap3A_386] {strides = array<i32>} : memref<512xf32, #tpu.memory_space<vmem>>, vector<16xf32>,
      tpu.vector_store %arg10[%swap3A_386], %add3A_385 {strides = array<i32>} : memref<512xf32, #tpu.memory_space<vmem>>, vector<16xf32>,
      %mul3A_388 = arith.constant 16 : i32
      %mul3A_389 = arith.muli %scan3A_376, %mul3A_388 : i32
      %get3A_390 = arith.index_cast %mul3A_389 : i32 to index
      %get3A_391 = tpu.vector_load %arg12[%get3A_390] {strides = array<i32>} : memref<512xf32, #tpu.memory_space<vmem>>, vector<16xf32>,
      %mul3A_392 = arith.constant 16 : i32
      %mul3A_393 = arith.muli %scan3A_376, %mul3A_392 : i32
      %get3A_394 = arith.index_cast %mul3A_393 : i32 to index
      %get3A_395 = tpu.vector_load %arg13[%get3A_394] {strides = array<i32>} : memref<512xf32, #tpu.memory_space<vmem>>, vector<16xf32>,
      %add3A_396 = arith.addf %get3A_391, %get3A_395 : vector<16xf32>
      %swap3A_397 = arith.index_cast %mul3A_389 : i32 to index
      %swap3A_398 = tpu.vector_load %arg12[%swap3A_397] {strides = array<i32>} : memref<512xf32, #tpu.memory_space<vmem>>, vector<16xf32>,
      tpu.vector_store %arg12[%swap3A_397], %add3A_396 {strides = array<i32>} : memref<512xf32, #tpu.memory_space<vmem>>, vector<16xf32>,
      %scan3A_399 = arith.constant 0 : i32
      %scan3A_400 = arith.constant 5 : i32
      %scan3A_401 = arith.addi %scan3A_275, %scan3A_400 : i32
      %mul3A_402 = arith.constant 16 : i32
      %mul3A_403 = arith.muli %scan3A_401, %mul3A_402 : i32
      %get3A_404 = arith.index_cast %mul3A_403 : i32 to index
      %get3A_405 = tpu.vector_load %arg10[%get3A_404] {strides = array<i32>} : memref<512xf32, #tpu.memory_space<vmem>>, vector<16xf32>,
      %mul3A_406 = arith.constant 16 : i32
      %mul3A_407 = arith.muli %scan3A_401, %mul3A_406 : i32
      %get3A_408 = arith.index_cast %mul3A_407 : i32 to index
      %get3A_409 = tpu.vector_load %arg11[%get3A_408] {strides = array<i32>} : memref<512xf32, #tpu.memory_space<vmem>>, vector<16xf32>,
      %add3A_410 = arith.addf %get3A_405, %get3A_409 : vector<16xf32>
      %swap3A_411 = arith.index_cast %mul3A_403 : i32 to index
      %swap3A_412 = tpu.vector_load %arg10[%swap3A_411] {strides = array<i32>} : memref<512xf32, #tpu.memory_space<vmem>>, vector<16xf32>,
      tpu.vector_store %arg10[%swap3A_411], %add3A_410 {strides = array<i32>} : memref<512xf32, #tpu.memory_space<vmem>>, vector<16xf32>,
      %mul3A_413 = arith.constant 16 : i32
      %mul3A_414 = arith.muli %scan3A_401, %mul3A_413 : i32
      %get3A_415 = arith.index_cast %mul3A_414 : i32 to index
      %get3A_416 = tpu.vector_load %arg12[%get3A_415] {strides = array<i32>} : memref<512xf32, #tpu.memory_space<vmem>>, vector<16xf32>,
      %mul3A_417 = arith.constant 16 : i32
      %mul3A_418 = arith.muli %scan3A_401, %mul3A_417 : i32
      %get3A_419 = arith.index_cast %mul3A_418 : i32 to index
      %get3A_420 = tpu.vector_load %arg13[%get3A_419] {strides = array<i32>} : memref<512xf32, #tpu.memory_space<vmem>>, vector<16xf32>,
      %add3A_421 = arith.addf %get3A_416, %get3A_420 : vector<16xf32>
      %swap3A_422 = arith.index_cast %mul3A_414 : i32 to index
      %swap3A_423 = tpu.vector_load %arg12[%swap3A_422] {strides = array<i32>} : memref<512xf32, #tpu.memory_space<vmem>>, vector<16xf32>,
      tpu.vector_store %arg12[%swap3A_422], %add3A_421 {strides = array<i32>} : memref<512xf32, #tpu.memory_space<vmem>>, vector<16xf32>,
      %scan3A_424 = arith.constant 0 : i32
      %scan3A_425 = arith.constant 6 : i32
      %scan3A_426 = arith.addi %scan3A_275, %scan3A_425 : i32
      %mul3A_427 = arith.constant 16 : i32
      %mul3A_428 = arith.muli %scan3A_426, %mul3A_427 : i32
      %get3A_429 = arith.index_cast %mul3A_428 : i32 to index
      %get3A_430 = tpu.vector_load %arg10[%get3A_429] {strides = array<i32>} : memref<512xf32, #tpu.memory_space<vmem>>, vector<16xf32>,
      %mul3A_431 = arith.constant 16 : i32
      %mul3A_432 = arith.muli %scan3A_426, %mul3A_431 : i32
      %get3A_433 = arith.index_cast %mul3A_432 : i32 to index
      %get3A_434 = tpu.vector_load %arg11[%get3A_433] {strides = array<i32>} : memref<512xf32, #tpu.memory_space<vmem>>, vector<16xf32>,
      %add3A_435 = arith.addf %get3A_430, %get3A_434 : vector<16xf32>
      %swap3A_436 = arith.index_cast %mul3A_428 : i32 to index
      %swap3A_437 = tpu.vector_load %arg10[%swap3A_436] {strides = array<i32>} : memref<512xf32, #tpu.memory_space<vmem>>, vector<16xf32>,
      tpu.vector_store %arg10[%swap3A_436], %add3A_435 {strides = array<i32>} : memref<512xf32, #tpu.memory_space<vmem>>, vector<16xf32>,
      %mul3A_438 = arith.constant 16 : i32
      %mul3A_439 = arith.muli %scan3A_426, %mul3A_438 : i32
      %get3A_440 = arith.index_cast %mul3A_439 : i32 to index
      %get3A_441 = tpu.vector_load %arg12[%get3A_440] {strides = array<i32>} : memref<512xf32, #tpu.memory_space<vmem>>, vector<16xf32>,
      %mul3A_442 = arith.constant 16 : i32
      %mul3A_443 = arith.muli %scan3A_426, %mul3A_442 : i32
      %get3A_444 = arith.index_cast %mul3A_443 : i32 to index
      %get3A_445 = tpu.vector_load %arg13[%get3A_444] {strides = array<i32>} : memref<512xf32, #tpu.memory_space<vmem>>, vector<16xf32>,
      %add3A_446 = arith.addf %get3A_441, %get3A_445 : vector<16xf32>
      %swap3A_447 = arith.index_cast %mul3A_439 : i32 to index
      %swap3A_448 = tpu.vector_load %arg12[%swap3A_447] {strides = array<i32>} : memref<512xf32, #tpu.memory_space<vmem>>, vector<16xf32>,
      tpu.vector_store %arg12[%swap3A_447], %add3A_446 {strides = array<i32>} : memref<512xf32, #tpu.memory_space<vmem>>, vector<16xf32>,
      %scan3A_449 = arith.constant 0 : i32
      %scan3A_450 = arith.constant 7 : i32
      %scan3A_451 = arith.addi %scan3A_275, %scan3A_450 : i32
      %mul3A_452 = arith.constant 16 : i32
      %mul3A_453 = arith.muli %scan3A_451, %mul3A_452 : i32
      %get3A_454 = arith.index_cast %mul3A_453 : i32 to index
      %get3A_455 = tpu.vector_load %arg10[%get3A_454] {strides = array<i32>} : memref<512xf32, #tpu.memory_space<vmem>>, vector<16xf32>,
      %mul3A_456 = arith.constant 16 : i32
      %mul3A_457 = arith.muli %scan3A_451, %mul3A_456 : i32
      %get3A_458 = arith.index_cast %mul3A_457 : i32 to index
      %get3A_459 = tpu.vector_load %arg11[%get3A_458] {strides = array<i32>} : memref<512xf32, #tpu.memory_space<vmem>>, vector<16xf32>,
      %add3A_460 = arith.addf %get3A_455, %get3A_459 : vector<16xf32>
      %swap3A_461 = arith.index_cast %mul3A_453 : i32 to index
      %swap3A_462 = tpu.vector_load %arg10[%swap3A_461] {strides = array<i32>} : memref<512xf32, #tpu.memory_space<vmem>>, vector<16xf32>,
      tpu.vector_store %arg10[%swap3A_461], %add3A_460 {strides = array<i32>} : memref<512xf32, #tpu.memory_space<vmem>>, vector<16xf32>,
      %mul3A_463 = arith.constant 16 : i32
      %mul3A_464 = arith.muli %scan3A_451, %mul3A_463 : i32
      %get3A_465 = arith.index_cast %mul3A_464 : i32 to index
      %get3A_466 = tpu.vector_load %arg12[%get3A_465] {strides = array<i32>} : memref<512xf32, #tpu.memory_space<vmem>>, vector<16xf32>,
      %mul3A_467 = arith.constant 16 : i32
      %mul3A_468 = arith.muli %scan3A_451, %mul3A_467 : i32
      %get3A_469 = arith.index_cast %mul3A_468 : i32 to index
      %get3A_470 = tpu.vector_load %arg13[%get3A_469] {strides = array<i32>} : memref<512xf32, #tpu.memory_space<vmem>>, vector<16xf32>,
      %add3A_471 = arith.addf %get3A_466, %get3A_470 : vector<16xf32>
      %swap3A_472 = arith.index_cast %mul3A_464 : i32 to index
      %swap3A_473 = tpu.vector_load %arg12[%swap3A_472] {strides = array<i32>} : memref<512xf32, #tpu.memory_space<vmem>>, vector<16xf32>,
      tpu.vector_store %arg12[%swap3A_472], %add3A_471 {strides = array<i32>} : memref<512xf32, #tpu.memory_space<vmem>>, vector<16xf32>,
      %scan3A_474 = arith.constant 0 : i32
      scf.yield %scan3A_474 : i32
    }
    %scan3A_274 = arith.constant 32 : i32
    "tpu.region"() ({
      %run_scoped3A_275 = tpu.sem_alloc : memref<!tpu.dma_semaphore, #tpu.memory_space<semaphore_mem>>
      %dma_start3A = arith.constant 0 : i32
      %dma_start3A_276 = tpu.memref_slice %arg5[%add3A, %dma_start3A] : memref<32x512xf32, #tpu.memory_space<hbm>> -> memref<1x512xf32, #tpu.memory_space<hbm>>
      %dma_start3A_277 = tpu.memref_squeeze %dma_start3A_276 : memref<1x512xf32, #tpu.memory_space<hbm>> -> memref<512xf32, #tpu.memory_space<hbm>>
      %dma_start3A_278 = arith.constant 0 : i32
      %dma_start3A_279 = tpu.memref_slice %arg5[%add3A, %dma_start3A_278] : memref<32x512xf32, #tpu.memory_space<hbm>> -> memref<1x512xf32, #tpu.memory_space<hbm>>
      %dma_start3A_280 = tpu.memref_squeeze %dma_start3A_279 : memref<1x512xf32, #tpu.memory_space<hbm>> -> memref<512xf32, #tpu.memory_space<hbm>>
      tpu.enqueue_dma source(%arg10 : memref<512xf32, #tpu.memory_space<vmem>>) target(%dma_start3A_280 : memref<512xf32, #tpu.memory_space<hbm>>) target_semaphore(%run_scoped3A_275 : memref<!tpu.dma_semaphore, #tpu.memory_space<semaphore_mem>>)
      %dma_wait3A = arith.constant 0 : i32
      %dma_wait3A_281 = tpu.memref_slice %arg5[%add3A, %dma_wait3A] : memref<32x512xf32, #tpu.memory_space<hbm>> -> memref<1x512xf32, #tpu.memory_space<hbm>>
      %dma_wait3A_282 = tpu.memref_squeeze %dma_wait3A_281 : memref<1x512xf32, #tpu.memory_space<hbm>> -> memref<512xf32, #tpu.memory_space<hbm>>
      %dma_wait3A_283 = arith.constant 0 : i32
      %dma_wait3A_284 = tpu.memref_slice %arg5[%add3A, %dma_wait3A_283] : memref<32x512xf32, #tpu.memory_space<hbm>> -> memref<1x512xf32, #tpu.memory_space<hbm>>
      %dma_wait3A_285 = tpu.memref_squeeze %dma_wait3A_284 : memref<1x512xf32, #tpu.memory_space<hbm>> -> memref<512xf32, #tpu.memory_space<hbm>>
      tpu.wait_dma2 semaphore(%run_scoped3A_275 : memref<!tpu.dma_semaphore, #tpu.memory_space<semaphore_mem>>) src(%arg10 : memref<512xf32, #tpu.memory_space<vmem>>) dst(%dma_wait3A_285 : memref<512xf32, #tpu.memory_space<hbm>>)
      tpu.yield
    }) : () -> ()
    "tpu.region"() ({
      %run_scoped3A_275 = tpu.sem_alloc : memref<!tpu.dma_semaphore, #tpu.memory_space<semaphore_mem>>
      %dma_start3A = arith.constant 0 : i32
      %dma_start3A_276 = tpu.memref_slice %arg6[%add3A, %dma_start3A] : memref<32x512xf32, #tpu.memory_space<hbm>> -> memref<1x512xf32, #tpu.memory_space<hbm>>
      %dma_start3A_277 = tpu.memref_squeeze %dma_start3A_276 : memref<1x512xf32, #tpu.memory_space<hbm>> -> memref<512xf32, #tpu.memory_space<hbm>>
      %dma_start3A_278 = arith.constant 0 : i32
      %dma_start3A_279 = tpu.memref_slice %arg6[%add3A, %dma_start3A_278] : memref<32x512xf32, #tpu.memory_space<hbm>> -> memref<1x512xf32, #tpu.memory_space<hbm>>
      %dma_start3A_280 = tpu.memref_squeeze %dma_start3A_279 : memref<1x512xf32, #tpu.memory_space<hbm>> -> memref<512xf32, #tpu.memory_space<hbm>>
      tpu.enqueue_dma source(%arg12 : memref<512xf32, #tpu.memory_space<vmem>>) target(%dma_start3A_280 : memref<512xf32, #tpu.memory_space<hbm>>) target_semaphore(%run_scoped3A_275 : memref<!tpu.dma_semaphore, #tpu.memory_space<semaphore_mem>>)
      %dma_wait3A = arith.constant 0 : i32
      %dma_wait3A_281 = tpu.memref_slice %arg6[%add3A, %dma_wait3A] : memref<32x512xf32, #tpu.memory_space<hbm>> -> memref<1x512xf32, #tpu.memory_space<hbm>>
      %dma_wait3A_282 = tpu.memref_squeeze %dma_wait3A_281 : memref<1x512xf32, #tpu.memory_space<hbm>> -> memref<512xf32, #tpu.memory_space<hbm>>
      %dma_wait3A_283 = arith.constant 0 : i32
      %dma_wait3A_284 = tpu.memref_slice %arg6[%add3A, %dma_wait3A_283] : memref<32x512xf32, #tpu.memory_space<hbm>> -> memref<1x512xf32, #tpu.memory_space<hbm>>
      %dma_wait3A_285 = tpu.memref_squeeze %dma_wait3A_284 : memref<1x512xf32, #tpu.memory_space<hbm>> -> memref<512xf32, #tpu.memory_space<hbm>>
      tpu.wait_dma2 semaphore(%run_scoped3A_275 : memref<!tpu.dma_semaphore, #tpu.memory_space<semaphore_mem>>) src(%arg12 : memref<512xf32, #tpu.memory_space<vmem>>) dst(%dma_wait3A_285 : memref<512xf32, #tpu.memory_space<hbm>>)
      tpu.yield
    }) : () -> ()
    return
  }
}

#map = affine_map<(d0, d1) -> (0)>
#map1 = affine_map<(d0, d1) -> (0, 0)>
module attributes {stable_mosaic.version = 14 : i64} {
  func.func @body(%arg0: i32, %arg1: i32, %arg2: memref<2097152xi32, #tpu.memory_space<hbm>>, %arg3: memref<8x128xi32, #tpu.memory_space<hbm>>, %arg4: memref<32x1024xi32, #tpu.memory_space<hbm>>, %arg5: memref<65536xi32, #tpu.memory_space<vmem>>, %arg6: memref<16384xi32, #tpu.memory_space<vmem>>, %arg7: memref<1024xi32, #tpu.memory_space<vmem>>, %arg8: memref<128xi32, #tpu.memory_space<vmem>>) attributes {dimension_semantics = [#tpu.dimension_semantics<core_parallel>, #tpu.dimension_semantics<subcore_parallel>], iteration_bounds = array<i64: 2, 16>, scalar_prefetch = 0 : i64, scratch_operands = 4 : i64, tpu.core_type = #tpu.core_type<sc_vector_subcore>, window_params = [{transform_indices = #map}, {transform_indices = #map1}, {transform_indices = #map1}]} {
    %mul3A = arith.constant 2 : i32
    %mul3A_0 = arith.muli %arg1, %mul3A : i32
    %add3A = arith.addi %mul3A_0, %arg0 : i32
    %mul3A_1 = arith.constant 65536 : i32
    %mul3A_2 = arith.muli %add3A, %mul3A_1 : i32
    "tpu.region"() ({
      %run_scoped3A_36 = tpu.sem_alloc : memref<!tpu.dma_semaphore, #tpu.memory_space<semaphore_mem>>
      %dma_start3A = tpu.memref_slice %arg2[%mul3A_2] : memref<2097152xi32, #tpu.memory_space<hbm>> -> memref<65536xi32, #tpu.memory_space<hbm>>
      %dma_start3A_37 = tpu.memref_slice %arg2[%mul3A_2] : memref<2097152xi32, #tpu.memory_space<hbm>> -> memref<65536xi32, #tpu.memory_space<hbm>>
      tpu.enqueue_dma source(%dma_start3A_37 : memref<65536xi32, #tpu.memory_space<hbm>>) target(%arg5 : memref<65536xi32, #tpu.memory_space<vmem>>) target_semaphore(%run_scoped3A_36 : memref<!tpu.dma_semaphore, #tpu.memory_space<semaphore_mem>>)
      %dma_wait3A = tpu.memref_slice %arg2[%mul3A_2] : memref<2097152xi32, #tpu.memory_space<hbm>> -> memref<65536xi32, #tpu.memory_space<hbm>>
      %dma_wait3A_38 = tpu.memref_slice %arg2[%mul3A_2] : memref<2097152xi32, #tpu.memory_space<hbm>> -> memref<65536xi32, #tpu.memory_space<hbm>>
      tpu.wait_dma2 semaphore(%run_scoped3A_36 : memref<!tpu.dma_semaphore, #tpu.memory_space<semaphore_mem>>) src(%dma_wait3A_38 : memref<65536xi32, #tpu.memory_space<hbm>>) dst(%arg5 : memref<65536xi32, #tpu.memory_space<vmem>>)
      tpu.yield
    }) : () -> ()
    %run_scoped3A = arith.constant 0 : i32
    "tpu.region"() ({
      %run_scoped3A_36 = tpu.sem_alloc : memref<!tpu.dma_semaphore, #tpu.memory_space<semaphore_mem>>
      %dma_start3A = arith.constant 0 : i32
      %dma_start3A_37 = tpu.memref_slice %arg3[%run_scoped3A, %dma_start3A] : memref<8x128xi32, #tpu.memory_space<hbm>> -> memref<1x128xi32, #tpu.memory_space<hbm>>
      %dma_start3A_38 = tpu.memref_squeeze %dma_start3A_37 : memref<1x128xi32, #tpu.memory_space<hbm>> -> memref<128xi32, #tpu.memory_space<hbm>>
      %dma_start3A_39 = arith.constant 0 : i32
      %dma_start3A_40 = tpu.memref_slice %arg3[%run_scoped3A, %dma_start3A_39] : memref<8x128xi32, #tpu.memory_space<hbm>> -> memref<1x128xi32, #tpu.memory_space<hbm>>
      %dma_start3A_41 = tpu.memref_squeeze %dma_start3A_40 : memref<1x128xi32, #tpu.memory_space<hbm>> -> memref<128xi32, #tpu.memory_space<hbm>>
      tpu.enqueue_dma source(%dma_start3A_41 : memref<128xi32, #tpu.memory_space<hbm>>) target(%arg8 : memref<128xi32, #tpu.memory_space<vmem>>) target_semaphore(%run_scoped3A_36 : memref<!tpu.dma_semaphore, #tpu.memory_space<semaphore_mem>>)
      %dma_wait3A = arith.constant 0 : i32
      %dma_wait3A_42 = tpu.memref_slice %arg3[%run_scoped3A, %dma_wait3A] : memref<8x128xi32, #tpu.memory_space<hbm>> -> memref<1x128xi32, #tpu.memory_space<hbm>>
      %dma_wait3A_43 = tpu.memref_squeeze %dma_wait3A_42 : memref<1x128xi32, #tpu.memory_space<hbm>> -> memref<128xi32, #tpu.memory_space<hbm>>
      %dma_wait3A_44 = arith.constant 0 : i32
      %dma_wait3A_45 = tpu.memref_slice %arg3[%run_scoped3A, %dma_wait3A_44] : memref<8x128xi32, #tpu.memory_space<hbm>> -> memref<1x128xi32, #tpu.memory_space<hbm>>
      %dma_wait3A_46 = tpu.memref_squeeze %dma_wait3A_45 : memref<1x128xi32, #tpu.memory_space<hbm>> -> memref<128xi32, #tpu.memory_space<hbm>>
      tpu.wait_dma2 semaphore(%run_scoped3A_36 : memref<!tpu.dma_semaphore, #tpu.memory_space<semaphore_mem>>) src(%dma_wait3A_46 : memref<128xi32, #tpu.memory_space<hbm>>) dst(%arg8 : memref<128xi32, #tpu.memory_space<vmem>>)
      tpu.yield
    }) : () -> ()
    %get3A = arith.constant 0 : index
    %get3A_3 = tpu.vector_load %arg8[%get3A] {strides = array<i32>} : memref<128xi32, #tpu.memory_space<vmem>>, vector<16xi32>,
    %broadcast_in_dim3A = arith.constant 0 : i32
    %broadcast_in_dim3A_4 = vector.broadcast %broadcast_in_dim3A : i32 to vector<16xi32>
    %scan3A = arith.constant 0 : i32
    %scan3A_5 = arith.constant 0 : i32
    %scan3A_6 = arith.constant 1024 : i32
    %scan3A_7 = arith.addi %scan3A_5, %scan3A_6 : i32
    %scan3A_8 = arith.constant 8 : i32
    %scan3A_9 = scf.for %scan3A_36 = %scan3A_5 to %scan3A_7 step %scan3A_8 iter_args(%scan3A_37 = %scan3A) -> (i32)  : i32 {
      %mul3A_38 = arith.constant 16 : i32
      %mul3A_39 = arith.muli %scan3A_36, %mul3A_38 : i32
      %swap3A = arith.index_cast %mul3A_39 : i32 to index
      %swap3A_40 = tpu.vector_load %arg6[%swap3A] {strides = array<i32>} : memref<16384xi32, #tpu.memory_space<vmem>>, vector<16xi32>,
      tpu.vector_store %arg6[%swap3A], %broadcast_in_dim3A_4 {strides = array<i32>} : memref<16384xi32, #tpu.memory_space<vmem>>, vector<16xi32>,
      %scan3A_41 = arith.constant 0 : i32
      %scan3A_42 = arith.constant 1 : i32
      %scan3A_43 = arith.addi %scan3A_36, %scan3A_42 : i32
      %mul3A_44 = arith.constant 16 : i32
      %mul3A_45 = arith.muli %scan3A_43, %mul3A_44 : i32
      %swap3A_46 = arith.index_cast %mul3A_45 : i32 to index
      %swap3A_47 = tpu.vector_load %arg6[%swap3A_46] {strides = array<i32>} : memref<16384xi32, #tpu.memory_space<vmem>>, vector<16xi32>,
      tpu.vector_store %arg6[%swap3A_46], %broadcast_in_dim3A_4 {strides = array<i32>} : memref<16384xi32, #tpu.memory_space<vmem>>, vector<16xi32>,
      %scan3A_48 = arith.constant 0 : i32
      %scan3A_49 = arith.constant 2 : i32
      %scan3A_50 = arith.addi %scan3A_36, %scan3A_49 : i32
      %mul3A_51 = arith.constant 16 : i32
      %mul3A_52 = arith.muli %scan3A_50, %mul3A_51 : i32
      %swap3A_53 = arith.index_cast %mul3A_52 : i32 to index
      %swap3A_54 = tpu.vector_load %arg6[%swap3A_53] {strides = array<i32>} : memref<16384xi32, #tpu.memory_space<vmem>>, vector<16xi32>,
      tpu.vector_store %arg6[%swap3A_53], %broadcast_in_dim3A_4 {strides = array<i32>} : memref<16384xi32, #tpu.memory_space<vmem>>, vector<16xi32>,
      %scan3A_55 = arith.constant 0 : i32
      %scan3A_56 = arith.constant 3 : i32
      %scan3A_57 = arith.addi %scan3A_36, %scan3A_56 : i32
      %mul3A_58 = arith.constant 16 : i32
      %mul3A_59 = arith.muli %scan3A_57, %mul3A_58 : i32
      %swap3A_60 = arith.index_cast %mul3A_59 : i32 to index
      %swap3A_61 = tpu.vector_load %arg6[%swap3A_60] {strides = array<i32>} : memref<16384xi32, #tpu.memory_space<vmem>>, vector<16xi32>,
      tpu.vector_store %arg6[%swap3A_60], %broadcast_in_dim3A_4 {strides = array<i32>} : memref<16384xi32, #tpu.memory_space<vmem>>, vector<16xi32>,
      %scan3A_62 = arith.constant 0 : i32
      %scan3A_63 = arith.constant 4 : i32
      %scan3A_64 = arith.addi %scan3A_36, %scan3A_63 : i32
      %mul3A_65 = arith.constant 16 : i32
      %mul3A_66 = arith.muli %scan3A_64, %mul3A_65 : i32
      %swap3A_67 = arith.index_cast %mul3A_66 : i32 to index
      %swap3A_68 = tpu.vector_load %arg6[%swap3A_67] {strides = array<i32>} : memref<16384xi32, #tpu.memory_space<vmem>>, vector<16xi32>,
      tpu.vector_store %arg6[%swap3A_67], %broadcast_in_dim3A_4 {strides = array<i32>} : memref<16384xi32, #tpu.memory_space<vmem>>, vector<16xi32>,
      %scan3A_69 = arith.constant 0 : i32
      %scan3A_70 = arith.constant 5 : i32
      %scan3A_71 = arith.addi %scan3A_36, %scan3A_70 : i32
      %mul3A_72 = arith.constant 16 : i32
      %mul3A_73 = arith.muli %scan3A_71, %mul3A_72 : i32
      %swap3A_74 = arith.index_cast %mul3A_73 : i32 to index
      %swap3A_75 = tpu.vector_load %arg6[%swap3A_74] {strides = array<i32>} : memref<16384xi32, #tpu.memory_space<vmem>>, vector<16xi32>,
      tpu.vector_store %arg6[%swap3A_74], %broadcast_in_dim3A_4 {strides = array<i32>} : memref<16384xi32, #tpu.memory_space<vmem>>, vector<16xi32>,
      %scan3A_76 = arith.constant 0 : i32
      %scan3A_77 = arith.constant 6 : i32
      %scan3A_78 = arith.addi %scan3A_36, %scan3A_77 : i32
      %mul3A_79 = arith.constant 16 : i32
      %mul3A_80 = arith.muli %scan3A_78, %mul3A_79 : i32
      %swap3A_81 = arith.index_cast %mul3A_80 : i32 to index
      %swap3A_82 = tpu.vector_load %arg6[%swap3A_81] {strides = array<i32>} : memref<16384xi32, #tpu.memory_space<vmem>>, vector<16xi32>,
      tpu.vector_store %arg6[%swap3A_81], %broadcast_in_dim3A_4 {strides = array<i32>} : memref<16384xi32, #tpu.memory_space<vmem>>, vector<16xi32>,
      %scan3A_83 = arith.constant 0 : i32
      %scan3A_84 = arith.constant 7 : i32
      %scan3A_85 = arith.addi %scan3A_36, %scan3A_84 : i32
      %mul3A_86 = arith.constant 16 : i32
      %mul3A_87 = arith.muli %scan3A_85, %mul3A_86 : i32
      %swap3A_88 = arith.index_cast %mul3A_87 : i32 to index
      %swap3A_89 = tpu.vector_load %arg6[%swap3A_88] {strides = array<i32>} : memref<16384xi32, #tpu.memory_space<vmem>>, vector<16xi32>,
      tpu.vector_store %arg6[%swap3A_88], %broadcast_in_dim3A_4 {strides = array<i32>} : memref<16384xi32, #tpu.memory_space<vmem>>, vector<16xi32>,
      %scan3A_90 = arith.constant 0 : i32
      scf.yield %scan3A_90 : i32
    }
    %scan3A_10 = arith.constant 1024 : i32
    %iota3A = tpu.iota {dimensions = array<i32: 0>} : vector<16xi32>
    %mul3A_11 = arith.constant 1024 : i32
    %mul3A_12 = vector.broadcast %mul3A_11 : i32 to vector<16xi32>
    %mul3A_13 = arith.muli %iota3A, %mul3A_12 : vector<16xi32>
    %broadcast_in_dim3A_14 = arith.constant 1 : i32
    %broadcast_in_dim3A_15 = vector.broadcast %broadcast_in_dim3A_14 : i32 to vector<16xi32>
    %broadcast_in_dim3A_16 = arith.constant 0 : i32
    %broadcast_in_dim3A_17 = vector.broadcast %broadcast_in_dim3A_16 : i32 to vector<16xi32>
    %broadcast_in_dim3A_18 = arith.constant 1023 : i32
    %broadcast_in_dim3A_19 = vector.broadcast %broadcast_in_dim3A_18 : i32 to vector<16xi32>
    %broadcast_in_dim3A_20 = arith.constant 10 : i32
    %broadcast_in_dim3A_21 = vector.broadcast %broadcast_in_dim3A_20 : i32 to vector<16xi32>
    %scan3A_22 = arith.constant 0 : i32
    %scan3A_23 = arith.constant 0 : i32
    %scan3A_24 = arith.constant 4096 : i32
    %scan3A_25 = arith.addi %scan3A_23, %scan3A_24 : i32
    %scan3A_26 = arith.constant 8 : i32
    %scan3A_27 = scf.for %scan3A_36 = %scan3A_23 to %scan3A_25 step %scan3A_26 iter_args(%scan3A_37 = %scan3A_22) -> (i32)  : i32 {
      %mul3A_38 = arith.constant 16 : i32
      %mul3A_39 = arith.muli %scan3A_36, %mul3A_38 : i32
      %get3A_40 = arith.index_cast %mul3A_39 : i32 to index
      %get3A_41 = tpu.vector_load %arg5[%get3A_40] {strides = array<i32>} : memref<65536xi32, #tpu.memory_space<vmem>>, vector<16xi32>,
      %shift_right_logical3A = arith.shrui %get3A_41, %broadcast_in_dim3A_17 : vector<16xi32>
      %and3A = arith.andi %shift_right_logical3A, %broadcast_in_dim3A_19 : vector<16xi32>
      %add3A_42 = arith.addi %and3A, %mul3A_13 : vector<16xi32>
      %shift_right_logical3A_43 = arith.shrui %get3A_41, %broadcast_in_dim3A_21 : vector<16xi32>
      %eq3A = arith.cmpi eq, %shift_right_logical3A_43, %get3A_3 : vector<16xi32>
      tpu.vector_store_idx %arg6[%add3A_42], %broadcast_in_dim3A_15 masked %eq3A {add = true} : memref<16384xi32, #tpu.memory_space<vmem>>[vector<16xi32>], vector<16xi32>, vector<16xi1>
      %scan3A_44 = arith.constant 0 : i32
      %scan3A_45 = arith.constant 1 : i32
      %scan3A_46 = arith.addi %scan3A_36, %scan3A_45 : i32
      %mul3A_47 = arith.constant 16 : i32
      %mul3A_48 = arith.muli %scan3A_46, %mul3A_47 : i32
      %get3A_49 = arith.index_cast %mul3A_48 : i32 to index
      %get3A_50 = tpu.vector_load %arg5[%get3A_49] {strides = array<i32>} : memref<65536xi32, #tpu.memory_space<vmem>>, vector<16xi32>,
      %shift_right_logical3A_51 = arith.shrui %get3A_50, %broadcast_in_dim3A_17 : vector<16xi32>
      %and3A_52 = arith.andi %shift_right_logical3A_51, %broadcast_in_dim3A_19 : vector<16xi32>
      %add3A_53 = arith.addi %and3A_52, %mul3A_13 : vector<16xi32>
      %shift_right_logical3A_54 = arith.shrui %get3A_50, %broadcast_in_dim3A_21 : vector<16xi32>
      %eq3A_55 = arith.cmpi eq, %shift_right_logical3A_54, %get3A_3 : vector<16xi32>
      tpu.vector_store_idx %arg6[%add3A_53], %broadcast_in_dim3A_15 masked %eq3A_55 {add = true} : memref<16384xi32, #tpu.memory_space<vmem>>[vector<16xi32>], vector<16xi32>, vector<16xi1>
      %scan3A_56 = arith.constant 0 : i32
      %scan3A_57 = arith.constant 2 : i32
      %scan3A_58 = arith.addi %scan3A_36, %scan3A_57 : i32
      %mul3A_59 = arith.constant 16 : i32
      %mul3A_60 = arith.muli %scan3A_58, %mul3A_59 : i32
      %get3A_61 = arith.index_cast %mul3A_60 : i32 to index
      %get3A_62 = tpu.vector_load %arg5[%get3A_61] {strides = array<i32>} : memref<65536xi32, #tpu.memory_space<vmem>>, vector<16xi32>,
      %shift_right_logical3A_63 = arith.shrui %get3A_62, %broadcast_in_dim3A_17 : vector<16xi32>
      %and3A_64 = arith.andi %shift_right_logical3A_63, %broadcast_in_dim3A_19 : vector<16xi32>
      %add3A_65 = arith.addi %and3A_64, %mul3A_13 : vector<16xi32>
      %shift_right_logical3A_66 = arith.shrui %get3A_62, %broadcast_in_dim3A_21 : vector<16xi32>
      %eq3A_67 = arith.cmpi eq, %shift_right_logical3A_66, %get3A_3 : vector<16xi32>
      tpu.vector_store_idx %arg6[%add3A_65], %broadcast_in_dim3A_15 masked %eq3A_67 {add = true} : memref<16384xi32, #tpu.memory_space<vmem>>[vector<16xi32>], vector<16xi32>, vector<16xi1>
      %scan3A_68 = arith.constant 0 : i32
      %scan3A_69 = arith.constant 3 : i32
      %scan3A_70 = arith.addi %scan3A_36, %scan3A_69 : i32
      %mul3A_71 = arith.constant 16 : i32
      %mul3A_72 = arith.muli %scan3A_70, %mul3A_71 : i32
      %get3A_73 = arith.index_cast %mul3A_72 : i32 to index
      %get3A_74 = tpu.vector_load %arg5[%get3A_73] {strides = array<i32>} : memref<65536xi32, #tpu.memory_space<vmem>>, vector<16xi32>,
      %shift_right_logical3A_75 = arith.shrui %get3A_74, %broadcast_in_dim3A_17 : vector<16xi32>
      %and3A_76 = arith.andi %shift_right_logical3A_75, %broadcast_in_dim3A_19 : vector<16xi32>
      %add3A_77 = arith.addi %and3A_76, %mul3A_13 : vector<16xi32>
      %shift_right_logical3A_78 = arith.shrui %get3A_74, %broadcast_in_dim3A_21 : vector<16xi32>
      %eq3A_79 = arith.cmpi eq, %shift_right_logical3A_78, %get3A_3 : vector<16xi32>
      tpu.vector_store_idx %arg6[%add3A_77], %broadcast_in_dim3A_15 masked %eq3A_79 {add = true} : memref<16384xi32, #tpu.memory_space<vmem>>[vector<16xi32>], vector<16xi32>, vector<16xi1>
      %scan3A_80 = arith.constant 0 : i32
      %scan3A_81 = arith.constant 4 : i32
      %scan3A_82 = arith.addi %scan3A_36, %scan3A_81 : i32
      %mul3A_83 = arith.constant 16 : i32
      %mul3A_84 = arith.muli %scan3A_82, %mul3A_83 : i32
      %get3A_85 = arith.index_cast %mul3A_84 : i32 to index
      %get3A_86 = tpu.vector_load %arg5[%get3A_85] {strides = array<i32>} : memref<65536xi32, #tpu.memory_space<vmem>>, vector<16xi32>,
      %shift_right_logical3A_87 = arith.shrui %get3A_86, %broadcast_in_dim3A_17 : vector<16xi32>
      %and3A_88 = arith.andi %shift_right_logical3A_87, %broadcast_in_dim3A_19 : vector<16xi32>
      %add3A_89 = arith.addi %and3A_88, %mul3A_13 : vector<16xi32>
      %shift_right_logical3A_90 = arith.shrui %get3A_86, %broadcast_in_dim3A_21 : vector<16xi32>
      %eq3A_91 = arith.cmpi eq, %shift_right_logical3A_90, %get3A_3 : vector<16xi32>
      tpu.vector_store_idx %arg6[%add3A_89], %broadcast_in_dim3A_15 masked %eq3A_91 {add = true} : memref<16384xi32, #tpu.memory_space<vmem>>[vector<16xi32>], vector<16xi32>, vector<16xi1>
      %scan3A_92 = arith.constant 0 : i32
      %scan3A_93 = arith.constant 5 : i32
      %scan3A_94 = arith.addi %scan3A_36, %scan3A_93 : i32
      %mul3A_95 = arith.constant 16 : i32
      %mul3A_96 = arith.muli %scan3A_94, %mul3A_95 : i32
      %get3A_97 = arith.index_cast %mul3A_96 : i32 to index
      %get3A_98 = tpu.vector_load %arg5[%get3A_97] {strides = array<i32>} : memref<65536xi32, #tpu.memory_space<vmem>>, vector<16xi32>,
      %shift_right_logical3A_99 = arith.shrui %get3A_98, %broadcast_in_dim3A_17 : vector<16xi32>
      %and3A_100 = arith.andi %shift_right_logical3A_99, %broadcast_in_dim3A_19 : vector<16xi32>
      %add3A_101 = arith.addi %and3A_100, %mul3A_13 : vector<16xi32>
      %shift_right_logical3A_102 = arith.shrui %get3A_98, %broadcast_in_dim3A_21 : vector<16xi32>
      %eq3A_103 = arith.cmpi eq, %shift_right_logical3A_102, %get3A_3 : vector<16xi32>
      tpu.vector_store_idx %arg6[%add3A_101], %broadcast_in_dim3A_15 masked %eq3A_103 {add = true} : memref<16384xi32, #tpu.memory_space<vmem>>[vector<16xi32>], vector<16xi32>, vector<16xi1>
      %scan3A_104 = arith.constant 0 : i32
      %scan3A_105 = arith.constant 6 : i32
      %scan3A_106 = arith.addi %scan3A_36, %scan3A_105 : i32
      %mul3A_107 = arith.constant 16 : i32
      %mul3A_108 = arith.muli %scan3A_106, %mul3A_107 : i32
      %get3A_109 = arith.index_cast %mul3A_108 : i32 to index
      %get3A_110 = tpu.vector_load %arg5[%get3A_109] {strides = array<i32>} : memref<65536xi32, #tpu.memory_space<vmem>>, vector<16xi32>,
      %shift_right_logical3A_111 = arith.shrui %get3A_110, %broadcast_in_dim3A_17 : vector<16xi32>
      %and3A_112 = arith.andi %shift_right_logical3A_111, %broadcast_in_dim3A_19 : vector<16xi32>
      %add3A_113 = arith.addi %and3A_112, %mul3A_13 : vector<16xi32>
      %shift_right_logical3A_114 = arith.shrui %get3A_110, %broadcast_in_dim3A_21 : vector<16xi32>
      %eq3A_115 = arith.cmpi eq, %shift_right_logical3A_114, %get3A_3 : vector<16xi32>
      tpu.vector_store_idx %arg6[%add3A_113], %broadcast_in_dim3A_15 masked %eq3A_115 {add = true} : memref<16384xi32, #tpu.memory_space<vmem>>[vector<16xi32>], vector<16xi32>, vector<16xi1>
      %scan3A_116 = arith.constant 0 : i32
      %scan3A_117 = arith.constant 7 : i32
      %scan3A_118 = arith.addi %scan3A_36, %scan3A_117 : i32
      %mul3A_119 = arith.constant 16 : i32
      %mul3A_120 = arith.muli %scan3A_118, %mul3A_119 : i32
      %get3A_121 = arith.index_cast %mul3A_120 : i32 to index
      %get3A_122 = tpu.vector_load %arg5[%get3A_121] {strides = array<i32>} : memref<65536xi32, #tpu.memory_space<vmem>>, vector<16xi32>,
      %shift_right_logical3A_123 = arith.shrui %get3A_122, %broadcast_in_dim3A_17 : vector<16xi32>
      %and3A_124 = arith.andi %shift_right_logical3A_123, %broadcast_in_dim3A_19 : vector<16xi32>
      %add3A_125 = arith.addi %and3A_124, %mul3A_13 : vector<16xi32>
      %shift_right_logical3A_126 = arith.shrui %get3A_122, %broadcast_in_dim3A_21 : vector<16xi32>
      %eq3A_127 = arith.cmpi eq, %shift_right_logical3A_126, %get3A_3 : vector<16xi32>
      tpu.vector_store_idx %arg6[%add3A_125], %broadcast_in_dim3A_15 masked %eq3A_127 {add = true} : memref<16384xi32, #tpu.memory_space<vmem>>[vector<16xi32>], vector<16xi32>, vector<16xi1>
      %scan3A_128 = arith.constant 0 : i32
      scf.yield %scan3A_128 : i32
    }
    %scan3A_28 = arith.constant 4096 : i32
    %scan3A_29 = arith.constant 0 : i32
    %scan3A_30 = arith.constant 0 : i32
    %scan3A_31 = arith.constant 64 : i32
    %scan3A_32 = arith.addi %scan3A_30, %scan3A_31 : i32
    %scan3A_33 = arith.constant 4 : i32
    %scan3A_34 = scf.for %scan3A_36 = %scan3A_30 to %scan3A_32 step %scan3A_33 iter_args(%scan3A_37 = %scan3A_29) -> (i32)  : i32 {
      %mul3A_38 = arith.constant 16 : i32
      %mul3A_39 = arith.muli %scan3A_36, %mul3A_38 : i32
      %get3A_40 = arith.index_cast %mul3A_39 : i32 to index
      %get3A_41 = tpu.vector_load %arg6[%get3A_40] {strides = array<i32>} : memref<16384xi32, #tpu.memory_space<vmem>>, vector<16xi32>,
      %mul3A_42 = arith.constant 16 : i32
      %mul3A_43 = arith.muli %scan3A_36, %mul3A_42 : i32
      %add3A_44 = arith.constant 1024 : i32
      %add3A_45 = arith.addi %add3A_44, %mul3A_43 : i32
      %get3A_46 = arith.index_cast %add3A_45 : i32 to index
      %get3A_47 = tpu.vector_load %arg6[%get3A_46] {strides = array<i32>} : memref<16384xi32, #tpu.memory_space<vmem>>, vector<16xi32>,
      %add3A_48 = arith.addi %get3A_41, %get3A_47 : vector<16xi32>
      %mul3A_49 = arith.constant 16 : i32
      %mul3A_50 = arith.muli %scan3A_36, %mul3A_49 : i32
      %add3A_51 = arith.constant 2048 : i32
      %add3A_52 = arith.addi %add3A_51, %mul3A_50 : i32
      %get3A_53 = arith.index_cast %add3A_52 : i32 to index
      %get3A_54 = tpu.vector_load %arg6[%get3A_53] {strides = array<i32>} : memref<16384xi32, #tpu.memory_space<vmem>>, vector<16xi32>,
      %add3A_55 = arith.addi %add3A_48, %get3A_54 : vector<16xi32>
      %mul3A_56 = arith.constant 16 : i32
      %mul3A_57 = arith.muli %scan3A_36, %mul3A_56 : i32
      %add3A_58 = arith.constant 3072 : i32
      %add3A_59 = arith.addi %add3A_58, %mul3A_57 : i32
      %get3A_60 = arith.index_cast %add3A_59 : i32 to index
      %get3A_61 = tpu.vector_load %arg6[%get3A_60] {strides = array<i32>} : memref<16384xi32, #tpu.memory_space<vmem>>, vector<16xi32>,
      %add3A_62 = arith.addi %add3A_55, %get3A_61 : vector<16xi32>
      %mul3A_63 = arith.constant 16 : i32
      %mul3A_64 = arith.muli %scan3A_36, %mul3A_63 : i32
      %add3A_65 = arith.constant 4096 : i32
      %add3A_66 = arith.addi %add3A_65, %mul3A_64 : i32
      %get3A_67 = arith.index_cast %add3A_66 : i32 to index
      %get3A_68 = tpu.vector_load %arg6[%get3A_67] {strides = array<i32>} : memref<16384xi32, #tpu.memory_space<vmem>>, vector<16xi32>,
      %add3A_69 = arith.addi %add3A_62, %get3A_68 : vector<16xi32>
      %mul3A_70 = arith.constant 16 : i32
      %mul3A_71 = arith.muli %scan3A_36, %mul3A_70 : i32
      %add3A_72 = arith.constant 5120 : i32
      %add3A_73 = arith.addi %add3A_72, %mul3A_71 : i32
      %get3A_74 = arith.index_cast %add3A_73 : i32 to index
      %get3A_75 = tpu.vector_load %arg6[%get3A_74] {strides = array<i32>} : memref<16384xi32, #tpu.memory_space<vmem>>, vector<16xi32>,
      %add3A_76 = arith.addi %add3A_69, %get3A_75 : vector<16xi32>
      %mul3A_77 = arith.constant 16 : i32
      %mul3A_78 = arith.muli %scan3A_36, %mul3A_77 : i32
      %add3A_79 = arith.constant 6144 : i32
      %add3A_80 = arith.addi %add3A_79, %mul3A_78 : i32
      %get3A_81 = arith.index_cast %add3A_80 : i32 to index
      %get3A_82 = tpu.vector_load %arg6[%get3A_81] {strides = array<i32>} : memref<16384xi32, #tpu.memory_space<vmem>>, vector<16xi32>,
      %add3A_83 = arith.addi %add3A_76, %get3A_82 : vector<16xi32>
      %mul3A_84 = arith.constant 16 : i32
      %mul3A_85 = arith.muli %scan3A_36, %mul3A_84 : i32
      %add3A_86 = arith.constant 7168 : i32
      %add3A_87 = arith.addi %add3A_86, %mul3A_85 : i32
      %get3A_88 = arith.index_cast %add3A_87 : i32 to index
      %get3A_89 = tpu.vector_load %arg6[%get3A_88] {strides = array<i32>} : memref<16384xi32, #tpu.memory_space<vmem>>, vector<16xi32>,
      %add3A_90 = arith.addi %add3A_83, %get3A_89 : vector<16xi32>
      %mul3A_91 = arith.constant 16 : i32
      %mul3A_92 = arith.muli %scan3A_36, %mul3A_91 : i32
      %add3A_93 = arith.constant 8192 : i32
      %add3A_94 = arith.addi %add3A_93, %mul3A_92 : i32
      %get3A_95 = arith.index_cast %add3A_94 : i32 to index
      %get3A_96 = tpu.vector_load %arg6[%get3A_95] {strides = array<i32>} : memref<16384xi32, #tpu.memory_space<vmem>>, vector<16xi32>,
      %add3A_97 = arith.addi %add3A_90, %get3A_96 : vector<16xi32>
      %mul3A_98 = arith.constant 16 : i32
      %mul3A_99 = arith.muli %scan3A_36, %mul3A_98 : i32
      %add3A_100 = arith.constant 9216 : i32
      %add3A_101 = arith.addi %add3A_100, %mul3A_99 : i32
      %get3A_102 = arith.index_cast %add3A_101 : i32 to index
      %get3A_103 = tpu.vector_load %arg6[%get3A_102] {strides = array<i32>} : memref<16384xi32, #tpu.memory_space<vmem>>, vector<16xi32>,
      %add3A_104 = arith.addi %add3A_97, %get3A_103 : vector<16xi32>
      %mul3A_105 = arith.constant 16 : i32
      %mul3A_106 = arith.muli %scan3A_36, %mul3A_105 : i32
      %add3A_107 = arith.constant 10240 : i32
      %add3A_108 = arith.addi %add3A_107, %mul3A_106 : i32
      %get3A_109 = arith.index_cast %add3A_108 : i32 to index
      %get3A_110 = tpu.vector_load %arg6[%get3A_109] {strides = array<i32>} : memref<16384xi32, #tpu.memory_space<vmem>>, vector<16xi32>,
      %add3A_111 = arith.addi %add3A_104, %get3A_110 : vector<16xi32>
      %mul3A_112 = arith.constant 16 : i32
      %mul3A_113 = arith.muli %scan3A_36, %mul3A_112 : i32
      %add3A_114 = arith.constant 11264 : i32
      %add3A_115 = arith.addi %add3A_114, %mul3A_113 : i32
      %get3A_116 = arith.index_cast %add3A_115 : i32 to index
      %get3A_117 = tpu.vector_load %arg6[%get3A_116] {strides = array<i32>} : memref<16384xi32, #tpu.memory_space<vmem>>, vector<16xi32>,
      %add3A_118 = arith.addi %add3A_111, %get3A_117 : vector<16xi32>
      %mul3A_119 = arith.constant 16 : i32
      %mul3A_120 = arith.muli %scan3A_36, %mul3A_119 : i32
      %add3A_121 = arith.constant 12288 : i32
      %add3A_122 = arith.addi %add3A_121, %mul3A_120 : i32
      %get3A_123 = arith.index_cast %add3A_122 : i32 to index
      %get3A_124 = tpu.vector_load %arg6[%get3A_123] {strides = array<i32>} : memref<16384xi32, #tpu.memory_space<vmem>>, vector<16xi32>,
      %add3A_125 = arith.addi %add3A_118, %get3A_124 : vector<16xi32>
      %mul3A_126 = arith.constant 16 : i32
      %mul3A_127 = arith.muli %scan3A_36, %mul3A_126 : i32
      %add3A_128 = arith.constant 13312 : i32
      %add3A_129 = arith.addi %add3A_128, %mul3A_127 : i32
      %get3A_130 = arith.index_cast %add3A_129 : i32 to index
      %get3A_131 = tpu.vector_load %arg6[%get3A_130] {strides = array<i32>} : memref<16384xi32, #tpu.memory_space<vmem>>, vector<16xi32>,
      %add3A_132 = arith.addi %add3A_125, %get3A_131 : vector<16xi32>
      %mul3A_133 = arith.constant 16 : i32
      %mul3A_134 = arith.muli %scan3A_36, %mul3A_133 : i32
      %add3A_135 = arith.constant 14336 : i32
      %add3A_136 = arith.addi %add3A_135, %mul3A_134 : i32
      %get3A_137 = arith.index_cast %add3A_136 : i32 to index
      %get3A_138 = tpu.vector_load %arg6[%get3A_137] {strides = array<i32>} : memref<16384xi32, #tpu.memory_space<vmem>>, vector<16xi32>,
      %add3A_139 = arith.addi %add3A_132, %get3A_138 : vector<16xi32>
      %mul3A_140 = arith.constant 16 : i32
      %mul3A_141 = arith.muli %scan3A_36, %mul3A_140 : i32
      %add3A_142 = arith.constant 15360 : i32
      %add3A_143 = arith.addi %add3A_142, %mul3A_141 : i32
      %get3A_144 = arith.index_cast %add3A_143 : i32 to index
      %get3A_145 = tpu.vector_load %arg6[%get3A_144] {strides = array<i32>} : memref<16384xi32, #tpu.memory_space<vmem>>, vector<16xi32>,
      %add3A_146 = arith.addi %add3A_139, %get3A_145 : vector<16xi32>
      %mul3A_147 = arith.constant 16 : i32
      %mul3A_148 = arith.muli %scan3A_36, %mul3A_147 : i32
      %swap3A = arith.index_cast %mul3A_148 : i32 to index
      %swap3A_149 = tpu.vector_load %arg7[%swap3A] {strides = array<i32>} : memref<1024xi32, #tpu.memory_space<vmem>>, vector<16xi32>,
      tpu.vector_store %arg7[%swap3A], %add3A_146 {strides = array<i32>} : memref<1024xi32, #tpu.memory_space<vmem>>, vector<16xi32>,
      %scan3A_150 = arith.constant 0 : i32
      %scan3A_151 = arith.constant 1 : i32
      %scan3A_152 = arith.addi %scan3A_36, %scan3A_151 : i32
      %mul3A_153 = arith.constant 16 : i32
      %mul3A_154 = arith.muli %scan3A_152, %mul3A_153 : i32
      %get3A_155 = arith.index_cast %mul3A_154 : i32 to index
      %get3A_156 = tpu.vector_load %arg6[%get3A_155] {strides = array<i32>} : memref<16384xi32, #tpu.memory_space<vmem>>, vector<16xi32>,
      %mul3A_157 = arith.constant 16 : i32
      %mul3A_158 = arith.muli %scan3A_152, %mul3A_157 : i32
      %add3A_159 = arith.constant 1024 : i32
      %add3A_160 = arith.addi %add3A_159, %mul3A_158 : i32
      %get3A_161 = arith.index_cast %add3A_160 : i32 to index
      %get3A_162 = tpu.vector_load %arg6[%get3A_161] {strides = array<i32>} : memref<16384xi32, #tpu.memory_space<vmem>>, vector<16xi32>,
      %add3A_163 = arith.addi %get3A_156, %get3A_162 : vector<16xi32>
      %mul3A_164 = arith.constant 16 : i32
      %mul3A_165 = arith.muli %scan3A_152, %mul3A_164 : i32
      %add3A_166 = arith.constant 2048 : i32
      %add3A_167 = arith.addi %add3A_166, %mul3A_165 : i32
      %get3A_168 = arith.index_cast %add3A_167 : i32 to index
      %get3A_169 = tpu.vector_load %arg6[%get3A_168] {strides = array<i32>} : memref<16384xi32, #tpu.memory_space<vmem>>, vector<16xi32>,
      %add3A_170 = arith.addi %add3A_163, %get3A_169 : vector<16xi32>
      %mul3A_171 = arith.constant 16 : i32
      %mul3A_172 = arith.muli %scan3A_152, %mul3A_171 : i32
      %add3A_173 = arith.constant 3072 : i32
      %add3A_174 = arith.addi %add3A_173, %mul3A_172 : i32
      %get3A_175 = arith.index_cast %add3A_174 : i32 to index
      %get3A_176 = tpu.vector_load %arg6[%get3A_175] {strides = array<i32>} : memref<16384xi32, #tpu.memory_space<vmem>>, vector<16xi32>,
      %add3A_177 = arith.addi %add3A_170, %get3A_176 : vector<16xi32>
      %mul3A_178 = arith.constant 16 : i32
      %mul3A_179 = arith.muli %scan3A_152, %mul3A_178 : i32
      %add3A_180 = arith.constant 4096 : i32
      %add3A_181 = arith.addi %add3A_180, %mul3A_179 : i32
      %get3A_182 = arith.index_cast %add3A_181 : i32 to index
      %get3A_183 = tpu.vector_load %arg6[%get3A_182] {strides = array<i32>} : memref<16384xi32, #tpu.memory_space<vmem>>, vector<16xi32>,
      %add3A_184 = arith.addi %add3A_177, %get3A_183 : vector<16xi32>
      %mul3A_185 = arith.constant 16 : i32
      %mul3A_186 = arith.muli %scan3A_152, %mul3A_185 : i32
      %add3A_187 = arith.constant 5120 : i32
      %add3A_188 = arith.addi %add3A_187, %mul3A_186 : i32
      %get3A_189 = arith.index_cast %add3A_188 : i32 to index
      %get3A_190 = tpu.vector_load %arg6[%get3A_189] {strides = array<i32>} : memref<16384xi32, #tpu.memory_space<vmem>>, vector<16xi32>,
      %add3A_191 = arith.addi %add3A_184, %get3A_190 : vector<16xi32>
      %mul3A_192 = arith.constant 16 : i32
      %mul3A_193 = arith.muli %scan3A_152, %mul3A_192 : i32
      %add3A_194 = arith.constant 6144 : i32
      %add3A_195 = arith.addi %add3A_194, %mul3A_193 : i32
      %get3A_196 = arith.index_cast %add3A_195 : i32 to index
      %get3A_197 = tpu.vector_load %arg6[%get3A_196] {strides = array<i32>} : memref<16384xi32, #tpu.memory_space<vmem>>, vector<16xi32>,
      %add3A_198 = arith.addi %add3A_191, %get3A_197 : vector<16xi32>
      %mul3A_199 = arith.constant 16 : i32
      %mul3A_200 = arith.muli %scan3A_152, %mul3A_199 : i32
      %add3A_201 = arith.constant 7168 : i32
      %add3A_202 = arith.addi %add3A_201, %mul3A_200 : i32
      %get3A_203 = arith.index_cast %add3A_202 : i32 to index
      %get3A_204 = tpu.vector_load %arg6[%get3A_203] {strides = array<i32>} : memref<16384xi32, #tpu.memory_space<vmem>>, vector<16xi32>,
      %add3A_205 = arith.addi %add3A_198, %get3A_204 : vector<16xi32>
      %mul3A_206 = arith.constant 16 : i32
      %mul3A_207 = arith.muli %scan3A_152, %mul3A_206 : i32
      %add3A_208 = arith.constant 8192 : i32
      %add3A_209 = arith.addi %add3A_208, %mul3A_207 : i32
      %get3A_210 = arith.index_cast %add3A_209 : i32 to index
      %get3A_211 = tpu.vector_load %arg6[%get3A_210] {strides = array<i32>} : memref<16384xi32, #tpu.memory_space<vmem>>, vector<16xi32>,
      %add3A_212 = arith.addi %add3A_205, %get3A_211 : vector<16xi32>
      %mul3A_213 = arith.constant 16 : i32
      %mul3A_214 = arith.muli %scan3A_152, %mul3A_213 : i32
      %add3A_215 = arith.constant 9216 : i32
      %add3A_216 = arith.addi %add3A_215, %mul3A_214 : i32
      %get3A_217 = arith.index_cast %add3A_216 : i32 to index
      %get3A_218 = tpu.vector_load %arg6[%get3A_217] {strides = array<i32>} : memref<16384xi32, #tpu.memory_space<vmem>>, vector<16xi32>,
      %add3A_219 = arith.addi %add3A_212, %get3A_218 : vector<16xi32>
      %mul3A_220 = arith.constant 16 : i32
      %mul3A_221 = arith.muli %scan3A_152, %mul3A_220 : i32
      %add3A_222 = arith.constant 10240 : i32
      %add3A_223 = arith.addi %add3A_222, %mul3A_221 : i32
      %get3A_224 = arith.index_cast %add3A_223 : i32 to index
      %get3A_225 = tpu.vector_load %arg6[%get3A_224] {strides = array<i32>} : memref<16384xi32, #tpu.memory_space<vmem>>, vector<16xi32>,
      %add3A_226 = arith.addi %add3A_219, %get3A_225 : vector<16xi32>
      %mul3A_227 = arith.constant 16 : i32
      %mul3A_228 = arith.muli %scan3A_152, %mul3A_227 : i32
      %add3A_229 = arith.constant 11264 : i32
      %add3A_230 = arith.addi %add3A_229, %mul3A_228 : i32
      %get3A_231 = arith.index_cast %add3A_230 : i32 to index
      %get3A_232 = tpu.vector_load %arg6[%get3A_231] {strides = array<i32>} : memref<16384xi32, #tpu.memory_space<vmem>>, vector<16xi32>,
      %add3A_233 = arith.addi %add3A_226, %get3A_232 : vector<16xi32>
      %mul3A_234 = arith.constant 16 : i32
      %mul3A_235 = arith.muli %scan3A_152, %mul3A_234 : i32
      %add3A_236 = arith.constant 12288 : i32
      %add3A_237 = arith.addi %add3A_236, %mul3A_235 : i32
      %get3A_238 = arith.index_cast %add3A_237 : i32 to index
      %get3A_239 = tpu.vector_load %arg6[%get3A_238] {strides = array<i32>} : memref<16384xi32, #tpu.memory_space<vmem>>, vector<16xi32>,
      %add3A_240 = arith.addi %add3A_233, %get3A_239 : vector<16xi32>
      %mul3A_241 = arith.constant 16 : i32
      %mul3A_242 = arith.muli %scan3A_152, %mul3A_241 : i32
      %add3A_243 = arith.constant 13312 : i32
      %add3A_244 = arith.addi %add3A_243, %mul3A_242 : i32
      %get3A_245 = arith.index_cast %add3A_244 : i32 to index
      %get3A_246 = tpu.vector_load %arg6[%get3A_245] {strides = array<i32>} : memref<16384xi32, #tpu.memory_space<vmem>>, vector<16xi32>,
      %add3A_247 = arith.addi %add3A_240, %get3A_246 : vector<16xi32>
      %mul3A_248 = arith.constant 16 : i32
      %mul3A_249 = arith.muli %scan3A_152, %mul3A_248 : i32
      %add3A_250 = arith.constant 14336 : i32
      %add3A_251 = arith.addi %add3A_250, %mul3A_249 : i32
      %get3A_252 = arith.index_cast %add3A_251 : i32 to index
      %get3A_253 = tpu.vector_load %arg6[%get3A_252] {strides = array<i32>} : memref<16384xi32, #tpu.memory_space<vmem>>, vector<16xi32>,
      %add3A_254 = arith.addi %add3A_247, %get3A_253 : vector<16xi32>
      %mul3A_255 = arith.constant 16 : i32
      %mul3A_256 = arith.muli %scan3A_152, %mul3A_255 : i32
      %add3A_257 = arith.constant 15360 : i32
      %add3A_258 = arith.addi %add3A_257, %mul3A_256 : i32
      %get3A_259 = arith.index_cast %add3A_258 : i32 to index
      %get3A_260 = tpu.vector_load %arg6[%get3A_259] {strides = array<i32>} : memref<16384xi32, #tpu.memory_space<vmem>>, vector<16xi32>,
      %add3A_261 = arith.addi %add3A_254, %get3A_260 : vector<16xi32>
      %mul3A_262 = arith.constant 16 : i32
      %mul3A_263 = arith.muli %scan3A_152, %mul3A_262 : i32
      %swap3A_264 = arith.index_cast %mul3A_263 : i32 to index
      %swap3A_265 = tpu.vector_load %arg7[%swap3A_264] {strides = array<i32>} : memref<1024xi32, #tpu.memory_space<vmem>>, vector<16xi32>,
      tpu.vector_store %arg7[%swap3A_264], %add3A_261 {strides = array<i32>} : memref<1024xi32, #tpu.memory_space<vmem>>, vector<16xi32>,
      %scan3A_266 = arith.constant 0 : i32
      %scan3A_267 = arith.constant 2 : i32
      %scan3A_268 = arith.addi %scan3A_36, %scan3A_267 : i32
      %mul3A_269 = arith.constant 16 : i32
      %mul3A_270 = arith.muli %scan3A_268, %mul3A_269 : i32
      %get3A_271 = arith.index_cast %mul3A_270 : i32 to index
      %get3A_272 = tpu.vector_load %arg6[%get3A_271] {strides = array<i32>} : memref<16384xi32, #tpu.memory_space<vmem>>, vector<16xi32>,
      %mul3A_273 = arith.constant 16 : i32
      %mul3A_274 = arith.muli %scan3A_268, %mul3A_273 : i32
      %add3A_275 = arith.constant 1024 : i32
      %add3A_276 = arith.addi %add3A_275, %mul3A_274 : i32
      %get3A_277 = arith.index_cast %add3A_276 : i32 to index
      %get3A_278 = tpu.vector_load %arg6[%get3A_277] {strides = array<i32>} : memref<16384xi32, #tpu.memory_space<vmem>>, vector<16xi32>,
      %add3A_279 = arith.addi %get3A_272, %get3A_278 : vector<16xi32>
      %mul3A_280 = arith.constant 16 : i32
      %mul3A_281 = arith.muli %scan3A_268, %mul3A_280 : i32
      %add3A_282 = arith.constant 2048 : i32
      %add3A_283 = arith.addi %add3A_282, %mul3A_281 : i32
      %get3A_284 = arith.index_cast %add3A_283 : i32 to index
      %get3A_285 = tpu.vector_load %arg6[%get3A_284] {strides = array<i32>} : memref<16384xi32, #tpu.memory_space<vmem>>, vector<16xi32>,
      %add3A_286 = arith.addi %add3A_279, %get3A_285 : vector<16xi32>
      %mul3A_287 = arith.constant 16 : i32
      %mul3A_288 = arith.muli %scan3A_268, %mul3A_287 : i32
      %add3A_289 = arith.constant 3072 : i32
      %add3A_290 = arith.addi %add3A_289, %mul3A_288 : i32
      %get3A_291 = arith.index_cast %add3A_290 : i32 to index
      %get3A_292 = tpu.vector_load %arg6[%get3A_291] {strides = array<i32>} : memref<16384xi32, #tpu.memory_space<vmem>>, vector<16xi32>,
      %add3A_293 = arith.addi %add3A_286, %get3A_292 : vector<16xi32>
      %mul3A_294 = arith.constant 16 : i32
      %mul3A_295 = arith.muli %scan3A_268, %mul3A_294 : i32
      %add3A_296 = arith.constant 4096 : i32
      %add3A_297 = arith.addi %add3A_296, %mul3A_295 : i32
      %get3A_298 = arith.index_cast %add3A_297 : i32 to index
      %get3A_299 = tpu.vector_load %arg6[%get3A_298] {strides = array<i32>} : memref<16384xi32, #tpu.memory_space<vmem>>, vector<16xi32>,
      %add3A_300 = arith.addi %add3A_293, %get3A_299 : vector<16xi32>
      %mul3A_301 = arith.constant 16 : i32
      %mul3A_302 = arith.muli %scan3A_268, %mul3A_301 : i32
      %add3A_303 = arith.constant 5120 : i32
      %add3A_304 = arith.addi %add3A_303, %mul3A_302 : i32
      %get3A_305 = arith.index_cast %add3A_304 : i32 to index
      %get3A_306 = tpu.vector_load %arg6[%get3A_305] {strides = array<i32>} : memref<16384xi32, #tpu.memory_space<vmem>>, vector<16xi32>,
      %add3A_307 = arith.addi %add3A_300, %get3A_306 : vector<16xi32>
      %mul3A_308 = arith.constant 16 : i32
      %mul3A_309 = arith.muli %scan3A_268, %mul3A_308 : i32
      %add3A_310 = arith.constant 6144 : i32
      %add3A_311 = arith.addi %add3A_310, %mul3A_309 : i32
      %get3A_312 = arith.index_cast %add3A_311 : i32 to index
      %get3A_313 = tpu.vector_load %arg6[%get3A_312] {strides = array<i32>} : memref<16384xi32, #tpu.memory_space<vmem>>, vector<16xi32>,
      %add3A_314 = arith.addi %add3A_307, %get3A_313 : vector<16xi32>
      %mul3A_315 = arith.constant 16 : i32
      %mul3A_316 = arith.muli %scan3A_268, %mul3A_315 : i32
      %add3A_317 = arith.constant 7168 : i32
      %add3A_318 = arith.addi %add3A_317, %mul3A_316 : i32
      %get3A_319 = arith.index_cast %add3A_318 : i32 to index
      %get3A_320 = tpu.vector_load %arg6[%get3A_319] {strides = array<i32>} : memref<16384xi32, #tpu.memory_space<vmem>>, vector<16xi32>,
      %add3A_321 = arith.addi %add3A_314, %get3A_320 : vector<16xi32>
      %mul3A_322 = arith.constant 16 : i32
      %mul3A_323 = arith.muli %scan3A_268, %mul3A_322 : i32
      %add3A_324 = arith.constant 8192 : i32
      %add3A_325 = arith.addi %add3A_324, %mul3A_323 : i32
      %get3A_326 = arith.index_cast %add3A_325 : i32 to index
      %get3A_327 = tpu.vector_load %arg6[%get3A_326] {strides = array<i32>} : memref<16384xi32, #tpu.memory_space<vmem>>, vector<16xi32>,
      %add3A_328 = arith.addi %add3A_321, %get3A_327 : vector<16xi32>
      %mul3A_329 = arith.constant 16 : i32
      %mul3A_330 = arith.muli %scan3A_268, %mul3A_329 : i32
      %add3A_331 = arith.constant 9216 : i32
      %add3A_332 = arith.addi %add3A_331, %mul3A_330 : i32
      %get3A_333 = arith.index_cast %add3A_332 : i32 to index
      %get3A_334 = tpu.vector_load %arg6[%get3A_333] {strides = array<i32>} : memref<16384xi32, #tpu.memory_space<vmem>>, vector<16xi32>,
      %add3A_335 = arith.addi %add3A_328, %get3A_334 : vector<16xi32>
      %mul3A_336 = arith.constant 16 : i32
      %mul3A_337 = arith.muli %scan3A_268, %mul3A_336 : i32
      %add3A_338 = arith.constant 10240 : i32
      %add3A_339 = arith.addi %add3A_338, %mul3A_337 : i32
      %get3A_340 = arith.index_cast %add3A_339 : i32 to index
      %get3A_341 = tpu.vector_load %arg6[%get3A_340] {strides = array<i32>} : memref<16384xi32, #tpu.memory_space<vmem>>, vector<16xi32>,
      %add3A_342 = arith.addi %add3A_335, %get3A_341 : vector<16xi32>
      %mul3A_343 = arith.constant 16 : i32
      %mul3A_344 = arith.muli %scan3A_268, %mul3A_343 : i32
      %add3A_345 = arith.constant 11264 : i32
      %add3A_346 = arith.addi %add3A_345, %mul3A_344 : i32
      %get3A_347 = arith.index_cast %add3A_346 : i32 to index
      %get3A_348 = tpu.vector_load %arg6[%get3A_347] {strides = array<i32>} : memref<16384xi32, #tpu.memory_space<vmem>>, vector<16xi32>,
      %add3A_349 = arith.addi %add3A_342, %get3A_348 : vector<16xi32>
      %mul3A_350 = arith.constant 16 : i32
      %mul3A_351 = arith.muli %scan3A_268, %mul3A_350 : i32
      %add3A_352 = arith.constant 12288 : i32
      %add3A_353 = arith.addi %add3A_352, %mul3A_351 : i32
      %get3A_354 = arith.index_cast %add3A_353 : i32 to index
      %get3A_355 = tpu.vector_load %arg6[%get3A_354] {strides = array<i32>} : memref<16384xi32, #tpu.memory_space<vmem>>, vector<16xi32>,
      %add3A_356 = arith.addi %add3A_349, %get3A_355 : vector<16xi32>
      %mul3A_357 = arith.constant 16 : i32
      %mul3A_358 = arith.muli %scan3A_268, %mul3A_357 : i32
      %add3A_359 = arith.constant 13312 : i32
      %add3A_360 = arith.addi %add3A_359, %mul3A_358 : i32
      %get3A_361 = arith.index_cast %add3A_360 : i32 to index
      %get3A_362 = tpu.vector_load %arg6[%get3A_361] {strides = array<i32>} : memref<16384xi32, #tpu.memory_space<vmem>>, vector<16xi32>,
      %add3A_363 = arith.addi %add3A_356, %get3A_362 : vector<16xi32>
      %mul3A_364 = arith.constant 16 : i32
      %mul3A_365 = arith.muli %scan3A_268, %mul3A_364 : i32
      %add3A_366 = arith.constant 14336 : i32
      %add3A_367 = arith.addi %add3A_366, %mul3A_365 : i32
      %get3A_368 = arith.index_cast %add3A_367 : i32 to index
      %get3A_369 = tpu.vector_load %arg6[%get3A_368] {strides = array<i32>} : memref<16384xi32, #tpu.memory_space<vmem>>, vector<16xi32>,
      %add3A_370 = arith.addi %add3A_363, %get3A_369 : vector<16xi32>
      %mul3A_371 = arith.constant 16 : i32
      %mul3A_372 = arith.muli %scan3A_268, %mul3A_371 : i32
      %add3A_373 = arith.constant 15360 : i32
      %add3A_374 = arith.addi %add3A_373, %mul3A_372 : i32
      %get3A_375 = arith.index_cast %add3A_374 : i32 to index
      %get3A_376 = tpu.vector_load %arg6[%get3A_375] {strides = array<i32>} : memref<16384xi32, #tpu.memory_space<vmem>>, vector<16xi32>,
      %add3A_377 = arith.addi %add3A_370, %get3A_376 : vector<16xi32>
      %mul3A_378 = arith.constant 16 : i32
      %mul3A_379 = arith.muli %scan3A_268, %mul3A_378 : i32
      %swap3A_380 = arith.index_cast %mul3A_379 : i32 to index
      %swap3A_381 = tpu.vector_load %arg7[%swap3A_380] {strides = array<i32>} : memref<1024xi32, #tpu.memory_space<vmem>>, vector<16xi32>,
      tpu.vector_store %arg7[%swap3A_380], %add3A_377 {strides = array<i32>} : memref<1024xi32, #tpu.memory_space<vmem>>, vector<16xi32>,
      %scan3A_382 = arith.constant 0 : i32
      %scan3A_383 = arith.constant 3 : i32
      %scan3A_384 = arith.addi %scan3A_36, %scan3A_383 : i32
      %mul3A_385 = arith.constant 16 : i32
      %mul3A_386 = arith.muli %scan3A_384, %mul3A_385 : i32
      %get3A_387 = arith.index_cast %mul3A_386 : i32 to index
      %get3A_388 = tpu.vector_load %arg6[%get3A_387] {strides = array<i32>} : memref<16384xi32, #tpu.memory_space<vmem>>, vector<16xi32>,
      %mul3A_389 = arith.constant 16 : i32
      %mul3A_390 = arith.muli %scan3A_384, %mul3A_389 : i32
      %add3A_391 = arith.constant 1024 : i32
      %add3A_392 = arith.addi %add3A_391, %mul3A_390 : i32
      %get3A_393 = arith.index_cast %add3A_392 : i32 to index
      %get3A_394 = tpu.vector_load %arg6[%get3A_393] {strides = array<i32>} : memref<16384xi32, #tpu.memory_space<vmem>>, vector<16xi32>,
      %add3A_395 = arith.addi %get3A_388, %get3A_394 : vector<16xi32>
      %mul3A_396 = arith.constant 16 : i32
      %mul3A_397 = arith.muli %scan3A_384, %mul3A_396 : i32
      %add3A_398 = arith.constant 2048 : i32
      %add3A_399 = arith.addi %add3A_398, %mul3A_397 : i32
      %get3A_400 = arith.index_cast %add3A_399 : i32 to index
      %get3A_401 = tpu.vector_load %arg6[%get3A_400] {strides = array<i32>} : memref<16384xi32, #tpu.memory_space<vmem>>, vector<16xi32>,
      %add3A_402 = arith.addi %add3A_395, %get3A_401 : vector<16xi32>
      %mul3A_403 = arith.constant 16 : i32
      %mul3A_404 = arith.muli %scan3A_384, %mul3A_403 : i32
      %add3A_405 = arith.constant 3072 : i32
      %add3A_406 = arith.addi %add3A_405, %mul3A_404 : i32
      %get3A_407 = arith.index_cast %add3A_406 : i32 to index
      %get3A_408 = tpu.vector_load %arg6[%get3A_407] {strides = array<i32>} : memref<16384xi32, #tpu.memory_space<vmem>>, vector<16xi32>,
      %add3A_409 = arith.addi %add3A_402, %get3A_408 : vector<16xi32>
      %mul3A_410 = arith.constant 16 : i32
      %mul3A_411 = arith.muli %scan3A_384, %mul3A_410 : i32
      %add3A_412 = arith.constant 4096 : i32
      %add3A_413 = arith.addi %add3A_412, %mul3A_411 : i32
      %get3A_414 = arith.index_cast %add3A_413 : i32 to index
      %get3A_415 = tpu.vector_load %arg6[%get3A_414] {strides = array<i32>} : memref<16384xi32, #tpu.memory_space<vmem>>, vector<16xi32>,
      %add3A_416 = arith.addi %add3A_409, %get3A_415 : vector<16xi32>
      %mul3A_417 = arith.constant 16 : i32
      %mul3A_418 = arith.muli %scan3A_384, %mul3A_417 : i32
      %add3A_419 = arith.constant 5120 : i32
      %add3A_420 = arith.addi %add3A_419, %mul3A_418 : i32
      %get3A_421 = arith.index_cast %add3A_420 : i32 to index
      %get3A_422 = tpu.vector_load %arg6[%get3A_421] {strides = array<i32>} : memref<16384xi32, #tpu.memory_space<vmem>>, vector<16xi32>,
      %add3A_423 = arith.addi %add3A_416, %get3A_422 : vector<16xi32>
      %mul3A_424 = arith.constant 16 : i32
      %mul3A_425 = arith.muli %scan3A_384, %mul3A_424 : i32
      %add3A_426 = arith.constant 6144 : i32
      %add3A_427 = arith.addi %add3A_426, %mul3A_425 : i32
      %get3A_428 = arith.index_cast %add3A_427 : i32 to index
      %get3A_429 = tpu.vector_load %arg6[%get3A_428] {strides = array<i32>} : memref<16384xi32, #tpu.memory_space<vmem>>, vector<16xi32>,
      %add3A_430 = arith.addi %add3A_423, %get3A_429 : vector<16xi32>
      %mul3A_431 = arith.constant 16 : i32
      %mul3A_432 = arith.muli %scan3A_384, %mul3A_431 : i32
      %add3A_433 = arith.constant 7168 : i32
      %add3A_434 = arith.addi %add3A_433, %mul3A_432 : i32
      %get3A_435 = arith.index_cast %add3A_434 : i32 to index
      %get3A_436 = tpu.vector_load %arg6[%get3A_435] {strides = array<i32>} : memref<16384xi32, #tpu.memory_space<vmem>>, vector<16xi32>,
      %add3A_437 = arith.addi %add3A_430, %get3A_436 : vector<16xi32>
      %mul3A_438 = arith.constant 16 : i32
      %mul3A_439 = arith.muli %scan3A_384, %mul3A_438 : i32
      %add3A_440 = arith.constant 8192 : i32
      %add3A_441 = arith.addi %add3A_440, %mul3A_439 : i32
      %get3A_442 = arith.index_cast %add3A_441 : i32 to index
      %get3A_443 = tpu.vector_load %arg6[%get3A_442] {strides = array<i32>} : memref<16384xi32, #tpu.memory_space<vmem>>, vector<16xi32>,
      %add3A_444 = arith.addi %add3A_437, %get3A_443 : vector<16xi32>
      %mul3A_445 = arith.constant 16 : i32
      %mul3A_446 = arith.muli %scan3A_384, %mul3A_445 : i32
      %add3A_447 = arith.constant 9216 : i32
      %add3A_448 = arith.addi %add3A_447, %mul3A_446 : i32
      %get3A_449 = arith.index_cast %add3A_448 : i32 to index
      %get3A_450 = tpu.vector_load %arg6[%get3A_449] {strides = array<i32>} : memref<16384xi32, #tpu.memory_space<vmem>>, vector<16xi32>,
      %add3A_451 = arith.addi %add3A_444, %get3A_450 : vector<16xi32>
      %mul3A_452 = arith.constant 16 : i32
      %mul3A_453 = arith.muli %scan3A_384, %mul3A_452 : i32
      %add3A_454 = arith.constant 10240 : i32
      %add3A_455 = arith.addi %add3A_454, %mul3A_453 : i32
      %get3A_456 = arith.index_cast %add3A_455 : i32 to index
      %get3A_457 = tpu.vector_load %arg6[%get3A_456] {strides = array<i32>} : memref<16384xi32, #tpu.memory_space<vmem>>, vector<16xi32>,
      %add3A_458 = arith.addi %add3A_451, %get3A_457 : vector<16xi32>
      %mul3A_459 = arith.constant 16 : i32
      %mul3A_460 = arith.muli %scan3A_384, %mul3A_459 : i32
      %add3A_461 = arith.constant 11264 : i32
      %add3A_462 = arith.addi %add3A_461, %mul3A_460 : i32
      %get3A_463 = arith.index_cast %add3A_462 : i32 to index
      %get3A_464 = tpu.vector_load %arg6[%get3A_463] {strides = array<i32>} : memref<16384xi32, #tpu.memory_space<vmem>>, vector<16xi32>,
      %add3A_465 = arith.addi %add3A_458, %get3A_464 : vector<16xi32>
      %mul3A_466 = arith.constant 16 : i32
      %mul3A_467 = arith.muli %scan3A_384, %mul3A_466 : i32
      %add3A_468 = arith.constant 12288 : i32
      %add3A_469 = arith.addi %add3A_468, %mul3A_467 : i32
      %get3A_470 = arith.index_cast %add3A_469 : i32 to index
      %get3A_471 = tpu.vector_load %arg6[%get3A_470] {strides = array<i32>} : memref<16384xi32, #tpu.memory_space<vmem>>, vector<16xi32>,
      %add3A_472 = arith.addi %add3A_465, %get3A_471 : vector<16xi32>
      %mul3A_473 = arith.constant 16 : i32
      %mul3A_474 = arith.muli %scan3A_384, %mul3A_473 : i32
      %add3A_475 = arith.constant 13312 : i32
      %add3A_476 = arith.addi %add3A_475, %mul3A_474 : i32
      %get3A_477 = arith.index_cast %add3A_476 : i32 to index
      %get3A_478 = tpu.vector_load %arg6[%get3A_477] {strides = array<i32>} : memref<16384xi32, #tpu.memory_space<vmem>>, vector<16xi32>,
      %add3A_479 = arith.addi %add3A_472, %get3A_478 : vector<16xi32>
      %mul3A_480 = arith.constant 16 : i32
      %mul3A_481 = arith.muli %scan3A_384, %mul3A_480 : i32
      %add3A_482 = arith.constant 14336 : i32
      %add3A_483 = arith.addi %add3A_482, %mul3A_481 : i32
      %get3A_484 = arith.index_cast %add3A_483 : i32 to index
      %get3A_485 = tpu.vector_load %arg6[%get3A_484] {strides = array<i32>} : memref<16384xi32, #tpu.memory_space<vmem>>, vector<16xi32>,
      %add3A_486 = arith.addi %add3A_479, %get3A_485 : vector<16xi32>
      %mul3A_487 = arith.constant 16 : i32
      %mul3A_488 = arith.muli %scan3A_384, %mul3A_487 : i32
      %add3A_489 = arith.constant 15360 : i32
      %add3A_490 = arith.addi %add3A_489, %mul3A_488 : i32
      %get3A_491 = arith.index_cast %add3A_490 : i32 to index
      %get3A_492 = tpu.vector_load %arg6[%get3A_491] {strides = array<i32>} : memref<16384xi32, #tpu.memory_space<vmem>>, vector<16xi32>,
      %add3A_493 = arith.addi %add3A_486, %get3A_492 : vector<16xi32>
      %mul3A_494 = arith.constant 16 : i32
      %mul3A_495 = arith.muli %scan3A_384, %mul3A_494 : i32
      %swap3A_496 = arith.index_cast %mul3A_495 : i32 to index
      %swap3A_497 = tpu.vector_load %arg7[%swap3A_496] {strides = array<i32>} : memref<1024xi32, #tpu.memory_space<vmem>>, vector<16xi32>,
      tpu.vector_store %arg7[%swap3A_496], %add3A_493 {strides = array<i32>} : memref<1024xi32, #tpu.memory_space<vmem>>, vector<16xi32>,
      %scan3A_498 = arith.constant 0 : i32
      scf.yield %scan3A_498 : i32
    }
    %scan3A_35 = arith.constant 64 : i32
    "tpu.region"() ({
      %run_scoped3A_36 = tpu.sem_alloc : memref<!tpu.dma_semaphore, #tpu.memory_space<semaphore_mem>>
      %dma_start3A = arith.constant 0 : i32
      %dma_start3A_37 = tpu.memref_slice %arg4[%add3A, %dma_start3A] : memref<32x1024xi32, #tpu.memory_space<hbm>> -> memref<1x1024xi32, #tpu.memory_space<hbm>>
      %dma_start3A_38 = tpu.memref_squeeze %dma_start3A_37 : memref<1x1024xi32, #tpu.memory_space<hbm>> -> memref<1024xi32, #tpu.memory_space<hbm>>
      %dma_start3A_39 = arith.constant 0 : i32
      %dma_start3A_40 = tpu.memref_slice %arg4[%add3A, %dma_start3A_39] : memref<32x1024xi32, #tpu.memory_space<hbm>> -> memref<1x1024xi32, #tpu.memory_space<hbm>>
      %dma_start3A_41 = tpu.memref_squeeze %dma_start3A_40 : memref<1x1024xi32, #tpu.memory_space<hbm>> -> memref<1024xi32, #tpu.memory_space<hbm>>
      tpu.enqueue_dma source(%arg7 : memref<1024xi32, #tpu.memory_space<vmem>>) target(%dma_start3A_41 : memref<1024xi32, #tpu.memory_space<hbm>>) target_semaphore(%run_scoped3A_36 : memref<!tpu.dma_semaphore, #tpu.memory_space<semaphore_mem>>)
      %dma_wait3A = arith.constant 0 : i32
      %dma_wait3A_42 = tpu.memref_slice %arg4[%add3A, %dma_wait3A] : memref<32x1024xi32, #tpu.memory_space<hbm>> -> memref<1x1024xi32, #tpu.memory_space<hbm>>
      %dma_wait3A_43 = tpu.memref_squeeze %dma_wait3A_42 : memref<1x1024xi32, #tpu.memory_space<hbm>> -> memref<1024xi32, #tpu.memory_space<hbm>>
      %dma_wait3A_44 = arith.constant 0 : i32
      %dma_wait3A_45 = tpu.memref_slice %arg4[%add3A, %dma_wait3A_44] : memref<32x1024xi32, #tpu.memory_space<hbm>> -> memref<1x1024xi32, #tpu.memory_space<hbm>>
      %dma_wait3A_46 = tpu.memref_squeeze %dma_wait3A_45 : memref<1x1024xi32, #tpu.memory_space<hbm>> -> memref<1024xi32, #tpu.memory_space<hbm>>
      tpu.wait_dma2 semaphore(%run_scoped3A_36 : memref<!tpu.dma_semaphore, #tpu.memory_space<semaphore_mem>>) src(%arg7 : memref<1024xi32, #tpu.memory_space<vmem>>) dst(%dma_wait3A_46 : memref<1024xi32, #tpu.memory_space<hbm>>)
      tpu.yield
    }) : () -> ()
    return
  }
}

#map = affine_map<(d0, d1) -> (0)>
#map1 = affine_map<(d0, d1) -> (0, 0)>
module attributes {stable_mosaic.version = 14 : i64} {
  func.func @body(%arg0: i32, %arg1: i32, %arg2: memref<2097152xi32, #tpu.memory_space<hbm>>, %arg3: memref<8x128xi32, #tpu.memory_space<hbm>>, %arg4: memref<32x2048xi32, #tpu.memory_space<hbm>>, %arg5: memref<65536xi32, #tpu.memory_space<vmem>>, %arg6: memref<32768xi32, #tpu.memory_space<vmem>>, %arg7: memref<2048xi32, #tpu.memory_space<vmem>>, %arg8: memref<128xi32, #tpu.memory_space<vmem>>) attributes {dimension_semantics = [#tpu.dimension_semantics<core_parallel>, #tpu.dimension_semantics<subcore_parallel>], iteration_bounds = array<i64: 2, 16>, scalar_prefetch = 0 : i64, scratch_operands = 4 : i64, tpu.core_type = #tpu.core_type<sc_vector_subcore>, window_params = [{transform_indices = #map}, {transform_indices = #map1}, {transform_indices = #map1}]} {
    %mul3A = arith.constant 2 : i32
    %mul3A_0 = arith.muli %arg1, %mul3A : i32
    %add3A = arith.addi %mul3A_0, %arg0 : i32
    %mul3A_1 = arith.constant 65536 : i32
    %mul3A_2 = arith.muli %add3A, %mul3A_1 : i32
    "tpu.region"() ({
      %run_scoped3A_36 = tpu.sem_alloc : memref<!tpu.dma_semaphore, #tpu.memory_space<semaphore_mem>>
      %dma_start3A = tpu.memref_slice %arg2[%mul3A_2] : memref<2097152xi32, #tpu.memory_space<hbm>> -> memref<65536xi32, #tpu.memory_space<hbm>>
      %dma_start3A_37 = tpu.memref_slice %arg2[%mul3A_2] : memref<2097152xi32, #tpu.memory_space<hbm>> -> memref<65536xi32, #tpu.memory_space<hbm>>
      tpu.enqueue_dma source(%dma_start3A_37 : memref<65536xi32, #tpu.memory_space<hbm>>) target(%arg5 : memref<65536xi32, #tpu.memory_space<vmem>>) target_semaphore(%run_scoped3A_36 : memref<!tpu.dma_semaphore, #tpu.memory_space<semaphore_mem>>)
      %dma_wait3A = tpu.memref_slice %arg2[%mul3A_2] : memref<2097152xi32, #tpu.memory_space<hbm>> -> memref<65536xi32, #tpu.memory_space<hbm>>
      %dma_wait3A_38 = tpu.memref_slice %arg2[%mul3A_2] : memref<2097152xi32, #tpu.memory_space<hbm>> -> memref<65536xi32, #tpu.memory_space<hbm>>
      tpu.wait_dma2 semaphore(%run_scoped3A_36 : memref<!tpu.dma_semaphore, #tpu.memory_space<semaphore_mem>>) src(%dma_wait3A_38 : memref<65536xi32, #tpu.memory_space<hbm>>) dst(%arg5 : memref<65536xi32, #tpu.memory_space<vmem>>)
      tpu.yield
    }) : () -> ()
    %run_scoped3A = arith.constant 0 : i32
    "tpu.region"() ({
      %run_scoped3A_36 = tpu.sem_alloc : memref<!tpu.dma_semaphore, #tpu.memory_space<semaphore_mem>>
      %dma_start3A = arith.constant 0 : i32
      %dma_start3A_37 = tpu.memref_slice %arg3[%run_scoped3A, %dma_start3A] : memref<8x128xi32, #tpu.memory_space<hbm>> -> memref<1x128xi32, #tpu.memory_space<hbm>>
      %dma_start3A_38 = tpu.memref_squeeze %dma_start3A_37 : memref<1x128xi32, #tpu.memory_space<hbm>> -> memref<128xi32, #tpu.memory_space<hbm>>
      %dma_start3A_39 = arith.constant 0 : i32
      %dma_start3A_40 = tpu.memref_slice %arg3[%run_scoped3A, %dma_start3A_39] : memref<8x128xi32, #tpu.memory_space<hbm>> -> memref<1x128xi32, #tpu.memory_space<hbm>>
      %dma_start3A_41 = tpu.memref_squeeze %dma_start3A_40 : memref<1x128xi32, #tpu.memory_space<hbm>> -> memref<128xi32, #tpu.memory_space<hbm>>
      tpu.enqueue_dma source(%dma_start3A_41 : memref<128xi32, #tpu.memory_space<hbm>>) target(%arg8 : memref<128xi32, #tpu.memory_space<vmem>>) target_semaphore(%run_scoped3A_36 : memref<!tpu.dma_semaphore, #tpu.memory_space<semaphore_mem>>)
      %dma_wait3A = arith.constant 0 : i32
      %dma_wait3A_42 = tpu.memref_slice %arg3[%run_scoped3A, %dma_wait3A] : memref<8x128xi32, #tpu.memory_space<hbm>> -> memref<1x128xi32, #tpu.memory_space<hbm>>
      %dma_wait3A_43 = tpu.memref_squeeze %dma_wait3A_42 : memref<1x128xi32, #tpu.memory_space<hbm>> -> memref<128xi32, #tpu.memory_space<hbm>>
      %dma_wait3A_44 = arith.constant 0 : i32
      %dma_wait3A_45 = tpu.memref_slice %arg3[%run_scoped3A, %dma_wait3A_44] : memref<8x128xi32, #tpu.memory_space<hbm>> -> memref<1x128xi32, #tpu.memory_space<hbm>>
      %dma_wait3A_46 = tpu.memref_squeeze %dma_wait3A_45 : memref<1x128xi32, #tpu.memory_space<hbm>> -> memref<128xi32, #tpu.memory_space<hbm>>
      tpu.wait_dma2 semaphore(%run_scoped3A_36 : memref<!tpu.dma_semaphore, #tpu.memory_space<semaphore_mem>>) src(%dma_wait3A_46 : memref<128xi32, #tpu.memory_space<hbm>>) dst(%arg8 : memref<128xi32, #tpu.memory_space<vmem>>)
      tpu.yield
    }) : () -> ()
    %get3A = arith.constant 0 : index
    %get3A_3 = tpu.vector_load %arg8[%get3A] {strides = array<i32>} : memref<128xi32, #tpu.memory_space<vmem>>, vector<16xi32>,
    %broadcast_in_dim3A = arith.constant 0 : i32
    %broadcast_in_dim3A_4 = vector.broadcast %broadcast_in_dim3A : i32 to vector<16xi32>
    %scan3A = arith.constant 0 : i32
    %scan3A_5 = arith.constant 0 : i32
    %scan3A_6 = arith.constant 2048 : i32
    %scan3A_7 = arith.addi %scan3A_5, %scan3A_6 : i32
    %scan3A_8 = arith.constant 8 : i32
    %scan3A_9 = scf.for %scan3A_36 = %scan3A_5 to %scan3A_7 step %scan3A_8 iter_args(%scan3A_37 = %scan3A) -> (i32)  : i32 {
      %mul3A_38 = arith.constant 16 : i32
      %mul3A_39 = arith.muli %scan3A_36, %mul3A_38 : i32
      %swap3A = arith.index_cast %mul3A_39 : i32 to index
      %swap3A_40 = tpu.vector_load %arg6[%swap3A] {strides = array<i32>} : memref<32768xi32, #tpu.memory_space<vmem>>, vector<16xi32>,
      tpu.vector_store %arg6[%swap3A], %broadcast_in_dim3A_4 {strides = array<i32>} : memref<32768xi32, #tpu.memory_space<vmem>>, vector<16xi32>,
      %scan3A_41 = arith.constant 0 : i32
      %scan3A_42 = arith.constant 1 : i32
      %scan3A_43 = arith.addi %scan3A_36, %scan3A_42 : i32
      %mul3A_44 = arith.constant 16 : i32
      %mul3A_45 = arith.muli %scan3A_43, %mul3A_44 : i32
      %swap3A_46 = arith.index_cast %mul3A_45 : i32 to index
      %swap3A_47 = tpu.vector_load %arg6[%swap3A_46] {strides = array<i32>} : memref<32768xi32, #tpu.memory_space<vmem>>, vector<16xi32>,
      tpu.vector_store %arg6[%swap3A_46], %broadcast_in_dim3A_4 {strides = array<i32>} : memref<32768xi32, #tpu.memory_space<vmem>>, vector<16xi32>,
      %scan3A_48 = arith.constant 0 : i32
      %scan3A_49 = arith.constant 2 : i32
      %scan3A_50 = arith.addi %scan3A_36, %scan3A_49 : i32
      %mul3A_51 = arith.constant 16 : i32
      %mul3A_52 = arith.muli %scan3A_50, %mul3A_51 : i32
      %swap3A_53 = arith.index_cast %mul3A_52 : i32 to index
      %swap3A_54 = tpu.vector_load %arg6[%swap3A_53] {strides = array<i32>} : memref<32768xi32, #tpu.memory_space<vmem>>, vector<16xi32>,
      tpu.vector_store %arg6[%swap3A_53], %broadcast_in_dim3A_4 {strides = array<i32>} : memref<32768xi32, #tpu.memory_space<vmem>>, vector<16xi32>,
      %scan3A_55 = arith.constant 0 : i32
      %scan3A_56 = arith.constant 3 : i32
      %scan3A_57 = arith.addi %scan3A_36, %scan3A_56 : i32
      %mul3A_58 = arith.constant 16 : i32
      %mul3A_59 = arith.muli %scan3A_57, %mul3A_58 : i32
      %swap3A_60 = arith.index_cast %mul3A_59 : i32 to index
      %swap3A_61 = tpu.vector_load %arg6[%swap3A_60] {strides = array<i32>} : memref<32768xi32, #tpu.memory_space<vmem>>, vector<16xi32>,
      tpu.vector_store %arg6[%swap3A_60], %broadcast_in_dim3A_4 {strides = array<i32>} : memref<32768xi32, #tpu.memory_space<vmem>>, vector<16xi32>,
      %scan3A_62 = arith.constant 0 : i32
      %scan3A_63 = arith.constant 4 : i32
      %scan3A_64 = arith.addi %scan3A_36, %scan3A_63 : i32
      %mul3A_65 = arith.constant 16 : i32
      %mul3A_66 = arith.muli %scan3A_64, %mul3A_65 : i32
      %swap3A_67 = arith.index_cast %mul3A_66 : i32 to index
      %swap3A_68 = tpu.vector_load %arg6[%swap3A_67] {strides = array<i32>} : memref<32768xi32, #tpu.memory_space<vmem>>, vector<16xi32>,
      tpu.vector_store %arg6[%swap3A_67], %broadcast_in_dim3A_4 {strides = array<i32>} : memref<32768xi32, #tpu.memory_space<vmem>>, vector<16xi32>,
      %scan3A_69 = arith.constant 0 : i32
      %scan3A_70 = arith.constant 5 : i32
      %scan3A_71 = arith.addi %scan3A_36, %scan3A_70 : i32
      %mul3A_72 = arith.constant 16 : i32
      %mul3A_73 = arith.muli %scan3A_71, %mul3A_72 : i32
      %swap3A_74 = arith.index_cast %mul3A_73 : i32 to index
      %swap3A_75 = tpu.vector_load %arg6[%swap3A_74] {strides = array<i32>} : memref<32768xi32, #tpu.memory_space<vmem>>, vector<16xi32>,
      tpu.vector_store %arg6[%swap3A_74], %broadcast_in_dim3A_4 {strides = array<i32>} : memref<32768xi32, #tpu.memory_space<vmem>>, vector<16xi32>,
      %scan3A_76 = arith.constant 0 : i32
      %scan3A_77 = arith.constant 6 : i32
      %scan3A_78 = arith.addi %scan3A_36, %scan3A_77 : i32
      %mul3A_79 = arith.constant 16 : i32
      %mul3A_80 = arith.muli %scan3A_78, %mul3A_79 : i32
      %swap3A_81 = arith.index_cast %mul3A_80 : i32 to index
      %swap3A_82 = tpu.vector_load %arg6[%swap3A_81] {strides = array<i32>} : memref<32768xi32, #tpu.memory_space<vmem>>, vector<16xi32>,
      tpu.vector_store %arg6[%swap3A_81], %broadcast_in_dim3A_4 {strides = array<i32>} : memref<32768xi32, #tpu.memory_space<vmem>>, vector<16xi32>,
      %scan3A_83 = arith.constant 0 : i32
      %scan3A_84 = arith.constant 7 : i32
      %scan3A_85 = arith.addi %scan3A_36, %scan3A_84 : i32
      %mul3A_86 = arith.constant 16 : i32
      %mul3A_87 = arith.muli %scan3A_85, %mul3A_86 : i32
      %swap3A_88 = arith.index_cast %mul3A_87 : i32 to index
      %swap3A_89 = tpu.vector_load %arg6[%swap3A_88] {strides = array<i32>} : memref<32768xi32, #tpu.memory_space<vmem>>, vector<16xi32>,
      tpu.vector_store %arg6[%swap3A_88], %broadcast_in_dim3A_4 {strides = array<i32>} : memref<32768xi32, #tpu.memory_space<vmem>>, vector<16xi32>,
      %scan3A_90 = arith.constant 0 : i32
      scf.yield %scan3A_90 : i32
    }
    %scan3A_10 = arith.constant 2048 : i32
    %iota3A = tpu.iota {dimensions = array<i32: 0>} : vector<16xi32>
    %mul3A_11 = arith.constant 2048 : i32
    %mul3A_12 = vector.broadcast %mul3A_11 : i32 to vector<16xi32>
    %mul3A_13 = arith.muli %iota3A, %mul3A_12 : vector<16xi32>
    %broadcast_in_dim3A_14 = arith.constant 1 : i32
    %broadcast_in_dim3A_15 = vector.broadcast %broadcast_in_dim3A_14 : i32 to vector<16xi32>
    %broadcast_in_dim3A_16 = arith.constant 10 : i32
    %broadcast_in_dim3A_17 = vector.broadcast %broadcast_in_dim3A_16 : i32 to vector<16xi32>
    %broadcast_in_dim3A_18 = arith.constant 2047 : i32
    %broadcast_in_dim3A_19 = vector.broadcast %broadcast_in_dim3A_18 : i32 to vector<16xi32>
    %broadcast_in_dim3A_20 = arith.constant 21 : i32
    %broadcast_in_dim3A_21 = vector.broadcast %broadcast_in_dim3A_20 : i32 to vector<16xi32>
    %scan3A_22 = arith.constant 0 : i32
    %scan3A_23 = arith.constant 0 : i32
    %scan3A_24 = arith.constant 4096 : i32
    %scan3A_25 = arith.addi %scan3A_23, %scan3A_24 : i32
    %scan3A_26 = arith.constant 8 : i32
    %scan3A_27 = scf.for %scan3A_36 = %scan3A_23 to %scan3A_25 step %scan3A_26 iter_args(%scan3A_37 = %scan3A_22) -> (i32)  : i32 {
      %mul3A_38 = arith.constant 16 : i32
      %mul3A_39 = arith.muli %scan3A_36, %mul3A_38 : i32
      %get3A_40 = arith.index_cast %mul3A_39 : i32 to index
      %get3A_41 = tpu.vector_load %arg5[%get3A_40] {strides = array<i32>} : memref<65536xi32, #tpu.memory_space<vmem>>, vector<16xi32>,
      %shift_right_logical3A = arith.shrui %get3A_41, %broadcast_in_dim3A_17 : vector<16xi32>
      %and3A = arith.andi %shift_right_logical3A, %broadcast_in_dim3A_19 : vector<16xi32>
      %add3A_42 = arith.addi %and3A, %mul3A_13 : vector<16xi32>
      %shift_right_logical3A_43 = arith.shrui %get3A_41, %broadcast_in_dim3A_21 : vector<16xi32>
      %eq3A = arith.cmpi eq, %shift_right_logical3A_43, %get3A_3 : vector<16xi32>
      tpu.vector_store_idx %arg6[%add3A_42], %broadcast_in_dim3A_15 masked %eq3A {add = true} : memref<32768xi32, #tpu.memory_space<vmem>>[vector<16xi32>], vector<16xi32>, vector<16xi1>
      %scan3A_44 = arith.constant 0 : i32
      %scan3A_45 = arith.constant 1 : i32
      %scan3A_46 = arith.addi %scan3A_36, %scan3A_45 : i32
      %mul3A_47 = arith.constant 16 : i32
      %mul3A_48 = arith.muli %scan3A_46, %mul3A_47 : i32
      %get3A_49 = arith.index_cast %mul3A_48 : i32 to index
      %get3A_50 = tpu.vector_load %arg5[%get3A_49] {strides = array<i32>} : memref<65536xi32, #tpu.memory_space<vmem>>, vector<16xi32>,
      %shift_right_logical3A_51 = arith.shrui %get3A_50, %broadcast_in_dim3A_17 : vector<16xi32>
      %and3A_52 = arith.andi %shift_right_logical3A_51, %broadcast_in_dim3A_19 : vector<16xi32>
      %add3A_53 = arith.addi %and3A_52, %mul3A_13 : vector<16xi32>
      %shift_right_logical3A_54 = arith.shrui %get3A_50, %broadcast_in_dim3A_21 : vector<16xi32>
      %eq3A_55 = arith.cmpi eq, %shift_right_logical3A_54, %get3A_3 : vector<16xi32>
      tpu.vector_store_idx %arg6[%add3A_53], %broadcast_in_dim3A_15 masked %eq3A_55 {add = true} : memref<32768xi32, #tpu.memory_space<vmem>>[vector<16xi32>], vector<16xi32>, vector<16xi1>
      %scan3A_56 = arith.constant 0 : i32
      %scan3A_57 = arith.constant 2 : i32
      %scan3A_58 = arith.addi %scan3A_36, %scan3A_57 : i32
      %mul3A_59 = arith.constant 16 : i32
      %mul3A_60 = arith.muli %scan3A_58, %mul3A_59 : i32
      %get3A_61 = arith.index_cast %mul3A_60 : i32 to index
      %get3A_62 = tpu.vector_load %arg5[%get3A_61] {strides = array<i32>} : memref<65536xi32, #tpu.memory_space<vmem>>, vector<16xi32>,
      %shift_right_logical3A_63 = arith.shrui %get3A_62, %broadcast_in_dim3A_17 : vector<16xi32>
      %and3A_64 = arith.andi %shift_right_logical3A_63, %broadcast_in_dim3A_19 : vector<16xi32>
      %add3A_65 = arith.addi %and3A_64, %mul3A_13 : vector<16xi32>
      %shift_right_logical3A_66 = arith.shrui %get3A_62, %broadcast_in_dim3A_21 : vector<16xi32>
      %eq3A_67 = arith.cmpi eq, %shift_right_logical3A_66, %get3A_3 : vector<16xi32>
      tpu.vector_store_idx %arg6[%add3A_65], %broadcast_in_dim3A_15 masked %eq3A_67 {add = true} : memref<32768xi32, #tpu.memory_space<vmem>>[vector<16xi32>], vector<16xi32>, vector<16xi1>
      %scan3A_68 = arith.constant 0 : i32
      %scan3A_69 = arith.constant 3 : i32
      %scan3A_70 = arith.addi %scan3A_36, %scan3A_69 : i32
      %mul3A_71 = arith.constant 16 : i32
      %mul3A_72 = arith.muli %scan3A_70, %mul3A_71 : i32
      %get3A_73 = arith.index_cast %mul3A_72 : i32 to index
      %get3A_74 = tpu.vector_load %arg5[%get3A_73] {strides = array<i32>} : memref<65536xi32, #tpu.memory_space<vmem>>, vector<16xi32>,
      %shift_right_logical3A_75 = arith.shrui %get3A_74, %broadcast_in_dim3A_17 : vector<16xi32>
      %and3A_76 = arith.andi %shift_right_logical3A_75, %broadcast_in_dim3A_19 : vector<16xi32>
      %add3A_77 = arith.addi %and3A_76, %mul3A_13 : vector<16xi32>
      %shift_right_logical3A_78 = arith.shrui %get3A_74, %broadcast_in_dim3A_21 : vector<16xi32>
      %eq3A_79 = arith.cmpi eq, %shift_right_logical3A_78, %get3A_3 : vector<16xi32>
      tpu.vector_store_idx %arg6[%add3A_77], %broadcast_in_dim3A_15 masked %eq3A_79 {add = true} : memref<32768xi32, #tpu.memory_space<vmem>>[vector<16xi32>], vector<16xi32>, vector<16xi1>
      %scan3A_80 = arith.constant 0 : i32
      %scan3A_81 = arith.constant 4 : i32
      %scan3A_82 = arith.addi %scan3A_36, %scan3A_81 : i32
      %mul3A_83 = arith.constant 16 : i32
      %mul3A_84 = arith.muli %scan3A_82, %mul3A_83 : i32
      %get3A_85 = arith.index_cast %mul3A_84 : i32 to index
      %get3A_86 = tpu.vector_load %arg5[%get3A_85] {strides = array<i32>} : memref<65536xi32, #tpu.memory_space<vmem>>, vector<16xi32>,
      %shift_right_logical3A_87 = arith.shrui %get3A_86, %broadcast_in_dim3A_17 : vector<16xi32>
      %and3A_88 = arith.andi %shift_right_logical3A_87, %broadcast_in_dim3A_19 : vector<16xi32>
      %add3A_89 = arith.addi %and3A_88, %mul3A_13 : vector<16xi32>
      %shift_right_logical3A_90 = arith.shrui %get3A_86, %broadcast_in_dim3A_21 : vector<16xi32>
      %eq3A_91 = arith.cmpi eq, %shift_right_logical3A_90, %get3A_3 : vector<16xi32>
      tpu.vector_store_idx %arg6[%add3A_89], %broadcast_in_dim3A_15 masked %eq3A_91 {add = true} : memref<32768xi32, #tpu.memory_space<vmem>>[vector<16xi32>], vector<16xi32>, vector<16xi1>
      %scan3A_92 = arith.constant 0 : i32
      %scan3A_93 = arith.constant 5 : i32
      %scan3A_94 = arith.addi %scan3A_36, %scan3A_93 : i32
      %mul3A_95 = arith.constant 16 : i32
      %mul3A_96 = arith.muli %scan3A_94, %mul3A_95 : i32
      %get3A_97 = arith.index_cast %mul3A_96 : i32 to index
      %get3A_98 = tpu.vector_load %arg5[%get3A_97] {strides = array<i32>} : memref<65536xi32, #tpu.memory_space<vmem>>, vector<16xi32>,
      %shift_right_logical3A_99 = arith.shrui %get3A_98, %broadcast_in_dim3A_17 : vector<16xi32>
      %and3A_100 = arith.andi %shift_right_logical3A_99, %broadcast_in_dim3A_19 : vector<16xi32>
      %add3A_101 = arith.addi %and3A_100, %mul3A_13 : vector<16xi32>
      %shift_right_logical3A_102 = arith.shrui %get3A_98, %broadcast_in_dim3A_21 : vector<16xi32>
      %eq3A_103 = arith.cmpi eq, %shift_right_logical3A_102, %get3A_3 : vector<16xi32>
      tpu.vector_store_idx %arg6[%add3A_101], %broadcast_in_dim3A_15 masked %eq3A_103 {add = true} : memref<32768xi32, #tpu.memory_space<vmem>>[vector<16xi32>], vector<16xi32>, vector<16xi1>
      %scan3A_104 = arith.constant 0 : i32
      %scan3A_105 = arith.constant 6 : i32
      %scan3A_106 = arith.addi %scan3A_36, %scan3A_105 : i32
      %mul3A_107 = arith.constant 16 : i32
      %mul3A_108 = arith.muli %scan3A_106, %mul3A_107 : i32
      %get3A_109 = arith.index_cast %mul3A_108 : i32 to index
      %get3A_110 = tpu.vector_load %arg5[%get3A_109] {strides = array<i32>} : memref<65536xi32, #tpu.memory_space<vmem>>, vector<16xi32>,
      %shift_right_logical3A_111 = arith.shrui %get3A_110, %broadcast_in_dim3A_17 : vector<16xi32>
      %and3A_112 = arith.andi %shift_right_logical3A_111, %broadcast_in_dim3A_19 : vector<16xi32>
      %add3A_113 = arith.addi %and3A_112, %mul3A_13 : vector<16xi32>
      %shift_right_logical3A_114 = arith.shrui %get3A_110, %broadcast_in_dim3A_21 : vector<16xi32>
      %eq3A_115 = arith.cmpi eq, %shift_right_logical3A_114, %get3A_3 : vector<16xi32>
      tpu.vector_store_idx %arg6[%add3A_113], %broadcast_in_dim3A_15 masked %eq3A_115 {add = true} : memref<32768xi32, #tpu.memory_space<vmem>>[vector<16xi32>], vector<16xi32>, vector<16xi1>
      %scan3A_116 = arith.constant 0 : i32
      %scan3A_117 = arith.constant 7 : i32
      %scan3A_118 = arith.addi %scan3A_36, %scan3A_117 : i32
      %mul3A_119 = arith.constant 16 : i32
      %mul3A_120 = arith.muli %scan3A_118, %mul3A_119 : i32
      %get3A_121 = arith.index_cast %mul3A_120 : i32 to index
      %get3A_122 = tpu.vector_load %arg5[%get3A_121] {strides = array<i32>} : memref<65536xi32, #tpu.memory_space<vmem>>, vector<16xi32>,
      %shift_right_logical3A_123 = arith.shrui %get3A_122, %broadcast_in_dim3A_17 : vector<16xi32>
      %and3A_124 = arith.andi %shift_right_logical3A_123, %broadcast_in_dim3A_19 : vector<16xi32>
      %add3A_125 = arith.addi %and3A_124, %mul3A_13 : vector<16xi32>
      %shift_right_logical3A_126 = arith.shrui %get3A_122, %broadcast_in_dim3A_21 : vector<16xi32>
      %eq3A_127 = arith.cmpi eq, %shift_right_logical3A_126, %get3A_3 : vector<16xi32>
      tpu.vector_store_idx %arg6[%add3A_125], %broadcast_in_dim3A_15 masked %eq3A_127 {add = true} : memref<32768xi32, #tpu.memory_space<vmem>>[vector<16xi32>], vector<16xi32>, vector<16xi1>
      %scan3A_128 = arith.constant 0 : i32
      scf.yield %scan3A_128 : i32
    }
    %scan3A_28 = arith.constant 4096 : i32
    %scan3A_29 = arith.constant 0 : i32
    %scan3A_30 = arith.constant 0 : i32
    %scan3A_31 = arith.constant 128 : i32
    %scan3A_32 = arith.addi %scan3A_30, %scan3A_31 : i32
    %scan3A_33 = arith.constant 4 : i32
    %scan3A_34 = scf.for %scan3A_36 = %scan3A_30 to %scan3A_32 step %scan3A_33 iter_args(%scan3A_37 = %scan3A_29) -> (i32)  : i32 {
      %mul3A_38 = arith.constant 16 : i32
      %mul3A_39 = arith.muli %scan3A_36, %mul3A_38 : i32
      %get3A_40 = arith.index_cast %mul3A_39 : i32 to index
      %get3A_41 = tpu.vector_load %arg6[%get3A_40] {strides = array<i32>} : memref<32768xi32, #tpu.memory_space<vmem>>, vector<16xi32>,
      %mul3A_42 = arith.constant 16 : i32
      %mul3A_43 = arith.muli %scan3A_36, %mul3A_42 : i32
      %add3A_44 = arith.constant 2048 : i32
      %add3A_45 = arith.addi %add3A_44, %mul3A_43 : i32
      %get3A_46 = arith.index_cast %add3A_45 : i32 to index
      %get3A_47 = tpu.vector_load %arg6[%get3A_46] {strides = array<i32>} : memref<32768xi32, #tpu.memory_space<vmem>>, vector<16xi32>,
      %add3A_48 = arith.addi %get3A_41, %get3A_47 : vector<16xi32>
      %mul3A_49 = arith.constant 16 : i32
      %mul3A_50 = arith.muli %scan3A_36, %mul3A_49 : i32
      %add3A_51 = arith.constant 4096 : i32
      %add3A_52 = arith.addi %add3A_51, %mul3A_50 : i32
      %get3A_53 = arith.index_cast %add3A_52 : i32 to index
      %get3A_54 = tpu.vector_load %arg6[%get3A_53] {strides = array<i32>} : memref<32768xi32, #tpu.memory_space<vmem>>, vector<16xi32>,
      %add3A_55 = arith.addi %add3A_48, %get3A_54 : vector<16xi32>
      %mul3A_56 = arith.constant 16 : i32
      %mul3A_57 = arith.muli %scan3A_36, %mul3A_56 : i32
      %add3A_58 = arith.constant 6144 : i32
      %add3A_59 = arith.addi %add3A_58, %mul3A_57 : i32
      %get3A_60 = arith.index_cast %add3A_59 : i32 to index
      %get3A_61 = tpu.vector_load %arg6[%get3A_60] {strides = array<i32>} : memref<32768xi32, #tpu.memory_space<vmem>>, vector<16xi32>,
      %add3A_62 = arith.addi %add3A_55, %get3A_61 : vector<16xi32>
      %mul3A_63 = arith.constant 16 : i32
      %mul3A_64 = arith.muli %scan3A_36, %mul3A_63 : i32
      %add3A_65 = arith.constant 8192 : i32
      %add3A_66 = arith.addi %add3A_65, %mul3A_64 : i32
      %get3A_67 = arith.index_cast %add3A_66 : i32 to index
      %get3A_68 = tpu.vector_load %arg6[%get3A_67] {strides = array<i32>} : memref<32768xi32, #tpu.memory_space<vmem>>, vector<16xi32>,
      %add3A_69 = arith.addi %add3A_62, %get3A_68 : vector<16xi32>
      %mul3A_70 = arith.constant 16 : i32
      %mul3A_71 = arith.muli %scan3A_36, %mul3A_70 : i32
      %add3A_72 = arith.constant 10240 : i32
      %add3A_73 = arith.addi %add3A_72, %mul3A_71 : i32
      %get3A_74 = arith.index_cast %add3A_73 : i32 to index
      %get3A_75 = tpu.vector_load %arg6[%get3A_74] {strides = array<i32>} : memref<32768xi32, #tpu.memory_space<vmem>>, vector<16xi32>,
      %add3A_76 = arith.addi %add3A_69, %get3A_75 : vector<16xi32>
      %mul3A_77 = arith.constant 16 : i32
      %mul3A_78 = arith.muli %scan3A_36, %mul3A_77 : i32
      %add3A_79 = arith.constant 12288 : i32
      %add3A_80 = arith.addi %add3A_79, %mul3A_78 : i32
      %get3A_81 = arith.index_cast %add3A_80 : i32 to index
      %get3A_82 = tpu.vector_load %arg6[%get3A_81] {strides = array<i32>} : memref<32768xi32, #tpu.memory_space<vmem>>, vector<16xi32>,
      %add3A_83 = arith.addi %add3A_76, %get3A_82 : vector<16xi32>
      %mul3A_84 = arith.constant 16 : i32
      %mul3A_85 = arith.muli %scan3A_36, %mul3A_84 : i32
      %add3A_86 = arith.constant 14336 : i32
      %add3A_87 = arith.addi %add3A_86, %mul3A_85 : i32
      %get3A_88 = arith.index_cast %add3A_87 : i32 to index
      %get3A_89 = tpu.vector_load %arg6[%get3A_88] {strides = array<i32>} : memref<32768xi32, #tpu.memory_space<vmem>>, vector<16xi32>,
      %add3A_90 = arith.addi %add3A_83, %get3A_89 : vector<16xi32>
      %mul3A_91 = arith.constant 16 : i32
      %mul3A_92 = arith.muli %scan3A_36, %mul3A_91 : i32
      %add3A_93 = arith.constant 16384 : i32
      %add3A_94 = arith.addi %add3A_93, %mul3A_92 : i32
      %get3A_95 = arith.index_cast %add3A_94 : i32 to index
      %get3A_96 = tpu.vector_load %arg6[%get3A_95] {strides = array<i32>} : memref<32768xi32, #tpu.memory_space<vmem>>, vector<16xi32>,
      %add3A_97 = arith.addi %add3A_90, %get3A_96 : vector<16xi32>
      %mul3A_98 = arith.constant 16 : i32
      %mul3A_99 = arith.muli %scan3A_36, %mul3A_98 : i32
      %add3A_100 = arith.constant 18432 : i32
      %add3A_101 = arith.addi %add3A_100, %mul3A_99 : i32
      %get3A_102 = arith.index_cast %add3A_101 : i32 to index
      %get3A_103 = tpu.vector_load %arg6[%get3A_102] {strides = array<i32>} : memref<32768xi32, #tpu.memory_space<vmem>>, vector<16xi32>,
      %add3A_104 = arith.addi %add3A_97, %get3A_103 : vector<16xi32>
      %mul3A_105 = arith.constant 16 : i32
      %mul3A_106 = arith.muli %scan3A_36, %mul3A_105 : i32
      %add3A_107 = arith.constant 20480 : i32
      %add3A_108 = arith.addi %add3A_107, %mul3A_106 : i32
      %get3A_109 = arith.index_cast %add3A_108 : i32 to index
      %get3A_110 = tpu.vector_load %arg6[%get3A_109] {strides = array<i32>} : memref<32768xi32, #tpu.memory_space<vmem>>, vector<16xi32>,
      %add3A_111 = arith.addi %add3A_104, %get3A_110 : vector<16xi32>
      %mul3A_112 = arith.constant 16 : i32
      %mul3A_113 = arith.muli %scan3A_36, %mul3A_112 : i32
      %add3A_114 = arith.constant 22528 : i32
      %add3A_115 = arith.addi %add3A_114, %mul3A_113 : i32
      %get3A_116 = arith.index_cast %add3A_115 : i32 to index
      %get3A_117 = tpu.vector_load %arg6[%get3A_116] {strides = array<i32>} : memref<32768xi32, #tpu.memory_space<vmem>>, vector<16xi32>,
      %add3A_118 = arith.addi %add3A_111, %get3A_117 : vector<16xi32>
      %mul3A_119 = arith.constant 16 : i32
      %mul3A_120 = arith.muli %scan3A_36, %mul3A_119 : i32
      %add3A_121 = arith.constant 24576 : i32
      %add3A_122 = arith.addi %add3A_121, %mul3A_120 : i32
      %get3A_123 = arith.index_cast %add3A_122 : i32 to index
      %get3A_124 = tpu.vector_load %arg6[%get3A_123] {strides = array<i32>} : memref<32768xi32, #tpu.memory_space<vmem>>, vector<16xi32>,
      %add3A_125 = arith.addi %add3A_118, %get3A_124 : vector<16xi32>
      %mul3A_126 = arith.constant 16 : i32
      %mul3A_127 = arith.muli %scan3A_36, %mul3A_126 : i32
      %add3A_128 = arith.constant 26624 : i32
      %add3A_129 = arith.addi %add3A_128, %mul3A_127 : i32
      %get3A_130 = arith.index_cast %add3A_129 : i32 to index
      %get3A_131 = tpu.vector_load %arg6[%get3A_130] {strides = array<i32>} : memref<32768xi32, #tpu.memory_space<vmem>>, vector<16xi32>,
      %add3A_132 = arith.addi %add3A_125, %get3A_131 : vector<16xi32>
      %mul3A_133 = arith.constant 16 : i32
      %mul3A_134 = arith.muli %scan3A_36, %mul3A_133 : i32
      %add3A_135 = arith.constant 28672 : i32
      %add3A_136 = arith.addi %add3A_135, %mul3A_134 : i32
      %get3A_137 = arith.index_cast %add3A_136 : i32 to index
      %get3A_138 = tpu.vector_load %arg6[%get3A_137] {strides = array<i32>} : memref<32768xi32, #tpu.memory_space<vmem>>, vector<16xi32>,
      %add3A_139 = arith.addi %add3A_132, %get3A_138 : vector<16xi32>
      %mul3A_140 = arith.constant 16 : i32
      %mul3A_141 = arith.muli %scan3A_36, %mul3A_140 : i32
      %add3A_142 = arith.constant 30720 : i32
      %add3A_143 = arith.addi %add3A_142, %mul3A_141 : i32
      %get3A_144 = arith.index_cast %add3A_143 : i32 to index
      %get3A_145 = tpu.vector_load %arg6[%get3A_144] {strides = array<i32>} : memref<32768xi32, #tpu.memory_space<vmem>>, vector<16xi32>,
      %add3A_146 = arith.addi %add3A_139, %get3A_145 : vector<16xi32>
      %mul3A_147 = arith.constant 16 : i32
      %mul3A_148 = arith.muli %scan3A_36, %mul3A_147 : i32
      %swap3A = arith.index_cast %mul3A_148 : i32 to index
      %swap3A_149 = tpu.vector_load %arg7[%swap3A] {strides = array<i32>} : memref<2048xi32, #tpu.memory_space<vmem>>, vector<16xi32>,
      tpu.vector_store %arg7[%swap3A], %add3A_146 {strides = array<i32>} : memref<2048xi32, #tpu.memory_space<vmem>>, vector<16xi32>,
      %scan3A_150 = arith.constant 0 : i32
      %scan3A_151 = arith.constant 1 : i32
      %scan3A_152 = arith.addi %scan3A_36, %scan3A_151 : i32
      %mul3A_153 = arith.constant 16 : i32
      %mul3A_154 = arith.muli %scan3A_152, %mul3A_153 : i32
      %get3A_155 = arith.index_cast %mul3A_154 : i32 to index
      %get3A_156 = tpu.vector_load %arg6[%get3A_155] {strides = array<i32>} : memref<32768xi32, #tpu.memory_space<vmem>>, vector<16xi32>,
      %mul3A_157 = arith.constant 16 : i32
      %mul3A_158 = arith.muli %scan3A_152, %mul3A_157 : i32
      %add3A_159 = arith.constant 2048 : i32
      %add3A_160 = arith.addi %add3A_159, %mul3A_158 : i32
      %get3A_161 = arith.index_cast %add3A_160 : i32 to index
      %get3A_162 = tpu.vector_load %arg6[%get3A_161] {strides = array<i32>} : memref<32768xi32, #tpu.memory_space<vmem>>, vector<16xi32>,
      %add3A_163 = arith.addi %get3A_156, %get3A_162 : vector<16xi32>
      %mul3A_164 = arith.constant 16 : i32
      %mul3A_165 = arith.muli %scan3A_152, %mul3A_164 : i32
      %add3A_166 = arith.constant 4096 : i32
      %add3A_167 = arith.addi %add3A_166, %mul3A_165 : i32
      %get3A_168 = arith.index_cast %add3A_167 : i32 to index
      %get3A_169 = tpu.vector_load %arg6[%get3A_168] {strides = array<i32>} : memref<32768xi32, #tpu.memory_space<vmem>>, vector<16xi32>,
      %add3A_170 = arith.addi %add3A_163, %get3A_169 : vector<16xi32>
      %mul3A_171 = arith.constant 16 : i32
      %mul3A_172 = arith.muli %scan3A_152, %mul3A_171 : i32
      %add3A_173 = arith.constant 6144 : i32
      %add3A_174 = arith.addi %add3A_173, %mul3A_172 : i32
      %get3A_175 = arith.index_cast %add3A_174 : i32 to index
      %get3A_176 = tpu.vector_load %arg6[%get3A_175] {strides = array<i32>} : memref<32768xi32, #tpu.memory_space<vmem>>, vector<16xi32>,
      %add3A_177 = arith.addi %add3A_170, %get3A_176 : vector<16xi32>
      %mul3A_178 = arith.constant 16 : i32
      %mul3A_179 = arith.muli %scan3A_152, %mul3A_178 : i32
      %add3A_180 = arith.constant 8192 : i32
      %add3A_181 = arith.addi %add3A_180, %mul3A_179 : i32
      %get3A_182 = arith.index_cast %add3A_181 : i32 to index
      %get3A_183 = tpu.vector_load %arg6[%get3A_182] {strides = array<i32>} : memref<32768xi32, #tpu.memory_space<vmem>>, vector<16xi32>,
      %add3A_184 = arith.addi %add3A_177, %get3A_183 : vector<16xi32>
      %mul3A_185 = arith.constant 16 : i32
      %mul3A_186 = arith.muli %scan3A_152, %mul3A_185 : i32
      %add3A_187 = arith.constant 10240 : i32
      %add3A_188 = arith.addi %add3A_187, %mul3A_186 : i32
      %get3A_189 = arith.index_cast %add3A_188 : i32 to index
      %get3A_190 = tpu.vector_load %arg6[%get3A_189] {strides = array<i32>} : memref<32768xi32, #tpu.memory_space<vmem>>, vector<16xi32>,
      %add3A_191 = arith.addi %add3A_184, %get3A_190 : vector<16xi32>
      %mul3A_192 = arith.constant 16 : i32
      %mul3A_193 = arith.muli %scan3A_152, %mul3A_192 : i32
      %add3A_194 = arith.constant 12288 : i32
      %add3A_195 = arith.addi %add3A_194, %mul3A_193 : i32
      %get3A_196 = arith.index_cast %add3A_195 : i32 to index
      %get3A_197 = tpu.vector_load %arg6[%get3A_196] {strides = array<i32>} : memref<32768xi32, #tpu.memory_space<vmem>>, vector<16xi32>,
      %add3A_198 = arith.addi %add3A_191, %get3A_197 : vector<16xi32>
      %mul3A_199 = arith.constant 16 : i32
      %mul3A_200 = arith.muli %scan3A_152, %mul3A_199 : i32
      %add3A_201 = arith.constant 14336 : i32
      %add3A_202 = arith.addi %add3A_201, %mul3A_200 : i32
      %get3A_203 = arith.index_cast %add3A_202 : i32 to index
      %get3A_204 = tpu.vector_load %arg6[%get3A_203] {strides = array<i32>} : memref<32768xi32, #tpu.memory_space<vmem>>, vector<16xi32>,
      %add3A_205 = arith.addi %add3A_198, %get3A_204 : vector<16xi32>
      %mul3A_206 = arith.constant 16 : i32
      %mul3A_207 = arith.muli %scan3A_152, %mul3A_206 : i32
      %add3A_208 = arith.constant 16384 : i32
      %add3A_209 = arith.addi %add3A_208, %mul3A_207 : i32
      %get3A_210 = arith.index_cast %add3A_209 : i32 to index
      %get3A_211 = tpu.vector_load %arg6[%get3A_210] {strides = array<i32>} : memref<32768xi32, #tpu.memory_space<vmem>>, vector<16xi32>,
      %add3A_212 = arith.addi %add3A_205, %get3A_211 : vector<16xi32>
      %mul3A_213 = arith.constant 16 : i32
      %mul3A_214 = arith.muli %scan3A_152, %mul3A_213 : i32
      %add3A_215 = arith.constant 18432 : i32
      %add3A_216 = arith.addi %add3A_215, %mul3A_214 : i32
      %get3A_217 = arith.index_cast %add3A_216 : i32 to index
      %get3A_218 = tpu.vector_load %arg6[%get3A_217] {strides = array<i32>} : memref<32768xi32, #tpu.memory_space<vmem>>, vector<16xi32>,
      %add3A_219 = arith.addi %add3A_212, %get3A_218 : vector<16xi32>
      %mul3A_220 = arith.constant 16 : i32
      %mul3A_221 = arith.muli %scan3A_152, %mul3A_220 : i32
      %add3A_222 = arith.constant 20480 : i32
      %add3A_223 = arith.addi %add3A_222, %mul3A_221 : i32
      %get3A_224 = arith.index_cast %add3A_223 : i32 to index
      %get3A_225 = tpu.vector_load %arg6[%get3A_224] {strides = array<i32>} : memref<32768xi32, #tpu.memory_space<vmem>>, vector<16xi32>,
      %add3A_226 = arith.addi %add3A_219, %get3A_225 : vector<16xi32>
      %mul3A_227 = arith.constant 16 : i32
      %mul3A_228 = arith.muli %scan3A_152, %mul3A_227 : i32
      %add3A_229 = arith.constant 22528 : i32
      %add3A_230 = arith.addi %add3A_229, %mul3A_228 : i32
      %get3A_231 = arith.index_cast %add3A_230 : i32 to index
      %get3A_232 = tpu.vector_load %arg6[%get3A_231] {strides = array<i32>} : memref<32768xi32, #tpu.memory_space<vmem>>, vector<16xi32>,
      %add3A_233 = arith.addi %add3A_226, %get3A_232 : vector<16xi32>
      %mul3A_234 = arith.constant 16 : i32
      %mul3A_235 = arith.muli %scan3A_152, %mul3A_234 : i32
      %add3A_236 = arith.constant 24576 : i32
      %add3A_237 = arith.addi %add3A_236, %mul3A_235 : i32
      %get3A_238 = arith.index_cast %add3A_237 : i32 to index
      %get3A_239 = tpu.vector_load %arg6[%get3A_238] {strides = array<i32>} : memref<32768xi32, #tpu.memory_space<vmem>>, vector<16xi32>,
      %add3A_240 = arith.addi %add3A_233, %get3A_239 : vector<16xi32>
      %mul3A_241 = arith.constant 16 : i32
      %mul3A_242 = arith.muli %scan3A_152, %mul3A_241 : i32
      %add3A_243 = arith.constant 26624 : i32
      %add3A_244 = arith.addi %add3A_243, %mul3A_242 : i32
      %get3A_245 = arith.index_cast %add3A_244 : i32 to index
      %get3A_246 = tpu.vector_load %arg6[%get3A_245] {strides = array<i32>} : memref<32768xi32, #tpu.memory_space<vmem>>, vector<16xi32>,
      %add3A_247 = arith.addi %add3A_240, %get3A_246 : vector<16xi32>
      %mul3A_248 = arith.constant 16 : i32
      %mul3A_249 = arith.muli %scan3A_152, %mul3A_248 : i32
      %add3A_250 = arith.constant 28672 : i32
      %add3A_251 = arith.addi %add3A_250, %mul3A_249 : i32
      %get3A_252 = arith.index_cast %add3A_251 : i32 to index
      %get3A_253 = tpu.vector_load %arg6[%get3A_252] {strides = array<i32>} : memref<32768xi32, #tpu.memory_space<vmem>>, vector<16xi32>,
      %add3A_254 = arith.addi %add3A_247, %get3A_253 : vector<16xi32>
      %mul3A_255 = arith.constant 16 : i32
      %mul3A_256 = arith.muli %scan3A_152, %mul3A_255 : i32
      %add3A_257 = arith.constant 30720 : i32
      %add3A_258 = arith.addi %add3A_257, %mul3A_256 : i32
      %get3A_259 = arith.index_cast %add3A_258 : i32 to index
      %get3A_260 = tpu.vector_load %arg6[%get3A_259] {strides = array<i32>} : memref<32768xi32, #tpu.memory_space<vmem>>, vector<16xi32>,
      %add3A_261 = arith.addi %add3A_254, %get3A_260 : vector<16xi32>
      %mul3A_262 = arith.constant 16 : i32
      %mul3A_263 = arith.muli %scan3A_152, %mul3A_262 : i32
      %swap3A_264 = arith.index_cast %mul3A_263 : i32 to index
      %swap3A_265 = tpu.vector_load %arg7[%swap3A_264] {strides = array<i32>} : memref<2048xi32, #tpu.memory_space<vmem>>, vector<16xi32>,
      tpu.vector_store %arg7[%swap3A_264], %add3A_261 {strides = array<i32>} : memref<2048xi32, #tpu.memory_space<vmem>>, vector<16xi32>,
      %scan3A_266 = arith.constant 0 : i32
      %scan3A_267 = arith.constant 2 : i32
      %scan3A_268 = arith.addi %scan3A_36, %scan3A_267 : i32
      %mul3A_269 = arith.constant 16 : i32
      %mul3A_270 = arith.muli %scan3A_268, %mul3A_269 : i32
      %get3A_271 = arith.index_cast %mul3A_270 : i32 to index
      %get3A_272 = tpu.vector_load %arg6[%get3A_271] {strides = array<i32>} : memref<32768xi32, #tpu.memory_space<vmem>>, vector<16xi32>,
      %mul3A_273 = arith.constant 16 : i32
      %mul3A_274 = arith.muli %scan3A_268, %mul3A_273 : i32
      %add3A_275 = arith.constant 2048 : i32
      %add3A_276 = arith.addi %add3A_275, %mul3A_274 : i32
      %get3A_277 = arith.index_cast %add3A_276 : i32 to index
      %get3A_278 = tpu.vector_load %arg6[%get3A_277] {strides = array<i32>} : memref<32768xi32, #tpu.memory_space<vmem>>, vector<16xi32>,
      %add3A_279 = arith.addi %get3A_272, %get3A_278 : vector<16xi32>
      %mul3A_280 = arith.constant 16 : i32
      %mul3A_281 = arith.muli %scan3A_268, %mul3A_280 : i32
      %add3A_282 = arith.constant 4096 : i32
      %add3A_283 = arith.addi %add3A_282, %mul3A_281 : i32
      %get3A_284 = arith.index_cast %add3A_283 : i32 to index
      %get3A_285 = tpu.vector_load %arg6[%get3A_284] {strides = array<i32>} : memref<32768xi32, #tpu.memory_space<vmem>>, vector<16xi32>,
      %add3A_286 = arith.addi %add3A_279, %get3A_285 : vector<16xi32>
      %mul3A_287 = arith.constant 16 : i32
      %mul3A_288 = arith.muli %scan3A_268, %mul3A_287 : i32
      %add3A_289 = arith.constant 6144 : i32
      %add3A_290 = arith.addi %add3A_289, %mul3A_288 : i32
      %get3A_291 = arith.index_cast %add3A_290 : i32 to index
      %get3A_292 = tpu.vector_load %arg6[%get3A_291] {strides = array<i32>} : memref<32768xi32, #tpu.memory_space<vmem>>, vector<16xi32>,
      %add3A_293 = arith.addi %add3A_286, %get3A_292 : vector<16xi32>
      %mul3A_294 = arith.constant 16 : i32
      %mul3A_295 = arith.muli %scan3A_268, %mul3A_294 : i32
      %add3A_296 = arith.constant 8192 : i32
      %add3A_297 = arith.addi %add3A_296, %mul3A_295 : i32
      %get3A_298 = arith.index_cast %add3A_297 : i32 to index
      %get3A_299 = tpu.vector_load %arg6[%get3A_298] {strides = array<i32>} : memref<32768xi32, #tpu.memory_space<vmem>>, vector<16xi32>,
      %add3A_300 = arith.addi %add3A_293, %get3A_299 : vector<16xi32>
      %mul3A_301 = arith.constant 16 : i32
      %mul3A_302 = arith.muli %scan3A_268, %mul3A_301 : i32
      %add3A_303 = arith.constant 10240 : i32
      %add3A_304 = arith.addi %add3A_303, %mul3A_302 : i32
      %get3A_305 = arith.index_cast %add3A_304 : i32 to index
      %get3A_306 = tpu.vector_load %arg6[%get3A_305] {strides = array<i32>} : memref<32768xi32, #tpu.memory_space<vmem>>, vector<16xi32>,
      %add3A_307 = arith.addi %add3A_300, %get3A_306 : vector<16xi32>
      %mul3A_308 = arith.constant 16 : i32
      %mul3A_309 = arith.muli %scan3A_268, %mul3A_308 : i32
      %add3A_310 = arith.constant 12288 : i32
      %add3A_311 = arith.addi %add3A_310, %mul3A_309 : i32
      %get3A_312 = arith.index_cast %add3A_311 : i32 to index
      %get3A_313 = tpu.vector_load %arg6[%get3A_312] {strides = array<i32>} : memref<32768xi32, #tpu.memory_space<vmem>>, vector<16xi32>,
      %add3A_314 = arith.addi %add3A_307, %get3A_313 : vector<16xi32>
      %mul3A_315 = arith.constant 16 : i32
      %mul3A_316 = arith.muli %scan3A_268, %mul3A_315 : i32
      %add3A_317 = arith.constant 14336 : i32
      %add3A_318 = arith.addi %add3A_317, %mul3A_316 : i32
      %get3A_319 = arith.index_cast %add3A_318 : i32 to index
      %get3A_320 = tpu.vector_load %arg6[%get3A_319] {strides = array<i32>} : memref<32768xi32, #tpu.memory_space<vmem>>, vector<16xi32>,
      %add3A_321 = arith.addi %add3A_314, %get3A_320 : vector<16xi32>
      %mul3A_322 = arith.constant 16 : i32
      %mul3A_323 = arith.muli %scan3A_268, %mul3A_322 : i32
      %add3A_324 = arith.constant 16384 : i32
      %add3A_325 = arith.addi %add3A_324, %mul3A_323 : i32
      %get3A_326 = arith.index_cast %add3A_325 : i32 to index
      %get3A_327 = tpu.vector_load %arg6[%get3A_326] {strides = array<i32>} : memref<32768xi32, #tpu.memory_space<vmem>>, vector<16xi32>,
      %add3A_328 = arith.addi %add3A_321, %get3A_327 : vector<16xi32>
      %mul3A_329 = arith.constant 16 : i32
      %mul3A_330 = arith.muli %scan3A_268, %mul3A_329 : i32
      %add3A_331 = arith.constant 18432 : i32
      %add3A_332 = arith.addi %add3A_331, %mul3A_330 : i32
      %get3A_333 = arith.index_cast %add3A_332 : i32 to index
      %get3A_334 = tpu.vector_load %arg6[%get3A_333] {strides = array<i32>} : memref<32768xi32, #tpu.memory_space<vmem>>, vector<16xi32>,
      %add3A_335 = arith.addi %add3A_328, %get3A_334 : vector<16xi32>
      %mul3A_336 = arith.constant 16 : i32
      %mul3A_337 = arith.muli %scan3A_268, %mul3A_336 : i32
      %add3A_338 = arith.constant 20480 : i32
      %add3A_339 = arith.addi %add3A_338, %mul3A_337 : i32
      %get3A_340 = arith.index_cast %add3A_339 : i32 to index
      %get3A_341 = tpu.vector_load %arg6[%get3A_340] {strides = array<i32>} : memref<32768xi32, #tpu.memory_space<vmem>>, vector<16xi32>,
      %add3A_342 = arith.addi %add3A_335, %get3A_341 : vector<16xi32>
      %mul3A_343 = arith.constant 16 : i32
      %mul3A_344 = arith.muli %scan3A_268, %mul3A_343 : i32
      %add3A_345 = arith.constant 22528 : i32
      %add3A_346 = arith.addi %add3A_345, %mul3A_344 : i32
      %get3A_347 = arith.index_cast %add3A_346 : i32 to index
      %get3A_348 = tpu.vector_load %arg6[%get3A_347] {strides = array<i32>} : memref<32768xi32, #tpu.memory_space<vmem>>, vector<16xi32>,
      %add3A_349 = arith.addi %add3A_342, %get3A_348 : vector<16xi32>
      %mul3A_350 = arith.constant 16 : i32
      %mul3A_351 = arith.muli %scan3A_268, %mul3A_350 : i32
      %add3A_352 = arith.constant 24576 : i32
      %add3A_353 = arith.addi %add3A_352, %mul3A_351 : i32
      %get3A_354 = arith.index_cast %add3A_353 : i32 to index
      %get3A_355 = tpu.vector_load %arg6[%get3A_354] {strides = array<i32>} : memref<32768xi32, #tpu.memory_space<vmem>>, vector<16xi32>,
      %add3A_356 = arith.addi %add3A_349, %get3A_355 : vector<16xi32>
      %mul3A_357 = arith.constant 16 : i32
      %mul3A_358 = arith.muli %scan3A_268, %mul3A_357 : i32
      %add3A_359 = arith.constant 26624 : i32
      %add3A_360 = arith.addi %add3A_359, %mul3A_358 : i32
      %get3A_361 = arith.index_cast %add3A_360 : i32 to index
      %get3A_362 = tpu.vector_load %arg6[%get3A_361] {strides = array<i32>} : memref<32768xi32, #tpu.memory_space<vmem>>, vector<16xi32>,
      %add3A_363 = arith.addi %add3A_356, %get3A_362 : vector<16xi32>
      %mul3A_364 = arith.constant 16 : i32
      %mul3A_365 = arith.muli %scan3A_268, %mul3A_364 : i32
      %add3A_366 = arith.constant 28672 : i32
      %add3A_367 = arith.addi %add3A_366, %mul3A_365 : i32
      %get3A_368 = arith.index_cast %add3A_367 : i32 to index
      %get3A_369 = tpu.vector_load %arg6[%get3A_368] {strides = array<i32>} : memref<32768xi32, #tpu.memory_space<vmem>>, vector<16xi32>,
      %add3A_370 = arith.addi %add3A_363, %get3A_369 : vector<16xi32>
      %mul3A_371 = arith.constant 16 : i32
      %mul3A_372 = arith.muli %scan3A_268, %mul3A_371 : i32
      %add3A_373 = arith.constant 30720 : i32
      %add3A_374 = arith.addi %add3A_373, %mul3A_372 : i32
      %get3A_375 = arith.index_cast %add3A_374 : i32 to index
      %get3A_376 = tpu.vector_load %arg6[%get3A_375] {strides = array<i32>} : memref<32768xi32, #tpu.memory_space<vmem>>, vector<16xi32>,
      %add3A_377 = arith.addi %add3A_370, %get3A_376 : vector<16xi32>
      %mul3A_378 = arith.constant 16 : i32
      %mul3A_379 = arith.muli %scan3A_268, %mul3A_378 : i32
      %swap3A_380 = arith.index_cast %mul3A_379 : i32 to index
      %swap3A_381 = tpu.vector_load %arg7[%swap3A_380] {strides = array<i32>} : memref<2048xi32, #tpu.memory_space<vmem>>, vector<16xi32>,
      tpu.vector_store %arg7[%swap3A_380], %add3A_377 {strides = array<i32>} : memref<2048xi32, #tpu.memory_space<vmem>>, vector<16xi32>,
      %scan3A_382 = arith.constant 0 : i32
      %scan3A_383 = arith.constant 3 : i32
      %scan3A_384 = arith.addi %scan3A_36, %scan3A_383 : i32
      %mul3A_385 = arith.constant 16 : i32
      %mul3A_386 = arith.muli %scan3A_384, %mul3A_385 : i32
      %get3A_387 = arith.index_cast %mul3A_386 : i32 to index
      %get3A_388 = tpu.vector_load %arg6[%get3A_387] {strides = array<i32>} : memref<32768xi32, #tpu.memory_space<vmem>>, vector<16xi32>,
      %mul3A_389 = arith.constant 16 : i32
      %mul3A_390 = arith.muli %scan3A_384, %mul3A_389 : i32
      %add3A_391 = arith.constant 2048 : i32
      %add3A_392 = arith.addi %add3A_391, %mul3A_390 : i32
      %get3A_393 = arith.index_cast %add3A_392 : i32 to index
      %get3A_394 = tpu.vector_load %arg6[%get3A_393] {strides = array<i32>} : memref<32768xi32, #tpu.memory_space<vmem>>, vector<16xi32>,
      %add3A_395 = arith.addi %get3A_388, %get3A_394 : vector<16xi32>
      %mul3A_396 = arith.constant 16 : i32
      %mul3A_397 = arith.muli %scan3A_384, %mul3A_396 : i32
      %add3A_398 = arith.constant 4096 : i32
      %add3A_399 = arith.addi %add3A_398, %mul3A_397 : i32
      %get3A_400 = arith.index_cast %add3A_399 : i32 to index
      %get3A_401 = tpu.vector_load %arg6[%get3A_400] {strides = array<i32>} : memref<32768xi32, #tpu.memory_space<vmem>>, vector<16xi32>,
      %add3A_402 = arith.addi %add3A_395, %get3A_401 : vector<16xi32>
      %mul3A_403 = arith.constant 16 : i32
      %mul3A_404 = arith.muli %scan3A_384, %mul3A_403 : i32
      %add3A_405 = arith.constant 6144 : i32
      %add3A_406 = arith.addi %add3A_405, %mul3A_404 : i32
      %get3A_407 = arith.index_cast %add3A_406 : i32 to index
      %get3A_408 = tpu.vector_load %arg6[%get3A_407] {strides = array<i32>} : memref<32768xi32, #tpu.memory_space<vmem>>, vector<16xi32>,
      %add3A_409 = arith.addi %add3A_402, %get3A_408 : vector<16xi32>
      %mul3A_410 = arith.constant 16 : i32
      %mul3A_411 = arith.muli %scan3A_384, %mul3A_410 : i32
      %add3A_412 = arith.constant 8192 : i32
      %add3A_413 = arith.addi %add3A_412, %mul3A_411 : i32
      %get3A_414 = arith.index_cast %add3A_413 : i32 to index
      %get3A_415 = tpu.vector_load %arg6[%get3A_414] {strides = array<i32>} : memref<32768xi32, #tpu.memory_space<vmem>>, vector<16xi32>,
      %add3A_416 = arith.addi %add3A_409, %get3A_415 : vector<16xi32>
      %mul3A_417 = arith.constant 16 : i32
      %mul3A_418 = arith.muli %scan3A_384, %mul3A_417 : i32
      %add3A_419 = arith.constant 10240 : i32
      %add3A_420 = arith.addi %add3A_419, %mul3A_418 : i32
      %get3A_421 = arith.index_cast %add3A_420 : i32 to index
      %get3A_422 = tpu.vector_load %arg6[%get3A_421] {strides = array<i32>} : memref<32768xi32, #tpu.memory_space<vmem>>, vector<16xi32>,
      %add3A_423 = arith.addi %add3A_416, %get3A_422 : vector<16xi32>
      %mul3A_424 = arith.constant 16 : i32
      %mul3A_425 = arith.muli %scan3A_384, %mul3A_424 : i32
      %add3A_426 = arith.constant 12288 : i32
      %add3A_427 = arith.addi %add3A_426, %mul3A_425 : i32
      %get3A_428 = arith.index_cast %add3A_427 : i32 to index
      %get3A_429 = tpu.vector_load %arg6[%get3A_428] {strides = array<i32>} : memref<32768xi32, #tpu.memory_space<vmem>>, vector<16xi32>,
      %add3A_430 = arith.addi %add3A_423, %get3A_429 : vector<16xi32>
      %mul3A_431 = arith.constant 16 : i32
      %mul3A_432 = arith.muli %scan3A_384, %mul3A_431 : i32
      %add3A_433 = arith.constant 14336 : i32
      %add3A_434 = arith.addi %add3A_433, %mul3A_432 : i32
      %get3A_435 = arith.index_cast %add3A_434 : i32 to index
      %get3A_436 = tpu.vector_load %arg6[%get3A_435] {strides = array<i32>} : memref<32768xi32, #tpu.memory_space<vmem>>, vector<16xi32>,
      %add3A_437 = arith.addi %add3A_430, %get3A_436 : vector<16xi32>
      %mul3A_438 = arith.constant 16 : i32
      %mul3A_439 = arith.muli %scan3A_384, %mul3A_438 : i32
      %add3A_440 = arith.constant 16384 : i32
      %add3A_441 = arith.addi %add3A_440, %mul3A_439 : i32
      %get3A_442 = arith.index_cast %add3A_441 : i32 to index
      %get3A_443 = tpu.vector_load %arg6[%get3A_442] {strides = array<i32>} : memref<32768xi32, #tpu.memory_space<vmem>>, vector<16xi32>,
      %add3A_444 = arith.addi %add3A_437, %get3A_443 : vector<16xi32>
      %mul3A_445 = arith.constant 16 : i32
      %mul3A_446 = arith.muli %scan3A_384, %mul3A_445 : i32
      %add3A_447 = arith.constant 18432 : i32
      %add3A_448 = arith.addi %add3A_447, %mul3A_446 : i32
      %get3A_449 = arith.index_cast %add3A_448 : i32 to index
      %get3A_450 = tpu.vector_load %arg6[%get3A_449] {strides = array<i32>} : memref<32768xi32, #tpu.memory_space<vmem>>, vector<16xi32>,
      %add3A_451 = arith.addi %add3A_444, %get3A_450 : vector<16xi32>
      %mul3A_452 = arith.constant 16 : i32
      %mul3A_453 = arith.muli %scan3A_384, %mul3A_452 : i32
      %add3A_454 = arith.constant 20480 : i32
      %add3A_455 = arith.addi %add3A_454, %mul3A_453 : i32
      %get3A_456 = arith.index_cast %add3A_455 : i32 to index
      %get3A_457 = tpu.vector_load %arg6[%get3A_456] {strides = array<i32>} : memref<32768xi32, #tpu.memory_space<vmem>>, vector<16xi32>,
      %add3A_458 = arith.addi %add3A_451, %get3A_457 : vector<16xi32>
      %mul3A_459 = arith.constant 16 : i32
      %mul3A_460 = arith.muli %scan3A_384, %mul3A_459 : i32
      %add3A_461 = arith.constant 22528 : i32
      %add3A_462 = arith.addi %add3A_461, %mul3A_460 : i32
      %get3A_463 = arith.index_cast %add3A_462 : i32 to index
      %get3A_464 = tpu.vector_load %arg6[%get3A_463] {strides = array<i32>} : memref<32768xi32, #tpu.memory_space<vmem>>, vector<16xi32>,
      %add3A_465 = arith.addi %add3A_458, %get3A_464 : vector<16xi32>
      %mul3A_466 = arith.constant 16 : i32
      %mul3A_467 = arith.muli %scan3A_384, %mul3A_466 : i32
      %add3A_468 = arith.constant 24576 : i32
      %add3A_469 = arith.addi %add3A_468, %mul3A_467 : i32
      %get3A_470 = arith.index_cast %add3A_469 : i32 to index
      %get3A_471 = tpu.vector_load %arg6[%get3A_470] {strides = array<i32>} : memref<32768xi32, #tpu.memory_space<vmem>>, vector<16xi32>,
      %add3A_472 = arith.addi %add3A_465, %get3A_471 : vector<16xi32>
      %mul3A_473 = arith.constant 16 : i32
      %mul3A_474 = arith.muli %scan3A_384, %mul3A_473 : i32
      %add3A_475 = arith.constant 26624 : i32
      %add3A_476 = arith.addi %add3A_475, %mul3A_474 : i32
      %get3A_477 = arith.index_cast %add3A_476 : i32 to index
      %get3A_478 = tpu.vector_load %arg6[%get3A_477] {strides = array<i32>} : memref<32768xi32, #tpu.memory_space<vmem>>, vector<16xi32>,
      %add3A_479 = arith.addi %add3A_472, %get3A_478 : vector<16xi32>
      %mul3A_480 = arith.constant 16 : i32
      %mul3A_481 = arith.muli %scan3A_384, %mul3A_480 : i32
      %add3A_482 = arith.constant 28672 : i32
      %add3A_483 = arith.addi %add3A_482, %mul3A_481 : i32
      %get3A_484 = arith.index_cast %add3A_483 : i32 to index
      %get3A_485 = tpu.vector_load %arg6[%get3A_484] {strides = array<i32>} : memref<32768xi32, #tpu.memory_space<vmem>>, vector<16xi32>,
      %add3A_486 = arith.addi %add3A_479, %get3A_485 : vector<16xi32>
      %mul3A_487 = arith.constant 16 : i32
      %mul3A_488 = arith.muli %scan3A_384, %mul3A_487 : i32
      %add3A_489 = arith.constant 30720 : i32
      %add3A_490 = arith.addi %add3A_489, %mul3A_488 : i32
      %get3A_491 = arith.index_cast %add3A_490 : i32 to index
      %get3A_492 = tpu.vector_load %arg6[%get3A_491] {strides = array<i32>} : memref<32768xi32, #tpu.memory_space<vmem>>, vector<16xi32>,
      %add3A_493 = arith.addi %add3A_486, %get3A_492 : vector<16xi32>
      %mul3A_494 = arith.constant 16 : i32
      %mul3A_495 = arith.muli %scan3A_384, %mul3A_494 : i32
      %swap3A_496 = arith.index_cast %mul3A_495 : i32 to index
      %swap3A_497 = tpu.vector_load %arg7[%swap3A_496] {strides = array<i32>} : memref<2048xi32, #tpu.memory_space<vmem>>, vector<16xi32>,
      tpu.vector_store %arg7[%swap3A_496], %add3A_493 {strides = array<i32>} : memref<2048xi32, #tpu.memory_space<vmem>>, vector<16xi32>,
      %scan3A_498 = arith.constant 0 : i32
      scf.yield %scan3A_498 : i32
    }
    %scan3A_35 = arith.constant 128 : i32
    "tpu.region"() ({
      %run_scoped3A_36 = tpu.sem_alloc : memref<!tpu.dma_semaphore, #tpu.memory_space<semaphore_mem>>
      %dma_start3A = arith.constant 0 : i32
      %dma_start3A_37 = tpu.memref_slice %arg4[%add3A, %dma_start3A] : memref<32x2048xi32, #tpu.memory_space<hbm>> -> memref<1x2048xi32, #tpu.memory_space<hbm>>
      %dma_start3A_38 = tpu.memref_squeeze %dma_start3A_37 : memref<1x2048xi32, #tpu.memory_space<hbm>> -> memref<2048xi32, #tpu.memory_space<hbm>>
      %dma_start3A_39 = arith.constant 0 : i32
      %dma_start3A_40 = tpu.memref_slice %arg4[%add3A, %dma_start3A_39] : memref<32x2048xi32, #tpu.memory_space<hbm>> -> memref<1x2048xi32, #tpu.memory_space<hbm>>
      %dma_start3A_41 = tpu.memref_squeeze %dma_start3A_40 : memref<1x2048xi32, #tpu.memory_space<hbm>> -> memref<2048xi32, #tpu.memory_space<hbm>>
      tpu.enqueue_dma source(%arg7 : memref<2048xi32, #tpu.memory_space<vmem>>) target(%dma_start3A_41 : memref<2048xi32, #tpu.memory_space<hbm>>) target_semaphore(%run_scoped3A_36 : memref<!tpu.dma_semaphore, #tpu.memory_space<semaphore_mem>>)
      %dma_wait3A = arith.constant 0 : i32
      %dma_wait3A_42 = tpu.memref_slice %arg4[%add3A, %dma_wait3A] : memref<32x2048xi32, #tpu.memory_space<hbm>> -> memref<1x2048xi32, #tpu.memory_space<hbm>>
      %dma_wait3A_43 = tpu.memref_squeeze %dma_wait3A_42 : memref<1x2048xi32, #tpu.memory_space<hbm>> -> memref<2048xi32, #tpu.memory_space<hbm>>
      %dma_wait3A_44 = arith.constant 0 : i32
      %dma_wait3A_45 = tpu.memref_slice %arg4[%add3A, %dma_wait3A_44] : memref<32x2048xi32, #tpu.memory_space<hbm>> -> memref<1x2048xi32, #tpu.memory_space<hbm>>
      %dma_wait3A_46 = tpu.memref_squeeze %dma_wait3A_45 : memref<1x2048xi32, #tpu.memory_space<hbm>> -> memref<2048xi32, #tpu.memory_space<hbm>>
      tpu.wait_dma2 semaphore(%run_scoped3A_36 : memref<!tpu.dma_semaphore, #tpu.memory_space<semaphore_mem>>) src(%arg7 : memref<2048xi32, #tpu.memory_space<vmem>>) dst(%dma_wait3A_46 : memref<2048xi32, #tpu.memory_space<hbm>>)
      tpu.yield
    }) : () -> ()
    return
  }
}

#map = affine_map<(d0, d1) -> (0)>
#map1 = affine_map<(d0, d1) -> (0, 0)>
module attributes {stable_mosaic.version = 14 : i64} {
  func.func @body(%arg0: i32, %arg1: i32, %arg2: memref<2097152xi32, #tpu.memory_space<hbm>>, %arg3: memref<32x2048xi32, #tpu.memory_space<hbm>>, %arg4: memref<65536xi32, #tpu.memory_space<vmem>>, %arg5: memref<32768xi32, #tpu.memory_space<vmem>>, %arg6: memref<2048xi32, #tpu.memory_space<vmem>>) attributes {dimension_semantics = [#tpu.dimension_semantics<core_parallel>, #tpu.dimension_semantics<subcore_parallel>], iteration_bounds = array<i64: 2, 16>, scalar_prefetch = 0 : i64, scratch_operands = 3 : i64, tpu.core_type = #tpu.core_type<sc_vector_subcore>, window_params = [{transform_indices = #map}, {transform_indices = #map1}]} {
    %mul3A = arith.constant 2 : i32
    %mul3A_0 = arith.muli %arg1, %mul3A : i32
    %add3A = arith.addi %mul3A_0, %arg0 : i32
    %mul3A_1 = arith.constant 65536 : i32
    %mul3A_2 = arith.muli %add3A, %mul3A_1 : i32
    "tpu.region"() ({
      %run_scoped3A = tpu.sem_alloc : memref<!tpu.dma_semaphore, #tpu.memory_space<semaphore_mem>>
      %dma_start3A = tpu.memref_slice %arg2[%mul3A_2] : memref<2097152xi32, #tpu.memory_space<hbm>> -> memref<65536xi32, #tpu.memory_space<hbm>>
      %dma_start3A_33 = tpu.memref_slice %arg2[%mul3A_2] : memref<2097152xi32, #tpu.memory_space<hbm>> -> memref<65536xi32, #tpu.memory_space<hbm>>
      tpu.enqueue_dma source(%dma_start3A_33 : memref<65536xi32, #tpu.memory_space<hbm>>) target(%arg4 : memref<65536xi32, #tpu.memory_space<vmem>>) target_semaphore(%run_scoped3A : memref<!tpu.dma_semaphore, #tpu.memory_space<semaphore_mem>>)
      %dma_wait3A = tpu.memref_slice %arg2[%mul3A_2] : memref<2097152xi32, #tpu.memory_space<hbm>> -> memref<65536xi32, #tpu.memory_space<hbm>>
      %dma_wait3A_34 = tpu.memref_slice %arg2[%mul3A_2] : memref<2097152xi32, #tpu.memory_space<hbm>> -> memref<65536xi32, #tpu.memory_space<hbm>>
      tpu.wait_dma2 semaphore(%run_scoped3A : memref<!tpu.dma_semaphore, #tpu.memory_space<semaphore_mem>>) src(%dma_wait3A_34 : memref<65536xi32, #tpu.memory_space<hbm>>) dst(%arg4 : memref<65536xi32, #tpu.memory_space<vmem>>)
      tpu.yield
    }) : () -> ()
    %broadcast_in_dim3A = arith.constant 0 : i32
    %broadcast_in_dim3A_3 = vector.broadcast %broadcast_in_dim3A : i32 to vector<16xi32>
    %scan3A = arith.constant 0 : i32
    %scan3A_4 = arith.constant 0 : i32
    %scan3A_5 = arith.constant 2048 : i32
    %scan3A_6 = arith.addi %scan3A_4, %scan3A_5 : i32
    %scan3A_7 = arith.constant 8 : i32
    %scan3A_8 = scf.for %scan3A_33 = %scan3A_4 to %scan3A_6 step %scan3A_7 iter_args(%scan3A_34 = %scan3A) -> (i32)  : i32 {
      %mul3A_35 = arith.constant 16 : i32
      %mul3A_36 = arith.muli %scan3A_33, %mul3A_35 : i32
      %swap3A = arith.index_cast %mul3A_36 : i32 to index
      %swap3A_37 = tpu.vector_load %arg5[%swap3A] {strides = array<i32>} : memref<32768xi32, #tpu.memory_space<vmem>>, vector<16xi32>,
      tpu.vector_store %arg5[%swap3A], %broadcast_in_dim3A_3 {strides = array<i32>} : memref<32768xi32, #tpu.memory_space<vmem>>, vector<16xi32>,
      %scan3A_38 = arith.constant 0 : i32
      %scan3A_39 = arith.constant 1 : i32
      %scan3A_40 = arith.addi %scan3A_33, %scan3A_39 : i32
      %mul3A_41 = arith.constant 16 : i32
      %mul3A_42 = arith.muli %scan3A_40, %mul3A_41 : i32
      %swap3A_43 = arith.index_cast %mul3A_42 : i32 to index
      %swap3A_44 = tpu.vector_load %arg5[%swap3A_43] {strides = array<i32>} : memref<32768xi32, #tpu.memory_space<vmem>>, vector<16xi32>,
      tpu.vector_store %arg5[%swap3A_43], %broadcast_in_dim3A_3 {strides = array<i32>} : memref<32768xi32, #tpu.memory_space<vmem>>, vector<16xi32>,
      %scan3A_45 = arith.constant 0 : i32
      %scan3A_46 = arith.constant 2 : i32
      %scan3A_47 = arith.addi %scan3A_33, %scan3A_46 : i32
      %mul3A_48 = arith.constant 16 : i32
      %mul3A_49 = arith.muli %scan3A_47, %mul3A_48 : i32
      %swap3A_50 = arith.index_cast %mul3A_49 : i32 to index
      %swap3A_51 = tpu.vector_load %arg5[%swap3A_50] {strides = array<i32>} : memref<32768xi32, #tpu.memory_space<vmem>>, vector<16xi32>,
      tpu.vector_store %arg5[%swap3A_50], %broadcast_in_dim3A_3 {strides = array<i32>} : memref<32768xi32, #tpu.memory_space<vmem>>, vector<16xi32>,
      %scan3A_52 = arith.constant 0 : i32
      %scan3A_53 = arith.constant 3 : i32
      %scan3A_54 = arith.addi %scan3A_33, %scan3A_53 : i32
      %mul3A_55 = arith.constant 16 : i32
      %mul3A_56 = arith.muli %scan3A_54, %mul3A_55 : i32
      %swap3A_57 = arith.index_cast %mul3A_56 : i32 to index
      %swap3A_58 = tpu.vector_load %arg5[%swap3A_57] {strides = array<i32>} : memref<32768xi32, #tpu.memory_space<vmem>>, vector<16xi32>,
      tpu.vector_store %arg5[%swap3A_57], %broadcast_in_dim3A_3 {strides = array<i32>} : memref<32768xi32, #tpu.memory_space<vmem>>, vector<16xi32>,
      %scan3A_59 = arith.constant 0 : i32
      %scan3A_60 = arith.constant 4 : i32
      %scan3A_61 = arith.addi %scan3A_33, %scan3A_60 : i32
      %mul3A_62 = arith.constant 16 : i32
      %mul3A_63 = arith.muli %scan3A_61, %mul3A_62 : i32
      %swap3A_64 = arith.index_cast %mul3A_63 : i32 to index
      %swap3A_65 = tpu.vector_load %arg5[%swap3A_64] {strides = array<i32>} : memref<32768xi32, #tpu.memory_space<vmem>>, vector<16xi32>,
      tpu.vector_store %arg5[%swap3A_64], %broadcast_in_dim3A_3 {strides = array<i32>} : memref<32768xi32, #tpu.memory_space<vmem>>, vector<16xi32>,
      %scan3A_66 = arith.constant 0 : i32
      %scan3A_67 = arith.constant 5 : i32
      %scan3A_68 = arith.addi %scan3A_33, %scan3A_67 : i32
      %mul3A_69 = arith.constant 16 : i32
      %mul3A_70 = arith.muli %scan3A_68, %mul3A_69 : i32
      %swap3A_71 = arith.index_cast %mul3A_70 : i32 to index
      %swap3A_72 = tpu.vector_load %arg5[%swap3A_71] {strides = array<i32>} : memref<32768xi32, #tpu.memory_space<vmem>>, vector<16xi32>,
      tpu.vector_store %arg5[%swap3A_71], %broadcast_in_dim3A_3 {strides = array<i32>} : memref<32768xi32, #tpu.memory_space<vmem>>, vector<16xi32>,
      %scan3A_73 = arith.constant 0 : i32
      %scan3A_74 = arith.constant 6 : i32
      %scan3A_75 = arith.addi %scan3A_33, %scan3A_74 : i32
      %mul3A_76 = arith.constant 16 : i32
      %mul3A_77 = arith.muli %scan3A_75, %mul3A_76 : i32
      %swap3A_78 = arith.index_cast %mul3A_77 : i32 to index
      %swap3A_79 = tpu.vector_load %arg5[%swap3A_78] {strides = array<i32>} : memref<32768xi32, #tpu.memory_space<vmem>>, vector<16xi32>,
      tpu.vector_store %arg5[%swap3A_78], %broadcast_in_dim3A_3 {strides = array<i32>} : memref<32768xi32, #tpu.memory_space<vmem>>, vector<16xi32>,
      %scan3A_80 = arith.constant 0 : i32
      %scan3A_81 = arith.constant 7 : i32
      %scan3A_82 = arith.addi %scan3A_33, %scan3A_81 : i32
      %mul3A_83 = arith.constant 16 : i32
      %mul3A_84 = arith.muli %scan3A_82, %mul3A_83 : i32
      %swap3A_85 = arith.index_cast %mul3A_84 : i32 to index
      %swap3A_86 = tpu.vector_load %arg5[%swap3A_85] {strides = array<i32>} : memref<32768xi32, #tpu.memory_space<vmem>>, vector<16xi32>,
      tpu.vector_store %arg5[%swap3A_85], %broadcast_in_dim3A_3 {strides = array<i32>} : memref<32768xi32, #tpu.memory_space<vmem>>, vector<16xi32>,
      %scan3A_87 = arith.constant 0 : i32
      scf.yield %scan3A_87 : i32
    }
    %scan3A_9 = arith.constant 2048 : i32
    %iota3A = tpu.iota {dimensions = array<i32: 0>} : vector<16xi32>
    %mul3A_10 = arith.constant 2048 : i32
    %mul3A_11 = vector.broadcast %mul3A_10 : i32 to vector<16xi32>
    %mul3A_12 = arith.muli %iota3A, %mul3A_11 : vector<16xi32>
    %broadcast_in_dim3A_13 = arith.constant 1 : i32
    %broadcast_in_dim3A_14 = vector.broadcast %broadcast_in_dim3A_13 : i32 to vector<16xi32>
    %broadcast_in_dim3A_15 = arith.constant 21 : i32
    %broadcast_in_dim3A_16 = vector.broadcast %broadcast_in_dim3A_15 : i32 to vector<16xi32>
    %broadcast_in_dim3A_17 = arith.constant 2047 : i32
    %broadcast_in_dim3A_18 = vector.broadcast %broadcast_in_dim3A_17 : i32 to vector<16xi32>
    %scan3A_19 = arith.constant 0 : i32
    %scan3A_20 = arith.constant 0 : i32
    %scan3A_21 = arith.constant 4096 : i32
    %scan3A_22 = arith.addi %scan3A_20, %scan3A_21 : i32
    %scan3A_23 = arith.constant 8 : i32
    %scan3A_24 = scf.for %scan3A_33 = %scan3A_20 to %scan3A_22 step %scan3A_23 iter_args(%scan3A_34 = %scan3A_19) -> (i32)  : i32 {
      %mul3A_35 = arith.constant 16 : i32
      %mul3A_36 = arith.muli %scan3A_33, %mul3A_35 : i32
      %get3A = arith.index_cast %mul3A_36 : i32 to index
      %get3A_37 = tpu.vector_load %arg4[%get3A] {strides = array<i32>} : memref<65536xi32, #tpu.memory_space<vmem>>, vector<16xi32>,
      %shift_right_logical3A = arith.shrui %get3A_37, %broadcast_in_dim3A_16 : vector<16xi32>
      %and3A = arith.andi %shift_right_logical3A, %broadcast_in_dim3A_18 : vector<16xi32>
      %add3A_38 = arith.addi %and3A, %mul3A_12 : vector<16xi32>
      tpu.vector_store_idx %arg5[%add3A_38], %broadcast_in_dim3A_14 {add = true} : memref<32768xi32, #tpu.memory_space<vmem>>[vector<16xi32>], vector<16xi32>,
      %scan3A_39 = arith.constant 0 : i32
      %scan3A_40 = arith.constant 1 : i32
      %scan3A_41 = arith.addi %scan3A_33, %scan3A_40 : i32
      %mul3A_42 = arith.constant 16 : i32
      %mul3A_43 = arith.muli %scan3A_41, %mul3A_42 : i32
      %get3A_44 = arith.index_cast %mul3A_43 : i32 to index
      %get3A_45 = tpu.vector_load %arg4[%get3A_44] {strides = array<i32>} : memref<65536xi32, #tpu.memory_space<vmem>>, vector<16xi32>,
      %shift_right_logical3A_46 = arith.shrui %get3A_45, %broadcast_in_dim3A_16 : vector<16xi32>
      %and3A_47 = arith.andi %shift_right_logical3A_46, %broadcast_in_dim3A_18 : vector<16xi32>
      %add3A_48 = arith.addi %and3A_47, %mul3A_12 : vector<16xi32>
      tpu.vector_store_idx %arg5[%add3A_48], %broadcast_in_dim3A_14 {add = true} : memref<32768xi32, #tpu.memory_space<vmem>>[vector<16xi32>], vector<16xi32>,
      %scan3A_49 = arith.constant 0 : i32
      %scan3A_50 = arith.constant 2 : i32
      %scan3A_51 = arith.addi %scan3A_33, %scan3A_50 : i32
      %mul3A_52 = arith.constant 16 : i32
      %mul3A_53 = arith.muli %scan3A_51, %mul3A_52 : i32
      %get3A_54 = arith.index_cast %mul3A_53 : i32 to index
      %get3A_55 = tpu.vector_load %arg4[%get3A_54] {strides = array<i32>} : memref<65536xi32, #tpu.memory_space<vmem>>, vector<16xi32>,
      %shift_right_logical3A_56 = arith.shrui %get3A_55, %broadcast_in_dim3A_16 : vector<16xi32>
      %and3A_57 = arith.andi %shift_right_logical3A_56, %broadcast_in_dim3A_18 : vector<16xi32>
      %add3A_58 = arith.addi %and3A_57, %mul3A_12 : vector<16xi32>
      tpu.vector_store_idx %arg5[%add3A_58], %broadcast_in_dim3A_14 {add = true} : memref<32768xi32, #tpu.memory_space<vmem>>[vector<16xi32>], vector<16xi32>,
      %scan3A_59 = arith.constant 0 : i32
      %scan3A_60 = arith.constant 3 : i32
      %scan3A_61 = arith.addi %scan3A_33, %scan3A_60 : i32
      %mul3A_62 = arith.constant 16 : i32
      %mul3A_63 = arith.muli %scan3A_61, %mul3A_62 : i32
      %get3A_64 = arith.index_cast %mul3A_63 : i32 to index
      %get3A_65 = tpu.vector_load %arg4[%get3A_64] {strides = array<i32>} : memref<65536xi32, #tpu.memory_space<vmem>>, vector<16xi32>,
      %shift_right_logical3A_66 = arith.shrui %get3A_65, %broadcast_in_dim3A_16 : vector<16xi32>
      %and3A_67 = arith.andi %shift_right_logical3A_66, %broadcast_in_dim3A_18 : vector<16xi32>
      %add3A_68 = arith.addi %and3A_67, %mul3A_12 : vector<16xi32>
      tpu.vector_store_idx %arg5[%add3A_68], %broadcast_in_dim3A_14 {add = true} : memref<32768xi32, #tpu.memory_space<vmem>>[vector<16xi32>], vector<16xi32>,
      %scan3A_69 = arith.constant 0 : i32
      %scan3A_70 = arith.constant 4 : i32
      %scan3A_71 = arith.addi %scan3A_33, %scan3A_70 : i32
      %mul3A_72 = arith.constant 16 : i32
      %mul3A_73 = arith.muli %scan3A_71, %mul3A_72 : i32
      %get3A_74 = arith.index_cast %mul3A_73 : i32 to index
      %get3A_75 = tpu.vector_load %arg4[%get3A_74] {strides = array<i32>} : memref<65536xi32, #tpu.memory_space<vmem>>, vector<16xi32>,
      %shift_right_logical3A_76 = arith.shrui %get3A_75, %broadcast_in_dim3A_16 : vector<16xi32>
      %and3A_77 = arith.andi %shift_right_logical3A_76, %broadcast_in_dim3A_18 : vector<16xi32>
      %add3A_78 = arith.addi %and3A_77, %mul3A_12 : vector<16xi32>
      tpu.vector_store_idx %arg5[%add3A_78], %broadcast_in_dim3A_14 {add = true} : memref<32768xi32, #tpu.memory_space<vmem>>[vector<16xi32>], vector<16xi32>,
      %scan3A_79 = arith.constant 0 : i32
      %scan3A_80 = arith.constant 5 : i32
      %scan3A_81 = arith.addi %scan3A_33, %scan3A_80 : i32
      %mul3A_82 = arith.constant 16 : i32
      %mul3A_83 = arith.muli %scan3A_81, %mul3A_82 : i32
      %get3A_84 = arith.index_cast %mul3A_83 : i32 to index
      %get3A_85 = tpu.vector_load %arg4[%get3A_84] {strides = array<i32>} : memref<65536xi32, #tpu.memory_space<vmem>>, vector<16xi32>,
      %shift_right_logical3A_86 = arith.shrui %get3A_85, %broadcast_in_dim3A_16 : vector<16xi32>
      %and3A_87 = arith.andi %shift_right_logical3A_86, %broadcast_in_dim3A_18 : vector<16xi32>
      %add3A_88 = arith.addi %and3A_87, %mul3A_12 : vector<16xi32>
      tpu.vector_store_idx %arg5[%add3A_88], %broadcast_in_dim3A_14 {add = true} : memref<32768xi32, #tpu.memory_space<vmem>>[vector<16xi32>], vector<16xi32>,
      %scan3A_89 = arith.constant 0 : i32
      %scan3A_90 = arith.constant 6 : i32
      %scan3A_91 = arith.addi %scan3A_33, %scan3A_90 : i32
      %mul3A_92 = arith.constant 16 : i32
      %mul3A_93 = arith.muli %scan3A_91, %mul3A_92 : i32
      %get3A_94 = arith.index_cast %mul3A_93 : i32 to index
      %get3A_95 = tpu.vector_load %arg4[%get3A_94] {strides = array<i32>} : memref<65536xi32, #tpu.memory_space<vmem>>, vector<16xi32>,
      %shift_right_logical3A_96 = arith.shrui %get3A_95, %broadcast_in_dim3A_16 : vector<16xi32>
      %and3A_97 = arith.andi %shift_right_logical3A_96, %broadcast_in_dim3A_18 : vector<16xi32>
      %add3A_98 = arith.addi %and3A_97, %mul3A_12 : vector<16xi32>
      tpu.vector_store_idx %arg5[%add3A_98], %broadcast_in_dim3A_14 {add = true} : memref<32768xi32, #tpu.memory_space<vmem>>[vector<16xi32>], vector<16xi32>,
      %scan3A_99 = arith.constant 0 : i32
      %scan3A_100 = arith.constant 7 : i32
      %scan3A_101 = arith.addi %scan3A_33, %scan3A_100 : i32
      %mul3A_102 = arith.constant 16 : i32
      %mul3A_103 = arith.muli %scan3A_101, %mul3A_102 : i32
      %get3A_104 = arith.index_cast %mul3A_103 : i32 to index
      %get3A_105 = tpu.vector_load %arg4[%get3A_104] {strides = array<i32>} : memref<65536xi32, #tpu.memory_space<vmem>>, vector<16xi32>,
      %shift_right_logical3A_106 = arith.shrui %get3A_105, %broadcast_in_dim3A_16 : vector<16xi32>
      %and3A_107 = arith.andi %shift_right_logical3A_106, %broadcast_in_dim3A_18 : vector<16xi32>
      %add3A_108 = arith.addi %and3A_107, %mul3A_12 : vector<16xi32>
      tpu.vector_store_idx %arg5[%add3A_108], %broadcast_in_dim3A_14 {add = true} : memref<32768xi32, #tpu.memory_space<vmem>>[vector<16xi32>], vector<16xi32>,
      %scan3A_109 = arith.constant 0 : i32
      scf.yield %scan3A_109 : i32
    }
    %scan3A_25 = arith.constant 4096 : i32
    %scan3A_26 = arith.constant 0 : i32
    %scan3A_27 = arith.constant 0 : i32
    %scan3A_28 = arith.constant 128 : i32
    %scan3A_29 = arith.addi %scan3A_27, %scan3A_28 : i32
    %scan3A_30 = arith.constant 4 : i32
    %scan3A_31 = scf.for %scan3A_33 = %scan3A_27 to %scan3A_29 step %scan3A_30 iter_args(%scan3A_34 = %scan3A_26) -> (i32)  : i32 {
      %mul3A_35 = arith.constant 16 : i32
      %mul3A_36 = arith.muli %scan3A_33, %mul3A_35 : i32
      %get3A = arith.index_cast %mul3A_36 : i32 to index
      %get3A_37 = tpu.vector_load %arg5[%get3A] {strides = array<i32>} : memref<32768xi32, #tpu.memory_space<vmem>>, vector<16xi32>,
      %mul3A_38 = arith.constant 16 : i32
      %mul3A_39 = arith.muli %scan3A_33, %mul3A_38 : i32
      %add3A_40 = arith.constant 2048 : i32
      %add3A_41 = arith.addi %add3A_40, %mul3A_39 : i32
      %get3A_42 = arith.index_cast %add3A_41 : i32 to index
      %get3A_43 = tpu.vector_load %arg5[%get3A_42] {strides = array<i32>} : memref<32768xi32, #tpu.memory_space<vmem>>, vector<16xi32>,
      %add3A_44 = arith.addi %get3A_37, %get3A_43 : vector<16xi32>
      %mul3A_45 = arith.constant 16 : i32
      %mul3A_46 = arith.muli %scan3A_33, %mul3A_45 : i32
      %add3A_47 = arith.constant 4096 : i32
      %add3A_48 = arith.addi %add3A_47, %mul3A_46 : i32
      %get3A_49 = arith.index_cast %add3A_48 : i32 to index
      %get3A_50 = tpu.vector_load %arg5[%get3A_49] {strides = array<i32>} : memref<32768xi32, #tpu.memory_space<vmem>>, vector<16xi32>,
      %add3A_51 = arith.addi %add3A_44, %get3A_50 : vector<16xi32>
      %mul3A_52 = arith.constant 16 : i32
      %mul3A_53 = arith.muli %scan3A_33, %mul3A_52 : i32
      %add3A_54 = arith.constant 6144 : i32
      %add3A_55 = arith.addi %add3A_54, %mul3A_53 : i32
      %get3A_56 = arith.index_cast %add3A_55 : i32 to index
      %get3A_57 = tpu.vector_load %arg5[%get3A_56] {strides = array<i32>} : memref<32768xi32, #tpu.memory_space<vmem>>, vector<16xi32>,
      %add3A_58 = arith.addi %add3A_51, %get3A_57 : vector<16xi32>
      %mul3A_59 = arith.constant 16 : i32
      %mul3A_60 = arith.muli %scan3A_33, %mul3A_59 : i32
      %add3A_61 = arith.constant 8192 : i32
      %add3A_62 = arith.addi %add3A_61, %mul3A_60 : i32
      %get3A_63 = arith.index_cast %add3A_62 : i32 to index
      %get3A_64 = tpu.vector_load %arg5[%get3A_63] {strides = array<i32>} : memref<32768xi32, #tpu.memory_space<vmem>>, vector<16xi32>,
      %add3A_65 = arith.addi %add3A_58, %get3A_64 : vector<16xi32>
      %mul3A_66 = arith.constant 16 : i32
      %mul3A_67 = arith.muli %scan3A_33, %mul3A_66 : i32
      %add3A_68 = arith.constant 10240 : i32
      %add3A_69 = arith.addi %add3A_68, %mul3A_67 : i32
      %get3A_70 = arith.index_cast %add3A_69 : i32 to index
      %get3A_71 = tpu.vector_load %arg5[%get3A_70] {strides = array<i32>} : memref<32768xi32, #tpu.memory_space<vmem>>, vector<16xi32>,
      %add3A_72 = arith.addi %add3A_65, %get3A_71 : vector<16xi32>
      %mul3A_73 = arith.constant 16 : i32
      %mul3A_74 = arith.muli %scan3A_33, %mul3A_73 : i32
      %add3A_75 = arith.constant 12288 : i32
      %add3A_76 = arith.addi %add3A_75, %mul3A_74 : i32
      %get3A_77 = arith.index_cast %add3A_76 : i32 to index
      %get3A_78 = tpu.vector_load %arg5[%get3A_77] {strides = array<i32>} : memref<32768xi32, #tpu.memory_space<vmem>>, vector<16xi32>,
      %add3A_79 = arith.addi %add3A_72, %get3A_78 : vector<16xi32>
      %mul3A_80 = arith.constant 16 : i32
      %mul3A_81 = arith.muli %scan3A_33, %mul3A_80 : i32
      %add3A_82 = arith.constant 14336 : i32
      %add3A_83 = arith.addi %add3A_82, %mul3A_81 : i32
      %get3A_84 = arith.index_cast %add3A_83 : i32 to index
      %get3A_85 = tpu.vector_load %arg5[%get3A_84] {strides = array<i32>} : memref<32768xi32, #tpu.memory_space<vmem>>, vector<16xi32>,
      %add3A_86 = arith.addi %add3A_79, %get3A_85 : vector<16xi32>
      %mul3A_87 = arith.constant 16 : i32
      %mul3A_88 = arith.muli %scan3A_33, %mul3A_87 : i32
      %add3A_89 = arith.constant 16384 : i32
      %add3A_90 = arith.addi %add3A_89, %mul3A_88 : i32
      %get3A_91 = arith.index_cast %add3A_90 : i32 to index
      %get3A_92 = tpu.vector_load %arg5[%get3A_91] {strides = array<i32>} : memref<32768xi32, #tpu.memory_space<vmem>>, vector<16xi32>,
      %add3A_93 = arith.addi %add3A_86, %get3A_92 : vector<16xi32>
      %mul3A_94 = arith.constant 16 : i32
      %mul3A_95 = arith.muli %scan3A_33, %mul3A_94 : i32
      %add3A_96 = arith.constant 18432 : i32
      %add3A_97 = arith.addi %add3A_96, %mul3A_95 : i32
      %get3A_98 = arith.index_cast %add3A_97 : i32 to index
      %get3A_99 = tpu.vector_load %arg5[%get3A_98] {strides = array<i32>} : memref<32768xi32, #tpu.memory_space<vmem>>, vector<16xi32>,
      %add3A_100 = arith.addi %add3A_93, %get3A_99 : vector<16xi32>
      %mul3A_101 = arith.constant 16 : i32
      %mul3A_102 = arith.muli %scan3A_33, %mul3A_101 : i32
      %add3A_103 = arith.constant 20480 : i32
      %add3A_104 = arith.addi %add3A_103, %mul3A_102 : i32
      %get3A_105 = arith.index_cast %add3A_104 : i32 to index
      %get3A_106 = tpu.vector_load %arg5[%get3A_105] {strides = array<i32>} : memref<32768xi32, #tpu.memory_space<vmem>>, vector<16xi32>,
      %add3A_107 = arith.addi %add3A_100, %get3A_106 : vector<16xi32>
      %mul3A_108 = arith.constant 16 : i32
      %mul3A_109 = arith.muli %scan3A_33, %mul3A_108 : i32
      %add3A_110 = arith.constant 22528 : i32
      %add3A_111 = arith.addi %add3A_110, %mul3A_109 : i32
      %get3A_112 = arith.index_cast %add3A_111 : i32 to index
      %get3A_113 = tpu.vector_load %arg5[%get3A_112] {strides = array<i32>} : memref<32768xi32, #tpu.memory_space<vmem>>, vector<16xi32>,
      %add3A_114 = arith.addi %add3A_107, %get3A_113 : vector<16xi32>
      %mul3A_115 = arith.constant 16 : i32
      %mul3A_116 = arith.muli %scan3A_33, %mul3A_115 : i32
      %add3A_117 = arith.constant 24576 : i32
      %add3A_118 = arith.addi %add3A_117, %mul3A_116 : i32
      %get3A_119 = arith.index_cast %add3A_118 : i32 to index
      %get3A_120 = tpu.vector_load %arg5[%get3A_119] {strides = array<i32>} : memref<32768xi32, #tpu.memory_space<vmem>>, vector<16xi32>,
      %add3A_121 = arith.addi %add3A_114, %get3A_120 : vector<16xi32>
      %mul3A_122 = arith.constant 16 : i32
      %mul3A_123 = arith.muli %scan3A_33, %mul3A_122 : i32
      %add3A_124 = arith.constant 26624 : i32
      %add3A_125 = arith.addi %add3A_124, %mul3A_123 : i32
      %get3A_126 = arith.index_cast %add3A_125 : i32 to index
      %get3A_127 = tpu.vector_load %arg5[%get3A_126] {strides = array<i32>} : memref<32768xi32, #tpu.memory_space<vmem>>, vector<16xi32>,
      %add3A_128 = arith.addi %add3A_121, %get3A_127 : vector<16xi32>
      %mul3A_129 = arith.constant 16 : i32
      %mul3A_130 = arith.muli %scan3A_33, %mul3A_129 : i32
      %add3A_131 = arith.constant 28672 : i32
      %add3A_132 = arith.addi %add3A_131, %mul3A_130 : i32
      %get3A_133 = arith.index_cast %add3A_132 : i32 to index
      %get3A_134 = tpu.vector_load %arg5[%get3A_133] {strides = array<i32>} : memref<32768xi32, #tpu.memory_space<vmem>>, vector<16xi32>,
      %add3A_135 = arith.addi %add3A_128, %get3A_134 : vector<16xi32>
      %mul3A_136 = arith.constant 16 : i32
      %mul3A_137 = arith.muli %scan3A_33, %mul3A_136 : i32
      %add3A_138 = arith.constant 30720 : i32
      %add3A_139 = arith.addi %add3A_138, %mul3A_137 : i32
      %get3A_140 = arith.index_cast %add3A_139 : i32 to index
      %get3A_141 = tpu.vector_load %arg5[%get3A_140] {strides = array<i32>} : memref<32768xi32, #tpu.memory_space<vmem>>, vector<16xi32>,
      %add3A_142 = arith.addi %add3A_135, %get3A_141 : vector<16xi32>
      %mul3A_143 = arith.constant 16 : i32
      %mul3A_144 = arith.muli %scan3A_33, %mul3A_143 : i32
      %swap3A = arith.index_cast %mul3A_144 : i32 to index
      %swap3A_145 = tpu.vector_load %arg6[%swap3A] {strides = array<i32>} : memref<2048xi32, #tpu.memory_space<vmem>>, vector<16xi32>,
      tpu.vector_store %arg6[%swap3A], %add3A_142 {strides = array<i32>} : memref<2048xi32, #tpu.memory_space<vmem>>, vector<16xi32>,
      %scan3A_146 = arith.constant 0 : i32
      %scan3A_147 = arith.constant 1 : i32
      %scan3A_148 = arith.addi %scan3A_33, %scan3A_147 : i32
      %mul3A_149 = arith.constant 16 : i32
      %mul3A_150 = arith.muli %scan3A_148, %mul3A_149 : i32
      %get3A_151 = arith.index_cast %mul3A_150 : i32 to index
      %get3A_152 = tpu.vector_load %arg5[%get3A_151] {strides = array<i32>} : memref<32768xi32, #tpu.memory_space<vmem>>, vector<16xi32>,
      %mul3A_153 = arith.constant 16 : i32
      %mul3A_154 = arith.muli %scan3A_148, %mul3A_153 : i32
      %add3A_155 = arith.constant 2048 : i32
      %add3A_156 = arith.addi %add3A_155, %mul3A_154 : i32
      %get3A_157 = arith.index_cast %add3A_156 : i32 to index
      %get3A_158 = tpu.vector_load %arg5[%get3A_157] {strides = array<i32>} : memref<32768xi32, #tpu.memory_space<vmem>>, vector<16xi32>,
      %add3A_159 = arith.addi %get3A_152, %get3A_158 : vector<16xi32>
      %mul3A_160 = arith.constant 16 : i32
      %mul3A_161 = arith.muli %scan3A_148, %mul3A_160 : i32
      %add3A_162 = arith.constant 4096 : i32
      %add3A_163 = arith.addi %add3A_162, %mul3A_161 : i32
      %get3A_164 = arith.index_cast %add3A_163 : i32 to index
      %get3A_165 = tpu.vector_load %arg5[%get3A_164] {strides = array<i32>} : memref<32768xi32, #tpu.memory_space<vmem>>, vector<16xi32>,
      %add3A_166 = arith.addi %add3A_159, %get3A_165 : vector<16xi32>
      %mul3A_167 = arith.constant 16 : i32
      %mul3A_168 = arith.muli %scan3A_148, %mul3A_167 : i32
      %add3A_169 = arith.constant 6144 : i32
      %add3A_170 = arith.addi %add3A_169, %mul3A_168 : i32
      %get3A_171 = arith.index_cast %add3A_170 : i32 to index
      %get3A_172 = tpu.vector_load %arg5[%get3A_171] {strides = array<i32>} : memref<32768xi32, #tpu.memory_space<vmem>>, vector<16xi32>,
      %add3A_173 = arith.addi %add3A_166, %get3A_172 : vector<16xi32>
      %mul3A_174 = arith.constant 16 : i32
      %mul3A_175 = arith.muli %scan3A_148, %mul3A_174 : i32
      %add3A_176 = arith.constant 8192 : i32
      %add3A_177 = arith.addi %add3A_176, %mul3A_175 : i32
      %get3A_178 = arith.index_cast %add3A_177 : i32 to index
      %get3A_179 = tpu.vector_load %arg5[%get3A_178] {strides = array<i32>} : memref<32768xi32, #tpu.memory_space<vmem>>, vector<16xi32>,
      %add3A_180 = arith.addi %add3A_173, %get3A_179 : vector<16xi32>
      %mul3A_181 = arith.constant 16 : i32
      %mul3A_182 = arith.muli %scan3A_148, %mul3A_181 : i32
      %add3A_183 = arith.constant 10240 : i32
      %add3A_184 = arith.addi %add3A_183, %mul3A_182 : i32
      %get3A_185 = arith.index_cast %add3A_184 : i32 to index
      %get3A_186 = tpu.vector_load %arg5[%get3A_185] {strides = array<i32>} : memref<32768xi32, #tpu.memory_space<vmem>>, vector<16xi32>,
      %add3A_187 = arith.addi %add3A_180, %get3A_186 : vector<16xi32>
      %mul3A_188 = arith.constant 16 : i32
      %mul3A_189 = arith.muli %scan3A_148, %mul3A_188 : i32
      %add3A_190 = arith.constant 12288 : i32
      %add3A_191 = arith.addi %add3A_190, %mul3A_189 : i32
      %get3A_192 = arith.index_cast %add3A_191 : i32 to index
      %get3A_193 = tpu.vector_load %arg5[%get3A_192] {strides = array<i32>} : memref<32768xi32, #tpu.memory_space<vmem>>, vector<16xi32>,
      %add3A_194 = arith.addi %add3A_187, %get3A_193 : vector<16xi32>
      %mul3A_195 = arith.constant 16 : i32
      %mul3A_196 = arith.muli %scan3A_148, %mul3A_195 : i32
      %add3A_197 = arith.constant 14336 : i32
      %add3A_198 = arith.addi %add3A_197, %mul3A_196 : i32
      %get3A_199 = arith.index_cast %add3A_198 : i32 to index
      %get3A_200 = tpu.vector_load %arg5[%get3A_199] {strides = array<i32>} : memref<32768xi32, #tpu.memory_space<vmem>>, vector<16xi32>,
      %add3A_201 = arith.addi %add3A_194, %get3A_200 : vector<16xi32>
      %mul3A_202 = arith.constant 16 : i32
      %mul3A_203 = arith.muli %scan3A_148, %mul3A_202 : i32
      %add3A_204 = arith.constant 16384 : i32
      %add3A_205 = arith.addi %add3A_204, %mul3A_203 : i32
      %get3A_206 = arith.index_cast %add3A_205 : i32 to index
      %get3A_207 = tpu.vector_load %arg5[%get3A_206] {strides = array<i32>} : memref<32768xi32, #tpu.memory_space<vmem>>, vector<16xi32>,
      %add3A_208 = arith.addi %add3A_201, %get3A_207 : vector<16xi32>
      %mul3A_209 = arith.constant 16 : i32
      %mul3A_210 = arith.muli %scan3A_148, %mul3A_209 : i32
      %add3A_211 = arith.constant 18432 : i32
      %add3A_212 = arith.addi %add3A_211, %mul3A_210 : i32
      %get3A_213 = arith.index_cast %add3A_212 : i32 to index
      %get3A_214 = tpu.vector_load %arg5[%get3A_213] {strides = array<i32>} : memref<32768xi32, #tpu.memory_space<vmem>>, vector<16xi32>,
      %add3A_215 = arith.addi %add3A_208, %get3A_214 : vector<16xi32>
      %mul3A_216 = arith.constant 16 : i32
      %mul3A_217 = arith.muli %scan3A_148, %mul3A_216 : i32
      %add3A_218 = arith.constant 20480 : i32
      %add3A_219 = arith.addi %add3A_218, %mul3A_217 : i32
      %get3A_220 = arith.index_cast %add3A_219 : i32 to index
      %get3A_221 = tpu.vector_load %arg5[%get3A_220] {strides = array<i32>} : memref<32768xi32, #tpu.memory_space<vmem>>, vector<16xi32>,
      %add3A_222 = arith.addi %add3A_215, %get3A_221 : vector<16xi32>
      %mul3A_223 = arith.constant 16 : i32
      %mul3A_224 = arith.muli %scan3A_148, %mul3A_223 : i32
      %add3A_225 = arith.constant 22528 : i32
      %add3A_226 = arith.addi %add3A_225, %mul3A_224 : i32
      %get3A_227 = arith.index_cast %add3A_226 : i32 to index
      %get3A_228 = tpu.vector_load %arg5[%get3A_227] {strides = array<i32>} : memref<32768xi32, #tpu.memory_space<vmem>>, vector<16xi32>,
      %add3A_229 = arith.addi %add3A_222, %get3A_228 : vector<16xi32>
      %mul3A_230 = arith.constant 16 : i32
      %mul3A_231 = arith.muli %scan3A_148, %mul3A_230 : i32
      %add3A_232 = arith.constant 24576 : i32
      %add3A_233 = arith.addi %add3A_232, %mul3A_231 : i32
      %get3A_234 = arith.index_cast %add3A_233 : i32 to index
      %get3A_235 = tpu.vector_load %arg5[%get3A_234] {strides = array<i32>} : memref<32768xi32, #tpu.memory_space<vmem>>, vector<16xi32>,
      %add3A_236 = arith.addi %add3A_229, %get3A_235 : vector<16xi32>
      %mul3A_237 = arith.constant 16 : i32
      %mul3A_238 = arith.muli %scan3A_148, %mul3A_237 : i32
      %add3A_239 = arith.constant 26624 : i32
      %add3A_240 = arith.addi %add3A_239, %mul3A_238 : i32
      %get3A_241 = arith.index_cast %add3A_240 : i32 to index
      %get3A_242 = tpu.vector_load %arg5[%get3A_241] {strides = array<i32>} : memref<32768xi32, #tpu.memory_space<vmem>>, vector<16xi32>,
      %add3A_243 = arith.addi %add3A_236, %get3A_242 : vector<16xi32>
      %mul3A_244 = arith.constant 16 : i32
      %mul3A_245 = arith.muli %scan3A_148, %mul3A_244 : i32
      %add3A_246 = arith.constant 28672 : i32
      %add3A_247 = arith.addi %add3A_246, %mul3A_245 : i32
      %get3A_248 = arith.index_cast %add3A_247 : i32 to index
      %get3A_249 = tpu.vector_load %arg5[%get3A_248] {strides = array<i32>} : memref<32768xi32, #tpu.memory_space<vmem>>, vector<16xi32>,
      %add3A_250 = arith.addi %add3A_243, %get3A_249 : vector<16xi32>
      %mul3A_251 = arith.constant 16 : i32
      %mul3A_252 = arith.muli %scan3A_148, %mul3A_251 : i32
      %add3A_253 = arith.constant 30720 : i32
      %add3A_254 = arith.addi %add3A_253, %mul3A_252 : i32
      %get3A_255 = arith.index_cast %add3A_254 : i32 to index
      %get3A_256 = tpu.vector_load %arg5[%get3A_255] {strides = array<i32>} : memref<32768xi32, #tpu.memory_space<vmem>>, vector<16xi32>,
      %add3A_257 = arith.addi %add3A_250, %get3A_256 : vector<16xi32>
      %mul3A_258 = arith.constant 16 : i32
      %mul3A_259 = arith.muli %scan3A_148, %mul3A_258 : i32
      %swap3A_260 = arith.index_cast %mul3A_259 : i32 to index
      %swap3A_261 = tpu.vector_load %arg6[%swap3A_260] {strides = array<i32>} : memref<2048xi32, #tpu.memory_space<vmem>>, vector<16xi32>,
      tpu.vector_store %arg6[%swap3A_260], %add3A_257 {strides = array<i32>} : memref<2048xi32, #tpu.memory_space<vmem>>, vector<16xi32>,
      %scan3A_262 = arith.constant 0 : i32
      %scan3A_263 = arith.constant 2 : i32
      %scan3A_264 = arith.addi %scan3A_33, %scan3A_263 : i32
      %mul3A_265 = arith.constant 16 : i32
      %mul3A_266 = arith.muli %scan3A_264, %mul3A_265 : i32
      %get3A_267 = arith.index_cast %mul3A_266 : i32 to index
      %get3A_268 = tpu.vector_load %arg5[%get3A_267] {strides = array<i32>} : memref<32768xi32, #tpu.memory_space<vmem>>, vector<16xi32>,
      %mul3A_269 = arith.constant 16 : i32
      %mul3A_270 = arith.muli %scan3A_264, %mul3A_269 : i32
      %add3A_271 = arith.constant 2048 : i32
      %add3A_272 = arith.addi %add3A_271, %mul3A_270 : i32
      %get3A_273 = arith.index_cast %add3A_272 : i32 to index
      %get3A_274 = tpu.vector_load %arg5[%get3A_273] {strides = array<i32>} : memref<32768xi32, #tpu.memory_space<vmem>>, vector<16xi32>,
      %add3A_275 = arith.addi %get3A_268, %get3A_274 : vector<16xi32>
      %mul3A_276 = arith.constant 16 : i32
      %mul3A_277 = arith.muli %scan3A_264, %mul3A_276 : i32
      %add3A_278 = arith.constant 4096 : i32
      %add3A_279 = arith.addi %add3A_278, %mul3A_277 : i32
      %get3A_280 = arith.index_cast %add3A_279 : i32 to index
      %get3A_281 = tpu.vector_load %arg5[%get3A_280] {strides = array<i32>} : memref<32768xi32, #tpu.memory_space<vmem>>, vector<16xi32>,
      %add3A_282 = arith.addi %add3A_275, %get3A_281 : vector<16xi32>
      %mul3A_283 = arith.constant 16 : i32
      %mul3A_284 = arith.muli %scan3A_264, %mul3A_283 : i32
      %add3A_285 = arith.constant 6144 : i32
      %add3A_286 = arith.addi %add3A_285, %mul3A_284 : i32
      %get3A_287 = arith.index_cast %add3A_286 : i32 to index
      %get3A_288 = tpu.vector_load %arg5[%get3A_287] {strides = array<i32>} : memref<32768xi32, #tpu.memory_space<vmem>>, vector<16xi32>,
      %add3A_289 = arith.addi %add3A_282, %get3A_288 : vector<16xi32>
      %mul3A_290 = arith.constant 16 : i32
      %mul3A_291 = arith.muli %scan3A_264, %mul3A_290 : i32
      %add3A_292 = arith.constant 8192 : i32
      %add3A_293 = arith.addi %add3A_292, %mul3A_291 : i32
      %get3A_294 = arith.index_cast %add3A_293 : i32 to index
      %get3A_295 = tpu.vector_load %arg5[%get3A_294] {strides = array<i32>} : memref<32768xi32, #tpu.memory_space<vmem>>, vector<16xi32>,
      %add3A_296 = arith.addi %add3A_289, %get3A_295 : vector<16xi32>
      %mul3A_297 = arith.constant 16 : i32
      %mul3A_298 = arith.muli %scan3A_264, %mul3A_297 : i32
      %add3A_299 = arith.constant 10240 : i32
      %add3A_300 = arith.addi %add3A_299, %mul3A_298 : i32
      %get3A_301 = arith.index_cast %add3A_300 : i32 to index
      %get3A_302 = tpu.vector_load %arg5[%get3A_301] {strides = array<i32>} : memref<32768xi32, #tpu.memory_space<vmem>>, vector<16xi32>,
      %add3A_303 = arith.addi %add3A_296, %get3A_302 : vector<16xi32>
      %mul3A_304 = arith.constant 16 : i32
      %mul3A_305 = arith.muli %scan3A_264, %mul3A_304 : i32
      %add3A_306 = arith.constant 12288 : i32
      %add3A_307 = arith.addi %add3A_306, %mul3A_305 : i32
      %get3A_308 = arith.index_cast %add3A_307 : i32 to index
      %get3A_309 = tpu.vector_load %arg5[%get3A_308] {strides = array<i32>} : memref<32768xi32, #tpu.memory_space<vmem>>, vector<16xi32>,
      %add3A_310 = arith.addi %add3A_303, %get3A_309 : vector<16xi32>
      %mul3A_311 = arith.constant 16 : i32
      %mul3A_312 = arith.muli %scan3A_264, %mul3A_311 : i32
      %add3A_313 = arith.constant 14336 : i32
      %add3A_314 = arith.addi %add3A_313, %mul3A_312 : i32
      %get3A_315 = arith.index_cast %add3A_314 : i32 to index
      %get3A_316 = tpu.vector_load %arg5[%get3A_315] {strides = array<i32>} : memref<32768xi32, #tpu.memory_space<vmem>>, vector<16xi32>,
      %add3A_317 = arith.addi %add3A_310, %get3A_316 : vector<16xi32>
      %mul3A_318 = arith.constant 16 : i32
      %mul3A_319 = arith.muli %scan3A_264, %mul3A_318 : i32
      %add3A_320 = arith.constant 16384 : i32
      %add3A_321 = arith.addi %add3A_320, %mul3A_319 : i32
      %get3A_322 = arith.index_cast %add3A_321 : i32 to index
      %get3A_323 = tpu.vector_load %arg5[%get3A_322] {strides = array<i32>} : memref<32768xi32, #tpu.memory_space<vmem>>, vector<16xi32>,
      %add3A_324 = arith.addi %add3A_317, %get3A_323 : vector<16xi32>
      %mul3A_325 = arith.constant 16 : i32
      %mul3A_326 = arith.muli %scan3A_264, %mul3A_325 : i32
      %add3A_327 = arith.constant 18432 : i32
      %add3A_328 = arith.addi %add3A_327, %mul3A_326 : i32
      %get3A_329 = arith.index_cast %add3A_328 : i32 to index
      %get3A_330 = tpu.vector_load %arg5[%get3A_329] {strides = array<i32>} : memref<32768xi32, #tpu.memory_space<vmem>>, vector<16xi32>,
      %add3A_331 = arith.addi %add3A_324, %get3A_330 : vector<16xi32>
      %mul3A_332 = arith.constant 16 : i32
      %mul3A_333 = arith.muli %scan3A_264, %mul3A_332 : i32
      %add3A_334 = arith.constant 20480 : i32
      %add3A_335 = arith.addi %add3A_334, %mul3A_333 : i32
      %get3A_336 = arith.index_cast %add3A_335 : i32 to index
      %get3A_337 = tpu.vector_load %arg5[%get3A_336] {strides = array<i32>} : memref<32768xi32, #tpu.memory_space<vmem>>, vector<16xi32>,
      %add3A_338 = arith.addi %add3A_331, %get3A_337 : vector<16xi32>
      %mul3A_339 = arith.constant 16 : i32
      %mul3A_340 = arith.muli %scan3A_264, %mul3A_339 : i32
      %add3A_341 = arith.constant 22528 : i32
      %add3A_342 = arith.addi %add3A_341, %mul3A_340 : i32
      %get3A_343 = arith.index_cast %add3A_342 : i32 to index
      %get3A_344 = tpu.vector_load %arg5[%get3A_343] {strides = array<i32>} : memref<32768xi32, #tpu.memory_space<vmem>>, vector<16xi32>,
      %add3A_345 = arith.addi %add3A_338, %get3A_344 : vector<16xi32>
      %mul3A_346 = arith.constant 16 : i32
      %mul3A_347 = arith.muli %scan3A_264, %mul3A_346 : i32
      %add3A_348 = arith.constant 24576 : i32
      %add3A_349 = arith.addi %add3A_348, %mul3A_347 : i32
      %get3A_350 = arith.index_cast %add3A_349 : i32 to index
      %get3A_351 = tpu.vector_load %arg5[%get3A_350] {strides = array<i32>} : memref<32768xi32, #tpu.memory_space<vmem>>, vector<16xi32>,
      %add3A_352 = arith.addi %add3A_345, %get3A_351 : vector<16xi32>
      %mul3A_353 = arith.constant 16 : i32
      %mul3A_354 = arith.muli %scan3A_264, %mul3A_353 : i32
      %add3A_355 = arith.constant 26624 : i32
      %add3A_356 = arith.addi %add3A_355, %mul3A_354 : i32
      %get3A_357 = arith.index_cast %add3A_356 : i32 to index
      %get3A_358 = tpu.vector_load %arg5[%get3A_357] {strides = array<i32>} : memref<32768xi32, #tpu.memory_space<vmem>>, vector<16xi32>,
      %add3A_359 = arith.addi %add3A_352, %get3A_358 : vector<16xi32>
      %mul3A_360 = arith.constant 16 : i32
      %mul3A_361 = arith.muli %scan3A_264, %mul3A_360 : i32
      %add3A_362 = arith.constant 28672 : i32
      %add3A_363 = arith.addi %add3A_362, %mul3A_361 : i32
      %get3A_364 = arith.index_cast %add3A_363 : i32 to index
      %get3A_365 = tpu.vector_load %arg5[%get3A_364] {strides = array<i32>} : memref<32768xi32, #tpu.memory_space<vmem>>, vector<16xi32>,
      %add3A_366 = arith.addi %add3A_359, %get3A_365 : vector<16xi32>
      %mul3A_367 = arith.constant 16 : i32
      %mul3A_368 = arith.muli %scan3A_264, %mul3A_367 : i32
      %add3A_369 = arith.constant 30720 : i32
      %add3A_370 = arith.addi %add3A_369, %mul3A_368 : i32
      %get3A_371 = arith.index_cast %add3A_370 : i32 to index
      %get3A_372 = tpu.vector_load %arg5[%get3A_371] {strides = array<i32>} : memref<32768xi32, #tpu.memory_space<vmem>>, vector<16xi32>,
      %add3A_373 = arith.addi %add3A_366, %get3A_372 : vector<16xi32>
      %mul3A_374 = arith.constant 16 : i32
      %mul3A_375 = arith.muli %scan3A_264, %mul3A_374 : i32
      %swap3A_376 = arith.index_cast %mul3A_375 : i32 to index
      %swap3A_377 = tpu.vector_load %arg6[%swap3A_376] {strides = array<i32>} : memref<2048xi32, #tpu.memory_space<vmem>>, vector<16xi32>,
      tpu.vector_store %arg6[%swap3A_376], %add3A_373 {strides = array<i32>} : memref<2048xi32, #tpu.memory_space<vmem>>, vector<16xi32>,
      %scan3A_378 = arith.constant 0 : i32
      %scan3A_379 = arith.constant 3 : i32
      %scan3A_380 = arith.addi %scan3A_33, %scan3A_379 : i32
      %mul3A_381 = arith.constant 16 : i32
      %mul3A_382 = arith.muli %scan3A_380, %mul3A_381 : i32
      %get3A_383 = arith.index_cast %mul3A_382 : i32 to index
      %get3A_384 = tpu.vector_load %arg5[%get3A_383] {strides = array<i32>} : memref<32768xi32, #tpu.memory_space<vmem>>, vector<16xi32>,
      %mul3A_385 = arith.constant 16 : i32
      %mul3A_386 = arith.muli %scan3A_380, %mul3A_385 : i32
      %add3A_387 = arith.constant 2048 : i32
      %add3A_388 = arith.addi %add3A_387, %mul3A_386 : i32
      %get3A_389 = arith.index_cast %add3A_388 : i32 to index
      %get3A_390 = tpu.vector_load %arg5[%get3A_389] {strides = array<i32>} : memref<32768xi32, #tpu.memory_space<vmem>>, vector<16xi32>,
      %add3A_391 = arith.addi %get3A_384, %get3A_390 : vector<16xi32>
      %mul3A_392 = arith.constant 16 : i32
      %mul3A_393 = arith.muli %scan3A_380, %mul3A_392 : i32
      %add3A_394 = arith.constant 4096 : i32
      %add3A_395 = arith.addi %add3A_394, %mul3A_393 : i32
      %get3A_396 = arith.index_cast %add3A_395 : i32 to index
      %get3A_397 = tpu.vector_load %arg5[%get3A_396] {strides = array<i32>} : memref<32768xi32, #tpu.memory_space<vmem>>, vector<16xi32>,
      %add3A_398 = arith.addi %add3A_391, %get3A_397 : vector<16xi32>
      %mul3A_399 = arith.constant 16 : i32
      %mul3A_400 = arith.muli %scan3A_380, %mul3A_399 : i32
      %add3A_401 = arith.constant 6144 : i32
      %add3A_402 = arith.addi %add3A_401, %mul3A_400 : i32
      %get3A_403 = arith.index_cast %add3A_402 : i32 to index
      %get3A_404 = tpu.vector_load %arg5[%get3A_403] {strides = array<i32>} : memref<32768xi32, #tpu.memory_space<vmem>>, vector<16xi32>,
      %add3A_405 = arith.addi %add3A_398, %get3A_404 : vector<16xi32>
      %mul3A_406 = arith.constant 16 : i32
      %mul3A_407 = arith.muli %scan3A_380, %mul3A_406 : i32
      %add3A_408 = arith.constant 8192 : i32
      %add3A_409 = arith.addi %add3A_408, %mul3A_407 : i32
      %get3A_410 = arith.index_cast %add3A_409 : i32 to index
      %get3A_411 = tpu.vector_load %arg5[%get3A_410] {strides = array<i32>} : memref<32768xi32, #tpu.memory_space<vmem>>, vector<16xi32>,
      %add3A_412 = arith.addi %add3A_405, %get3A_411 : vector<16xi32>
      %mul3A_413 = arith.constant 16 : i32
      %mul3A_414 = arith.muli %scan3A_380, %mul3A_413 : i32
      %add3A_415 = arith.constant 10240 : i32
      %add3A_416 = arith.addi %add3A_415, %mul3A_414 : i32
      %get3A_417 = arith.index_cast %add3A_416 : i32 to index
      %get3A_418 = tpu.vector_load %arg5[%get3A_417] {strides = array<i32>} : memref<32768xi32, #tpu.memory_space<vmem>>, vector<16xi32>,
      %add3A_419 = arith.addi %add3A_412, %get3A_418 : vector<16xi32>
      %mul3A_420 = arith.constant 16 : i32
      %mul3A_421 = arith.muli %scan3A_380, %mul3A_420 : i32
      %add3A_422 = arith.constant 12288 : i32
      %add3A_423 = arith.addi %add3A_422, %mul3A_421 : i32
      %get3A_424 = arith.index_cast %add3A_423 : i32 to index
      %get3A_425 = tpu.vector_load %arg5[%get3A_424] {strides = array<i32>} : memref<32768xi32, #tpu.memory_space<vmem>>, vector<16xi32>,
      %add3A_426 = arith.addi %add3A_419, %get3A_425 : vector<16xi32>
      %mul3A_427 = arith.constant 16 : i32
      %mul3A_428 = arith.muli %scan3A_380, %mul3A_427 : i32
      %add3A_429 = arith.constant 14336 : i32
      %add3A_430 = arith.addi %add3A_429, %mul3A_428 : i32
      %get3A_431 = arith.index_cast %add3A_430 : i32 to index
      %get3A_432 = tpu.vector_load %arg5[%get3A_431] {strides = array<i32>} : memref<32768xi32, #tpu.memory_space<vmem>>, vector<16xi32>,
      %add3A_433 = arith.addi %add3A_426, %get3A_432 : vector<16xi32>
      %mul3A_434 = arith.constant 16 : i32
      %mul3A_435 = arith.muli %scan3A_380, %mul3A_434 : i32
      %add3A_436 = arith.constant 16384 : i32
      %add3A_437 = arith.addi %add3A_436, %mul3A_435 : i32
      %get3A_438 = arith.index_cast %add3A_437 : i32 to index
      %get3A_439 = tpu.vector_load %arg5[%get3A_438] {strides = array<i32>} : memref<32768xi32, #tpu.memory_space<vmem>>, vector<16xi32>,
      %add3A_440 = arith.addi %add3A_433, %get3A_439 : vector<16xi32>
      %mul3A_441 = arith.constant 16 : i32
      %mul3A_442 = arith.muli %scan3A_380, %mul3A_441 : i32
      %add3A_443 = arith.constant 18432 : i32
      %add3A_444 = arith.addi %add3A_443, %mul3A_442 : i32
      %get3A_445 = arith.index_cast %add3A_444 : i32 to index
      %get3A_446 = tpu.vector_load %arg5[%get3A_445] {strides = array<i32>} : memref<32768xi32, #tpu.memory_space<vmem>>, vector<16xi32>,
      %add3A_447 = arith.addi %add3A_440, %get3A_446 : vector<16xi32>
      %mul3A_448 = arith.constant 16 : i32
      %mul3A_449 = arith.muli %scan3A_380, %mul3A_448 : i32
      %add3A_450 = arith.constant 20480 : i32
      %add3A_451 = arith.addi %add3A_450, %mul3A_449 : i32
      %get3A_452 = arith.index_cast %add3A_451 : i32 to index
      %get3A_453 = tpu.vector_load %arg5[%get3A_452] {strides = array<i32>} : memref<32768xi32, #tpu.memory_space<vmem>>, vector<16xi32>,
      %add3A_454 = arith.addi %add3A_447, %get3A_453 : vector<16xi32>
      %mul3A_455 = arith.constant 16 : i32
      %mul3A_456 = arith.muli %scan3A_380, %mul3A_455 : i32
      %add3A_457 = arith.constant 22528 : i32
      %add3A_458 = arith.addi %add3A_457, %mul3A_456 : i32
      %get3A_459 = arith.index_cast %add3A_458 : i32 to index
      %get3A_460 = tpu.vector_load %arg5[%get3A_459] {strides = array<i32>} : memref<32768xi32, #tpu.memory_space<vmem>>, vector<16xi32>,
      %add3A_461 = arith.addi %add3A_454, %get3A_460 : vector<16xi32>
      %mul3A_462 = arith.constant 16 : i32
      %mul3A_463 = arith.muli %scan3A_380, %mul3A_462 : i32
      %add3A_464 = arith.constant 24576 : i32
      %add3A_465 = arith.addi %add3A_464, %mul3A_463 : i32
      %get3A_466 = arith.index_cast %add3A_465 : i32 to index
      %get3A_467 = tpu.vector_load %arg5[%get3A_466] {strides = array<i32>} : memref<32768xi32, #tpu.memory_space<vmem>>, vector<16xi32>,
      %add3A_468 = arith.addi %add3A_461, %get3A_467 : vector<16xi32>
      %mul3A_469 = arith.constant 16 : i32
      %mul3A_470 = arith.muli %scan3A_380, %mul3A_469 : i32
      %add3A_471 = arith.constant 26624 : i32
      %add3A_472 = arith.addi %add3A_471, %mul3A_470 : i32
      %get3A_473 = arith.index_cast %add3A_472 : i32 to index
      %get3A_474 = tpu.vector_load %arg5[%get3A_473] {strides = array<i32>} : memref<32768xi32, #tpu.memory_space<vmem>>, vector<16xi32>,
      %add3A_475 = arith.addi %add3A_468, %get3A_474 : vector<16xi32>
      %mul3A_476 = arith.constant 16 : i32
      %mul3A_477 = arith.muli %scan3A_380, %mul3A_476 : i32
      %add3A_478 = arith.constant 28672 : i32
      %add3A_479 = arith.addi %add3A_478, %mul3A_477 : i32
      %get3A_480 = arith.index_cast %add3A_479 : i32 to index
      %get3A_481 = tpu.vector_load %arg5[%get3A_480] {strides = array<i32>} : memref<32768xi32, #tpu.memory_space<vmem>>, vector<16xi32>,
      %add3A_482 = arith.addi %add3A_475, %get3A_481 : vector<16xi32>
      %mul3A_483 = arith.constant 16 : i32
      %mul3A_484 = arith.muli %scan3A_380, %mul3A_483 : i32
      %add3A_485 = arith.constant 30720 : i32
      %add3A_486 = arith.addi %add3A_485, %mul3A_484 : i32
      %get3A_487 = arith.index_cast %add3A_486 : i32 to index
      %get3A_488 = tpu.vector_load %arg5[%get3A_487] {strides = array<i32>} : memref<32768xi32, #tpu.memory_space<vmem>>, vector<16xi32>,
      %add3A_489 = arith.addi %add3A_482, %get3A_488 : vector<16xi32>
      %mul3A_490 = arith.constant 16 : i32
      %mul3A_491 = arith.muli %scan3A_380, %mul3A_490 : i32
      %swap3A_492 = arith.index_cast %mul3A_491 : i32 to index
      %swap3A_493 = tpu.vector_load %arg6[%swap3A_492] {strides = array<i32>} : memref<2048xi32, #tpu.memory_space<vmem>>, vector<16xi32>,
      tpu.vector_store %arg6[%swap3A_492], %add3A_489 {strides = array<i32>} : memref<2048xi32, #tpu.memory_space<vmem>>, vector<16xi32>,
      %scan3A_494 = arith.constant 0 : i32
      scf.yield %scan3A_494 : i32
    }
    %scan3A_32 = arith.constant 128 : i32
    "tpu.region"() ({
      %run_scoped3A = tpu.sem_alloc : memref<!tpu.dma_semaphore, #tpu.memory_space<semaphore_mem>>
      %dma_start3A = arith.constant 0 : i32
      %dma_start3A_33 = tpu.memref_slice %arg3[%add3A, %dma_start3A] : memref<32x2048xi32, #tpu.memory_space<hbm>> -> memref<1x2048xi32, #tpu.memory_space<hbm>>
      %dma_start3A_34 = tpu.memref_squeeze %dma_start3A_33 : memref<1x2048xi32, #tpu.memory_space<hbm>> -> memref<2048xi32, #tpu.memory_space<hbm>>
      %dma_start3A_35 = arith.constant 0 : i32
      %dma_start3A_36 = tpu.memref_slice %arg3[%add3A, %dma_start3A_35] : memref<32x2048xi32, #tpu.memory_space<hbm>> -> memref<1x2048xi32, #tpu.memory_space<hbm>>
      %dma_start3A_37 = tpu.memref_squeeze %dma_start3A_36 : memref<1x2048xi32, #tpu.memory_space<hbm>> -> memref<2048xi32, #tpu.memory_space<hbm>>
      tpu.enqueue_dma source(%arg6 : memref<2048xi32, #tpu.memory_space<vmem>>) target(%dma_start3A_37 : memref<2048xi32, #tpu.memory_space<hbm>>) target_semaphore(%run_scoped3A : memref<!tpu.dma_semaphore, #tpu.memory_space<semaphore_mem>>)
      %dma_wait3A = arith.constant 0 : i32
      %dma_wait3A_38 = tpu.memref_slice %arg3[%add3A, %dma_wait3A] : memref<32x2048xi32, #tpu.memory_space<hbm>> -> memref<1x2048xi32, #tpu.memory_space<hbm>>
      %dma_wait3A_39 = tpu.memref_squeeze %dma_wait3A_38 : memref<1x2048xi32, #tpu.memory_space<hbm>> -> memref<2048xi32, #tpu.memory_space<hbm>>
      %dma_wait3A_40 = arith.constant 0 : i32
      %dma_wait3A_41 = tpu.memref_slice %arg3[%add3A, %dma_wait3A_40] : memref<32x2048xi32, #tpu.memory_space<hbm>> -> memref<1x2048xi32, #tpu.memory_space<hbm>>
      %dma_wait3A_42 = tpu.memref_squeeze %dma_wait3A_41 : memref<1x2048xi32, #tpu.memory_space<hbm>> -> memref<2048xi32, #tpu.memory_space<hbm>>
      tpu.wait_dma2 semaphore(%run_scoped3A : memref<!tpu.dma_semaphore, #tpu.memory_space<semaphore_mem>>) src(%arg6 : memref<2048xi32, #tpu.memory_space<vmem>>) dst(%dma_wait3A_42 : memref<2048xi32, #tpu.memory_space<hbm>>)
      tpu.yield
    }) : () -> ()
    return
  }
}

module attributes {stable_mosaic.version = 14 : i64} {
  func.func @body(%arg0: memref<32x16x128xi32, #tpu.memory_space<vmem>>, %arg1: memref<8x128xi32, #tpu.memory_space<smem>>, %arg2: memref<8x128xi32, #tpu.memory_space<smem>>) attributes {dimension_semantics = [], scalar_prefetch = 0 : i64, scratch_operands = 0 : i64, tpu.core_type = #tpu.core_type<tc>} {
    %get3A = arith.constant 0 : index
    %get3A_0 = arith.constant 0 : index
    %get3A_1 = arith.constant 0 : index
    %get3A_2 = vector.load %arg0[%get3A, %get3A_0, %get3A_1] : memref<32x16x128xi32, #tpu.memory_space<vmem>>, vector<32x16x128xi32>
    %convert_element_type3A = arith.sitofp %get3A_2 : vector<32x16x128xi32> to vector<32x16x128xf32>
    %reduce_sum3A = arith.constant dense<0.000000e+00> : vector<16x128xf32>
    %reduce_sum3A_3 = vector.multi_reduction <add>, %convert_element_type3A, %reduce_sum3A [0] : vector<32x16x128xf32> to vector<16x128xf32>
    %get3A_4 = arith.constant 1 : index
    %get3A_5 = arith.constant 0 : index
    %get3A_6 = memref.load %arg1[%get3A_4, %get3A_5] : memref<8x128xi32, #tpu.memory_space<smem>>
    %get3A_7 = arith.constant 0 : index
    %get3A_8 = arith.constant 0 : index
    %get3A_9 = memref.load %arg1[%get3A_7, %get3A_8] : memref<8x128xi32, #tpu.memory_space<smem>>
    %convert_element_type3A_10 = arith.sitofp %get3A_6 : i32 to f32
    %iota3A = tpu.iota {dimensions = array<i32: 0>} : vector<128x128xi32>
    %iota3A_11 = tpu.iota {dimensions = array<i32: 1>} : vector<128x128xi32>
    %le3A = arith.cmpi sle, %iota3A, %iota3A_11 : vector<128x128xi32>
    %convert_element_type3A_12 = arith.extui %le3A : vector<128x128xi1> to vector<128x128xi32>
    %convert_element_type3A_13 = arith.sitofp %convert_element_type3A_12 : vector<128x128xi32> to vector<128x128xf32>
    %dot_general3A = arith.constant dense<0.000000e+00> : vector<16x128xf32>
    %dot_general3A_14 = tpu.matmul %reduce_sum3A_3, %convert_element_type3A_13, %dot_general3A {dimension_numbers = #tpu.dot_dimension_numbers<[1], [0], [0], [1], [0, 0, 1, 1], [], []>, transpose_lhs_hint = false} : vector<16x128xf32>, vector<128x128xf32>, vector<16x128xf32> -> vector<16x128xf32>
    %slice3A = vector.extract_strided_slice %dot_general3A_14 {offsets = [0, 127], sizes = [16, 1], strides = [1, 1]} : vector<16x128xf32> to vector<16x1xf32>
    %iota3A_15 = tpu.iota {dimensions = array<i32: 1>} : vector<16x16xi32>
    %iota3A_16 = tpu.iota {dimensions = array<i32: 0>} : vector<16x16xi32>
    %lt3A = arith.cmpi slt, %iota3A_15, %iota3A_16 : vector<16x16xi32>
    %convert_element_type3A_17 = arith.extui %lt3A : vector<16x16xi1> to vector<16x16xi32>
    %convert_element_type3A_18 = arith.sitofp %convert_element_type3A_17 : vector<16x16xi32> to vector<16x16xf32>
    %dot_general3A_19 = arith.constant dense<0.000000e+00> : vector<16x1xf32>
    %dot_general3A_20 = tpu.matmul %convert_element_type3A_18, %slice3A, %dot_general3A_19 {dimension_numbers = #tpu.dot_dimension_numbers<[1], [0], [0], [1], [0, 0, 1, 1], [], []>, transpose_lhs_hint = false} : vector<16x16xf32>, vector<16x1xf32>, vector<16x1xf32> -> vector<16x1xf32>
    %add3A = vector.broadcast %dot_general3A_20 : vector<16x1xf32> to vector<16x128xf32>
    %add3A_21 = arith.addf %dot_general3A_14, %add3A : vector<16x128xf32>
    %le3A_22 = vector.broadcast %convert_element_type3A_10 : f32 to vector<16x128xf32>
    %le3A_23 = arith.cmpf ole, %add3A_21, %le3A_22 : vector<16x128xf32>
    %convert_element_type3A_24 = arith.extui %le3A_23 : vector<16x128xi1> to vector<16x128xi32>
    %reduce_sum3A_25 = vector.shape_cast %convert_element_type3A_24 : vector<16x128xi32> to vector<1x16x128xi32>
    %reduce_sum3A_26 = arith.constant dense<0> : vector<1xi32>
    %reduce_sum3A_27 = vector.multi_reduction <add>, %reduce_sum3A_25, %reduce_sum3A_26 [1, 2] : vector<1x16x128xi32> to vector<1xi32>
    %reduce_sum3A_28 = vector.shape_cast %reduce_sum3A_27 : vector<1xi32> to vector<1x1x1xi32>
    %reduce_sum3A_29 = vector.extract %reduce_sum3A_28[0, 0, 0] : i32 from vector<1x1x1xi32>
    %jit3A = arith.constant 0.000000e+00 : f32
    %broadcast_in_dim3A = vector.broadcast %jit3A : f32 to vector<16x128xf32>
    %select_n3A = arith.select %le3A_23, %add3A_21, %broadcast_in_dim3A : vector<16x128xi1>, vector<16x128xf32>
    %reduce_max3A = vector.shape_cast %select_n3A : vector<16x128xf32> to vector<1x16x128xf32>
    %reduce_max3A_30 = arith.constant dense<0xFF800000> : vector<1xf32>
    %reduce_max3A_31 = vector.multi_reduction <maximumf>, %reduce_max3A, %reduce_max3A_30 [1, 2] : vector<1x16x128xf32> to vector<1xf32>
    %reduce_max3A_32 = vector.shape_cast %reduce_max3A_31 : vector<1xf32> to vector<1x1x1xf32>
    %reduce_max3A_33 = vector.extract %reduce_max3A_32[0, 0, 0] : f32 from vector<1x1x1xf32>
    %convert_element_type3A_34 = arith.fptosi %reduce_max3A_33 : f32 to i32
    %sub3A = arith.subi %get3A_6, %convert_element_type3A_34 : i32
    %shift_left3A = arith.constant 11 : i32
    %shift_left3A_35 = arith.shli %get3A_9, %shift_left3A : i32
    %or3A = arith.ori %shift_left3A_35, %reduce_sum3A_29 : i32
    %swap3A = arith.constant 0 : index
    %swap3A_36 = arith.constant 0 : index
    %swap3A_37 = memref.load %arg2[%swap3A, %swap3A_36] : memref<8x128xi32, #tpu.memory_space<smem>>
    memref.store %or3A, %arg2[%swap3A, %swap3A_36] : memref<8x128xi32, #tpu.memory_space<smem>>
    %swap3A_38 = arith.constant 1 : index
    %swap3A_39 = arith.constant 0 : index
    %swap3A_40 = memref.load %arg2[%swap3A_38, %swap3A_39] : memref<8x128xi32, #tpu.memory_space<smem>>
    memref.store %sub3A, %arg2[%swap3A_38, %swap3A_39] : memref<8x128xi32, #tpu.memory_space<smem>>
    %swap3A_41 = arith.constant 0 : index
    %swap3A_42 = arith.constant 1 : index
    %swap3A_43 = memref.load %arg2[%swap3A_41, %swap3A_42] : memref<8x128xi32, #tpu.memory_space<smem>>
    memref.store %or3A, %arg2[%swap3A_41, %swap3A_42] : memref<8x128xi32, #tpu.memory_space<smem>>
    %swap3A_44 = arith.constant 1 : index
    %swap3A_45 = arith.constant 1 : index
    %swap3A_46 = memref.load %arg2[%swap3A_44, %swap3A_45] : memref<8x128xi32, #tpu.memory_space<smem>>
    memref.store %sub3A, %arg2[%swap3A_44, %swap3A_45] : memref<8x128xi32, #tpu.memory_space<smem>>
    %swap3A_47 = arith.constant 0 : index
    %swap3A_48 = arith.constant 2 : index
    %swap3A_49 = memref.load %arg2[%swap3A_47, %swap3A_48] : memref<8x128xi32, #tpu.memory_space<smem>>
    memref.store %or3A, %arg2[%swap3A_47, %swap3A_48] : memref<8x128xi32, #tpu.memory_space<smem>>
    %swap3A_50 = arith.constant 1 : index
    %swap3A_51 = arith.constant 2 : index
    %swap3A_52 = memref.load %arg2[%swap3A_50, %swap3A_51] : memref<8x128xi32, #tpu.memory_space<smem>>
    memref.store %sub3A, %arg2[%swap3A_50, %swap3A_51] : memref<8x128xi32, #tpu.memory_space<smem>>
    %swap3A_53 = arith.constant 0 : index
    %swap3A_54 = arith.constant 3 : index
    %swap3A_55 = memref.load %arg2[%swap3A_53, %swap3A_54] : memref<8x128xi32, #tpu.memory_space<smem>>
    memref.store %or3A, %arg2[%swap3A_53, %swap3A_54] : memref<8x128xi32, #tpu.memory_space<smem>>
    %swap3A_56 = arith.constant 1 : index
    %swap3A_57 = arith.constant 3 : index
    %swap3A_58 = memref.load %arg2[%swap3A_56, %swap3A_57] : memref<8x128xi32, #tpu.memory_space<smem>>
    memref.store %sub3A, %arg2[%swap3A_56, %swap3A_57] : memref<8x128xi32, #tpu.memory_space<smem>>
    %swap3A_59 = arith.constant 0 : index
    %swap3A_60 = arith.constant 4 : index
    %swap3A_61 = memref.load %arg2[%swap3A_59, %swap3A_60] : memref<8x128xi32, #tpu.memory_space<smem>>
    memref.store %or3A, %arg2[%swap3A_59, %swap3A_60] : memref<8x128xi32, #tpu.memory_space<smem>>
    %swap3A_62 = arith.constant 1 : index
    %swap3A_63 = arith.constant 4 : index
    %swap3A_64 = memref.load %arg2[%swap3A_62, %swap3A_63] : memref<8x128xi32, #tpu.memory_space<smem>>
    memref.store %sub3A, %arg2[%swap3A_62, %swap3A_63] : memref<8x128xi32, #tpu.memory_space<smem>>
    %swap3A_65 = arith.constant 0 : index
    %swap3A_66 = arith.constant 5 : index
    %swap3A_67 = memref.load %arg2[%swap3A_65, %swap3A_66] : memref<8x128xi32, #tpu.memory_space<smem>>
    memref.store %or3A, %arg2[%swap3A_65, %swap3A_66] : memref<8x128xi32, #tpu.memory_space<smem>>
    %swap3A_68 = arith.constant 1 : index
    %swap3A_69 = arith.constant 5 : index
    %swap3A_70 = memref.load %arg2[%swap3A_68, %swap3A_69] : memref<8x128xi32, #tpu.memory_space<smem>>
    memref.store %sub3A, %arg2[%swap3A_68, %swap3A_69] : memref<8x128xi32, #tpu.memory_space<smem>>
    %swap3A_71 = arith.constant 0 : index
    %swap3A_72 = arith.constant 6 : index
    %swap3A_73 = memref.load %arg2[%swap3A_71, %swap3A_72] : memref<8x128xi32, #tpu.memory_space<smem>>
    memref.store %or3A, %arg2[%swap3A_71, %swap3A_72] : memref<8x128xi32, #tpu.memory_space<smem>>
    %swap3A_74 = arith.constant 1 : index
    %swap3A_75 = arith.constant 6 : index
    %swap3A_76 = memref.load %arg2[%swap3A_74, %swap3A_75] : memref<8x128xi32, #tpu.memory_space<smem>>
    memref.store %sub3A, %arg2[%swap3A_74, %swap3A_75] : memref<8x128xi32, #tpu.memory_space<smem>>
    %swap3A_77 = arith.constant 0 : index
    %swap3A_78 = arith.constant 7 : index
    %swap3A_79 = memref.load %arg2[%swap3A_77, %swap3A_78] : memref<8x128xi32, #tpu.memory_space<smem>>
    memref.store %or3A, %arg2[%swap3A_77, %swap3A_78] : memref<8x128xi32, #tpu.memory_space<smem>>
    %swap3A_80 = arith.constant 1 : index
    %swap3A_81 = arith.constant 7 : index
    %swap3A_82 = memref.load %arg2[%swap3A_80, %swap3A_81] : memref<8x128xi32, #tpu.memory_space<smem>>
    memref.store %sub3A, %arg2[%swap3A_80, %swap3A_81] : memref<8x128xi32, #tpu.memory_space<smem>>
    %swap3A_83 = arith.constant 0 : index
    %swap3A_84 = arith.constant 8 : index
    %swap3A_85 = memref.load %arg2[%swap3A_83, %swap3A_84] : memref<8x128xi32, #tpu.memory_space<smem>>
    memref.store %or3A, %arg2[%swap3A_83, %swap3A_84] : memref<8x128xi32, #tpu.memory_space<smem>>
    %swap3A_86 = arith.constant 1 : index
    %swap3A_87 = arith.constant 8 : index
    %swap3A_88 = memref.load %arg2[%swap3A_86, %swap3A_87] : memref<8x128xi32, #tpu.memory_space<smem>>
    memref.store %sub3A, %arg2[%swap3A_86, %swap3A_87] : memref<8x128xi32, #tpu.memory_space<smem>>
    %swap3A_89 = arith.constant 0 : index
    %swap3A_90 = arith.constant 9 : index
    %swap3A_91 = memref.load %arg2[%swap3A_89, %swap3A_90] : memref<8x128xi32, #tpu.memory_space<smem>>
    memref.store %or3A, %arg2[%swap3A_89, %swap3A_90] : memref<8x128xi32, #tpu.memory_space<smem>>
    %swap3A_92 = arith.constant 1 : index
    %swap3A_93 = arith.constant 9 : index
    %swap3A_94 = memref.load %arg2[%swap3A_92, %swap3A_93] : memref<8x128xi32, #tpu.memory_space<smem>>
    memref.store %sub3A, %arg2[%swap3A_92, %swap3A_93] : memref<8x128xi32, #tpu.memory_space<smem>>
    %swap3A_95 = arith.constant 0 : index
    %swap3A_96 = arith.constant 10 : index
    %swap3A_97 = memref.load %arg2[%swap3A_95, %swap3A_96] : memref<8x128xi32, #tpu.memory_space<smem>>
    memref.store %or3A, %arg2[%swap3A_95, %swap3A_96] : memref<8x128xi32, #tpu.memory_space<smem>>
    %swap3A_98 = arith.constant 1 : index
    %swap3A_99 = arith.constant 10 : index
    %swap3A_100 = memref.load %arg2[%swap3A_98, %swap3A_99] : memref<8x128xi32, #tpu.memory_space<smem>>
    memref.store %sub3A, %arg2[%swap3A_98, %swap3A_99] : memref<8x128xi32, #tpu.memory_space<smem>>
    %swap3A_101 = arith.constant 0 : index
    %swap3A_102 = arith.constant 11 : index
    %swap3A_103 = memref.load %arg2[%swap3A_101, %swap3A_102] : memref<8x128xi32, #tpu.memory_space<smem>>
    memref.store %or3A, %arg2[%swap3A_101, %swap3A_102] : memref<8x128xi32, #tpu.memory_space<smem>>
    %swap3A_104 = arith.constant 1 : index
    %swap3A_105 = arith.constant 11 : index
    %swap3A_106 = memref.load %arg2[%swap3A_104, %swap3A_105] : memref<8x128xi32, #tpu.memory_space<smem>>
    memref.store %sub3A, %arg2[%swap3A_104, %swap3A_105] : memref<8x128xi32, #tpu.memory_space<smem>>
    %swap3A_107 = arith.constant 0 : index
    %swap3A_108 = arith.constant 12 : index
    %swap3A_109 = memref.load %arg2[%swap3A_107, %swap3A_108] : memref<8x128xi32, #tpu.memory_space<smem>>
    memref.store %or3A, %arg2[%swap3A_107, %swap3A_108] : memref<8x128xi32, #tpu.memory_space<smem>>
    %swap3A_110 = arith.constant 1 : index
    %swap3A_111 = arith.constant 12 : index
    %swap3A_112 = memref.load %arg2[%swap3A_110, %swap3A_111] : memref<8x128xi32, #tpu.memory_space<smem>>
    memref.store %sub3A, %arg2[%swap3A_110, %swap3A_111] : memref<8x128xi32, #tpu.memory_space<smem>>
    %swap3A_113 = arith.constant 0 : index
    %swap3A_114 = arith.constant 13 : index
    %swap3A_115 = memref.load %arg2[%swap3A_113, %swap3A_114] : memref<8x128xi32, #tpu.memory_space<smem>>
    memref.store %or3A, %arg2[%swap3A_113, %swap3A_114] : memref<8x128xi32, #tpu.memory_space<smem>>
    %swap3A_116 = arith.constant 1 : index
    %swap3A_117 = arith.constant 13 : index
    %swap3A_118 = memref.load %arg2[%swap3A_116, %swap3A_117] : memref<8x128xi32, #tpu.memory_space<smem>>
    memref.store %sub3A, %arg2[%swap3A_116, %swap3A_117] : memref<8x128xi32, #tpu.memory_space<smem>>
    %swap3A_119 = arith.constant 0 : index
    %swap3A_120 = arith.constant 14 : index
    %swap3A_121 = memref.load %arg2[%swap3A_119, %swap3A_120] : memref<8x128xi32, #tpu.memory_space<smem>>
    memref.store %or3A, %arg2[%swap3A_119, %swap3A_120] : memref<8x128xi32, #tpu.memory_space<smem>>
    %swap3A_122 = arith.constant 1 : index
    %swap3A_123 = arith.constant 14 : index
    %swap3A_124 = memref.load %arg2[%swap3A_122, %swap3A_123] : memref<8x128xi32, #tpu.memory_space<smem>>
    memref.store %sub3A, %arg2[%swap3A_122, %swap3A_123] : memref<8x128xi32, #tpu.memory_space<smem>>
    %swap3A_125 = arith.constant 0 : index
    %swap3A_126 = arith.constant 15 : index
    %swap3A_127 = memref.load %arg2[%swap3A_125, %swap3A_126] : memref<8x128xi32, #tpu.memory_space<smem>>
    memref.store %or3A, %arg2[%swap3A_125, %swap3A_126] : memref<8x128xi32, #tpu.memory_space<smem>>
    %swap3A_128 = arith.constant 1 : index
    %swap3A_129 = arith.constant 15 : index
    %swap3A_130 = memref.load %arg2[%swap3A_128, %swap3A_129] : memref<8x128xi32, #tpu.memory_space<smem>>
    memref.store %sub3A, %arg2[%swap3A_128, %swap3A_129] : memref<8x128xi32, #tpu.memory_space<smem>>
    return
  }
}

module attributes {stable_mosaic.version = 14 : i64} {
  func.func @body(%arg0: i32, %arg1: i32, %arg2: memref<1x19x64x512xf32, #tpu.memory_space<vmem>>, %arg3: memref<1x64x512xi32, #tpu.memory_space<vmem>>, %arg4: memref<1x64x512xi32, #tpu.memory_space<vmem>>, %arg5: memref<1x64x512xf32, #tpu.memory_space<vmem>>, %arg6: memref<1x1xf32, #tpu.memory_space<smem>>) attributes {dimension_semantics = [#tpu.dimension_semantics<arbitrary>, #tpu.dimension_semantics<arbitrary>], iteration_bounds = array<i64: 8, 8>, scalar_prefetch = 0 : i64, scratch_operands = 0 : i64, tpu.core_type = #tpu.core_type<tc>, window_params = [{transform_indices = @transform_0, window_bounds = array<i64: 1, 19, 64, 512>}, {transform_indices = @transform_1, window_bounds = array<i64: 1, 64, 512>}, {transform_indices = @transform_2, window_bounds = array<i64: 1, 64, 512>}, {transform_indices = @transform_3, window_bounds = array<i64: 1, 64, 512>}, {transform_indices = @transform_4, window_bounds = array<i64: 1, 1>}]} {
    %get3A = arith.constant 0 : index
    %get3A_0 = arith.constant 0 : index
    %get3A_1 = arith.constant 0 : index
    %get3A_2 = arith.constant 0 : index
    %get3A_3 = vector.load %arg2[%get3A, %get3A_0, %get3A_1, %get3A_2] : memref<1x19x64x512xf32, #tpu.memory_space<vmem>>, vector<1x19x64x512xf32>
    %get3A_4 = vector.shape_cast %get3A_3 : vector<1x19x64x512xf32> to vector<19x64x512xf32>
    %get3A_5 = arith.constant 0 : index
    %get3A_6 = arith.constant 0 : index
    %get3A_7 = arith.constant 0 : index
    %get3A_8 = vector.load %arg3[%get3A_5, %get3A_6, %get3A_7] : memref<1x64x512xi32, #tpu.memory_space<vmem>>, vector<1x64x512xi32>
    %get3A_9 = vector.shape_cast %get3A_8 : vector<1x64x512xi32> to vector<64x512xi32>
    %reduce_max3A = arith.constant dense<0xFF800000> : vector<64x512xf32>
    %reduce_max3A_10 = vector.multi_reduction <maximumf>, %get3A_4, %reduce_max3A [0] : vector<19x64x512xf32> to vector<64x512xf32>
    %broadcast_in_dim3A = vector.shape_cast %reduce_max3A_10 : vector<64x512xf32> to vector<1x64x512xf32>
    %sub3A = vector.broadcast %broadcast_in_dim3A : vector<1x64x512xf32> to vector<19x64x512xf32>
    %sub3A_11 = arith.subf %get3A_4, %sub3A : vector<19x64x512xf32>
    %exp3A = math.exp %sub3A_11 : vector<19x64x512xf32>
    %reduce_sum3A = arith.constant dense<0.000000e+00> : vector<64x512xf32>
    %reduce_sum3A_12 = vector.multi_reduction <add>, %exp3A, %reduce_sum3A [0] : vector<19x64x512xf32> to vector<64x512xf32>
    %iota3A = tpu.iota {dimensions = array<i32: 0>} : vector<19x64x512xi32>
    %broadcast_in_dim3A_13 = vector.shape_cast %get3A_9 : vector<64x512xi32> to vector<1x64x512xi32>
    %eq3A = vector.broadcast %broadcast_in_dim3A_13 : vector<1x64x512xi32> to vector<19x64x512xi32>
    %eq3A_14 = arith.cmpi eq, %iota3A, %eq3A : vector<19x64x512xi32>
    %jit3A = arith.constant 0.000000e+00 : f32
    %broadcast_in_dim3A_15 = vector.broadcast %jit3A : f32 to vector<19x64x512xf32>
    %select_n3A = arith.select %eq3A_14, %get3A_4, %broadcast_in_dim3A_15 : vector<19x64x512xi1>, vector<19x64x512xf32>
    %reduce_sum3A_16 = arith.constant dense<0.000000e+00> : vector<64x512xf32>
    %reduce_sum3A_17 = vector.multi_reduction <add>, %select_n3A, %reduce_sum3A_16 [0] : vector<19x64x512xf32> to vector<64x512xf32>
    %sub3A_18 = arith.subf %reduce_max3A_10, %reduce_sum3A_17 : vector<64x512xf32>
    %log3A = math.log %reduce_sum3A_12 : vector<64x512xf32>
    %add3A = arith.addf %sub3A_18, %log3A : vector<64x512xf32>
    %neg3A = arith.constant 0.000000e+00 : f32
    %neg3A_19 = vector.broadcast %neg3A : f32 to vector<64x512xf32>
    %neg3A_20 = arith.subf %neg3A_19, %add3A : vector<64x512xf32>
    %exp3A_21 = math.exp %neg3A_20 : vector<64x512xf32>
    %bitcast_convert_type3A = tpu.bitcast %exp3A_21 : vector<64x512xf32> -> vector<64x512xi32>
    %swap3A = arith.constant 0 : index
    %swap3A_22 = arith.constant 0 : index
    %swap3A_23 = arith.constant 0 : index
    %swap3A_24 = vector.load %arg4[%swap3A, %swap3A_22, %swap3A_23] : memref<1x64x512xi32, #tpu.memory_space<vmem>>, vector<1x64x512xi32>
    %swap3A_25 = vector.shape_cast %swap3A_24 : vector<1x64x512xi32> to vector<64x512xi32>
    %swap3A_26 = vector.shape_cast %bitcast_convert_type3A : vector<64x512xi32> to vector<1x64x512xi32>
    tpu.vector_store %arg4[%swap3A, %swap3A_22, %swap3A_23], %swap3A_26 {strides = array<i32>} : memref<1x64x512xi32, #tpu.memory_space<vmem>>, vector<1x64x512xi32>,
    %swap3A_27 = arith.constant 0 : index
    %swap3A_28 = arith.constant 0 : index
    %swap3A_29 = arith.constant 0 : index
    %swap3A_30 = vector.load %arg5[%swap3A_27, %swap3A_28, %swap3A_29] : memref<1x64x512xf32, #tpu.memory_space<vmem>>, vector<1x64x512xf32>
    %swap3A_31 = vector.shape_cast %swap3A_30 : vector<1x64x512xf32> to vector<64x512xf32>
    %swap3A_32 = vector.shape_cast %add3A : vector<64x512xf32> to vector<1x64x512xf32>
    tpu.vector_store %arg5[%swap3A_27, %swap3A_28, %swap3A_29], %swap3A_32 {strides = array<i32>} : memref<1x64x512xf32, #tpu.memory_space<vmem>>, vector<1x64x512xf32>,
    %le3A = arith.constant 0.699999988 : f32
    %le3A_33 = vector.broadcast %le3A : f32 to vector<64x512xf32>
    %le3A_34 = arith.cmpf ole, %exp3A_21, %le3A_33 : vector<64x512xf32>
    %convert_element_type3A = arith.extui %le3A_34 : vector<64x512xi1> to vector<64x512xi32>
    %convert_element_type3A_35 = arith.sitofp %convert_element_type3A : vector<64x512xi32> to vector<64x512xf32>
    %reduce_sum3A_36 = vector.shape_cast %convert_element_type3A_35 : vector<64x512xf32> to vector<1x64x512xf32>
    %reduce_sum3A_37 = arith.constant dense<0.000000e+00> : vector<1xf32>
    %reduce_sum3A_38 = vector.multi_reduction <add>, %reduce_sum3A_36, %reduce_sum3A_37 [1, 2] : vector<1x64x512xf32> to vector<1xf32>
    %reduce_sum3A_39 = vector.shape_cast %reduce_sum3A_38 : vector<1xf32> to vector<1x1x1xf32>
    %reduce_sum3A_40 = vector.extract %reduce_sum3A_39[0, 0, 0] : f32 from vector<1x1x1xf32>
    %eq3A_41 = arith.constant 0 : i32
    %eq3A_42 = arith.cmpi eq, %arg0, %eq3A_41 : i32
    %eq3A_43 = arith.constant 0 : i32
    %eq3A_44 = arith.cmpi eq, %arg1, %eq3A_43 : i32
    %and3A = arith.andi %eq3A_42, %eq3A_44 : i1
    %convert_element_type3A_45 = arith.extui %and3A : i1 to i32
    %cond3A = arith.constant 0 : i32
    %cond3A_46 = arith.cmpi ne, %convert_element_type3A_45, %cond3A : i32
    scf.if %cond3A_46 {
      %swap3A_54 = arith.constant 0.000000e+00 : f32
      %swap3A_55 = arith.constant 0 : index
      %swap3A_56 = arith.constant 0 : index
      %swap3A_57 = memref.load %arg6[%swap3A_55, %swap3A_56] : memref<1x1xf32, #tpu.memory_space<smem>>
      memref.store %swap3A_54, %arg6[%swap3A_55, %swap3A_56] : memref<1x1xf32, #tpu.memory_space<smem>>
    } else {
    }
    %get3A_47 = arith.constant 0 : index
    %get3A_48 = arith.constant 0 : index
    %get3A_49 = memref.load %arg6[%get3A_47, %get3A_48] : memref<1x1xf32, #tpu.memory_space<smem>>
    %add3A_50 = arith.addf %get3A_49, %reduce_sum3A_40 : f32
    %swap3A_51 = arith.constant 0 : index
    %swap3A_52 = arith.constant 0 : index
    %swap3A_53 = memref.load %arg6[%swap3A_51, %swap3A_52] : memref<1x1xf32, #tpu.memory_space<smem>>
    memref.store %add3A_50, %arg6[%swap3A_51, %swap3A_52] : memref<1x1xf32, #tpu.memory_space<smem>>
    return
  }
  func.func @transform_0(%arg0: i32, %arg1: i32) -> (i32, i32, i32, i32) {
    %c0_i32 = arith.constant 0 : i32
    %c0_i32_0 = arith.constant 0 : i32
    %c0_i32_1 = arith.constant 0 : i32
    return %arg0, %c0_i32, %arg1, %c0_i32_0 : i32, i32, i32, i32
  }
  func.func @transform_1(%arg0: i32, %arg1: i32) -> (i32, i32, i32) {
    %c0_i32 = arith.constant 0 : i32
    %c0_i32_0 = arith.constant 0 : i32
    return %arg0, %arg1, %c0_i32 : i32, i32, i32
  }
  func.func @transform_2(%arg0: i32, %arg1: i32) -> (i32, i32, i32) {
    %c0_i32 = arith.constant 0 : i32
    %c0_i32_0 = arith.constant 0 : i32
    return %arg0, %arg1, %c0_i32 : i32, i32, i32
  }
  func.func @transform_3(%arg0: i32, %arg1: i32) -> (i32, i32, i32) {
    %c0_i32 = arith.constant 0 : i32
    %c0_i32_0 = arith.constant 0 : i32
    return %arg0, %arg1, %c0_i32 : i32, i32, i32
  }
  func.func @transform_4(%arg0: i32, %arg1: i32) -> (i32, i32) {
    %c0_i32 = arith.constant 0 : i32
    %c0_i32_0 = arith.constant 0 : i32
    %c0_i32_1 = arith.constant 0 : i32
    return %c0_i32, %c0_i32_0 : i32, i32
  }
}

module attributes {stable_mosaic.version = 14 : i64} {
  func.func @body(%arg0: memref<32x8x128xi32, #tpu.memory_space<vmem>>, %arg1: memref<8x128xi32, #tpu.memory_space<smem>>, %arg2: memref<8x128xf32, #tpu.memory_space<smem>>) attributes {dimension_semantics = [], scalar_prefetch = 0 : i64, scratch_operands = 0 : i64, tpu.core_type = #tpu.core_type<tc>} {
    %get3A = arith.constant 0 : index
    %get3A_0 = arith.constant 0 : index
    %get3A_1 = arith.constant 0 : index
    %get3A_2 = vector.load %arg0[%get3A, %get3A_0, %get3A_1] : memref<32x8x128xi32, #tpu.memory_space<vmem>>, vector<32x8x128xi32>
    %convert_element_type3A = arith.sitofp %get3A_2 : vector<32x8x128xi32> to vector<32x8x128xf32>
    %reduce_sum3A = arith.constant dense<0.000000e+00> : vector<8x128xf32>
    %reduce_sum3A_3 = vector.multi_reduction <add>, %convert_element_type3A, %reduce_sum3A [0] : vector<32x8x128xf32> to vector<8x128xf32>
    %get3A_4 = arith.constant 1 : index
    %get3A_5 = arith.constant 0 : index
    %get3A_6 = memref.load %arg1[%get3A_4, %get3A_5] : memref<8x128xi32, #tpu.memory_space<smem>>
    %get3A_7 = arith.constant 0 : index
    %get3A_8 = arith.constant 0 : index
    %get3A_9 = memref.load %arg1[%get3A_7, %get3A_8] : memref<8x128xi32, #tpu.memory_space<smem>>
    %convert_element_type3A_10 = arith.sitofp %get3A_6 : i32 to f32
    %iota3A = tpu.iota {dimensions = array<i32: 0>} : vector<128x128xi32>
    %iota3A_11 = tpu.iota {dimensions = array<i32: 1>} : vector<128x128xi32>
    %le3A = arith.cmpi sle, %iota3A, %iota3A_11 : vector<128x128xi32>
    %convert_element_type3A_12 = arith.extui %le3A : vector<128x128xi1> to vector<128x128xi32>
    %convert_element_type3A_13 = arith.sitofp %convert_element_type3A_12 : vector<128x128xi32> to vector<128x128xf32>
    %dot_general3A = arith.constant dense<0.000000e+00> : vector<8x128xf32>
    %dot_general3A_14 = tpu.matmul %reduce_sum3A_3, %convert_element_type3A_13, %dot_general3A {dimension_numbers = #tpu.dot_dimension_numbers<[1], [0], [0], [1], [0, 0, 1, 1], [], []>, transpose_lhs_hint = false} : vector<8x128xf32>, vector<128x128xf32>, vector<8x128xf32> -> vector<8x128xf32>
    %slice3A = vector.extract_strided_slice %dot_general3A_14 {offsets = [0, 127], sizes = [8, 1], strides = [1, 1]} : vector<8x128xf32> to vector<8x1xf32>
    %iota3A_15 = tpu.iota {dimensions = array<i32: 1>} : vector<8x8xi32>
    %iota3A_16 = tpu.iota {dimensions = array<i32: 0>} : vector<8x8xi32>
    %lt3A = arith.cmpi slt, %iota3A_15, %iota3A_16 : vector<8x8xi32>
    %convert_element_type3A_17 = arith.extui %lt3A : vector<8x8xi1> to vector<8x8xi32>
    %convert_element_type3A_18 = arith.sitofp %convert_element_type3A_17 : vector<8x8xi32> to vector<8x8xf32>
    %dot_general3A_19 = arith.constant dense<0.000000e+00> : vector<8x1xf32>
    %dot_general3A_20 = tpu.matmul %convert_element_type3A_18, %slice3A, %dot_general3A_19 {dimension_numbers = #tpu.dot_dimension_numbers<[1], [0], [0], [1], [0, 0, 1, 1], [], []>, transpose_lhs_hint = false} : vector<8x8xf32>, vector<8x1xf32>, vector<8x1xf32> -> vector<8x1xf32>
    %add3A = vector.broadcast %dot_general3A_20 : vector<8x1xf32> to vector<8x128xf32>
    %add3A_21 = arith.addf %dot_general3A_14, %add3A : vector<8x128xf32>
    %le3A_22 = vector.broadcast %convert_element_type3A_10 : f32 to vector<8x128xf32>
    %le3A_23 = arith.cmpf ole, %add3A_21, %le3A_22 : vector<8x128xf32>
    %convert_element_type3A_24 = arith.extui %le3A_23 : vector<8x128xi1> to vector<8x128xi32>
    %reduce_sum3A_25 = vector.shape_cast %convert_element_type3A_24 : vector<8x128xi32> to vector<1x8x128xi32>
    %reduce_sum3A_26 = arith.constant dense<0> : vector<1xi32>
    %reduce_sum3A_27 = vector.multi_reduction <add>, %reduce_sum3A_25, %reduce_sum3A_26 [1, 2] : vector<1x8x128xi32> to vector<1xi32>
    %reduce_sum3A_28 = vector.shape_cast %reduce_sum3A_27 : vector<1xi32> to vector<1x1x1xi32>
    %reduce_sum3A_29 = vector.extract %reduce_sum3A_28[0, 0, 0] : i32 from vector<1x1x1xi32>
    %shift_left3A = arith.constant 10 : i32
    %shift_left3A_30 = arith.shli %get3A_9, %shift_left3A : i32
    %or3A = arith.ori %shift_left3A_30, %reduce_sum3A_29 : i32
    %bitcast_convert_type3A = arith.bitcast %or3A : i32 to f32
    %max3A = arith.constant 0.699999988 : f32
    %max3A_31 = arith.maximumf %bitcast_convert_type3A, %max3A : f32
    %log3A = math.log %max3A_31 : f32
    %neg3A = arith.constant 0.000000e+00 : f32
    %neg3A_32 = arith.subf %neg3A, %log3A : f32
    %swap3A = arith.constant 0 : index
    %swap3A_33 = arith.constant 0 : index
    %swap3A_34 = memref.load %arg2[%swap3A, %swap3A_33] : memref<8x128xf32, #tpu.memory_space<smem>>
    memref.store %neg3A_32, %arg2[%swap3A, %swap3A_33] : memref<8x128xf32, #tpu.memory_space<smem>>
    %swap3A_35 = arith.constant 0 : index
    %swap3A_36 = arith.constant 1 : index
    %swap3A_37 = memref.load %arg2[%swap3A_35, %swap3A_36] : memref<8x128xf32, #tpu.memory_space<smem>>
    memref.store %neg3A_32, %arg2[%swap3A_35, %swap3A_36] : memref<8x128xf32, #tpu.memory_space<smem>>
    %swap3A_38 = arith.constant 0 : index
    %swap3A_39 = arith.constant 2 : index
    %swap3A_40 = memref.load %arg2[%swap3A_38, %swap3A_39] : memref<8x128xf32, #tpu.memory_space<smem>>
    memref.store %neg3A_32, %arg2[%swap3A_38, %swap3A_39] : memref<8x128xf32, #tpu.memory_space<smem>>
    %swap3A_41 = arith.constant 0 : index
    %swap3A_42 = arith.constant 3 : index
    %swap3A_43 = memref.load %arg2[%swap3A_41, %swap3A_42] : memref<8x128xf32, #tpu.memory_space<smem>>
    memref.store %neg3A_32, %arg2[%swap3A_41, %swap3A_42] : memref<8x128xf32, #tpu.memory_space<smem>>
    %swap3A_44 = arith.constant 0 : index
    %swap3A_45 = arith.constant 4 : index
    %swap3A_46 = memref.load %arg2[%swap3A_44, %swap3A_45] : memref<8x128xf32, #tpu.memory_space<smem>>
    memref.store %neg3A_32, %arg2[%swap3A_44, %swap3A_45] : memref<8x128xf32, #tpu.memory_space<smem>>
    %swap3A_47 = arith.constant 0 : index
    %swap3A_48 = arith.constant 5 : index
    %swap3A_49 = memref.load %arg2[%swap3A_47, %swap3A_48] : memref<8x128xf32, #tpu.memory_space<smem>>
    memref.store %neg3A_32, %arg2[%swap3A_47, %swap3A_48] : memref<8x128xf32, #tpu.memory_space<smem>>
    %swap3A_50 = arith.constant 0 : index
    %swap3A_51 = arith.constant 6 : index
    %swap3A_52 = memref.load %arg2[%swap3A_50, %swap3A_51] : memref<8x128xf32, #tpu.memory_space<smem>>
    memref.store %neg3A_32, %arg2[%swap3A_50, %swap3A_51] : memref<8x128xf32, #tpu.memory_space<smem>>
    %swap3A_53 = arith.constant 0 : index
    %swap3A_54 = arith.constant 7 : index
    %swap3A_55 = memref.load %arg2[%swap3A_53, %swap3A_54] : memref<8x128xf32, #tpu.memory_space<smem>>
    memref.store %neg3A_32, %arg2[%swap3A_53, %swap3A_54] : memref<8x128xf32, #tpu.memory_space<smem>>
    %swap3A_56 = arith.constant 0 : index
    %swap3A_57 = arith.constant 8 : index
    %swap3A_58 = memref.load %arg2[%swap3A_56, %swap3A_57] : memref<8x128xf32, #tpu.memory_space<smem>>
    memref.store %neg3A_32, %arg2[%swap3A_56, %swap3A_57] : memref<8x128xf32, #tpu.memory_space<smem>>
    %swap3A_59 = arith.constant 0 : index
    %swap3A_60 = arith.constant 9 : index
    %swap3A_61 = memref.load %arg2[%swap3A_59, %swap3A_60] : memref<8x128xf32, #tpu.memory_space<smem>>
    memref.store %neg3A_32, %arg2[%swap3A_59, %swap3A_60] : memref<8x128xf32, #tpu.memory_space<smem>>
    %swap3A_62 = arith.constant 0 : index
    %swap3A_63 = arith.constant 10 : index
    %swap3A_64 = memref.load %arg2[%swap3A_62, %swap3A_63] : memref<8x128xf32, #tpu.memory_space<smem>>
    memref.store %neg3A_32, %arg2[%swap3A_62, %swap3A_63] : memref<8x128xf32, #tpu.memory_space<smem>>
    %swap3A_65 = arith.constant 0 : index
    %swap3A_66 = arith.constant 11 : index
    %swap3A_67 = memref.load %arg2[%swap3A_65, %swap3A_66] : memref<8x128xf32, #tpu.memory_space<smem>>
    memref.store %neg3A_32, %arg2[%swap3A_65, %swap3A_66] : memref<8x128xf32, #tpu.memory_space<smem>>
    %swap3A_68 = arith.constant 0 : index
    %swap3A_69 = arith.constant 12 : index
    %swap3A_70 = memref.load %arg2[%swap3A_68, %swap3A_69] : memref<8x128xf32, #tpu.memory_space<smem>>
    memref.store %neg3A_32, %arg2[%swap3A_68, %swap3A_69] : memref<8x128xf32, #tpu.memory_space<smem>>
    %swap3A_71 = arith.constant 0 : index
    %swap3A_72 = arith.constant 13 : index
    %swap3A_73 = memref.load %arg2[%swap3A_71, %swap3A_72] : memref<8x128xf32, #tpu.memory_space<smem>>
    memref.store %neg3A_32, %arg2[%swap3A_71, %swap3A_72] : memref<8x128xf32, #tpu.memory_space<smem>>
    %swap3A_74 = arith.constant 0 : index
    %swap3A_75 = arith.constant 14 : index
    %swap3A_76 = memref.load %arg2[%swap3A_74, %swap3A_75] : memref<8x128xf32, #tpu.memory_space<smem>>
    memref.store %neg3A_32, %arg2[%swap3A_74, %swap3A_75] : memref<8x128xf32, #tpu.memory_space<smem>>
    %swap3A_77 = arith.constant 0 : index
    %swap3A_78 = arith.constant 15 : index
    %swap3A_79 = memref.load %arg2[%swap3A_77, %swap3A_78] : memref<8x128xf32, #tpu.memory_space<smem>>
    memref.store %neg3A_32, %arg2[%swap3A_77, %swap3A_78] : memref<8x128xf32, #tpu.memory_space<smem>>
    return
  }
}

module attributes {stable_mosaic.version = 14 : i64} {
  func.func @body(%arg0: memref<32x32x16xf32, #tpu.memory_space<vmem>>, %arg1: memref<32x32x16xf32, #tpu.memory_space<vmem>>, %arg2: memref<1x1xf32, #tpu.memory_space<smem>>) attributes {dimension_semantics = [], scalar_prefetch = 0 : i64, scratch_operands = 0 : i64, tpu.core_type = #tpu.core_type<tc>} {
    %get3A = arith.constant 0 : index
    %get3A_0 = arith.constant 0 : index
    %get3A_1 = arith.constant 0 : index
    %get3A_2 = vector.load %arg0[%get3A, %get3A_0, %get3A_1] : memref<32x32x16xf32, #tpu.memory_space<vmem>>, vector<32x32x16xf32>
    %reduce_sum3A = arith.constant dense<0.000000e+00> : vector<32x16xf32>
    %reduce_sum3A_3 = vector.multi_reduction <add>, %get3A_2, %reduce_sum3A [0] : vector<32x32x16xf32> to vector<32x16xf32>
    %get3A_4 = arith.constant 0 : index
    %get3A_5 = arith.constant 0 : index
    %get3A_6 = arith.constant 0 : index
    %get3A_7 = vector.load %arg1[%get3A_4, %get3A_5, %get3A_6] : memref<32x32x16xf32, #tpu.memory_space<vmem>>, vector<32x32x16xf32>
    %reduce_sum3A_8 = arith.constant dense<0.000000e+00> : vector<32x16xf32>
    %reduce_sum3A_9 = vector.multi_reduction <add>, %get3A_7, %reduce_sum3A_8 [0] : vector<32x32x16xf32> to vector<32x16xf32>
    %reduce_sum3A_10 = arith.constant dense<0.000000e+00> : vector<32xf32>
    %reduce_sum3A_11 = vector.multi_reduction <add>, %reduce_sum3A_3, %reduce_sum3A_10 [1] : vector<32x16xf32> to vector<32xf32>
    %broadcast_in_dim3A = vector.shape_cast %reduce_sum3A_11 : vector<32xf32> to vector<32x1xf32>
    %reduce_sum3A_12 = arith.constant dense<0.000000e+00> : vector<32xf32>
    %reduce_sum3A_13 = vector.multi_reduction <add>, %reduce_sum3A_9, %reduce_sum3A_12 [1] : vector<32x16xf32> to vector<32xf32>
    %broadcast_in_dim3A_14 = vector.shape_cast %reduce_sum3A_13 : vector<32xf32> to vector<32x1xf32>
    %reduce_sum3A_15 = vector.shape_cast %broadcast_in_dim3A : vector<32x1xf32> to vector<1x32x1xf32>
    %reduce_sum3A_16 = arith.constant dense<0.000000e+00> : vector<1xf32>
    %reduce_sum3A_17 = vector.multi_reduction <add>, %reduce_sum3A_15, %reduce_sum3A_16 [1, 2] : vector<1x32x1xf32> to vector<1xf32>
    %reduce_sum3A_18 = vector.shape_cast %reduce_sum3A_17 : vector<1xf32> to vector<1x1x1xf32>
    %reduce_sum3A_19 = vector.extract %reduce_sum3A_18[0, 0, 0] : f32 from vector<1x1x1xf32>
    %div3A = vector.broadcast %reduce_sum3A_19 : f32 to vector<32x1xf32>
    %div3A_20 = arith.divf %broadcast_in_dim3A, %div3A : vector<32x1xf32>
    %add3A = arith.constant 1.020000e+00 : f32
    %add3A_21 = vector.broadcast %add3A : f32 to vector<32x1xf32>
    %add3A_22 = arith.addf %add3A_21, %div3A_20 : vector<32x1xf32>
    %log3A = math.log %add3A_22 : vector<32x1xf32>
    %div3A_23 = arith.constant 1.000000e+00 : f32
    %div3A_24 = vector.broadcast %div3A_23 : f32 to vector<32x1xf32>
    %div3A_25 = arith.divf %div3A_24, %log3A : vector<32x1xf32>
    %mul3A = arith.mulf %div3A_25, %broadcast_in_dim3A_14 : vector<32x1xf32>
    %reduce_sum3A_26 = vector.shape_cast %mul3A : vector<32x1xf32> to vector<1x32x1xf32>
    %reduce_sum3A_27 = arith.constant dense<0.000000e+00> : vector<1xf32>
    %reduce_sum3A_28 = vector.multi_reduction <add>, %reduce_sum3A_26, %reduce_sum3A_27 [1, 2] : vector<1x32x1xf32> to vector<1xf32>
    %reduce_sum3A_29 = vector.shape_cast %reduce_sum3A_28 : vector<1xf32> to vector<1x1x1xf32>
    %reduce_sum3A_30 = vector.extract %reduce_sum3A_29[0, 0, 0] : f32 from vector<1x1x1xf32>
    %mul3A_31 = arith.mulf %div3A_25, %broadcast_in_dim3A : vector<32x1xf32>
    %reduce_sum3A_32 = vector.shape_cast %mul3A_31 : vector<32x1xf32> to vector<1x32x1xf32>
    %reduce_sum3A_33 = arith.constant dense<0.000000e+00> : vector<1xf32>
    %reduce_sum3A_34 = vector.multi_reduction <add>, %reduce_sum3A_32, %reduce_sum3A_33 [1, 2] : vector<1x32x1xf32> to vector<1xf32>
    %reduce_sum3A_35 = vector.shape_cast %reduce_sum3A_34 : vector<1xf32> to vector<1x1x1xf32>
    %reduce_sum3A_36 = vector.extract %reduce_sum3A_35[0, 0, 0] : f32 from vector<1x1x1xf32>
    %div3A_37 = arith.divf %reduce_sum3A_30, %reduce_sum3A_36 : f32
    %swap3A = arith.constant 0 : index
    %swap3A_38 = arith.constant 0 : index
    %swap3A_39 = memref.load %arg2[%swap3A, %swap3A_38] : memref<1x1xf32, #tpu.memory_space<smem>>
    memref.store %div3A_37, %arg2[%swap3A, %swap3A_38] : memref<1x1xf32, #tpu.memory_space<smem>>
    return
  }
}

</mosaic_0001>

<sc_bundles>
// kernel: branch_0_fun.11.cloned.1.call-start
scs
__scs_entry_jumppad:
0x0: {  	(pc) =	sbr.rel $0x88, $3  }
0x1: {  	(tag) =	ssettag $0x0;
	lr =	simm.s32 $0x1  }
0x2: {  	[smem:$0x3F9F] =	sst lr;
	_ =	strace $0xD0000000  }
0x3: {  	_ = 	snop  }
0x4: {  	_ = 	snop  }
0x5: {  	_ = 	snop  }
0x6: {  	_ = 	snop  }
0x7: {  	_ = 	snop  }
__scs_overlays_trampoline_lowered:
0x8: {  	[smem:$0x3FAE] =	sst s0  }
0x9: {  	[smem:$0x3FAF] =	sst s1  }
0xa: {  	[smem:$0x3FB0] =	sst s2  }
0xb: {  	[smem:$0x3FB1] =	sst s3  }
0xc: {  	[smem:$0x3FB2] =	sst s4  }
0xd: {  	[smem:$0x3FB3] =	sst s5  }
0xe: {  	[smem:$0x3FB4] =	sst s6  }
0xf: {  	[smem:$0x3FB5] =	sst s7  }
0x10: {  	[smem:$0x3FB6] =	sst s8  }
0x11: {  	[smem:$0x3FB7] =	sst s9;
	s0 =	simm.s32 @!p0 $0x0  }
0x12: {  	s1 =	sld [smem:$0x3F9D];
	s0 =	simm.s32 @p0 $0x1  }
0x13: {  	[smem:$0x3FB8] =	sst s0;
	s0 =	simm.s32 @!p1 $0x0  }
0x14: {  	s2 =	sld [smem:$0x3F9C];
	s0 =	simm.s32 @p1 $0x1  }
0x15: {  	[smem:$0x3FB9] =	sst s0;
	s0 =	simm.s32 @!p2 $0x0  }
0x16: {  	s3 =	sld [smem:$0x3FDB];
	s0 =	simm.s32 @p2 $0x1  }
0x17: {  	s4 =	simm.s32 $0x1BF5;
	[smem:$0x3FBB] =	sst s0  }
0x18: {  	s0 =	sld [smem:$0x3F9E];
	_ =	swait.ge [sflag:s4], $0x0  }
0x19: {  	s7 =	sld [smem:$0x3F9F]  }
0x1a: {  	s8 =	sadd.s32 $0xFFFFE003, lr  }
0x1b: {  	s9 =	sadd.s32 $0xFFFFFEF7, lr;
	s5 =	simm.s32 $0xFFFFFFFF;
	p2 =	slt.u32 s8, $0xFFFFF086  }
0x1c: {  	p1 =	slt.u32 s9, $0xF7A;
	s5 =	simm.s32 @!p2 $0x0  }
0x1d: {  	s5 =	simm.s32 @p1 $0x1;
	p0 =	seq.s32 s7, s2  }
0x1e: {  	s7 =	smul.u32 @!p0 $0xF7A, s2;
	p2 =	seq.s32 @!p0 s5, $0x0  }
0x1f: {  	s9 =	smul.u32 $0xF7A, s1;
	s8 =	simm.s32 @!p0 $0x1BF5;
	p2 =	por !p2, p0  }
0x20: {  	[sflag:s8] =	ssyncset.s32 @!p0 $0xFFFFF086;
	s6 =	sadd.s32 @!p0 s3, s7;
	s7 =	simm.s32 @!p0 $0x108  }
0x21: {  	s3 =	sadd.s32 s3, s9;
	s6 =	sadd.s32 @!p0 $0x88, s6;
	s7 =	simm.s32 @p2 $0x1082  }
0x22: {  	[simem:s7], [sflag:s8] =	dma.local @!p0 [hbm:s6], $0xF7A  }
0x23: {  	s9 =	sor.u32 $0xD0000000, s2;
	s6 =	simm.s32 $0x108;
	_ =	swait.ge @!p0 [sflag:s8], $0x0  }
0x24: {  	s3 =	sadd.s32 $0x88, s3;
	s6 =	simm.s32 @!p1 $0x1082;
	[sflag:s4] =	ssyncset.s32 $0xFFFFF086  }
0x25: {  	[simem:s6], [sflag:s4] =	dma.local [hbm:s3], $0xF7A  }
0x26: {  	[smem:$0x3F9F] =	sst s1;
	(tag) =	ssettag s2;
	_ =	strace s9  }
0x27: {  	s1 =	sld [smem:$0x3FAF]  }
0x28: {  	s2 =	sld [smem:$0x3FB0]  }
0x29: {  	s4 =	sld [smem:$0x3FB2]  }
0x2a: {  	p0 =	seq.s32 s5, $0x0;
	s5 =	sld [smem:$0x3FB3]  }
0x2b: {  	s6 =	sld [smem:$0x3FB4]  }
0x2c: {  	s7 =	sld [smem:$0x3FB5]  }
0x2d: {  	s3 =	simm.s32 $0x108;
	s8 =	sld [smem:$0x3FB6]  }
0x2e: {  	s3 =	simm.s32 @!p0 $0x1082;
	s9 =	sld [smem:$0x3FB7]  }
0x2f: {  	lr =	sadd.s32 s0, s3;
	s0 =	sld [smem:$0x3FAE]  }
0x30: {  	s3 =	sld [smem:$0x3FB1]  }
0x31: {  	[smem:$0x3FBA] =	sst s10  }
0x32: {  	s10 =	sld [smem:$0x3FB8];
	_ =	sdelay $0x3  }
0x33: {  	p0 =	seq.s32 s10, $0x1;
	s10 =	sld [smem:$0x3FBA];
	_ =	sdelay $0x3  }
0x34: {  	[smem:$0x3FBA] =	sst s10  }
0x35: {  	s10 =	sld [smem:$0x3FB9];
	_ =	sdelay $0x3  }
0x36: {  	p1 =	seq.s32 s10, $0x1;
	s10 =	sld [smem:$0x3FBA];
	_ =	sdelay $0x3  }
0x37: {  	[smem:$0x3FBA] =	sst s10  }
0x38: {  	s10 =	sld [smem:$0x3FBB]  }
0x39: {  	_ = 	snop;
	(pc) =	sbr.ind lr, $3  }
0x3a: {  	_ = 	snop  }
0x3b: {  	_ = 	snop  }
0x3c: {  	p2 =	seq.s32 s10, $0x1;
	s10 =	sld [smem:$0x3FBA]  }
0x3d: {  	_ =	shalt  }
0x3e: {  	_ =	shalt  }
0x3f: {  	_ =	shalt  }
0x40: {  	_ =	shalt  }
0x41: {  	_ =	shalt  }
0x42: {  	_ =	shalt  }
0x43: {  	_ =	shalt  }
0x44: {  	_ =	shalt  }
0x45: {  	_ =	shalt  }
0x46: {  	_ =	shalt  }
0x47: {  	_ =	shalt  }
0x48: {  	_ =	shalt  }
0x49: {  	_ =	shalt  }
0x4a: {  	_ =	shalt  }
0x4b: {  	_ =	shalt  }
0x4c: {  	_ =	shalt  }
0x4d: {  	_ =	shalt  }
0x4e: {  	_ =	shalt  }
0x4f: {  	_ =	shalt  }
0x50: {  	_ =	shalt  }
0x51: {  	_ =	shalt  }
0x52: {  	_ =	shalt  }
0x53: {  	_ =	shalt  }
0x54: {  	_ =	shalt  }
0x55: {  	_ =	shalt  }
0x56: {  	_ =	shalt  }
0x57: {  	_ =	shalt  }
0x58: {  	_ =	shalt  }
0x59: {  	_ =	shalt  }
0x5a: {  	_ =	shalt  }
0x5b: {  	_ =	shalt  }
0x5c: {  	_ =	shalt  }
0x5d: {  	_ =	shalt  }
0x5e: {  	_ =	shalt  }
0x5f: {  	_ =	shalt  }
0x60: {  	_ =	shalt  }
0x61: {  	_ =	shalt  }
0x62: {  	_ =	shalt  }
0x63: {  	_ =	shalt  }
0x64: {  	_ =	shalt  }
0x65: {  	_ =	shalt  }
0x66: {  	_ =	shalt  }
0x67: {  	_ =	shalt  }
0x68: {  	_ =	shalt  }
0x69: {  	_ =	shalt  }
0x6a: {  	_ =	shalt  }
0x6b: {  	_ =	shalt  }
0x6c: {  	_ =	shalt  }
0x6d: {  	_ =	shalt  }
0x6e: {  	_ =	shalt  }
0x6f: {  	_ =	shalt  }
0x70: {  	_ =	shalt  }
0x71: {  	_ =	shalt  }
0x72: {  	_ =	shalt  }
0x73: {  	_ =	shalt  }
0x74: {  	_ =	shalt  }
0x75: {  	_ =	shalt  }
0x76: {  	_ =	shalt  }
0x77: {  	_ =	shalt  }
0x78: {  	_ =	shalt  }
0x79: {  	_ =	shalt  }
0x7a: {  	_ =	shalt  }
0x7b: {  	_ =	shalt  }
0x7c: {  	_ =	shalt  }
0x7d: {  	_ =	shalt  }
0x7e: {  	_ =	shalt  }
0x7f: {  	_ =	shalt  }
0x80: {  	_ =	shalt  }
0x81: {  	_ =	shalt  }
0x82: {  	_ =	shalt  }
0x83: {  	_ =	shalt  }
0x84: {  	_ =	shalt  }
0x85: {  	_ =	shalt  }
0x86: {  	_ =	shalt  }
0x87: {  	_ =	shalt  }
.Lfunc_end0:
.L_simem_size_0:
called_computation.1_lowered:
.L_overlay_start_0:
0x88: {  	s2 =	sld [smem:$0x3FD9]  }
0x89: {  	s3 =	sld [smem:$0x3FFE];
	_ =	sdelay $0x1  }
0x8a: {  	s1 =	srdreg.scid  }
0x8b: {  	s0 =	sand.u32 $0x1, s1  }
0x8c: {  	s16 =	sshll.u32 s0, $0xA;
	s2 =	sadd.s32 s3, s2  }
0x8d: {  	s2 =	sadd.s32 s2, s16  }
0x8e: {  	[smem:$0x3FC6] =	sst s2  }
0x8f: {  	_ = 	snop  }
0x90: {  	(tm) =	ssettm $0x1  }
0x91: {  	s17 =	sld [smem:$0x3FFB];
	_ =	sdelay $0x3  }
0x92: {  	_ =	strace s17  }
0x93: {  	s2 =	sld [smem:$0x3FFC];
	_ =	sdelay $0x3  }
0x94: {  	_ =	strace s2  }
0x95: {  	s2 =	sld [smem:$0x3FFD];
	_ =	sdelay $0x3  }
0x96: {  	_ =	strace s2  }
0x97: {  	_ =	strace $0x8FFFFFFF  }
0x98: {  	s18 =	sld [smem:$0x3FDB];
	_ =	sdelay $0x1  }
0x99: {  	s19 =	simm.s32 $_scs_section_size  }
0x9a: {  	s4 =	simm.s32 $_size__tile_overlayer_lowered;
	s5 =	simm.s32 $_tile_overlayer_lowered  }
0x9b: {  	s22 =	simm.s32 $0x1BFF;
	s21 =	sshll.u32 s5, $0x1;
	s2 =	sadd.s32 s19, s18  }
0x9c: {  	s6 =	simm.s32 $0x0;
	s20 =	sshll.u32 s4, $0x1;
	s4 =	sadd.s32 s21, s2  }
0x9d: {  	[timem:s6], [sflag:s22] =	dma.local [hbm:s4], s20  }
0x9e: {  	_ =	swait.ge [sflag:s22], s20  }
0x9f: {  	s3 =	ssub.s32 $0x0, s20;
	[sflag:s22] =	ssyncset.done $0x0  }
0xa0: {  	[sflag:s22] =	ssyncadd.s32 s3;
	_ =	sdelay $0x1  }
0xa1: {  	s23 =	simm.s32 $0x1B8B  }
0xa2: {  	_ =	swait.ge [sflag:s23], $0x1  }
0xa3: {  	[sflag:s23] =	ssyncset.done $0x0  }
0xa4: {  	s25 =	simm.s32 $0x1B8E;
	s24 =	sld [smem:$0x3FFE];
	[sflag:s23] =	ssyncadd.s32 $0xFFFFFFFF  }
0xa5: {  	s26 =	simm.s32 $execute0_lowered;
	[smem:$0x3FD2] =	sst s25  }
0xa6: {  	s4 =	sshll.u32 s26, $0x1;
	_ =	strace $0x80000049;
	[dreg:$0x1] =	wrdreg $0xFFFFFFFF  }
0xa7: {  	s28 =	simm.s32 $_size_execute0_lowered;
	s2 =	sadd.s32 s2, s4;
	[dreg:$0x0] =	wrdreg $0x0  }
0xa8: {  	s4 =	sshll.u32 s28, $0x1;
	[dreg:$0x2] =	wrdreg s2  }
0xa9: {  	[dreg:$0x3] =	wrdreg s4  }
0xaa: {  	[dreg:$0x4] =	wrdreg $0xC0  }
0xab: {  	_ =	task [dreg:s6], $0x5FFFF  }
0xac: {  	[dreg:$0x1] =	wrdreg $0xFFFFFFFF  }
0xad: {  	[dreg:$0x0] =	wrdreg $0x60  }
0xae: {  	[dreg:$0x2] =	wrdreg s24  }
0xaf: {  	[dreg:$0x3] =	wrdreg $0x9  }
0xb0: {  	_ =	task.clear_ibuf [dreg:s6], $0x4FFFF;
	_ =	strace $0x90000049  }
0xb1: {  	s29 =	simm.s32 $0x9;
	_ =	strace $0x8000004B  }
0xb2: {  	_ =	swait.ge [sflag:s29], $0x1  }
0xb3: {  	[sflag:s29] =	ssyncadd.s32 $0xFFFFFFFF  }
0xb4: {  	_ =	strace $0x9000004B  }
0xb5: {  	_ =	sfence  }
0xb6: {  	s30 =	sld [smem:$0x0];
	_ =	sdelay $0x2  }
0xb7: {  	s31 =	sshll.u32 s1, $0xD;
	s1 =	sshrl.u32 s1, $0x2  }
0xb8: {  	s3 =	sand.u32 $0x4000, s31;
	s1 =	sadd.s32 s1, s30  }
0xb9: {  	s0 =	sor.u32 s3, s0;
	s1 =	sshll.u32 s1, $0x11  }
0xba: {  	s0 =	sor.u32 s1, s0  }
0xbb: {  	s0 =	sadd.s32 $0x8F2B, s0  }
0xbc: {  	[sflag:s0] =	ssyncadd.remote.s32 $0x1  }
0xbd: {  	_ =	sfence.sel $0xFFFF  }
0xbe: {  	[dreg:$0x0] =	wrdreg $0xFFFFFFFF;
	(pc) =	sbr.abs _section_cstart, $3  }
0xbf: {  	[dreg:$0x1] =	wrdreg $0xFFFFFFFF  }
0xc0: {  	_ =	task.clear_ibuf [dreg:s6], $0x2FFFF;
	_ =	strace $0x9FFFFFFF  }
0xc1: {  	(tm) =	ssettm $0x7FFFFFFF  }
tec
execute0_lowered:
.L_overlay_start_1:
0x0: {  	(tag) =	ssettag $0x1  }
0x1: {  	s4 =	rddreg [dreg:$0x0]  }
0x2: {  	s0 =	rddreg [dreg:$0x1]  }
0x3: {  	s3 =	srdreg.scid;
	s1 =	stileid.u32;
	s2 =	simm.s32 $0x0  }
0x4: {  	s10 =	simm.s32 $0x80;
	s11 =	simm.s32 $0x400;
	s12 =	simm.s32 $0x18000  }
0x5: {  	s13 =	simm.s32 $0x0;
	s5 =	sand.u32 $0x1, s3;
	s29 =	sshll.u32 s1, $0x1  }
0x6: {  	[smem:$0x7FF] =	sst s2;
	s8 =	sshll.u32 s1, $0x9;
	s6 =	sor.u32 s5, s29  }
0x7: {  	_ =	strace $0x8000004A;
	s8 =	sand.u32 $0x1800, s8;
	s5 =	ssub.s32 $0x2, s5  }
0x8: {  	s3 =	sshll.u32 s6, $0xD;
	s6 =	sshll.u32 s6, $0x4;
	s8 =	sadd.s32 s8, s4  }
0x9: {  	s30 =	sshrl.u32 s5, $0x1;
	s7 =	sadd.s32 s3, s4;
	s3 =	sadd.s32 $0x82A00, s4  }
0xa: {  	s6 =	sand.u32 $0x70, s6;
	s9 =	ssub.s32 s5, s30;
	s4 =	sadd.s32 $0x42A00, s7  }
0xb: {  	v1 =	vlaneseq.u32;
	s31 =	sadd.s32 s6, s8;
	s6 =	smax.u32 s9, $0x1;
	s7 =	simm.s32 $0x1  }
0xc: {  	v0 =	vimm.s32 $0x0;
	v2 =	vimm.s32 $0x1;
	v1 =	vmul.u32 $0x800, v1;
	s8 =	simm.s32 $0x18800;
	s9 =	simm.s32 $0x10000;
	s5 =	sadd.s32 $0x82C00, s31  }
.LBB2_1:
0xd: {  	[tilespmem:s2], [sflag:$0x1] =	stream.linear.gather [hbm4b:s4+s2], $0x10000, $0x38;
	[tilespmem:$0x18880] =	vst v63  }
0xe: {  	_ =	swait.ge [sflag:s7], $0x10000  }
0xf: {  	[sflag:s7] =	ssyncset.done $0x0  }
0x10: {  	[sflag:s7] =	ssyncadd.s32 $0xFFFF0000  }
0x11: {  	[tilespmem:s8], [sflag:$0x1] =	stream.linear.gather [hbm4b:s3+s2], $0x80, $0x38;
	[tilespmem:$0x18880] =	vst v63  }
0x12: {  	_ =	swait.ge [sflag:s7], $0x80  }
0x13: {  	[sflag:s7] =	ssyncset.done $0x0  }
0x14: {  	s15 =	simm.s32 $0x10040;
	[sflag:s7] =	ssyncadd.s32 $0xFFFFFF80  }
0x15: {  	v3 =	vld [tilespmem:$0x18800];
	[tilespmem:s15+$0xFFFFFFC0] =	vst v0  }
0x16: {  	[tilespmem:s15+$0x30] =	vst v0  }
0x17: {  	[tilespmem:s15+$0x20] =	vst v0  }
0x18: {  	[tilespmem:s15+$0x10] =	vst v0  }
0x19: {  	[tilespmem:s15+$0x0] =	vst v0  }
0x1a: {  	[tilespmem:s15+$0xFFFFFFF0] =	vst v0  }
0x1b: {  	s14 =	simm.s32 $0xFFFFFFF8;
	s17 =	simm.s32 $0x0;
	[tilespmem:s15+$0xFFFFFFE0] =	vst v0  }
.LBB2_2:
0x1c: {  	s17 =	sadd.s32 $0x8, s17;
	[tilespmem:s15+$0xFFFFFFD0] =	vst v0;
	s15 =	sadd.s32 $0x80, s15;
	s16 =	simm.s32 $0x40  }
0x1d: {  	[tilespmem:s15+$0xFFFFFFC0] =	vst v0;
	p0 =	slt.u32 s17, $0x7F8  }
0x1e: {  	[tilespmem:s15+$0x30] =	vst v0  }
.Ltmp0:
0x1f: {  	[tilespmem:s15+$0x20] =	vst v0;
	(pc) =	sbr.rel @p0 .LBB2_2-.Ltmp0, $4  }
0x20: {  	[tilespmem:s15+$0x10] =	vst v0  }
0x21: {  	[tilespmem:s15+$0x0] =	vst v0  }
0x22: {  	[tilespmem:s15+$0xFFFFFFF0] =	vst v0  }
0x23: {  	[tilespmem:s15+$0xFFFFFFE0] =	vst v0  }
0x24: {  	[tilespmem:s15+$0xFFFFFFD0] =	vst v0  }
.LBB2_4:
0x25: {  	v4 =	vld [tilespmem:s16+$0xFFFFFFC0];
	_ =	sdelay $0x4  }
0x26: {  	v5 =	vshrl.u32 v4, $0xA;
	v4 =	vshrl.u32 v4, $0x15  }
0x27: {  	vm0 =	veq.s32 v4, v3;
	v4 =	vand.u32 $0x7FF, v5  }
0x28: {  	v4 =	vor.u32 v1, v4;
	_ =	sdelay $0x4  }
0x29: {  	[tilespmem:v4+s9+$0x0] =	vst.idx.add.s32.msk vm0, v2  }
0x2a: {  	v4 =	vld [tilespmem:s16+$0xFFFFFFD0];
	_ =	sdelay $0x4  }
0x2b: {  	v5 =	vshrl.u32 v4, $0xA;
	v4 =	vshrl.u32 v4, $0x15  }
0x2c: {  	vm9 =	veq.s32 v4, v3;
	v4 =	vand.u32 $0x7FF, v5  }
0x2d: {  	v4 =	vor.u32 v1, v4;
	_ =	sdelay $0x4  }
0x2e: {  	[tilespmem:v4+s9+$0x0] =	vst.idx.add.s32.msk vm9, v2  }
0x2f: {  	v4 =	vld [tilespmem:s16+$0xFFFFFFE0];
	_ =	sdelay $0x4  }
0x30: {  	v5 =	vshrl.u32 v4, $0xA;
	v4 =	vshrl.u32 v4, $0x15  }
0x31: {  	vm10 =	veq.s32 v4, v3;
	v4 =	vand.u32 $0x7FF, v5  }
0x32: {  	v4 =	vor.u32 v1, v4;
	_ =	sdelay $0x4  }
0x33: {  	[tilespmem:v4+s9+$0x0] =	vst.idx.add.s32.msk vm10, v2  }
0x34: {  	v4 =	vld [tilespmem:s16+$0xFFFFFFF0];
	_ =	sdelay $0x4  }
0x35: {  	v5 =	vshrl.u32 v4, $0xA;
	v4 =	vshrl.u32 v4, $0x15  }
0x36: {  	vm11 =	veq.s32 v4, v3;
	v4 =	vand.u32 $0x7FF, v5  }
0x37: {  	v4 =	vor.u32 v1, v4;
	_ =	sdelay $0x4  }
0x38: {  	[tilespmem:v4+s9+$0x0] =	vst.idx.add.s32.msk vm11, v2  }
0x39: {  	v4 =	vld [tilespmem:s16+$0x0];
	_ =	sdelay $0x4  }
0x3a: {  	v5 =	vshrl.u32 v4, $0xA;
	v4 =	vshrl.u32 v4, $0x15  }
0x3b: {  	vm12 =	veq.s32 v4, v3;
	v4 =	vand.u32 $0x7FF, v5  }
0x3c: {  	v4 =	vor.u32 v1, v4;
	_ =	sdelay $0x4  }
0x3d: {  	[tilespmem:v4+s9+$0x0] =	vst.idx.add.s32.msk vm12, v2  }
0x3e: {  	v4 =	vld [tilespmem:s16+$0x10];
	_ =	sdelay $0x4  }
0x3f: {  	v5 =	vshrl.u32 v4, $0xA;
	v4 =	vshrl.u32 v4, $0x15  }
0x40: {  	vm13 =	veq.s32 v4, v3;
	v4 =	vand.u32 $0x7FF, v5  }
0x41: {  	v4 =	vor.u32 v1, v4;
	_ =	sdelay $0x4  }
0x42: {  	[tilespmem:v4+s9+$0x0] =	vst.idx.add.s32.msk vm13, v2  }
0x43: {  	v4 =	vld [tilespmem:s16+$0x20];
	_ =	sdelay $0x4  }
0x44: {  	v5 =	vshrl.u32 v4, $0xA;
	v4 =	vshrl.u32 v4, $0x15  }
0x45: {  	vm14 =	veq.s32 v4, v3;
	v4 =	vand.u32 $0x7FF, v5  }
0x46: {  	v4 =	vor.u32 v1, v4;
	_ =	sdelay $0x4  }
0x47: {  	[tilespmem:v4+s9+$0x0] =	vst.idx.add.s32.msk vm14, v2  }
0x48: {  	v4 =	vld [tilespmem:s16+$0x30];
	_ =	sdelay $0x4  }
0x49: {  	v5 =	vshrl.u32 v4, $0xA;
	v4 =	vshrl.u32 v4, $0x15  }
0x4a: {  	s14 =	sadd.s32 $0x8, s14;
	vm15 =	veq.s32 v4, v3;
	v4 =	vand.u32 $0x7FF, v5  }
0x4b: {  	p0 =	slt.u32 s14, $0xFF8;
	v4 =	vor.u32 v1, v4  }
.Ltmp1:
0x4c: {  	_ = 	snop;
	(pc) =	sbr.rel @p0 .LBB2_4-.Ltmp1, $2  }
0x4d: {  	_ =	sdelay $0x2  }
0x4e: {  	s15 =	simm.s32 $0x0;
	s16 =	sadd.s32 $0x80, s16;
	[tilespmem:v4+s9+$0x0] =	vst.idx.add.s32.msk vm15, v2  }
0x4f: {  	s14 =	simm.s32 $0x0  }
0x50: {  	v4 =	vld [tilespmem:s14+$0x17810]  }
0x51: {  	v3 =	vld [tilespmem:s14+$0x17820]  }
0x52: {  	v16 =	vld [tilespmem:s14+$0x17830]  }
0x53: {  	v17 =	vld [tilespmem:s14+$0x17010]  }
0x54: {  	v18 =	vld [tilespmem:s14+$0x17030]  }
0x55: {  	v19 =	vld [tilespmem:s14+$0x16810]  }
0x56: {  	v20 =	vld [tilespmem:s14+$0x16830]  }
0x57: {  	v21 =	vld [tilespmem:s14+$0x16010]  }
0x58: {  	v22 =	vld [tilespmem:s14+$0x16030]  }
0x59: {  	v23 =	vld [tilespmem:s14+$0x15810]  }
0x5a: {  	v24 =	vld [tilespmem:s14+$0x15830]  }
0x5b: {  	v25 =	vld [tilespmem:s14+$0x15010]  }
0x5c: {  	v26 =	vld [tilespmem:s14+$0x15030]  }
0x5d: {  	v27 =	vld [tilespmem:s14+$0x14810]  }
0x5e: {  	v28 =	vld [tilespmem:s14+$0x14830]  }
0x5f: {  	v29 =	vld [tilespmem:s14+$0x14010]  }
0x60: {  	v30 =	vld [tilespmem:s14+$0x14030]  }
0x61: {  	v31 =	vld [tilespmem:s14+$0x13810]  }
0x62: {  	v32 =	vld [tilespmem:s14+$0x13830]  }
0x63: {  	s16 =	sand.u32 $0x7C0, s15;
	v33 =	vld [tilespmem:s14+$0x13010]  }
0x64: {  	v15 =	vld [tilespmem:s16+$0x12000]  }
0x65: {  	v14 =	vld [tilespmem:s16+$0x12800]  }
0x66: {  	v13 =	vld [tilespmem:s16+$0x13000]  }
0x67: {  	v12 =	vld [tilespmem:s16+$0x13800]  }
0x68: {  	v11 =	vld [tilespmem:s16+$0x14000]  }
0x69: {  	v10 =	vld [tilespmem:s16+$0x14800]  }
0x6a: {  	v9 =	vld [tilespmem:s16+$0x15000]  }
0x6b: {  	v8 =	vld [tilespmem:s16+$0x15800]  }
0x6c: {  	v7 =	vld [tilespmem:s16+$0x16000]  }
0x6d: {  	v6 =	vld [tilespmem:s16+$0x16800]  }
0x6e: {  	v5 =	vld [tilespmem:s16+$0x17800]  }
0x6f: {  	v34 =	vld [tilespmem:s14+$0x13030]  }
0x70: {  	v35 =	vld [tilespmem:s14+$0x12810]  }
0x71: {  	v36 =	vld [tilespmem:s14+$0x12830]  }
0x72: {  	v37 =	vld [tilespmem:s14+$0x12010]  }
0x73: {  	v38 =	vld [tilespmem:s14+$0x12030]  }
0x74: {  	v39 =	vld [tilespmem:s14+$0x11810]  }
0x75: {  	v40 =	vld [tilespmem:s14+$0x11830]  }
0x76: {  	v41 =	vld [tilespmem:s14+$0x11010]  }
0x77: {  	v42 =	vld [tilespmem:s14+$0x11030]  }
0x78: {  	v43 =	vld [tilespmem:s14+$0x10010]  }
0x79: {  	v44 =	vld [tilespmem:s14+$0x10810]  }
0x7a: {  	v45 =	vld [tilespmem:s14+$0x10030]  }
0x7b: {  	v46 =	vld [tilespmem:s14+$0x10830]  }
0x7c: {  	v47 =	vld [tilespmem:s14+$0x10020]  }
0x7d: {  	v48 =	vld [tilespmem:s14+$0x10820]  }
0x7e: {  	v49 =	vld [tilespmem:s14+$0x11020]  }
0x7f: {  	v50 =	vld [tilespmem:s14+$0x11820]  }
0x80: {  	v51 =	vld [tilespmem:s14+$0x12020];
	v45 =	vadd.s32 v45, v46  }
0x81: {  	v62 =	vld [tilespmem:s14+$0x12820];
	v43 =	vadd.s32 v43, v44;
	v42 =	vadd.s32 v42, v45  }
0x82: {  	v63 =	vadd.s32 v47, v48;
	v48 =	vld [tilespmem:s14+$0x13020];
	v41 =	vadd.s32 v41, v43;
	v40 =	vadd.s32 v40, v42  }
0x83: {  	v52 =	vld [tilespmem:s14+$0x13820];
	v49 =	vadd.s32 v49, v63;
	v39 =	vadd.s32 v39, v41;
	v38 =	vadd.s32 v38, v40  }
0x84: {  	v54 =	vld [tilespmem:s14+$0x14020];
	v53 =	vadd.s32 v50, v49;
	v37 =	vadd.s32 v37, v39;
	v36 =	vadd.s32 v36, v38  }
0x85: {  	v56 =	vld [tilespmem:s14+$0x14820];
	v55 =	vadd.s32 v51, v53;
	v35 =	vadd.s32 v35, v37;
	v34 =	vadd.s32 v34, v36  }
0x86: {  	v58 =	vld [tilespmem:s14+$0x15020];
	v57 =	vadd.s32 v62, v55;
	v33 =	vadd.s32 v33, v35;
	v32 =	vadd.s32 v32, v34  }
0x87: {  	v60 =	vld [tilespmem:s14+$0x15820];
	v59 =	vadd.s32 v48, v57;
	v31 =	vadd.s32 v31, v33;
	v30 =	vadd.s32 v30, v32  }
0x88: {  	v62 =	vld [tilespmem:s14+$0x16020];
	v61 =	vadd.s32 v52, v59;
	v29 =	vadd.s32 v29, v31;
	v28 =	vadd.s32 v28, v30  }
0x89: {  	v63 =	vld [tilespmem:s14+$0x16820];
	v27 =	vadd.s32 v27, v29;
	v29 =	vadd.s32 v54, v61;
	v26 =	vadd.s32 v26, v28  }
0x8a: {  	v27 =	vadd.s32 v25, v27;
	v28 =	vadd.s32 v56, v29;
	v25 =	vld [tilespmem:s14+$0x17020];
	v26 =	vadd.s32 v24, v26  }
0x8b: {  	v24 =	vld [tilespmem:s14+$0x10000];
	v23 =	vadd.s32 v23, v27;
	v28 =	vadd.s32 v58, v28;
	v22 =	vadd.s32 v22, v26  }
0x8c: {  	v27 =	vld [tilespmem:s16+$0x17000];
	v23 =	vadd.s32 v21, v23;
	v26 =	vadd.s32 v60, v28;
	v20 =	vadd.s32 v20, v22  }
0x8d: {  	v21 =	vld [tilespmem:s16+$0x11800];
	v19 =	vadd.s32 v19, v23;
	v22 =	vadd.s32 v62, v26;
	v23 =	vadd.s32 v18, v20  }
0x8e: {  	s17 =	simm.s32 $0x0;
	s18 =	simm.s32 $0x100;
	v20 =	vld [tilespmem:s16+$0x11000];
	v17 =	vadd.s32 v17, v19;
	v18 =	vadd.s32 v63, v22;
	v16 =	vadd.s32 v16, v23  }
.LBB2_6:
0x8f: {  	s19 =	sshra.s32 s18, $0x2;
	v19 =	vld [tilespmem:s16+$0x10800];
	v17 =	vadd.s32 v4, v17;
	v18 =	vadd.s32 v25, v18;
	[tilespmem:s14+$0x18030] =	vst v16  }
0x90: {  	v4 =	vld [tilespmem:s19+$0x17810];
	[tilespmem:s14+$0x18010] =	vst v17;
	v16 =	vadd.s32 v3, v18  }
0x91: {  	v3 =	vld [tilespmem:s19+$0x17820];
	[tilespmem:s14+$0x18020] =	vst v16  }
0x92: {  	v16 =	vld [tilespmem:s19+$0x17830]  }
0x93: {  	v17 =	vld [tilespmem:s19+$0x17010]  }
0x94: {  	v18 =	vld [tilespmem:s19+$0x17030];
	v22 =	vadd.s32 v24, v19  }
0x95: {  	v19 =	vld [tilespmem:s19+$0x16810];
	v22 =	vadd.s32 v20, v22  }
0x96: {  	v20 =	vld [tilespmem:s19+$0x16830];
	v22 =	vadd.s32 v21, v22  }
0x97: {  	v21 =	vld [tilespmem:s19+$0x16010];
	v15 =	vadd.s32 v15, v22  }
0x98: {  	v22 =	vld [tilespmem:s19+$0x16030];
	v14 =	vadd.s32 v14, v15  }
0x99: {  	v23 =	vld [tilespmem:s19+$0x15810];
	v13 =	vadd.s32 v13, v14  }
0x9a: {  	v24 =	vld [tilespmem:s19+$0x15830];
	v12 =	vadd.s32 v12, v13  }
0x9b: {  	v25 =	vld [tilespmem:s19+$0x15010];
	v11 =	vadd.s32 v11, v12  }
0x9c: {  	v26 =	vld [tilespmem:s19+$0x15030];
	v10 =	vadd.s32 v10, v11  }
0x9d: {  	v28 =	vld [tilespmem:s19+$0x14810];
	v9 =	vadd.s32 v9, v10  }
0x9e: {  	v29 =	vld [tilespmem:s19+$0x14830];
	v8 =	vadd.s32 v8, v9  }
0x9f: {  	v30 =	vld [tilespmem:s19+$0x14010];
	v7 =	vadd.s32 v7, v8  }
0xa0: {  	v31 =	vld [tilespmem:s19+$0x14030];
	v6 =	vadd.s32 v6, v7  }
0xa1: {  	v32 =	vld [tilespmem:s19+$0x13810];
	v6 =	vadd.s32 v27, v6  }
0xa2: {  	s15 =	sadd.s32 $0x40, s15;
	v27 =	vld [tilespmem:s19+$0x13830];
	v5 =	vadd.s32 v5, v6  }
0xa3: {  	s16 =	sand.u32 $0x7C0, s15;
	v33 =	vld [tilespmem:s19+$0x13010];
	[tilespmem:s14+$0x18000] =	vst v5;
	s14 =	smov.u32 s19  }
0xa4: {  	v15 =	vld [tilespmem:s16+$0x12000]  }
0xa5: {  	v14 =	vld [tilespmem:s16+$0x12800]  }
0xa6: {  	v13 =	vld [tilespmem:s16+$0x13000]  }
0xa7: {  	v12 =	vld [tilespmem:s16+$0x13800]  }
0xa8: {  	v11 =	vld [tilespmem:s16+$0x14000]  }
0xa9: {  	v10 =	vld [tilespmem:s16+$0x14800]  }
0xaa: {  	v9 =	vld [tilespmem:s16+$0x15000]  }
0xab: {  	v8 =	vld [tilespmem:s16+$0x15800]  }
0xac: {  	v7 =	vld [tilespmem:s16+$0x16000]  }
0xad: {  	v6 =	vld [tilespmem:s16+$0x16800]  }
0xae: {  	v5 =	vld [tilespmem:s16+$0x17800]  }
0xaf: {  	v34 =	vld [tilespmem:s14+$0x13030]  }
0xb0: {  	v35 =	vld [tilespmem:s14+$0x12810]  }
0xb1: {  	v36 =	vld [tilespmem:s14+$0x12830]  }
0xb2: {  	v37 =	vld [tilespmem:s14+$0x12010]  }
0xb3: {  	v38 =	vld [tilespmem:s14+$0x12030]  }
0xb4: {  	v39 =	vld [tilespmem:s14+$0x11810]  }
0xb5: {  	v40 =	vld [tilespmem:s14+$0x11830]  }
0xb6: {  	v41 =	vld [tilespmem:s14+$0x11010]  }
0xb7: {  	v42 =	vld [tilespmem:s14+$0x11030]  }
0xb8: {  	v43 =	vld [tilespmem:s14+$0x10010]  }
0xb9: {  	v44 =	vld [tilespmem:s14+$0x10810]  }
0xba: {  	s17 =	sadd.s32 $0x4, s17;
	v45 =	vld [tilespmem:s14+$0x10030]  }
0xbb: {  	p0 =	slt.u32 s17, $0x7C;
	v46 =	vld [tilespmem:s14+$0x10830]  }
0xbc: {  	v47 =	vld [tilespmem:s14+$0x10020]  }
0xbd: {  	v48 =	vld [tilespmem:s14+$0x10820]  }
0xbe: {  	v49 =	vld [tilespmem:s14+$0x11020]  }
0xbf: {  	v50 =	vld [tilespmem:s14+$0x11820]  }
0xc0: {  	v51 =	vld [tilespmem:s14+$0x12020];
	v45 =	vadd.s32 v45, v46  }
0xc1: {  	v43 =	vadd.s32 v43, v44;
	v44 =	vld [tilespmem:s14+$0x12820];
	v42 =	vadd.s32 v42, v45  }
0xc2: {  	v41 =	vadd.s32 v41, v43;
	v43 =	vadd.s32 v47, v48;
	v45 =	vld [tilespmem:s14+$0x13020];
	v40 =	vadd.s32 v40, v42  }
0xc3: {  	v39 =	vadd.s32 v39, v41;
	v41 =	vadd.s32 v49, v43;
	v42 =	vld [tilespmem:s14+$0x13820];
	v38 =	vadd.s32 v38, v40  }
0xc4: {  	v37 =	vadd.s32 v37, v39;
	v39 =	vadd.s32 v50, v41;
	v40 =	vld [tilespmem:s14+$0x14020];
	v36 =	vadd.s32 v36, v38  }
0xc5: {  	v35 =	vadd.s32 v35, v37;
	v37 =	vadd.s32 v51, v39;
	v38 =	vld [tilespmem:s14+$0x14820];
	v34 =	vadd.s32 v34, v36  }
0xc6: {  	v33 =	vadd.s32 v33, v35;
	v35 =	vadd.s32 v44, v37;
	v36 =	vld [tilespmem:s14+$0x15020];
	v27 =	vadd.s32 v27, v34  }
0xc7: {  	v32 =	vadd.s32 v32, v33;
	v33 =	vadd.s32 v45, v35;
	v34 =	vld [tilespmem:s14+$0x15820];
	v27 =	vadd.s32 v31, v27  }
0xc8: {  	v30 =	vadd.s32 v30, v32;
	v31 =	vadd.s32 v42, v33;
	v32 =	vld [tilespmem:s14+$0x16020];
	v27 =	vadd.s32 v29, v27  }
0xc9: {  	v28 =	vadd.s32 v28, v30;
	v29 =	vadd.s32 v40, v31;
	v30 =	vld [tilespmem:s14+$0x16820];
	v26 =	vadd.s32 v26, v27  }
.Ltmp2:
0xca: {  	v27 =	vadd.s32 v25, v28;
	v28 =	vadd.s32 v38, v29;
	v25 =	vld [tilespmem:s14+$0x17020];
	v26 =	vadd.s32 v24, v26;
	(pc) =	sbr.rel @p0 .LBB2_6-.Ltmp2, $4  }
0xcb: {  	v23 =	vadd.s32 v23, v27;
	v24 =	vld [tilespmem:s14+$0x10000];
	v28 =	vadd.s32 v36, v28;
	v22 =	vadd.s32 v22, v26  }
0xcc: {  	v23 =	vadd.s32 v21, v23;
	v27 =	vld [tilespmem:s16+$0x17000];
	v26 =	vadd.s32 v34, v28;
	v20 =	vadd.s32 v20, v22  }
0xcd: {  	v19 =	vadd.s32 v19, v23;
	v21 =	vld [tilespmem:s16+$0x11800];
	v22 =	vadd.s32 v32, v26;
	v23 =	vadd.s32 v18, v20  }
0xce: {  	s18 =	sadd.s32 $0x100, s18;
	v17 =	vadd.s32 v17, v19;
	v20 =	vld [tilespmem:s16+$0x11000];
	v18 =	vadd.s32 v30, v22;
	v16 =	vadd.s32 v16, v23  }
0xcf: {  	v19 =	vld [tilespmem:s16+$0x10800];
	_ =	sdelay $0x4  }
0xd0: {  	v19 =	vadd.s32 v24, v19  }
0xd1: {  	v19 =	vadd.s32 v20, v19  }
0xd2: {  	v19 =	vadd.s32 v21, v19  }
0xd3: {  	v15 =	vadd.s32 v15, v19  }
0xd4: {  	v14 =	vadd.s32 v14, v15  }
0xd5: {  	v13 =	vadd.s32 v13, v14  }
0xd6: {  	v12 =	vadd.s32 v12, v13  }
0xd7: {  	v11 =	vadd.s32 v11, v12  }
0xd8: {  	v10 =	vadd.s32 v10, v11  }
0xd9: {  	v9 =	vadd.s32 v9, v10  }
0xda: {  	v8 =	vadd.s32 v8, v9  }
0xdb: {  	v7 =	vadd.s32 v7, v8  }
0xdc: {  	v4 =	vadd.s32 v4, v17;
	v62 =	vadd.s32 v25, v18;
	[tilespmem:s14+$0x18030] =	vst v16;
	v6 =	vadd.s32 v6, v7  }
0xdd: {  	s13 =	sadd.s32 $0x1, s13;
	[tilespmem:s14+$0x18010] =	vst v4;
	v3 =	vadd.s32 v3, v62;
	v63 =	vadd.s32 v27, v6  }
0xde: {  	p0 =	sne.s32 s13, s6;
	[tilespmem:s14+$0x18020] =	vst v3;
	v3 =	vadd.s32 v5, v63  }
.Ltmp3:
0xdf: {  	[tilespmem:s14+$0x18000] =	vst v3;
	(pc) =	sbr.rel @p0 .LBB2_1-.Ltmp3, $4  }
0xe0: {  	[hbm4b:s5+s10] =	stream.strided.scatter [tilespmem:s12], [sflag:$0x1], $0x800, s11, s10, $0x38;
	[tilespmem:$0x18880] =	vst v63  }
0xe1: {  	_ =	swait.ge [sflag:s7], $0x800  }
0xe2: {  	[sflag:s7] =	ssyncset.done $0x0  }
0xe3: {  	[sflag:s7] =	ssyncadd.s32 $0xFFFFF800  }
0xe4: {  	_ =	sfence.sel $0x180000  }
0xe5: {  	[bflag:$0x0] =	sbarrier.arrive $0xFFFF  }
0xe6: {  	p0 =	sne.s32 s1, $0x0;
	_ =	strace $0x9000004A  }
0xe7: {  	s0 =	sadd.s32 @!p0 $0x100000, s0;
	[bflag:$0x2] =	sbarrier.arrive $0xFFFF  }
0xe8: {  	[sflag:s0] =	ssyncadd.tile.s32 @!p0 $0x1;
	_ =	shalt  }
.Lfunc_end2:
_tile_overlayer_lowered:
.L_overlay_start_2:
0xe9: {  	(tag) =	ssettag $0x2  }
0xea: {  	s0 =	rddreg [dreg:$0x0];
	s2 =	stileid.u32  }
0xeb: {  	s1 =	rddreg [dreg:$0x1];
	p0 =	sne.s32 s2, $0x0  }
0xec: {  	s3 =	rddreg [dreg:$0x2];
	[bflag:$0x3] =	sbarrier.arrive $0xFFFF;
	s2 =	simm.s32 @!p0 $0x1C01  }
0xed: {  	[timem:s3], [sflag:s2] =	dma.local @!p0 [hbm:s0], s1  }
0xee: {  	s0 =	simm.s32 @!p0 $0x1  }
0xef: {  	_ =	swait.ge @!p0 [sflag:s0], s1  }
0xf0: {  	s1 =	ssub.s32 @!p0 $0x0, s1;
	[sflag:s0] =	ssyncset.done @!p0 $0x0  }
0xf1: {  	[sflag:s0] =	ssyncadd.s32 @!p0 s1  }
0xf2: {  	[bflag:$0x3] =	sbarrier.arrive $0xFFFF  }
0xf3: {  	_ =	shalt  }

// kernel: branch_0_fun.14.cloned.1.call-start
scs
__scs_entry_jumppad:
0x0: {  	(pc) =	sbr.rel $0x88, $3  }
0x1: {  	(tag) =	ssettag $0x0;
	lr =	simm.s32 $0x1  }
0x2: {  	[smem:$0x3F9F] =	sst lr;
	_ =	strace $0xD0000000  }
0x3: {  	_ = 	snop  }
0x4: {  	_ = 	snop  }
0x5: {  	_ = 	snop  }
0x6: {  	_ = 	snop  }
0x7: {  	_ = 	snop  }
__scs_overlays_trampoline_lowered:
0x8: {  	[smem:$0x3FAE] =	sst s0  }
0x9: {  	[smem:$0x3FAF] =	sst s1  }
0xa: {  	[smem:$0x3FB0] =	sst s2  }
0xb: {  	[smem:$0x3FB1] =	sst s3  }
0xc: {  	[smem:$0x3FB2] =	sst s4  }
0xd: {  	[smem:$0x3FB3] =	sst s5  }
0xe: {  	[smem:$0x3FB4] =	sst s6  }
0xf: {  	[smem:$0x3FB5] =	sst s7  }
0x10: {  	[smem:$0x3FB6] =	sst s8  }
0x11: {  	[smem:$0x3FB7] =	sst s9;
	s0 =	simm.s32 @!p0 $0x0  }
0x12: {  	s1 =	sld [smem:$0x3F9D];
	s0 =	simm.s32 @p0 $0x1  }
0x13: {  	[smem:$0x3FB8] =	sst s0;
	s0 =	simm.s32 @!p1 $0x0  }
0x14: {  	s2 =	sld [smem:$0x3F9C];
	s0 =	simm.s32 @p1 $0x1  }
0x15: {  	[smem:$0x3FB9] =	sst s0;
	s0 =	simm.s32 @!p2 $0x0  }
0x16: {  	s3 =	sld [smem:$0x3FDB];
	s0 =	simm.s32 @p2 $0x1  }
0x17: {  	s4 =	simm.s32 $0x1BF5;
	[smem:$0x3FBB] =	sst s0  }
0x18: {  	s0 =	sld [smem:$0x3F9E];
	_ =	swait.ge [sflag:s4], $0x0  }
0x19: {  	s7 =	sld [smem:$0x3F9F]  }
0x1a: {  	s8 =	sadd.s32 $0xFFFFE003, lr  }
0x1b: {  	s9 =	sadd.s32 $0xFFFFFEF7, lr;
	s5 =	simm.s32 $0xFFFFFFFF;
	p2 =	slt.u32 s8, $0xFFFFF086  }
0x1c: {  	p1 =	slt.u32 s9, $0xF7A;
	s5 =	simm.s32 @!p2 $0x0  }
0x1d: {  	s5 =	simm.s32 @p1 $0x1;
	p0 =	seq.s32 s7, s2  }
0x1e: {  	s7 =	smul.u32 @!p0 $0xF7A, s2;
	p2 =	seq.s32 @!p0 s5, $0x0  }
0x1f: {  	s9 =	smul.u32 $0xF7A, s1;
	s8 =	simm.s32 @!p0 $0x1BF5;
	p2 =	por !p2, p0  }
0x20: {  	[sflag:s8] =	ssyncset.s32 @!p0 $0xFFFFF086;
	s6 =	sadd.s32 @!p0 s3, s7;
	s7 =	simm.s32 @!p0 $0x108  }
0x21: {  	s3 =	sadd.s32 s3, s9;
	s6 =	sadd.s32 @!p0 $0x88, s6;
	s7 =	simm.s32 @p2 $0x1082  }
0x22: {  	[simem:s7], [sflag:s8] =	dma.local @!p0 [hbm:s6], $0xF7A  }
0x23: {  	s9 =	sor.u32 $0xD0000000, s2;
	s6 =	simm.s32 $0x108;
	_ =	swait.ge @!p0 [sflag:s8], $0x0  }
0x24: {  	s3 =	sadd.s32 $0x88, s3;
	s6 =	simm.s32 @!p1 $0x1082;
	[sflag:s4] =	ssyncset.s32 $0xFFFFF086  }
0x25: {  	[simem:s6], [sflag:s4] =	dma.local [hbm:s3], $0xF7A  }
0x26: {  	[smem:$0x3F9F] =	sst s1;
	(tag) =	ssettag s2;
	_ =	strace s9  }
0x27: {  	s1 =	sld [smem:$0x3FAF]  }
0x28: {  	s2 =	sld [smem:$0x3FB0]  }
0x29: {  	s4 =	sld [smem:$0x3FB2]  }
0x2a: {  	p0 =	seq.s32 s5, $0x0;
	s5 =	sld [smem:$0x3FB3]  }
0x2b: {  	s6 =	sld [smem:$0x3FB4]  }
0x2c: {  	s7 =	sld [smem:$0x3FB5]  }
0x2d: {  	s3 =	simm.s32 $0x108;
	s8 =	sld [smem:$0x3FB6]  }
0x2e: {  	s3 =	simm.s32 @!p0 $0x1082;
	s9 =	sld [smem:$0x3FB7]  }
0x2f: {  	lr =	sadd.s32 s0, s3;
	s0 =	sld [smem:$0x3FAE]  }
0x30: {  	s3 =	sld [smem:$0x3FB1]  }
0x31: {  	[smem:$0x3FBA] =	sst s10  }
0x32: {  	s10 =	sld [smem:$0x3FB8];
	_ =	sdelay $0x3  }
0x33: {  	p0 =	seq.s32 s10, $0x1;
	s10 =	sld [smem:$0x3FBA];
	_ =	sdelay $0x3  }
0x34: {  	[smem:$0x3FBA] =	sst s10  }
0x35: {  	s10 =	sld [smem:$0x3FB9];
	_ =	sdelay $0x3  }
0x36: {  	p1 =	seq.s32 s10, $0x1;
	s10 =	sld [smem:$0x3FBA];
	_ =	sdelay $0x3  }
0x37: {  	[smem:$0x3FBA] =	sst s10  }
0x38: {  	s10 =	sld [smem:$0x3FBB]  }
0x39: {  	_ = 	snop;
	(pc) =	sbr.ind lr, $3  }
0x3a: {  	_ = 	snop  }
0x3b: {  	_ = 	snop  }
0x3c: {  	p2 =	seq.s32 s10, $0x1;
	s10 =	sld [smem:$0x3FBA]  }
0x3d: {  	_ =	shalt  }
0x3e: {  	_ =	shalt  }
0x3f: {  	_ =	shalt  }
0x40: {  	_ =	shalt  }
0x41: {  	_ =	shalt  }
0x42: {  	_ =	shalt  }
0x43: {  	_ =	shalt  }
0x44: {  	_ =	shalt  }
0x45: {  	_ =	shalt  }
0x46: {  	_ =	shalt  }
0x47: {  	_ =	shalt  }
0x48: {  	_ =	shalt  }
0x49: {  	_ =	shalt  }
0x4a: {  	_ =	shalt  }
0x4b: {  	_ =	shalt  }
0x4c: {  	_ =	shalt  }
0x4d: {  	_ =	shalt  }
0x4e: {  	_ =	shalt  }
0x4f: {  	_ =	shalt  }
0x50: {  	_ =	shalt  }
0x51: {  	_ =	shalt  }
0x52: {  	_ =	shalt  }
0x53: {  	_ =	shalt  }
0x54: {  	_ =	shalt  }
0x55: {  	_ =	shalt  }
0x56: {  	_ =	shalt  }
0x57: {  	_ =	shalt  }
0x58: {  	_ =	shalt  }
0x59: {  	_ =	shalt  }
0x5a: {  	_ =	shalt  }
0x5b: {  	_ =	shalt  }
0x5c: {  	_ =	shalt  }
0x5d: {  	_ =	shalt  }
0x5e: {  	_ =	shalt  }
0x5f: {  	_ =	shalt  }
0x60: {  	_ =	shalt  }
0x61: {  	_ =	shalt  }
0x62: {  	_ =	shalt  }
0x63: {  	_ =	shalt  }
0x64: {  	_ =	shalt  }
0x65: {  	_ =	shalt  }
0x66: {  	_ =	shalt  }
0x67: {  	_ =	shalt  }
0x68: {  	_ =	shalt  }
0x69: {  	_ =	shalt  }
0x6a: {  	_ =	shalt  }
0x6b: {  	_ =	shalt  }
0x6c: {  	_ =	shalt  }
0x6d: {  	_ =	shalt  }
0x6e: {  	_ =	shalt  }
0x6f: {  	_ =	shalt  }
0x70: {  	_ =	shalt  }
0x71: {  	_ =	shalt  }
0x72: {  	_ =	shalt  }
0x73: {  	_ =	shalt  }
0x74: {  	_ =	shalt  }
0x75: {  	_ =	shalt  }
0x76: {  	_ =	shalt  }
0x77: {  	_ =	shalt  }
0x78: {  	_ =	shalt  }
0x79: {  	_ =	shalt  }
0x7a: {  	_ =	shalt  }
0x7b: {  	_ =	shalt  }
0x7c: {  	_ =	shalt  }
0x7d: {  	_ =	shalt  }
0x7e: {  	_ =	shalt  }
0x7f: {  	_ =	shalt  }
0x80: {  	_ =	shalt  }
0x81: {  	_ =	shalt  }
0x82: {  	_ =	shalt  }
0x83: {  	_ =	shalt  }
0x84: {  	_ =	shalt  }
0x85: {  	_ =	shalt  }
0x86: {  	_ =	shalt  }
0x87: {  	_ =	shalt  }
.Lfunc_end0:
.L_simem_size_0:
called_computation.2_lowered:
.L_overlay_start_0:
0x88: {  	s2 =	sld [smem:$0x3FD9]  }
0x89: {  	s3 =	sld [smem:$0x3FFE];
	_ =	sdelay $0x1  }
0x8a: {  	s1 =	srdreg.scid  }
0x8b: {  	s0 =	sand.u32 $0x1, s1  }
0x8c: {  	s16 =	sshll.u32 s0, $0xA;
	s2 =	sadd.s32 s3, s2  }
0x8d: {  	s2 =	sadd.s32 s2, s16  }
0x8e: {  	[smem:$0x3FC6] =	sst s2  }
0x8f: {  	_ = 	snop  }
0x90: {  	(tm) =	ssettm $0x1  }
0x91: {  	s17 =	sld [smem:$0x3FFB];
	_ =	sdelay $0x3  }
0x92: {  	_ =	strace s17  }
0x93: {  	s2 =	sld [smem:$0x3FFC];
	_ =	sdelay $0x3  }
0x94: {  	_ =	strace s2  }
0x95: {  	s2 =	sld [smem:$0x3FFD];
	_ =	sdelay $0x3  }
0x96: {  	_ =	strace s2  }
0x97: {  	_ =	strace $0x8FFFFFFF  }
0x98: {  	s18 =	sld [smem:$0x3FDB];
	_ =	sdelay $0x1  }
0x99: {  	s19 =	simm.s32 $_scs_section_size  }
0x9a: {  	s4 =	simm.s32 $_size__tile_overlayer_lowered;
	s5 =	simm.s32 $_tile_overlayer_lowered  }
0x9b: {  	s22 =	simm.s32 $0x1BFF;
	s21 =	sshll.u32 s5, $0x1;
	s2 =	sadd.s32 s19, s18  }
0x9c: {  	s6 =	simm.s32 $0x0;
	s20 =	sshll.u32 s4, $0x1;
	s4 =	sadd.s32 s21, s2  }
0x9d: {  	[timem:s6], [sflag:s22] =	dma.local [hbm:s4], s20  }
0x9e: {  	_ =	swait.ge [sflag:s22], s20  }
0x9f: {  	s3 =	ssub.s32 $0x0, s20;
	[sflag:s22] =	ssyncset.done $0x0  }
0xa0: {  	[sflag:s22] =	ssyncadd.s32 s3;
	_ =	sdelay $0x1  }
0xa1: {  	s23 =	simm.s32 $0x1B8B  }
0xa2: {  	_ =	swait.ge [sflag:s23], $0x1  }
0xa3: {  	[sflag:s23] =	ssyncset.done $0x0  }
0xa4: {  	s25 =	simm.s32 $0x1B8E;
	s24 =	sld [smem:$0x3FFE];
	[sflag:s23] =	ssyncadd.s32 $0xFFFFFFFF  }
0xa5: {  	s26 =	simm.s32 $execute0_lowered;
	[smem:$0x3FD2] =	sst s25  }
0xa6: {  	s4 =	sshll.u32 s26, $0x1;
	_ =	strace $0x8000004C;
	[dreg:$0x1] =	wrdreg $0xFFFFFFFF  }
0xa7: {  	s28 =	simm.s32 $_size_execute0_lowered;
	s2 =	sadd.s32 s2, s4;
	[dreg:$0x0] =	wrdreg $0x0  }
0xa8: {  	s4 =	sshll.u32 s28, $0x1;
	[dreg:$0x2] =	wrdreg s2  }
0xa9: {  	[dreg:$0x3] =	wrdreg s4  }
0xaa: {  	[dreg:$0x4] =	wrdreg $0xC0  }
0xab: {  	_ =	task [dreg:s6], $0x5FFFF  }
0xac: {  	[dreg:$0x1] =	wrdreg $0xFFFFFFFF  }
0xad: {  	[dreg:$0x0] =	wrdreg $0x60  }
0xae: {  	[dreg:$0x2] =	wrdreg s24  }
0xaf: {  	[dreg:$0x3] =	wrdreg $0x9  }
0xb0: {  	_ =	task.clear_ibuf [dreg:s6], $0x4FFFF;
	_ =	strace $0x9000004C  }
0xb1: {  	s29 =	simm.s32 $0x9;
	_ =	strace $0x8000004E  }
0xb2: {  	_ =	swait.ge [sflag:s29], $0x1  }
0xb3: {  	[sflag:s29] =	ssyncadd.s32 $0xFFFFFFFF  }
0xb4: {  	_ =	strace $0x9000004E  }
0xb5: {  	_ =	sfence  }
0xb6: {  	s30 =	sld [smem:$0x0];
	_ =	sdelay $0x2  }
0xb7: {  	s31 =	sshll.u32 s1, $0xD;
	s1 =	sshrl.u32 s1, $0x2  }
0xb8: {  	s3 =	sand.u32 $0x4000, s31;
	s1 =	sadd.s32 s1, s30  }
0xb9: {  	s0 =	sor.u32 s3, s0;
	s1 =	sshll.u32 s1, $0x11  }
0xba: {  	s0 =	sor.u32 s1, s0  }
0xbb: {  	s0 =	sadd.s32 $0x8F2B, s0  }
0xbc: {  	[sflag:s0] =	ssyncadd.remote.s32 $0x1  }
0xbd: {  	_ =	sfence.sel $0xFFFF  }
0xbe: {  	[dreg:$0x0] =	wrdreg $0xFFFFFFFF;
	(pc) =	sbr.abs _section_cstart, $3  }
0xbf: {  	[dreg:$0x1] =	wrdreg $0xFFFFFFFF  }
0xc0: {  	_ =	task.clear_ibuf [dreg:s6], $0x2FFFF;
	_ =	strace $0x9FFFFFFF  }
0xc1: {  	(tm) =	ssettm $0x7FFFFFFF  }
tec
execute0_lowered:
.L_overlay_start_1:
0x0: {  	(tag) =	ssettag $0x1  }
0x1: {  	s4 =	rddreg [dreg:$0x0]  }
0x2: {  	s0 =	rddreg [dreg:$0x1]  }
0x3: {  	s3 =	srdreg.scid;
	s1 =	stileid.u32;
	s2 =	simm.s32 $0x0  }
0x4: {  	s10 =	simm.s32 $0x80;
	s11 =	simm.s32 $0x400;
	s12 =	simm.s32 $0x14000  }
0x5: {  	s13 =	simm.s32 $0x0;
	s5 =	sand.u32 $0x1, s3;
	s29 =	sshll.u32 s1, $0x1  }
0x6: {  	[smem:$0x7FF] =	sst s2;
	s8 =	sshll.u32 s1, $0x8;
	s6 =	sor.u32 s5, s29  }
0x7: {  	_ =	strace $0x8000004D;
	s8 =	sand.u32 $0xC00, s8;
	s5 =	ssub.s32 $0x2, s5  }
0x8: {  	s3 =	sshll.u32 s6, $0xD;
	s6 =	sshll.u32 s6, $0x4;
	s8 =	sadd.s32 s8, s4  }
0x9: {  	s30 =	sshrl.u32 s5, $0x1;
	s7 =	sadd.s32 s3, s4;
	s3 =	sadd.s32 $0x82A00, s4  }
0xa: {  	s6 =	sand.u32 $0x70, s6;
	s9 =	ssub.s32 s5, s30;
	s4 =	sadd.s32 $0x42A00, s7  }
0xb: {  	v1 =	vlaneseq.u32;
	s31 =	sadd.s32 s6, s8;
	s6 =	smax.u32 s9, $0x1;
	s7 =	simm.s32 $0x1  }
0xc: {  	v0 =	vimm.s32 $0x0;
	v2 =	vimm.s32 $0x1;
	v1 =	vmul.u32 $0x400, v1;
	s8 =	simm.s32 $0x14400;
	s9 =	simm.s32 $0x10000;
	s5 =	sadd.s32 $0x82C00, s31  }
.LBB2_1:
0xd: {  	[tilespmem:s2], [sflag:$0x1] =	stream.linear.gather [hbm4b:s4+s2], $0x10000, $0x38;
	[tilespmem:$0x14480] =	vst v63  }
0xe: {  	_ =	swait.ge [sflag:s7], $0x10000  }
0xf: {  	[sflag:s7] =	ssyncset.done $0x0  }
0x10: {  	[sflag:s7] =	ssyncadd.s32 $0xFFFF0000  }
0x11: {  	[tilespmem:s8], [sflag:$0x1] =	stream.linear.gather [hbm4b:s3+s2], $0x80, $0x38;
	[tilespmem:$0x14480] =	vst v63  }
0x12: {  	_ =	swait.ge [sflag:s7], $0x80  }
0x13: {  	[sflag:s7] =	ssyncset.done $0x0  }
0x14: {  	s14 =	simm.s32 $0x10040;
	[sflag:s7] =	ssyncadd.s32 $0xFFFFFF80  }
0x15: {  	v3 =	vld [tilespmem:$0x14400];
	[tilespmem:s14+$0xFFFFFFC0] =	vst v0  }
0x16: {  	[tilespmem:s14+$0x30] =	vst v0  }
0x17: {  	[tilespmem:s14+$0x20] =	vst v0  }
0x18: {  	[tilespmem:s14+$0x10] =	vst v0  }
0x19: {  	[tilespmem:s14+$0x0] =	vst v0  }
0x1a: {  	[tilespmem:s14+$0xFFFFFFF0] =	vst v0  }
0x1b: {  	s17 =	simm.s32 $0xFFFFFFF8;
	s15 =	simm.s32 $0x0;
	[tilespmem:s14+$0xFFFFFFE0] =	vst v0  }
.LBB2_2:
0x1c: {  	s15 =	sadd.s32 $0x8, s15;
	[tilespmem:s14+$0xFFFFFFD0] =	vst v0;
	s14 =	sadd.s32 $0x80, s14;
	s18 =	simm.s32 $0x40  }
0x1d: {  	[tilespmem:s14+$0xFFFFFFC0] =	vst v0;
	p0 =	slt.u32 s15, $0x3F8  }
0x1e: {  	[tilespmem:s14+$0x30] =	vst v0  }
.Ltmp0:
0x1f: {  	[tilespmem:s14+$0x20] =	vst v0;
	(pc) =	sbr.rel @p0 .LBB2_2-.Ltmp0, $4  }
0x20: {  	[tilespmem:s14+$0x10] =	vst v0  }
0x21: {  	[tilespmem:s14+$0x0] =	vst v0  }
0x22: {  	[tilespmem:s14+$0xFFFFFFF0] =	vst v0  }
0x23: {  	[tilespmem:s14+$0xFFFFFFE0] =	vst v0  }
0x24: {  	[tilespmem:s14+$0xFFFFFFD0] =	vst v0  }
.LBB2_4:
0x25: {  	v4 =	vld [tilespmem:s18+$0xFFFFFFC0];
	_ =	sdelay $0x4  }
0x26: {  	v5 =	vshrl.u32 v4, $0xA  }
0x27: {  	v4 =	vand.u32 $0x3FF, v4;
	vm0 =	veq.s32 v5, v3  }
0x28: {  	v4 =	vor.u32 v1, v4;
	_ =	sdelay $0x4  }
0x29: {  	[tilespmem:v4+s9+$0x0] =	vst.idx.add.s32.msk vm0, v2  }
0x2a: {  	v4 =	vld [tilespmem:s18+$0xFFFFFFD0];
	_ =	sdelay $0x4  }
0x2b: {  	v5 =	vshrl.u32 v4, $0xA  }
0x2c: {  	v4 =	vand.u32 $0x3FF, v4;
	vm9 =	veq.s32 v5, v3  }
0x2d: {  	v4 =	vor.u32 v1, v4;
	_ =	sdelay $0x4  }
0x2e: {  	[tilespmem:v4+s9+$0x0] =	vst.idx.add.s32.msk vm9, v2  }
0x2f: {  	v4 =	vld [tilespmem:s18+$0xFFFFFFE0];
	_ =	sdelay $0x4  }
0x30: {  	v5 =	vshrl.u32 v4, $0xA  }
0x31: {  	v4 =	vand.u32 $0x3FF, v4;
	vm10 =	veq.s32 v5, v3  }
0x32: {  	v4 =	vor.u32 v1, v4;
	_ =	sdelay $0x4  }
0x33: {  	[tilespmem:v4+s9+$0x0] =	vst.idx.add.s32.msk vm10, v2  }
0x34: {  	v4 =	vld [tilespmem:s18+$0xFFFFFFF0];
	_ =	sdelay $0x4  }
0x35: {  	v5 =	vshrl.u32 v4, $0xA  }
0x36: {  	v4 =	vand.u32 $0x3FF, v4;
	vm11 =	veq.s32 v5, v3  }
0x37: {  	v4 =	vor.u32 v1, v4;
	_ =	sdelay $0x4  }
0x38: {  	[tilespmem:v4+s9+$0x0] =	vst.idx.add.s32.msk vm11, v2  }
0x39: {  	v4 =	vld [tilespmem:s18+$0x0];
	_ =	sdelay $0x4  }
0x3a: {  	v5 =	vshrl.u32 v4, $0xA  }
0x3b: {  	v4 =	vand.u32 $0x3FF, v4;
	vm12 =	veq.s32 v5, v3  }
0x3c: {  	v4 =	vor.u32 v1, v4;
	_ =	sdelay $0x4  }
0x3d: {  	[tilespmem:v4+s9+$0x0] =	vst.idx.add.s32.msk vm12, v2  }
0x3e: {  	v4 =	vld [tilespmem:s18+$0x10];
	_ =	sdelay $0x4  }
0x3f: {  	v5 =	vshrl.u32 v4, $0xA  }
0x40: {  	v4 =	vand.u32 $0x3FF, v4;
	vm13 =	veq.s32 v5, v3  }
0x41: {  	v4 =	vor.u32 v1, v4;
	_ =	sdelay $0x4  }
0x42: {  	[tilespmem:v4+s9+$0x0] =	vst.idx.add.s32.msk vm13, v2  }
0x43: {  	v4 =	vld [tilespmem:s18+$0x20];
	_ =	sdelay $0x4  }
0x44: {  	v5 =	vshrl.u32 v4, $0xA  }
0x45: {  	v4 =	vand.u32 $0x3FF, v4;
	vm14 =	veq.s32 v5, v3  }
0x46: {  	v4 =	vor.u32 v1, v4;
	_ =	sdelay $0x4  }
0x47: {  	[tilespmem:v4+s9+$0x0] =	vst.idx.add.s32.msk vm14, v2  }
0x48: {  	v4 =	vld [tilespmem:s18+$0x30];
	_ =	sdelay $0x4  }
0x49: {  	v5 =	vshrl.u32 v4, $0xA  }
0x4a: {  	s17 =	sadd.s32 $0x8, s17;
	v4 =	vand.u32 $0x3FF, v4;
	vm15 =	veq.s32 v5, v3  }
0x4b: {  	p0 =	slt.u32 s17, $0xFF8;
	v4 =	vor.u32 v1, v4  }
.Ltmp1:
0x4c: {  	_ = 	snop;
	(pc) =	sbr.rel @p0 .LBB2_4-.Ltmp1, $3  }
0x4d: {  	_ =	sdelay $0x1  }
0x4e: {  	s15 =	simm.s32 $0x12010  }
0x4f: {  	s16 =	simm.s32 $0x0;
	s14 =	simm.s32 $0x14020;
	s18 =	sadd.s32 $0x80, s18;
	[tilespmem:v4+s9+$0x0] =	vst.idx.add.s32.msk vm15, v2  }
0x50: {  	s17 =	sand.u32 $0x3C0, s16;
	v4 =	vld [tilespmem:s15+$0xFFFFDFF0]  }
0x51: {  	v3 =	vld [tilespmem:s17+$0x10400]  }
0x52: {  	v5 =	vld [tilespmem:s17+$0x10800]  }
0x53: {  	v6 =	vld [tilespmem:s17+$0x10C00]  }
0x54: {  	v7 =	vld [tilespmem:s17+$0x11000]  }
0x55: {  	v8 =	vld [tilespmem:s17+$0x11400]  }
0x56: {  	v3 =	vadd.s32 v4, v3;
	v4 =	vld [tilespmem:s17+$0x11800]  }
0x57: {  	v3 =	vadd.s32 v5, v3;
	v5 =	vld [tilespmem:s17+$0x11C00]  }
0x58: {  	v3 =	vadd.s32 v6, v3;
	v6 =	vld [tilespmem:s17+$0x12000]  }
0x59: {  	v3 =	vadd.s32 v7, v3;
	v7 =	vld [tilespmem:s17+$0x12400]  }
0x5a: {  	v3 =	vadd.s32 v8, v3;
	v8 =	vld [tilespmem:s17+$0x12800]  }
0x5b: {  	v3 =	vadd.s32 v4, v3;
	v4 =	vld [tilespmem:s17+$0x12C00]  }
0x5c: {  	v3 =	vadd.s32 v5, v3;
	v5 =	vld [tilespmem:s17+$0x13000]  }
0x5d: {  	v3 =	vadd.s32 v6, v3;
	v6 =	vld [tilespmem:s17+$0x13400]  }
0x5e: {  	v3 =	vadd.s32 v7, v3;
	v7 =	vld [tilespmem:s17+$0x13800]  }
0x5f: {  	v3 =	vadd.s32 v8, v3;
	v8 =	vld [tilespmem:s17+$0x13C00]  }
0x60: {  	v3 =	vadd.s32 v4, v3  }
0x61: {  	v3 =	vadd.s32 v5, v3  }
0x62: {  	v3 =	vadd.s32 v6, v3  }
0x63: {  	v3 =	vadd.s32 v7, v3  }
0x64: {  	v3 =	vadd.s32 v8, v3  }
0x65: {  	[tilespmem:s14+$0xFFFFFFE0] =	vst v3  }
0x66: {  	v3 =	vld [tilespmem:s15+$0xFFFFE000]  }
0x67: {  	v4 =	vld [tilespmem:s15+$0xFFFFE400]  }
0x68: {  	v5 =	vld [tilespmem:s15+$0xFFFFE800]  }
0x69: {  	v6 =	vld [tilespmem:s15+$0xFFFFEC00]  }
0x6a: {  	v7 =	vld [tilespmem:s15+$0xFFFFF000]  }
0x6b: {  	v8 =	vld [tilespmem:s15+$0xFFFFF400]  }
0x6c: {  	v3 =	vadd.s32 v3, v4;
	v4 =	vld [tilespmem:s15+$0xFFFFF800]  }
0x6d: {  	v3 =	vadd.s32 v5, v3;
	v5 =	vld [tilespmem:s15+$0xFFFFFC00]  }
0x6e: {  	v3 =	vadd.s32 v6, v3;
	v6 =	vld [tilespmem:s15+$0x0]  }
0x6f: {  	v3 =	vadd.s32 v7, v3;
	v7 =	vld [tilespmem:s15+$0x400]  }
0x70: {  	v3 =	vadd.s32 v8, v3;
	v8 =	vld [tilespmem:s15+$0x800]  }
0x71: {  	v3 =	vadd.s32 v4, v3;
	v4 =	vld [tilespmem:s15+$0xC00]  }
0x72: {  	v3 =	vadd.s32 v5, v3;
	v5 =	vld [tilespmem:s15+$0x1000]  }
0x73: {  	v3 =	vadd.s32 v6, v3;
	v6 =	vld [tilespmem:s15+$0x1400]  }
0x74: {  	v3 =	vadd.s32 v7, v3;
	v7 =	vld [tilespmem:s15+$0x1800]  }
0x75: {  	v3 =	vadd.s32 v8, v3;
	v8 =	vld [tilespmem:s15+$0x1C00]  }
0x76: {  	v3 =	vadd.s32 v4, v3  }
0x77: {  	v3 =	vadd.s32 v5, v3  }
0x78: {  	v3 =	vadd.s32 v6, v3  }
0x79: {  	v3 =	vadd.s32 v7, v3  }
0x7a: {  	v3 =	vadd.s32 v8, v3  }
0x7b: {  	[tilespmem:s14+$0xFFFFFFF0] =	vst v3  }
0x7c: {  	v3 =	vld [tilespmem:s15+$0xFFFFE010]  }
0x7d: {  	v4 =	vld [tilespmem:s15+$0xFFFFE410]  }
0x7e: {  	v5 =	vld [tilespmem:s15+$0xFFFFE810]  }
0x7f: {  	v6 =	vld [tilespmem:s15+$0xFFFFEC10]  }
0x80: {  	v7 =	vld [tilespmem:s15+$0xFFFFF010]  }
0x81: {  	v8 =	vld [tilespmem:s15+$0xFFFFF410]  }
0x82: {  	v3 =	vadd.s32 v3, v4;
	v4 =	vld [tilespmem:s15+$0xFFFFF810]  }
0x83: {  	v3 =	vadd.s32 v5, v3;
	v5 =	vld [tilespmem:s15+$0xFFFFFC10]  }
0x84: {  	v3 =	vadd.s32 v6, v3;
	v6 =	vld [tilespmem:s15+$0x10]  }
0x85: {  	v3 =	vadd.s32 v7, v3;
	v7 =	vld [tilespmem:s15+$0x410]  }
0x86: {  	v3 =	vadd.s32 v8, v3;
	v8 =	vld [tilespmem:s15+$0x810]  }
0x87: {  	v3 =	vadd.s32 v4, v3;
	v4 =	vld [tilespmem:s15+$0xC10]  }
0x88: {  	v3 =	vadd.s32 v5, v3;
	v5 =	vld [tilespmem:s15+$0x1010]  }
0x89: {  	v3 =	vadd.s32 v6, v3;
	v6 =	vld [tilespmem:s15+$0x1410]  }
0x8a: {  	v3 =	vadd.s32 v7, v3;
	v7 =	vld [tilespmem:s15+$0x1810]  }
0x8b: {  	v3 =	vadd.s32 v8, v3;
	v8 =	vld [tilespmem:s15+$0x1C10]  }
0x8c: {  	v3 =	vadd.s32 v4, v3  }
0x8d: {  	v3 =	vadd.s32 v5, v3  }
0x8e: {  	v3 =	vadd.s32 v6, v3  }
0x8f: {  	v3 =	vadd.s32 v7, v3  }
0x90: {  	v3 =	vadd.s32 v8, v3  }
0x91: {  	[tilespmem:s14+$0x0] =	vst v3  }
0x92: {  	v3 =	vld [tilespmem:s15+$0xFFFFE020]  }
0x93: {  	v4 =	vld [tilespmem:s15+$0xFFFFE420]  }
0x94: {  	v5 =	vld [tilespmem:s15+$0xFFFFE820]  }
0x95: {  	v6 =	vld [tilespmem:s15+$0xFFFFEC20]  }
0x96: {  	v7 =	vld [tilespmem:s15+$0xFFFFF020]  }
0x97: {  	v8 =	vld [tilespmem:s15+$0xFFFFF420]  }
0x98: {  	v3 =	vadd.s32 v3, v4;
	v4 =	vld [tilespmem:s15+$0xFFFFF820]  }
0x99: {  	v3 =	vadd.s32 v5, v3;
	v5 =	vld [tilespmem:s15+$0xFFFFFC20]  }
0x9a: {  	v3 =	vadd.s32 v6, v3;
	v6 =	vld [tilespmem:s15+$0x20]  }
0x9b: {  	v3 =	vadd.s32 v7, v3;
	v7 =	vld [tilespmem:s15+$0x420]  }
0x9c: {  	v3 =	vadd.s32 v8, v3;
	v8 =	vld [tilespmem:s15+$0x820]  }
0x9d: {  	v3 =	vadd.s32 v4, v3;
	v4 =	vld [tilespmem:s15+$0xC20]  }
0x9e: {  	v5 =	vadd.s32 v5, v3;
	v3 =	vld [tilespmem:s15+$0x1020]  }
0x9f: {  	v6 =	vadd.s32 v6, v5;
	v5 =	vld [tilespmem:s15+$0x1420]  }
0xa0: {  	v7 =	vadd.s32 v7, v6;
	v6 =	vld [tilespmem:s15+$0x1820]  }
0xa1: {  	s18 =	simm.s32 $0x14060;
	s17 =	simm.s32 $0x0;
	v8 =	vadd.s32 v8, v7;
	v7 =	vld [tilespmem:s15+$0x1C20]  }
.LBB2_6:
0xa2: {  	s17 =	sadd.s32 $0x4, s17;
	v4 =	vadd.s32 v4, v8;
	s15 =	sadd.s32 $0x40, s15;
	s16 =	sadd.s32 $0x40, s16  }
0xa3: {  	p0 =	slt.u32 s17, $0x3C;
	v3 =	vadd.s32 v3, v4  }
0xa4: {  	v3 =	vadd.s32 v5, v3  }
0xa5: {  	v3 =	vadd.s32 v6, v3  }
0xa6: {  	v3 =	vadd.s32 v7, v3  }
0xa7: {  	s19 =	sand.u32 $0x3C0, s16;
	[tilespmem:s14+$0x10] =	vst v3;
	s14 =	smov.u32 s18  }
0xa8: {  	v3 =	vld [tilespmem:s19+$0x10800]  }
0xa9: {  	v4 =	vld [tilespmem:s19+$0x10400]  }
0xaa: {  	v5 =	vld [tilespmem:s15+$0xFFFFDFF0];
	_ =	sdelay $0x1  }
0xab: {  	v6 =	vld [tilespmem:s19+$0x10C00]  }
0xac: {  	v7 =	vld [tilespmem:s19+$0x11000]  }
0xad: {  	v8 =	vld [tilespmem:s19+$0x11400]  }
0xae: {  	v4 =	vadd.s32 v5, v4;
	v5 =	vld [tilespmem:s19+$0x11800]  }
0xaf: {  	v3 =	vadd.s32 v3, v4;
	v4 =	vld [tilespmem:s19+$0x11C00]  }
0xb0: {  	v3 =	vadd.s32 v6, v3;
	v6 =	vld [tilespmem:s19+$0x12000]  }
0xb1: {  	v3 =	vadd.s32 v7, v3;
	v7 =	vld [tilespmem:s19+$0x12400]  }
0xb2: {  	v3 =	vadd.s32 v8, v3;
	v8 =	vld [tilespmem:s19+$0x12800]  }
0xb3: {  	v3 =	vadd.s32 v5, v3;
	v5 =	vld [tilespmem:s19+$0x12C00]  }
0xb4: {  	v3 =	vadd.s32 v4, v3;
	v4 =	vld [tilespmem:s19+$0x13000]  }
0xb5: {  	v3 =	vadd.s32 v6, v3;
	v6 =	vld [tilespmem:s19+$0x13400]  }
0xb6: {  	v3 =	vadd.s32 v7, v3;
	v7 =	vld [tilespmem:s19+$0x13800]  }
0xb7: {  	v3 =	vadd.s32 v8, v3;
	v8 =	vld [tilespmem:s19+$0x13C00]  }
0xb8: {  	v3 =	vadd.s32 v5, v3  }
0xb9: {  	v3 =	vadd.s32 v4, v3  }
0xba: {  	v3 =	vadd.s32 v6, v3  }
0xbb: {  	v3 =	vadd.s32 v7, v3  }
0xbc: {  	v3 =	vadd.s32 v8, v3  }
0xbd: {  	[tilespmem:s18+$0xFFFFFFE0] =	vst v3  }
0xbe: {  	v3 =	vld [tilespmem:s15+$0xFFFFE000]  }
0xbf: {  	v4 =	vld [tilespmem:s15+$0xFFFFE400]  }
0xc0: {  	v5 =	vld [tilespmem:s15+$0xFFFFE800]  }
0xc1: {  	v6 =	vld [tilespmem:s15+$0xFFFFEC00]  }
0xc2: {  	v7 =	vld [tilespmem:s15+$0xFFFFF000]  }
0xc3: {  	v8 =	vld [tilespmem:s15+$0xFFFFF400]  }
0xc4: {  	v3 =	vadd.s32 v3, v4;
	v4 =	vld [tilespmem:s15+$0xFFFFF800]  }
0xc5: {  	v3 =	vadd.s32 v5, v3;
	v5 =	vld [tilespmem:s15+$0xFFFFFC00]  }
0xc6: {  	v3 =	vadd.s32 v6, v3;
	v6 =	vld [tilespmem:s15+$0x0]  }
0xc7: {  	v3 =	vadd.s32 v7, v3;
	v7 =	vld [tilespmem:s15+$0x400]  }
0xc8: {  	v3 =	vadd.s32 v8, v3;
	v8 =	vld [tilespmem:s15+$0x800]  }
0xc9: {  	v3 =	vadd.s32 v4, v3;
	v4 =	vld [tilespmem:s15+$0xC00]  }
0xca: {  	v3 =	vadd.s32 v5, v3;
	v5 =	vld [tilespmem:s15+$0x1000]  }
0xcb: {  	v3 =	vadd.s32 v6, v3;
	v6 =	vld [tilespmem:s15+$0x1400]  }
0xcc: {  	v3 =	vadd.s32 v7, v3;
	v7 =	vld [tilespmem:s15+$0x1800]  }
0xcd: {  	v3 =	vadd.s32 v8, v3;
	v8 =	vld [tilespmem:s15+$0x1C00]  }
0xce: {  	v3 =	vadd.s32 v4, v3  }
0xcf: {  	v3 =	vadd.s32 v5, v3  }
0xd0: {  	v3 =	vadd.s32 v6, v3  }
0xd1: {  	v3 =	vadd.s32 v7, v3  }
0xd2: {  	v3 =	vadd.s32 v8, v3  }
0xd3: {  	[tilespmem:s18+$0xFFFFFFF0] =	vst v3  }
0xd4: {  	v3 =	vld [tilespmem:s15+$0xFFFFE010]  }
0xd5: {  	v4 =	vld [tilespmem:s15+$0xFFFFE410]  }
0xd6: {  	v5 =	vld [tilespmem:s15+$0xFFFFE810]  }
0xd7: {  	v6 =	vld [tilespmem:s15+$0xFFFFEC10]  }
0xd8: {  	v7 =	vld [tilespmem:s15+$0xFFFFF010]  }
0xd9: {  	v8 =	vld [tilespmem:s15+$0xFFFFF410]  }
0xda: {  	v3 =	vadd.s32 v3, v4;
	v4 =	vld [tilespmem:s15+$0xFFFFF810]  }
0xdb: {  	v3 =	vadd.s32 v5, v3;
	v5 =	vld [tilespmem:s15+$0xFFFFFC10]  }
0xdc: {  	v3 =	vadd.s32 v6, v3;
	v6 =	vld [tilespmem:s15+$0x10]  }
0xdd: {  	v3 =	vadd.s32 v7, v3;
	v7 =	vld [tilespmem:s15+$0x410]  }
0xde: {  	v3 =	vadd.s32 v8, v3;
	v8 =	vld [tilespmem:s15+$0x810]  }
0xdf: {  	v3 =	vadd.s32 v4, v3;
	v4 =	vld [tilespmem:s15+$0xC10]  }
0xe0: {  	v3 =	vadd.s32 v5, v3;
	v5 =	vld [tilespmem:s15+$0x1010]  }
0xe1: {  	v3 =	vadd.s32 v6, v3;
	v6 =	vld [tilespmem:s15+$0x1410]  }
0xe2: {  	v3 =	vadd.s32 v7, v3;
	v7 =	vld [tilespmem:s15+$0x1810]  }
0xe3: {  	v3 =	vadd.s32 v8, v3;
	v8 =	vld [tilespmem:s15+$0x1C10]  }
0xe4: {  	v3 =	vadd.s32 v4, v3  }
0xe5: {  	v3 =	vadd.s32 v5, v3  }
0xe6: {  	v3 =	vadd.s32 v6, v3  }
0xe7: {  	v3 =	vadd.s32 v7, v3  }
0xe8: {  	v3 =	vadd.s32 v8, v3  }
0xe9: {  	[tilespmem:s18+$0x0] =	vst v3  }
0xea: {  	v3 =	vld [tilespmem:s15+$0xFFFFE020]  }
0xeb: {  	v4 =	vld [tilespmem:s15+$0xFFFFE420]  }
0xec: {  	v5 =	vld [tilespmem:s15+$0xFFFFE820]  }
0xed: {  	v6 =	vld [tilespmem:s15+$0xFFFFEC20]  }
0xee: {  	v7 =	vld [tilespmem:s15+$0xFFFFF020]  }
0xef: {  	v8 =	vld [tilespmem:s15+$0xFFFFF420]  }
0xf0: {  	v3 =	vadd.s32 v3, v4;
	v4 =	vld [tilespmem:s15+$0xFFFFF820]  }
0xf1: {  	v3 =	vadd.s32 v5, v3;
	v5 =	vld [tilespmem:s15+$0xFFFFFC20]  }
0xf2: {  	v3 =	vadd.s32 v6, v3;
	v6 =	vld [tilespmem:s15+$0x20]  }
0xf3: {  	v3 =	vadd.s32 v7, v3;
	v7 =	vld [tilespmem:s15+$0x420]  }
0xf4: {  	v3 =	vadd.s32 v8, v3;
	v8 =	vld [tilespmem:s15+$0x820]  }
.Ltmp2:
0xf5: {  	v3 =	vadd.s32 v4, v3;
	v4 =	vld [tilespmem:s15+$0xC20];
	(pc) =	sbr.rel @p0 .LBB2_6-.Ltmp2, $4  }
0xf6: {  	v5 =	vadd.s32 v5, v3;
	v3 =	vld [tilespmem:s15+$0x1020]  }
0xf7: {  	v6 =	vadd.s32 v6, v5;
	v5 =	vld [tilespmem:s15+$0x1420]  }
0xf8: {  	v7 =	vadd.s32 v7, v6;
	v6 =	vld [tilespmem:s15+$0x1820]  }
0xf9: {  	s18 =	sadd.s32 $0x40, s18;
	v8 =	vadd.s32 v8, v7;
	v7 =	vld [tilespmem:s15+$0x1C20]  }
0xfa: {  	v4 =	vadd.s32 v4, v8  }
0xfb: {  	v3 =	vadd.s32 v3, v4  }
0xfc: {  	v3 =	vadd.s32 v5, v3  }
0xfd: {  	s13 =	sadd.s32 $0x1, s13;
	v3 =	vadd.s32 v6, v3  }
0xfe: {  	p0 =	sne.s32 s13, s6;
	v3 =	vadd.s32 v7, v3  }
.Ltmp3:
0xff: {  	[tilespmem:s14+$0x10] =	vst v3;
	(pc) =	sbr.rel @p0 .LBB2_1-.Ltmp3, $4  }
0x100: {  	[hbm4b:s5+s10] =	stream.strided.scatter [tilespmem:s12], [sflag:$0x1], $0x400, s11, s10, $0x38;
	[tilespmem:$0x14480] =	vst v63  }
0x101: {  	_ =	swait.ge [sflag:s7], $0x400  }
0x102: {  	[sflag:s7] =	ssyncset.done $0x0  }
0x103: {  	[sflag:s7] =	ssyncadd.s32 $0xFFFFFC00  }
0x104: {  	_ =	sfence.sel $0x180000  }
0x105: {  	[bflag:$0x0] =	sbarrier.arrive $0xFFFF  }
0x106: {  	p0 =	sne.s32 s1, $0x0;
	_ =	strace $0x9000004D  }
0x107: {  	s0 =	sadd.s32 @!p0 $0x100000, s0;
	[bflag:$0x2] =	sbarrier.arrive $0xFFFF  }
0x108: {  	[sflag:s0] =	ssyncadd.tile.s32 @!p0 $0x1;
	_ =	shalt  }
.Lfunc_end2:
_tile_overlayer_lowered:
.L_overlay_start_2:
0x109: {  	(tag) =	ssettag $0x2  }
0x10a: {  	s0 =	rddreg [dreg:$0x0];
	s2 =	stileid.u32  }
0x10b: {  	s1 =	rddreg [dreg:$0x1];
	p0 =	sne.s32 s2, $0x0  }
0x10c: {  	s3 =	rddreg [dreg:$0x2];
	[bflag:$0x3] =	sbarrier.arrive $0xFFFF;
	s2 =	simm.s32 @!p0 $0x1C01  }
0x10d: {  	[timem:s3], [sflag:s2] =	dma.local @!p0 [hbm:s0], s1  }
0x10e: {  	s0 =	simm.s32 @!p0 $0x1  }
0x10f: {  	_ =	swait.ge @!p0 [sflag:s0], s1  }
0x110: {  	s1 =	ssub.s32 @!p0 $0x0, s1;
	[sflag:s0] =	ssyncset.done @!p0 $0x0  }
0x111: {  	[sflag:s0] =	ssyncadd.s32 @!p0 s1  }
0x112: {  	[bflag:$0x3] =	sbarrier.arrive $0xFFFF  }
0x113: {  	_ =	shalt  }

// kernel: branch_0_fun.8.cloned.1.call-start
scs
__scs_entry_jumppad:
0x0: {  	(pc) =	sbr.rel $0x88, $3  }
0x1: {  	(tag) =	ssettag $0x0;
	lr =	simm.s32 $0x1  }
0x2: {  	[smem:$0x3F9F] =	sst lr;
	_ =	strace $0xD0000000  }
0x3: {  	_ = 	snop  }
0x4: {  	_ = 	snop  }
0x5: {  	_ = 	snop  }
0x6: {  	_ = 	snop  }
0x7: {  	_ = 	snop  }
__scs_overlays_trampoline_lowered:
0x8: {  	[smem:$0x3FAE] =	sst s0  }
0x9: {  	[smem:$0x3FAF] =	sst s1  }
0xa: {  	[smem:$0x3FB0] =	sst s2  }
0xb: {  	[smem:$0x3FB1] =	sst s3  }
0xc: {  	[smem:$0x3FB2] =	sst s4  }
0xd: {  	[smem:$0x3FB3] =	sst s5  }
0xe: {  	[smem:$0x3FB4] =	sst s6  }
0xf: {  	[smem:$0x3FB5] =	sst s7  }
0x10: {  	[smem:$0x3FB6] =	sst s8  }
0x11: {  	[smem:$0x3FB7] =	sst s9;
	s0 =	simm.s32 @!p0 $0x0  }
0x12: {  	s1 =	sld [smem:$0x3F9D];
	s0 =	simm.s32 @p0 $0x1  }
0x13: {  	[smem:$0x3FB8] =	sst s0;
	s0 =	simm.s32 @!p1 $0x0  }
0x14: {  	s2 =	sld [smem:$0x3F9C];
	s0 =	simm.s32 @p1 $0x1  }
0x15: {  	[smem:$0x3FB9] =	sst s0;
	s0 =	simm.s32 @!p2 $0x0  }
0x16: {  	s3 =	sld [smem:$0x3FDB];
	s0 =	simm.s32 @p2 $0x1  }
0x17: {  	s4 =	simm.s32 $0x1BF5;
	[smem:$0x3FBB] =	sst s0  }
0x18: {  	s0 =	sld [smem:$0x3F9E];
	_ =	swait.ge [sflag:s4], $0x0  }
0x19: {  	s7 =	sld [smem:$0x3F9F]  }
0x1a: {  	s8 =	sadd.s32 $0xFFFFE003, lr  }
0x1b: {  	s9 =	sadd.s32 $0xFFFFFEF7, lr;
	s5 =	simm.s32 $0xFFFFFFFF;
	p2 =	slt.u32 s8, $0xFFFFF086  }
0x1c: {  	p1 =	slt.u32 s9, $0xF7A;
	s5 =	simm.s32 @!p2 $0x0  }
0x1d: {  	s5 =	simm.s32 @p1 $0x1;
	p0 =	seq.s32 s7, s2  }
0x1e: {  	s7 =	smul.u32 @!p0 $0xF7A, s2;
	p2 =	seq.s32 @!p0 s5, $0x0  }
0x1f: {  	s9 =	smul.u32 $0xF7A, s1;
	s8 =	simm.s32 @!p0 $0x1BF5;
	p2 =	por !p2, p0  }
0x20: {  	[sflag:s8] =	ssyncset.s32 @!p0 $0xFFFFF086;
	s6 =	sadd.s32 @!p0 s3, s7;
	s7 =	simm.s32 @!p0 $0x108  }
0x21: {  	s3 =	sadd.s32 s3, s9;
	s6 =	sadd.s32 @!p0 $0x88, s6;
	s7 =	simm.s32 @p2 $0x1082  }
0x22: {  	[simem:s7], [sflag:s8] =	dma.local @!p0 [hbm:s6], $0xF7A  }
0x23: {  	s9 =	sor.u32 $0xD0000000, s2;
	s6 =	simm.s32 $0x108;
	_ =	swait.ge @!p0 [sflag:s8], $0x0  }
0x24: {  	s3 =	sadd.s32 $0x88, s3;
	s6 =	simm.s32 @!p1 $0x1082;
	[sflag:s4] =	ssyncset.s32 $0xFFFFF086  }
0x25: {  	[simem:s6], [sflag:s4] =	dma.local [hbm:s3], $0xF7A  }
0x26: {  	[smem:$0x3F9F] =	sst s1;
	(tag) =	ssettag s2;
	_ =	strace s9  }
0x27: {  	s1 =	sld [smem:$0x3FAF]  }
0x28: {  	s2 =	sld [smem:$0x3FB0]  }
0x29: {  	s4 =	sld [smem:$0x3FB2]  }
0x2a: {  	p0 =	seq.s32 s5, $0x0;
	s5 =	sld [smem:$0x3FB3]  }
0x2b: {  	s6 =	sld [smem:$0x3FB4]  }
0x2c: {  	s7 =	sld [smem:$0x3FB5]  }
0x2d: {  	s3 =	simm.s32 $0x108;
	s8 =	sld [smem:$0x3FB6]  }
0x2e: {  	s3 =	simm.s32 @!p0 $0x1082;
	s9 =	sld [smem:$0x3FB7]  }
0x2f: {  	lr =	sadd.s32 s0, s3;
	s0 =	sld [smem:$0x3FAE]  }
0x30: {  	s3 =	sld [smem:$0x3FB1]  }
0x31: {  	[smem:$0x3FBA] =	sst s10  }
0x32: {  	s10 =	sld [smem:$0x3FB8];
	_ =	sdelay $0x3  }
0x33: {  	p0 =	seq.s32 s10, $0x1;
	s10 =	sld [smem:$0x3FBA];
	_ =	sdelay $0x3  }
0x34: {  	[smem:$0x3FBA] =	sst s10  }
0x35: {  	s10 =	sld [smem:$0x3FB9];
	_ =	sdelay $0x3  }
0x36: {  	p1 =	seq.s32 s10, $0x1;
	s10 =	sld [smem:$0x3FBA];
	_ =	sdelay $0x3  }
0x37: {  	[smem:$0x3FBA] =	sst s10  }
0x38: {  	s10 =	sld [smem:$0x3FBB]  }
0x39: {  	_ = 	snop;
	(pc) =	sbr.ind lr, $3  }
0x3a: {  	_ = 	snop  }
0x3b: {  	_ = 	snop  }
0x3c: {  	p2 =	seq.s32 s10, $0x1;
	s10 =	sld [smem:$0x3FBA]  }
0x3d: {  	_ =	shalt  }
0x3e: {  	_ =	shalt  }
0x3f: {  	_ =	shalt  }
0x40: {  	_ =	shalt  }
0x41: {  	_ =	shalt  }
0x42: {  	_ =	shalt  }
0x43: {  	_ =	shalt  }
0x44: {  	_ =	shalt  }
0x45: {  	_ =	shalt  }
0x46: {  	_ =	shalt  }
0x47: {  	_ =	shalt  }
0x48: {  	_ =	shalt  }
0x49: {  	_ =	shalt  }
0x4a: {  	_ =	shalt  }
0x4b: {  	_ =	shalt  }
0x4c: {  	_ =	shalt  }
0x4d: {  	_ =	shalt  }
0x4e: {  	_ =	shalt  }
0x4f: {  	_ =	shalt  }
0x50: {  	_ =	shalt  }
0x51: {  	_ =	shalt  }
0x52: {  	_ =	shalt  }
0x53: {  	_ =	shalt  }
0x54: {  	_ =	shalt  }
0x55: {  	_ =	shalt  }
0x56: {  	_ =	shalt  }
0x57: {  	_ =	shalt  }
0x58: {  	_ =	shalt  }
0x59: {  	_ =	shalt  }
0x5a: {  	_ =	shalt  }
0x5b: {  	_ =	shalt  }
0x5c: {  	_ =	shalt  }
0x5d: {  	_ =	shalt  }
0x5e: {  	_ =	shalt  }
0x5f: {  	_ =	shalt  }
0x60: {  	_ =	shalt  }
0x61: {  	_ =	shalt  }
0x62: {  	_ =	shalt  }
0x63: {  	_ =	shalt  }
0x64: {  	_ =	shalt  }
0x65: {  	_ =	shalt  }
0x66: {  	_ =	shalt  }
0x67: {  	_ =	shalt  }
0x68: {  	_ =	shalt  }
0x69: {  	_ =	shalt  }
0x6a: {  	_ =	shalt  }
0x6b: {  	_ =	shalt  }
0x6c: {  	_ =	shalt  }
0x6d: {  	_ =	shalt  }
0x6e: {  	_ =	shalt  }
0x6f: {  	_ =	shalt  }
0x70: {  	_ =	shalt  }
0x71: {  	_ =	shalt  }
0x72: {  	_ =	shalt  }
0x73: {  	_ =	shalt  }
0x74: {  	_ =	shalt  }
0x75: {  	_ =	shalt  }
0x76: {  	_ =	shalt  }
0x77: {  	_ =	shalt  }
0x78: {  	_ =	shalt  }
0x79: {  	_ =	shalt  }
0x7a: {  	_ =	shalt  }
0x7b: {  	_ =	shalt  }
0x7c: {  	_ =	shalt  }
0x7d: {  	_ =	shalt  }
0x7e: {  	_ =	shalt  }
0x7f: {  	_ =	shalt  }
0x80: {  	_ =	shalt  }
0x81: {  	_ =	shalt  }
0x82: {  	_ =	shalt  }
0x83: {  	_ =	shalt  }
0x84: {  	_ =	shalt  }
0x85: {  	_ =	shalt  }
0x86: {  	_ =	shalt  }
0x87: {  	_ =	shalt  }
.Lfunc_end0:
.L_simem_size_0:
called_computation_lowered:
.L_overlay_start_0:
0x88: {  	s2 =	sld [smem:$0x3FD9]  }
0x89: {  	s3 =	sld [smem:$0x3FFE];
	_ =	sdelay $0x1  }
0x8a: {  	s1 =	srdreg.scid  }
0x8b: {  	s0 =	sand.u32 $0x1, s1  }
0x8c: {  	s16 =	sshll.u32 s0, $0xA;
	s2 =	sadd.s32 s3, s2  }
0x8d: {  	s2 =	sadd.s32 s2, s16  }
0x8e: {  	[smem:$0x3FC6] =	sst s2  }
0x8f: {  	_ = 	snop  }
0x90: {  	(tm) =	ssettm $0x1  }
0x91: {  	s17 =	sld [smem:$0x3FFB];
	_ =	sdelay $0x3  }
0x92: {  	_ =	strace s17  }
0x93: {  	s2 =	sld [smem:$0x3FFC];
	_ =	sdelay $0x3  }
0x94: {  	_ =	strace s2  }
0x95: {  	s2 =	sld [smem:$0x3FFD];
	_ =	sdelay $0x3  }
0x96: {  	_ =	strace s2  }
0x97: {  	_ =	strace $0x8FFFFFFF  }
0x98: {  	s18 =	sld [smem:$0x3FDB];
	_ =	sdelay $0x1  }
0x99: {  	s19 =	simm.s32 $_scs_section_size  }
0x9a: {  	s4 =	simm.s32 $_size__tile_overlayer_lowered;
	s5 =	simm.s32 $_tile_overlayer_lowered  }
0x9b: {  	s22 =	simm.s32 $0x1BFF;
	s21 =	sshll.u32 s5, $0x1;
	s2 =	sadd.s32 s19, s18  }
0x9c: {  	s6 =	simm.s32 $0x0;
	s20 =	sshll.u32 s4, $0x1;
	s4 =	sadd.s32 s21, s2  }
0x9d: {  	[timem:s6], [sflag:s22] =	dma.local [hbm:s4], s20  }
0x9e: {  	_ =	swait.ge [sflag:s22], s20  }
0x9f: {  	s3 =	ssub.s32 $0x0, s20;
	[sflag:s22] =	ssyncset.done $0x0  }
0xa0: {  	[sflag:s22] =	ssyncadd.s32 s3;
	_ =	sdelay $0x1  }
0xa1: {  	s23 =	simm.s32 $0x1B8B  }
0xa2: {  	_ =	swait.ge [sflag:s23], $0x1  }
0xa3: {  	[sflag:s23] =	ssyncset.done $0x0  }
0xa4: {  	s25 =	simm.s32 $0x1B8E;
	s24 =	sld [smem:$0x3FFE];
	[sflag:s23] =	ssyncadd.s32 $0xFFFFFFFF  }
0xa5: {  	s26 =	simm.s32 $execute0_lowered;
	[smem:$0x3FD2] =	sst s25  }
0xa6: {  	s4 =	sshll.u32 s26, $0x1;
	_ =	strace $0x80000046;
	[dreg:$0x1] =	wrdreg $0xFFFFFFFF  }
0xa7: {  	s28 =	simm.s32 $_size_execute0_lowered;
	s2 =	sadd.s32 s2, s4;
	[dreg:$0x0] =	wrdreg $0x0  }
0xa8: {  	s4 =	sshll.u32 s28, $0x1;
	[dreg:$0x2] =	wrdreg s2  }
0xa9: {  	[dreg:$0x3] =	wrdreg s4  }
0xaa: {  	[dreg:$0x4] =	wrdreg $0xC0  }
0xab: {  	_ =	task [dreg:s6], $0x5FFFF  }
0xac: {  	[dreg:$0x1] =	wrdreg $0xFFFFFFFF  }
0xad: {  	[dreg:$0x0] =	wrdreg $0x60  }
0xae: {  	[dreg:$0x2] =	wrdreg s24  }
0xaf: {  	[dreg:$0x3] =	wrdreg $0x9  }
0xb0: {  	_ =	task.clear_ibuf [dreg:s6], $0x4FFFF;
	_ =	strace $0x90000046  }
0xb1: {  	s29 =	simm.s32 $0x9;
	_ =	strace $0x80000048  }
0xb2: {  	_ =	swait.ge [sflag:s29], $0x1  }
0xb3: {  	[sflag:s29] =	ssyncadd.s32 $0xFFFFFFFF  }
0xb4: {  	_ =	strace $0x90000048  }
0xb5: {  	_ =	sfence  }
0xb6: {  	s30 =	sld [smem:$0x0];
	_ =	sdelay $0x2  }
0xb7: {  	s31 =	sshll.u32 s1, $0xD;
	s1 =	sshrl.u32 s1, $0x2  }
0xb8: {  	s3 =	sand.u32 $0x4000, s31;
	s1 =	sadd.s32 s1, s30  }
0xb9: {  	s0 =	sor.u32 s3, s0;
	s1 =	sshll.u32 s1, $0x11  }
0xba: {  	s0 =	sor.u32 s1, s0  }
0xbb: {  	s0 =	sadd.s32 $0x8F2B, s0  }
0xbc: {  	[sflag:s0] =	ssyncadd.remote.s32 $0x1  }
0xbd: {  	_ =	sfence.sel $0xFFFF  }
0xbe: {  	[dreg:$0x0] =	wrdreg $0xFFFFFFFF;
	(pc) =	sbr.abs _section_cstart, $3  }
0xbf: {  	[dreg:$0x1] =	wrdreg $0xFFFFFFFF  }
0xc0: {  	_ =	task.clear_ibuf [dreg:s6], $0x2FFFF;
	_ =	strace $0x9FFFFFFF  }
0xc1: {  	(tm) =	ssettm $0x7FFFFFFF  }
tec
execute0_lowered:
.L_overlay_start_1:
0x0: {  	(tag) =	ssettag $0x1  }
0x1: {  	s3 =	rddreg [dreg:$0x0]  }
0x2: {  	s0 =	rddreg [dreg:$0x1];
	s4 =	srdreg.scid  }
0x3: {  	s1 =	stileid.u32;
	s2 =	simm.s32 $0x0;
	s9 =	simm.s32 $0x400  }
0x4: {  	s10 =	simm.s32 $0x18000;
	s11 =	simm.s32 $0x0;
	s4 =	sand.u32 $0x1, s4  }
0x5: {  	s5 =	sshll.u32 s1, $0x1;
	[smem:$0x7FF] =	sst s2;
	s7 =	sshll.u32 s1, $0x9  }
0x6: {  	s5 =	sor.u32 s4, s5;
	_ =	strace $0x80000047;
	s7 =	sand.u32 $0x1800, s7  }
0x7: {  	s4 =	ssub.s32 $0x2, s4;
	s6 =	sshll.u32 s5, $0xD;
	s5 =	sshll.u32 s5, $0x4  }
0x8: {  	s7 =	sadd.s32 s7, s3;
	s8 =	sshrl.u32 s4, $0x1;
	s5 =	sand.u32 $0x70, s5  }
0x9: {  	s3 =	sadd.s32 s6, s3;
	s30 =	ssub.s32 s4, s8;
	s6 =	simm.s32 $0x1  }
0xa: {  	v1 =	vlaneseq.u32;
	s8 =	simm.s32 $0x80;
	s31 =	sadd.s32 s5, s7;
	s3 =	sadd.s32 $0x42A00, s3  }
0xb: {  	v0 =	vimm.s32 $0x0;
	v2 =	vimm.s32 $0x1;
	v1 =	vmul.u32 $0x800, v1;
	s5 =	smax.u32 s30, $0x1;
	s7 =	simm.s32 $0x10000;
	s4 =	sadd.s32 $0x82A00, s31  }
.LBB2_1:
0xc: {  	[tilespmem:s2], [sflag:$0x1] =	stream.linear.gather [hbm4b:s3+s2], $0x10000, $0x38;
	[tilespmem:$0x18800] =	vst v63  }
0xd: {  	_ =	swait.ge [sflag:s6], $0x10000  }
0xe: {  	[sflag:s6] =	ssyncset.done $0x0  }
0xf: {  	s13 =	simm.s32 $0x10040;
	[sflag:s6] =	ssyncadd.s32 $0xFFFF0000  }
0x10: {  	[tilespmem:s13+$0xFFFFFFC0] =	vst v0  }
0x11: {  	[tilespmem:s13+$0x30] =	vst v0  }
0x12: {  	[tilespmem:s13+$0x20] =	vst v0  }
0x13: {  	[tilespmem:s13+$0x10] =	vst v0  }
0x14: {  	[tilespmem:s13+$0x0] =	vst v0  }
0x15: {  	[tilespmem:s13+$0xFFFFFFF0] =	vst v0  }
0x16: {  	s12 =	simm.s32 $0xFFFFFFF8;
	s15 =	simm.s32 $0x0;
	[tilespmem:s13+$0xFFFFFFE0] =	vst v0  }
.LBB2_2:
0x17: {  	s15 =	sadd.s32 $0x8, s15;
	[tilespmem:s13+$0xFFFFFFD0] =	vst v0;
	s13 =	sadd.s32 $0x80, s13;
	s14 =	simm.s32 $0x40  }
0x18: {  	[tilespmem:s13+$0xFFFFFFC0] =	vst v0;
	p0 =	slt.u32 s15, $0x7F8  }
0x19: {  	[tilespmem:s13+$0x30] =	vst v0  }
.Ltmp0:
0x1a: {  	[tilespmem:s13+$0x20] =	vst v0;
	(pc) =	sbr.rel @p0 .LBB2_2-.Ltmp0, $4  }
0x1b: {  	[tilespmem:s13+$0x10] =	vst v0  }
0x1c: {  	[tilespmem:s13+$0x0] =	vst v0  }
0x1d: {  	[tilespmem:s13+$0xFFFFFFF0] =	vst v0  }
0x1e: {  	[tilespmem:s13+$0xFFFFFFE0] =	vst v0  }
0x1f: {  	[tilespmem:s13+$0xFFFFFFD0] =	vst v0  }
.LBB2_4:
0x20: {  	v3 =	vld [tilespmem:s14+$0xFFFFFFC0];
	_ =	sdelay $0x4  }
0x21: {  	v3 =	vshrl.u32 v3, $0x15  }
0x22: {  	v4 =	vand.u32 $0x780, v3  }
0x23: {  	v3 =	vand.u32 $0x7F, v3;
	v4 =	vor.u32 v1, v4  }
0x24: {  	v3 =	vor.u32 v3, v4;
	_ =	sdelay $0x4  }
0x25: {  	[tilespmem:v3+s7+$0x0] =	vst.idx.add.s32.msk $0xffff, v2  }
0x26: {  	v3 =	vld [tilespmem:s14+$0xFFFFFFD0];
	_ =	sdelay $0x4  }
0x27: {  	v3 =	vshrl.u32 v3, $0x15  }
0x28: {  	v57 =	vand.u32 $0x780, v3  }
0x29: {  	v3 =	vand.u32 $0x7F, v3;
	v4 =	vor.u32 v1, v57  }
0x2a: {  	v3 =	vor.u32 v3, v4;
	_ =	sdelay $0x4  }
0x2b: {  	[tilespmem:v3+s7+$0x0] =	vst.idx.add.s32.msk $0xffff, v2  }
0x2c: {  	v3 =	vld [tilespmem:s14+$0xFFFFFFE0];
	_ =	sdelay $0x4  }
0x2d: {  	v3 =	vshrl.u32 v3, $0x15  }
0x2e: {  	v58 =	vand.u32 $0x780, v3  }
0x2f: {  	v3 =	vand.u32 $0x7F, v3;
	v4 =	vor.u32 v1, v58  }
0x30: {  	v3 =	vor.u32 v3, v4;
	_ =	sdelay $0x4  }
0x31: {  	[tilespmem:v3+s7+$0x0] =	vst.idx.add.s32.msk $0xffff, v2  }
0x32: {  	v3 =	vld [tilespmem:s14+$0xFFFFFFF0];
	_ =	sdelay $0x4  }
0x33: {  	v3 =	vshrl.u32 v3, $0x15  }
0x34: {  	v59 =	vand.u32 $0x780, v3  }
0x35: {  	v3 =	vand.u32 $0x7F, v3;
	v4 =	vor.u32 v1, v59  }
0x36: {  	v3 =	vor.u32 v3, v4;
	_ =	sdelay $0x4  }
0x37: {  	[tilespmem:v3+s7+$0x0] =	vst.idx.add.s32.msk $0xffff, v2  }
0x38: {  	v3 =	vld [tilespmem:s14+$0x0];
	_ =	sdelay $0x4  }
0x39: {  	v3 =	vshrl.u32 v3, $0x15  }
0x3a: {  	v60 =	vand.u32 $0x780, v3  }
0x3b: {  	v3 =	vand.u32 $0x7F, v3;
	v4 =	vor.u32 v1, v60  }
0x3c: {  	v3 =	vor.u32 v3, v4;
	_ =	sdelay $0x4  }
0x3d: {  	[tilespmem:v3+s7+$0x0] =	vst.idx.add.s32.msk $0xffff, v2  }
0x3e: {  	v3 =	vld [tilespmem:s14+$0x10];
	_ =	sdelay $0x4  }
0x3f: {  	v3 =	vshrl.u32 v3, $0x15  }
0x40: {  	v61 =	vand.u32 $0x780, v3  }
0x41: {  	v3 =	vand.u32 $0x7F, v3;
	v4 =	vor.u32 v1, v61  }
0x42: {  	v3 =	vor.u32 v3, v4;
	_ =	sdelay $0x4  }
0x43: {  	[tilespmem:v3+s7+$0x0] =	vst.idx.add.s32.msk $0xffff, v2  }
0x44: {  	v3 =	vld [tilespmem:s14+$0x20];
	_ =	sdelay $0x4  }
0x45: {  	v3 =	vshrl.u32 v3, $0x15  }
0x46: {  	v62 =	vand.u32 $0x780, v3  }
0x47: {  	v3 =	vand.u32 $0x7F, v3;
	v4 =	vor.u32 v1, v62  }
0x48: {  	v3 =	vor.u32 v3, v4;
	_ =	sdelay $0x4  }
0x49: {  	[tilespmem:v3+s7+$0x0] =	vst.idx.add.s32.msk $0xffff, v2  }
0x4a: {  	v3 =	vld [tilespmem:s14+$0x30];
	_ =	sdelay $0x4  }
0x4b: {  	v3 =	vshrl.u32 v3, $0x15  }
0x4c: {  	v63 =	vand.u32 $0x780, v3  }
0x4d: {  	s12 =	sadd.s32 $0x8, s12;
	v3 =	vand.u32 $0x7F, v3;
	v4 =	vor.u32 v1, v63  }
0x4e: {  	p0 =	slt.u32 s12, $0xFF8;
	v3 =	vor.u32 v3, v4  }
.Ltmp1:
0x4f: {  	_ = 	snop;
	(pc) =	sbr.rel @p0 .LBB2_4-.Ltmp1, $2  }
0x50: {  	_ =	sdelay $0x2  }
0x51: {  	s13 =	simm.s32 $0x0;
	s14 =	sadd.s32 $0x80, s14;
	[tilespmem:v3+s7+$0x0] =	vst.idx.add.s32.msk $0xffff, v2  }
0x52: {  	s12 =	simm.s32 $0x0  }
0x53: {  	v4 =	vld [tilespmem:s12+$0x17810]  }
0x54: {  	v3 =	vld [tilespmem:s12+$0x17820]  }
0x55: {  	v16 =	vld [tilespmem:s12+$0x17830]  }
0x56: {  	v17 =	vld [tilespmem:s12+$0x17010]  }
0x57: {  	v18 =	vld [tilespmem:s12+$0x17030]  }
0x58: {  	v19 =	vld [tilespmem:s12+$0x16810]  }
0x59: {  	v20 =	vld [tilespmem:s12+$0x16830]  }
0x5a: {  	v21 =	vld [tilespmem:s12+$0x16010]  }
0x5b: {  	v22 =	vld [tilespmem:s12+$0x16030]  }
0x5c: {  	v23 =	vld [tilespmem:s12+$0x15810]  }
0x5d: {  	v24 =	vld [tilespmem:s12+$0x15830]  }
0x5e: {  	v25 =	vld [tilespmem:s12+$0x15010]  }
0x5f: {  	v26 =	vld [tilespmem:s12+$0x15030]  }
0x60: {  	v27 =	vld [tilespmem:s12+$0x14810]  }
0x61: {  	v28 =	vld [tilespmem:s12+$0x14830]  }
0x62: {  	v29 =	vld [tilespmem:s12+$0x14010]  }
0x63: {  	v30 =	vld [tilespmem:s12+$0x14030]  }
0x64: {  	v31 =	vld [tilespmem:s12+$0x13810]  }
0x65: {  	v32 =	vld [tilespmem:s12+$0x13830]  }
0x66: {  	s14 =	sand.u32 $0x7C0, s13;
	v33 =	vld [tilespmem:s12+$0x13010]  }
0x67: {  	v15 =	vld [tilespmem:s14+$0x12000]  }
0x68: {  	v14 =	vld [tilespmem:s14+$0x12800]  }
0x69: {  	v13 =	vld [tilespmem:s14+$0x13000]  }
0x6a: {  	v12 =	vld [tilespmem:s14+$0x13800]  }
0x6b: {  	v11 =	vld [tilespmem:s14+$0x14000]  }
0x6c: {  	v10 =	vld [tilespmem:s14+$0x14800]  }
0x6d: {  	v9 =	vld [tilespmem:s14+$0x15000]  }
0x6e: {  	v8 =	vld [tilespmem:s14+$0x15800]  }
0x6f: {  	v7 =	vld [tilespmem:s14+$0x16000]  }
0x70: {  	v6 =	vld [tilespmem:s14+$0x16800]  }
0x71: {  	v5 =	vld [tilespmem:s14+$0x17800]  }
0x72: {  	v34 =	vld [tilespmem:s12+$0x13030]  }
0x73: {  	v35 =	vld [tilespmem:s12+$0x12810]  }
0x74: {  	v36 =	vld [tilespmem:s12+$0x12830]  }
0x75: {  	v37 =	vld [tilespmem:s12+$0x12010]  }
0x76: {  	v38 =	vld [tilespmem:s12+$0x12030]  }
0x77: {  	v39 =	vld [tilespmem:s12+$0x11810]  }
0x78: {  	v40 =	vld [tilespmem:s12+$0x11830]  }
0x79: {  	v41 =	vld [tilespmem:s12+$0x11010]  }
0x7a: {  	v42 =	vld [tilespmem:s12+$0x11030]  }
0x7b: {  	v43 =	vld [tilespmem:s12+$0x10010]  }
0x7c: {  	v44 =	vld [tilespmem:s12+$0x10810]  }
0x7d: {  	v45 =	vld [tilespmem:s12+$0x10030]  }
0x7e: {  	v46 =	vld [tilespmem:s12+$0x10830]  }
0x7f: {  	v47 =	vld [tilespmem:s12+$0x10020]  }
0x80: {  	v48 =	vld [tilespmem:s12+$0x10820]  }
0x81: {  	v49 =	vld [tilespmem:s12+$0x11020]  }
0x82: {  	v50 =	vld [tilespmem:s12+$0x11820]  }
0x83: {  	v51 =	vld [tilespmem:s12+$0x12020];
	v45 =	vadd.s32 v45, v46  }
0x84: {  	v62 =	vld [tilespmem:s12+$0x12820];
	v43 =	vadd.s32 v43, v44;
	v42 =	vadd.s32 v42, v45  }
0x85: {  	v63 =	vadd.s32 v47, v48;
	v48 =	vld [tilespmem:s12+$0x13020];
	v41 =	vadd.s32 v41, v43;
	v40 =	vadd.s32 v40, v42  }
0x86: {  	v52 =	vld [tilespmem:s12+$0x13820];
	v49 =	vadd.s32 v49, v63;
	v39 =	vadd.s32 v39, v41;
	v38 =	vadd.s32 v38, v40  }
0x87: {  	v54 =	vld [tilespmem:s12+$0x14020];
	v53 =	vadd.s32 v50, v49;
	v37 =	vadd.s32 v37, v39;
	v36 =	vadd.s32 v36, v38  }
0x88: {  	v56 =	vld [tilespmem:s12+$0x14820];
	v55 =	vadd.s32 v51, v53;
	v35 =	vadd.s32 v35, v37;
	v34 =	vadd.s32 v34, v36  }
0x89: {  	v58 =	vld [tilespmem:s12+$0x15020];
	v57 =	vadd.s32 v62, v55;
	v33 =	vadd.s32 v33, v35;
	v32 =	vadd.s32 v32, v34  }
0x8a: {  	v60 =	vld [tilespmem:s12+$0x15820];
	v59 =	vadd.s32 v48, v57;
	v31 =	vadd.s32 v31, v33;
	v30 =	vadd.s32 v30, v32  }
0x8b: {  	v62 =	vld [tilespmem:s12+$0x16020];
	v61 =	vadd.s32 v52, v59;
	v29 =	vadd.s32 v29, v31;
	v28 =	vadd.s32 v28, v30  }
0x8c: {  	v63 =	vld [tilespmem:s12+$0x16820];
	v27 =	vadd.s32 v27, v29;
	v29 =	vadd.s32 v54, v61;
	v26 =	vadd.s32 v26, v28  }
0x8d: {  	v27 =	vadd.s32 v25, v27;
	v28 =	vadd.s32 v56, v29;
	v25 =	vld [tilespmem:s12+$0x17020];
	v26 =	vadd.s32 v24, v26  }
0x8e: {  	v24 =	vld [tilespmem:s12+$0x10000];
	v23 =	vadd.s32 v23, v27;
	v28 =	vadd.s32 v58, v28;
	v22 =	vadd.s32 v22, v26  }
0x8f: {  	v27 =	vld [tilespmem:s14+$0x17000];
	v23 =	vadd.s32 v21, v23;
	v26 =	vadd.s32 v60, v28;
	v20 =	vadd.s32 v20, v22  }
0x90: {  	v21 =	vld [tilespmem:s14+$0x11800];
	v19 =	vadd.s32 v19, v23;
	v22 =	vadd.s32 v62, v26;
	v23 =	vadd.s32 v18, v20  }
0x91: {  	s15 =	simm.s32 $0x0;
	s16 =	simm.s32 $0x100;
	v20 =	vld [tilespmem:s14+$0x11000];
	v17 =	vadd.s32 v17, v19;
	v18 =	vadd.s32 v63, v22;
	v16 =	vadd.s32 v16, v23  }
.LBB2_6:
0x92: {  	s17 =	sshra.s32 s16, $0x2;
	v19 =	vld [tilespmem:s14+$0x10800];
	v17 =	vadd.s32 v4, v17;
	v18 =	vadd.s32 v25, v18;
	[tilespmem:s12+$0x18030] =	vst v16  }
0x93: {  	v4 =	vld [tilespmem:s17+$0x17810];
	[tilespmem:s12+$0x18010] =	vst v17;
	v16 =	vadd.s32 v3, v18  }
0x94: {  	v3 =	vld [tilespmem:s17+$0x17820];
	[tilespmem:s12+$0x18020] =	vst v16  }
0x95: {  	v16 =	vld [tilespmem:s17+$0x17830]  }
0x96: {  	v17 =	vld [tilespmem:s17+$0x17010]  }
0x97: {  	v18 =	vld [tilespmem:s17+$0x17030];
	v22 =	vadd.s32 v24, v19  }
0x98: {  	v19 =	vld [tilespmem:s17+$0x16810];
	v22 =	vadd.s32 v20, v22  }
0x99: {  	v20 =	vld [tilespmem:s17+$0x16830];
	v22 =	vadd.s32 v21, v22  }
0x9a: {  	v21 =	vld [tilespmem:s17+$0x16010];
	v15 =	vadd.s32 v15, v22  }
0x9b: {  	v22 =	vld [tilespmem:s17+$0x16030];
	v14 =	vadd.s32 v14, v15  }
0x9c: {  	v23 =	vld [tilespmem:s17+$0x15810];
	v13 =	vadd.s32 v13, v14  }
0x9d: {  	v24 =	vld [tilespmem:s17+$0x15830];
	v12 =	vadd.s32 v12, v13  }
0x9e: {  	v25 =	vld [tilespmem:s17+$0x15010];
	v11 =	vadd.s32 v11, v12  }
0x9f: {  	v26 =	vld [tilespmem:s17+$0x15030];
	v10 =	vadd.s32 v10, v11  }
0xa0: {  	v28 =	vld [tilespmem:s17+$0x14810];
	v9 =	vadd.s32 v9, v10  }
0xa1: {  	v29 =	vld [tilespmem:s17+$0x14830];
	v8 =	vadd.s32 v8, v9  }
0xa2: {  	v30 =	vld [tilespmem:s17+$0x14010];
	v7 =	vadd.s32 v7, v8  }
0xa3: {  	v31 =	vld [tilespmem:s17+$0x14030];
	v6 =	vadd.s32 v6, v7  }
0xa4: {  	v32 =	vld [tilespmem:s17+$0x13810];
	v6 =	vadd.s32 v27, v6  }
0xa5: {  	s13 =	sadd.s32 $0x40, s13;
	v27 =	vld [tilespmem:s17+$0x13830];
	v5 =	vadd.s32 v5, v6  }
0xa6: {  	s14 =	sand.u32 $0x7C0, s13;
	v33 =	vld [tilespmem:s17+$0x13010];
	[tilespmem:s12+$0x18000] =	vst v5;
	s12 =	smov.u32 s17  }
0xa7: {  	v15 =	vld [tilespmem:s14+$0x12000]  }
0xa8: {  	v14 =	vld [tilespmem:s14+$0x12800]  }
0xa9: {  	v13 =	vld [tilespmem:s14+$0x13000]  }
0xaa: {  	v12 =	vld [tilespmem:s14+$0x13800]  }
0xab: {  	v11 =	vld [tilespmem:s14+$0x14000]  }
0xac: {  	v10 =	vld [tilespmem:s14+$0x14800]  }
0xad: {  	v9 =	vld [tilespmem:s14+$0x15000]  }
0xae: {  	v8 =	vld [tilespmem:s14+$0x15800]  }
0xaf: {  	v7 =	vld [tilespmem:s14+$0x16000]  }
0xb0: {  	v6 =	vld [tilespmem:s14+$0x16800]  }
0xb1: {  	v5 =	vld [tilespmem:s14+$0x17800]  }
0xb2: {  	v34 =	vld [tilespmem:s12+$0x13030]  }
0xb3: {  	v35 =	vld [tilespmem:s12+$0x12810]  }
0xb4: {  	v36 =	vld [tilespmem:s12+$0x12830]  }
0xb5: {  	v37 =	vld [tilespmem:s12+$0x12010]  }
0xb6: {  	v38 =	vld [tilespmem:s12+$0x12030]  }
0xb7: {  	v39 =	vld [tilespmem:s12+$0x11810]  }
0xb8: {  	v40 =	vld [tilespmem:s12+$0x11830]  }
0xb9: {  	v41 =	vld [tilespmem:s12+$0x11010]  }
0xba: {  	v42 =	vld [tilespmem:s12+$0x11030]  }
0xbb: {  	v43 =	vld [tilespmem:s12+$0x10010]  }
0xbc: {  	v44 =	vld [tilespmem:s12+$0x10810]  }
0xbd: {  	s15 =	sadd.s32 $0x4, s15;
	v45 =	vld [tilespmem:s12+$0x10030]  }
0xbe: {  	p0 =	slt.u32 s15, $0x7C;
	v46 =	vld [tilespmem:s12+$0x10830]  }
0xbf: {  	v47 =	vld [tilespmem:s12+$0x10020]  }
0xc0: {  	v48 =	vld [tilespmem:s12+$0x10820]  }
0xc1: {  	v49 =	vld [tilespmem:s12+$0x11020]  }
0xc2: {  	v50 =	vld [tilespmem:s12+$0x11820]  }
0xc3: {  	v51 =	vld [tilespmem:s12+$0x12020];
	v45 =	vadd.s32 v45, v46  }
0xc4: {  	v43 =	vadd.s32 v43, v44;
	v44 =	vld [tilespmem:s12+$0x12820];
	v42 =	vadd.s32 v42, v45  }
0xc5: {  	v41 =	vadd.s32 v41, v43;
	v43 =	vadd.s32 v47, v48;
	v45 =	vld [tilespmem:s12+$0x13020];
	v40 =	vadd.s32 v40, v42  }
0xc6: {  	v39 =	vadd.s32 v39, v41;
	v41 =	vadd.s32 v49, v43;
	v42 =	vld [tilespmem:s12+$0x13820];
	v38 =	vadd.s32 v38, v40  }
0xc7: {  	v37 =	vadd.s32 v37, v39;
	v39 =	vadd.s32 v50, v41;
	v40 =	vld [tilespmem:s12+$0x14020];
	v36 =	vadd.s32 v36, v38  }
0xc8: {  	v35 =	vadd.s32 v35, v37;
	v37 =	vadd.s32 v51, v39;
	v38 =	vld [tilespmem:s12+$0x14820];
	v34 =	vadd.s32 v34, v36  }
0xc9: {  	v33 =	vadd.s32 v33, v35;
	v35 =	vadd.s32 v44, v37;
	v36 =	vld [tilespmem:s12+$0x15020];
	v27 =	vadd.s32 v27, v34  }
0xca: {  	v32 =	vadd.s32 v32, v33;
	v33 =	vadd.s32 v45, v35;
	v34 =	vld [tilespmem:s12+$0x15820];
	v27 =	vadd.s32 v31, v27  }
0xcb: {  	v30 =	vadd.s32 v30, v32;
	v31 =	vadd.s32 v42, v33;
	v32 =	vld [tilespmem:s12+$0x16020];
	v27 =	vadd.s32 v29, v27  }
0xcc: {  	v28 =	vadd.s32 v28, v30;
	v29 =	vadd.s32 v40, v31;
	v30 =	vld [tilespmem:s12+$0x16820];
	v26 =	vadd.s32 v26, v27  }
.Ltmp2:
0xcd: {  	v27 =	vadd.s32 v25, v28;
	v28 =	vadd.s32 v38, v29;
	v25 =	vld [tilespmem:s12+$0x17020];
	v26 =	vadd.s32 v24, v26;
	(pc) =	sbr.rel @p0 .LBB2_6-.Ltmp2, $4  }
0xce: {  	v23 =	vadd.s32 v23, v27;
	v24 =	vld [tilespmem:s12+$0x10000];
	v28 =	vadd.s32 v36, v28;
	v22 =	vadd.s32 v22, v26  }
0xcf: {  	v23 =	vadd.s32 v21, v23;
	v27 =	vld [tilespmem:s14+$0x17000];
	v26 =	vadd.s32 v34, v28;
	v20 =	vadd.s32 v20, v22  }
0xd0: {  	v19 =	vadd.s32 v19, v23;
	v21 =	vld [tilespmem:s14+$0x11800];
	v22 =	vadd.s32 v32, v26;
	v23 =	vadd.s32 v18, v20  }
0xd1: {  	s16 =	sadd.s32 $0x100, s16;
	v17 =	vadd.s32 v17, v19;
	v20 =	vld [tilespmem:s14+$0x11000];
	v18 =	vadd.s32 v30, v22;
	v16 =	vadd.s32 v16, v23  }
0xd2: {  	v19 =	vld [tilespmem:s14+$0x10800];
	_ =	sdelay $0x4  }
0xd3: {  	v19 =	vadd.s32 v24, v19  }
0xd4: {  	v19 =	vadd.s32 v20, v19  }
0xd5: {  	v19 =	vadd.s32 v21, v19  }
0xd6: {  	v15 =	vadd.s32 v15, v19  }
0xd7: {  	v14 =	vadd.s32 v14, v15  }
0xd8: {  	v13 =	vadd.s32 v13, v14  }
0xd9: {  	v12 =	vadd.s32 v12, v13  }
0xda: {  	v11 =	vadd.s32 v11, v12  }
0xdb: {  	v10 =	vadd.s32 v10, v11  }
0xdc: {  	v9 =	vadd.s32 v9, v10  }
0xdd: {  	v8 =	vadd.s32 v8, v9  }
0xde: {  	v7 =	vadd.s32 v7, v8  }
0xdf: {  	v4 =	vadd.s32 v4, v17;
	v62 =	vadd.s32 v25, v18;
	[tilespmem:s12+$0x18030] =	vst v16;
	v6 =	vadd.s32 v6, v7  }
0xe0: {  	s11 =	sadd.s32 $0x1, s11;
	[tilespmem:s12+$0x18010] =	vst v4;
	v3 =	vadd.s32 v3, v62;
	v63 =	vadd.s32 v27, v6  }
0xe1: {  	p0 =	sne.s32 s11, s5;
	[tilespmem:s12+$0x18020] =	vst v3;
	v3 =	vadd.s32 v5, v63  }
.Ltmp3:
0xe2: {  	[tilespmem:s12+$0x18000] =	vst v3;
	(pc) =	sbr.rel @p0 .LBB2_1-.Ltmp3, $4  }
0xe3: {  	[hbm4b:s4+s8] =	stream.strided.scatter [tilespmem:s10], [sflag:$0x1], $0x800, s9, s8, $0x38;
	[tilespmem:$0x18800] =	vst v63  }
0xe4: {  	_ =	swait.ge [sflag:s6], $0x800  }
0xe5: {  	[sflag:s6] =	ssyncset.done $0x0  }
0xe6: {  	[sflag:s6] =	ssyncadd.s32 $0xFFFFF800  }
0xe7: {  	_ =	sfence.sel $0x180000  }
0xe8: {  	[bflag:$0x0] =	sbarrier.arrive $0xFFFF  }
0xe9: {  	p0 =	sne.s32 s1, $0x0;
	_ =	strace $0x90000047  }
0xea: {  	s0 =	sadd.s32 @!p0 $0x100000, s0;
	[bflag:$0x2] =	sbarrier.arrive $0xFFFF  }
0xeb: {  	[sflag:s0] =	ssyncadd.tile.s32 @!p0 $0x1;
	_ =	shalt  }
.Lfunc_end2:
_tile_overlayer_lowered:
.L_overlay_start_2:
0xec: {  	(tag) =	ssettag $0x2  }
0xed: {  	s0 =	rddreg [dreg:$0x0];
	s2 =	stileid.u32  }
0xee: {  	s1 =	rddreg [dreg:$0x1];
	p0 =	sne.s32 s2, $0x0  }
0xef: {  	s3 =	rddreg [dreg:$0x2];
	[bflag:$0x3] =	sbarrier.arrive $0xFFFF;
	s2 =	simm.s32 @!p0 $0x1C01  }
0xf0: {  	[timem:s3], [sflag:s2] =	dma.local @!p0 [hbm:s0], s1  }
0xf1: {  	s0 =	simm.s32 @!p0 $0x1  }
0xf2: {  	_ =	swait.ge @!p0 [sflag:s0], s1  }
0xf3: {  	s1 =	ssub.s32 @!p0 $0x0, s1;
	[sflag:s0] =	ssyncset.done @!p0 $0x0  }
0xf4: {  	[sflag:s0] =	ssyncadd.s32 @!p0 s1  }
0xf5: {  	[bflag:$0x3] =	sbarrier.arrive $0xFFFF  }
0xf6: {  	_ =	shalt  }

// kernel: kernel.5.cloned.1.call-start
scs
__scs_entry_jumppad:
0x0: {  	(pc) =	sbr.rel $0x88, $3  }
0x1: {  	(tag) =	ssettag $0x0;
	lr =	simm.s32 $0x1  }
0x2: {  	[smem:$0x3F9F] =	sst lr;
	_ =	strace $0xD0000000  }
0x3: {  	_ = 	snop  }
0x4: {  	_ = 	snop  }
0x5: {  	_ = 	snop  }
0x6: {  	_ = 	snop  }
0x7: {  	_ = 	snop  }
__scs_overlays_trampoline_lowered:
0x8: {  	[smem:$0x3FAE] =	sst s0  }
0x9: {  	[smem:$0x3FAF] =	sst s1  }
0xa: {  	[smem:$0x3FB0] =	sst s2  }
0xb: {  	[smem:$0x3FB1] =	sst s3  }
0xc: {  	[smem:$0x3FB2] =	sst s4  }
0xd: {  	[smem:$0x3FB3] =	sst s5  }
0xe: {  	[smem:$0x3FB4] =	sst s6  }
0xf: {  	[smem:$0x3FB5] =	sst s7  }
0x10: {  	[smem:$0x3FB6] =	sst s8  }
0x11: {  	[smem:$0x3FB7] =	sst s9;
	s0 =	simm.s32 @!p0 $0x0  }
0x12: {  	s1 =	sld [smem:$0x3F9D];
	s0 =	simm.s32 @p0 $0x1  }
0x13: {  	[smem:$0x3FB8] =	sst s0;
	s0 =	simm.s32 @!p1 $0x0  }
0x14: {  	s2 =	sld [smem:$0x3F9C];
	s0 =	simm.s32 @p1 $0x1  }
0x15: {  	[smem:$0x3FB9] =	sst s0;
	s0 =	simm.s32 @!p2 $0x0  }
0x16: {  	s3 =	sld [smem:$0x3FDB];
	s0 =	simm.s32 @p2 $0x1  }
0x17: {  	s4 =	simm.s32 $0x1BF5;
	[smem:$0x3FBB] =	sst s0  }
0x18: {  	s0 =	sld [smem:$0x3F9E];
	_ =	swait.ge [sflag:s4], $0x0  }
0x19: {  	s7 =	sld [smem:$0x3F9F]  }
0x1a: {  	s8 =	sadd.s32 $0xFFFFE003, lr  }
0x1b: {  	s9 =	sadd.s32 $0xFFFFFEF7, lr;
	s5 =	simm.s32 $0xFFFFFFFF;
	p2 =	slt.u32 s8, $0xFFFFF086  }
0x1c: {  	p1 =	slt.u32 s9, $0xF7A;
	s5 =	simm.s32 @!p2 $0x0  }
0x1d: {  	s5 =	simm.s32 @p1 $0x1;
	p0 =	seq.s32 s7, s2  }
0x1e: {  	s7 =	smul.u32 @!p0 $0xF7A, s2;
	p2 =	seq.s32 @!p0 s5, $0x0  }
0x1f: {  	s9 =	smul.u32 $0xF7A, s1;
	s8 =	simm.s32 @!p0 $0x1BF5;
	p2 =	por !p2, p0  }
0x20: {  	[sflag:s8] =	ssyncset.s32 @!p0 $0xFFFFF086;
	s6 =	sadd.s32 @!p0 s3, s7;
	s7 =	simm.s32 @!p0 $0x108  }
0x21: {  	s3 =	sadd.s32 s3, s9;
	s6 =	sadd.s32 @!p0 $0x88, s6;
	s7 =	simm.s32 @p2 $0x1082  }
0x22: {  	[simem:s7], [sflag:s8] =	dma.local @!p0 [hbm:s6], $0xF7A  }
0x23: {  	s9 =	sor.u32 $0xD0000000, s2;
	s6 =	simm.s32 $0x108;
	_ =	swait.ge @!p0 [sflag:s8], $0x0  }
0x24: {  	s3 =	sadd.s32 $0x88, s3;
	s6 =	simm.s32 @!p1 $0x1082;
	[sflag:s4] =	ssyncset.s32 $0xFFFFF086  }
0x25: {  	[simem:s6], [sflag:s4] =	dma.local [hbm:s3], $0xF7A  }
0x26: {  	[smem:$0x3F9F] =	sst s1;
	(tag) =	ssettag s2;
	_ =	strace s9  }
0x27: {  	s1 =	sld [smem:$0x3FAF]  }
0x28: {  	s2 =	sld [smem:$0x3FB0]  }
0x29: {  	s4 =	sld [smem:$0x3FB2]  }
0x2a: {  	p0 =	seq.s32 s5, $0x0;
	s5 =	sld [smem:$0x3FB3]  }
0x2b: {  	s6 =	sld [smem:$0x3FB4]  }
0x2c: {  	s7 =	sld [smem:$0x3FB5]  }
0x2d: {  	s3 =	simm.s32 $0x108;
	s8 =	sld [smem:$0x3FB6]  }
0x2e: {  	s3 =	simm.s32 @!p0 $0x1082;
	s9 =	sld [smem:$0x3FB7]  }
0x2f: {  	lr =	sadd.s32 s0, s3;
	s0 =	sld [smem:$0x3FAE]  }
0x30: {  	s3 =	sld [smem:$0x3FB1]  }
0x31: {  	[smem:$0x3FBA] =	sst s10  }
0x32: {  	s10 =	sld [smem:$0x3FB8];
	_ =	sdelay $0x3  }
0x33: {  	p0 =	seq.s32 s10, $0x1;
	s10 =	sld [smem:$0x3FBA];
	_ =	sdelay $0x3  }
0x34: {  	[smem:$0x3FBA] =	sst s10  }
0x35: {  	s10 =	sld [smem:$0x3FB9];
	_ =	sdelay $0x3  }
0x36: {  	p1 =	seq.s32 s10, $0x1;
	s10 =	sld [smem:$0x3FBA];
	_ =	sdelay $0x3  }
0x37: {  	[smem:$0x3FBA] =	sst s10  }
0x38: {  	s10 =	sld [smem:$0x3FBB]  }
0x39: {  	_ = 	snop;
	(pc) =	sbr.ind lr, $3  }
0x3a: {  	_ = 	snop  }
0x3b: {  	_ = 	snop  }
0x3c: {  	p2 =	seq.s32 s10, $0x1;
	s10 =	sld [smem:$0x3FBA]  }
0x3d: {  	_ =	shalt  }
0x3e: {  	_ =	shalt  }
0x3f: {  	_ =	shalt  }
0x40: {  	_ =	shalt  }
0x41: {  	_ =	shalt  }
0x42: {  	_ =	shalt  }
0x43: {  	_ =	shalt  }
0x44: {  	_ =	shalt  }
0x45: {  	_ =	shalt  }
0x46: {  	_ =	shalt  }
0x47: {  	_ =	shalt  }
0x48: {  	_ =	shalt  }
0x49: {  	_ =	shalt  }
0x4a: {  	_ =	shalt  }
0x4b: {  	_ =	shalt  }
0x4c: {  	_ =	shalt  }
0x4d: {  	_ =	shalt  }
0x4e: {  	_ =	shalt  }
0x4f: {  	_ =	shalt  }
0x50: {  	_ =	shalt  }
0x51: {  	_ =	shalt  }
0x52: {  	_ =	shalt  }
0x53: {  	_ =	shalt  }
0x54: {  	_ =	shalt  }
0x55: {  	_ =	shalt  }
0x56: {  	_ =	shalt  }
0x57: {  	_ =	shalt  }
0x58: {  	_ =	shalt  }
0x59: {  	_ =	shalt  }
0x5a: {  	_ =	shalt  }
0x5b: {  	_ =	shalt  }
0x5c: {  	_ =	shalt  }
0x5d: {  	_ =	shalt  }
0x5e: {  	_ =	shalt  }
0x5f: {  	_ =	shalt  }
0x60: {  	_ =	shalt  }
0x61: {  	_ =	shalt  }
0x62: {  	_ =	shalt  }
0x63: {  	_ =	shalt  }
0x64: {  	_ =	shalt  }
0x65: {  	_ =	shalt  }
0x66: {  	_ =	shalt  }
0x67: {  	_ =	shalt  }
0x68: {  	_ =	shalt  }
0x69: {  	_ =	shalt  }
0x6a: {  	_ =	shalt  }
0x6b: {  	_ =	shalt  }
0x6c: {  	_ =	shalt  }
0x6d: {  	_ =	shalt  }
0x6e: {  	_ =	shalt  }
0x6f: {  	_ =	shalt  }
0x70: {  	_ =	shalt  }
0x71: {  	_ =	shalt  }
0x72: {  	_ =	shalt  }
0x73: {  	_ =	shalt  }
0x74: {  	_ =	shalt  }
0x75: {  	_ =	shalt  }
0x76: {  	_ =	shalt  }
0x77: {  	_ =	shalt  }
0x78: {  	_ =	shalt  }
0x79: {  	_ =	shalt  }
0x7a: {  	_ =	shalt  }
0x7b: {  	_ =	shalt  }
0x7c: {  	_ =	shalt  }
0x7d: {  	_ =	shalt  }
0x7e: {  	_ =	shalt  }
0x7f: {  	_ =	shalt  }
0x80: {  	_ =	shalt  }
0x81: {  	_ =	shalt  }
0x82: {  	_ =	shalt  }
0x83: {  	_ =	shalt  }
0x84: {  	_ =	shalt  }
0x85: {  	_ =	shalt  }
0x86: {  	_ =	shalt  }
0x87: {  	_ =	shalt  }
.Lfunc_end0:
.L_simem_size_0:
called_computation.3_lowered:
.L_overlay_start_0:
0x88: {  	s2 =	sld [smem:$0x3FD9]  }
0x89: {  	s3 =	sld [smem:$0x3FFE];
	_ =	sdelay $0x1  }
0x8a: {  	s1 =	srdreg.scid  }
0x8b: {  	s0 =	sand.u32 $0x1, s1  }
0x8c: {  	s17 =	sshll.u32 s0, $0xA;
	s2 =	sadd.s32 s3, s2  }
0x8d: {  	s2 =	sadd.s32 s2, s17  }
0x8e: {  	[smem:$0x3FC6] =	sst s2  }
0x8f: {  	_ = 	snop  }
0x90: {  	s2 =	sld [smem:$0x3FC8];
	(tm) =	ssettm $0x1  }
0x91: {  	s18 =	sld [smem:$0x3FFB];
	_ =	sdelay $0x3  }
0x92: {  	_ =	strace s18  }
0x93: {  	s3 =	sld [smem:$0x3FFC];
	_ =	sdelay $0x3  }
0x94: {  	_ =	strace s3  }
0x95: {  	s3 =	sld [smem:$0x3FFD];
	_ =	sdelay $0x3  }
0x96: {  	_ =	strace s3  }
0x97: {  	_ =	strace $0x8FFFFFFF  }
0x98: {  	s19 =	sld [smem:$0x3FDB];
	_ =	sdelay $0x1  }
0x99: {  	s4 =	simm.s32 $_scs_section_size  }
0x9a: {  	s5 =	simm.s32 $_size__tile_overlayer_lowered;
	s6 =	simm.s32 $_tile_overlayer_lowered  }
0x9b: {  	s22 =	simm.s32 $0x1BFF;
	s21 =	sshll.u32 s6, $0x1;
	s3 =	sadd.s32 s4, s19  }
0x9c: {  	s7 =	simm.s32 $0x0;
	s20 =	sshll.u32 s5, $0x1;
	s5 =	sadd.s32 s21, s3  }
0x9d: {  	[timem:s7], [sflag:s22] =	dma.local [hbm:s5], s20  }
0x9e: {  	_ =	swait.ge [sflag:s22], s20  }
0x9f: {  	s4 =	ssub.s32 $0x0, s20;
	[sflag:s22] =	ssyncset.done $0x0  }
0xa0: {  	[sflag:s22] =	ssyncadd.s32 s4;
	_ =	sdelay $0x1  }
0xa1: {  	s23 =	simm.s32 $0x1B8B  }
0xa2: {  	_ =	swait.ge [sflag:s23], $0x1  }
0xa3: {  	[sflag:s23] =	ssyncset.done $0x0  }
0xa4: {  	s25 =	simm.s32 $0x1B8E;
	s24 =	sld [smem:$0x3FFE];
	[sflag:s23] =	ssyncadd.s32 $0xFFFFFFFF  }
0xa5: {  	s26 =	simm.s32 $execute0_lowered;
	[smem:$0x3FD2] =	sst s25  }
0xa6: {  	s5 =	sshll.u32 s26, $0x1;
	_ =	strace $0x8000004F;
	[dreg:$0x1] =	wrdreg $0xFFFFFFFF  }
0xa7: {  	s28 =	simm.s32 $_size_execute0_lowered;
	s3 =	sadd.s32 s3, s5;
	[dreg:$0x0] =	wrdreg $0x0  }
0xa8: {  	s5 =	sshll.u32 s28, $0x1;
	[dreg:$0x2] =	wrdreg s3  }
0xa9: {  	[dreg:$0x3] =	wrdreg s5  }
0xaa: {  	[dreg:$0x4] =	wrdreg $0xC0  }
0xab: {  	_ =	task [dreg:s7], $0x5FFFF  }
0xac: {  	[dreg:$0x1] =	wrdreg $0xFFFFFFFF  }
0xad: {  	[dreg:$0x0] =	wrdreg $0x60  }
0xae: {  	[dreg:$0x2] =	wrdreg s2  }
0xaf: {  	[dreg:$0x3] =	wrdreg s24  }
0xb0: {  	[dreg:$0x4] =	wrdreg $0x9  }
0xb1: {  	_ =	task.clear_ibuf [dreg:s7], $0x5FFFF;
	_ =	strace $0x9000004F  }
0xb2: {  	s29 =	simm.s32 $0x9;
	_ =	strace $0x80000051  }
0xb3: {  	_ =	swait.ge [sflag:s29], $0x1  }
0xb4: {  	[sflag:s29] =	ssyncadd.s32 $0xFFFFFFFF  }
0xb5: {  	_ =	strace $0x90000051  }
0xb6: {  	_ =	sfence  }
0xb7: {  	s30 =	sld [smem:$0x0];
	_ =	sdelay $0x2  }
0xb8: {  	s31 =	sshll.u32 s1, $0xD;
	s1 =	sshrl.u32 s1, $0x2  }
0xb9: {  	s3 =	sand.u32 $0x4000, s31;
	s1 =	sadd.s32 s1, s30  }
0xba: {  	s0 =	sor.u32 s3, s0;
	s1 =	sshll.u32 s1, $0x11  }
0xbb: {  	s0 =	sor.u32 s1, s0  }
0xbc: {  	s0 =	sadd.s32 $0x8F2B, s0  }
0xbd: {  	[sflag:s0] =	ssyncadd.remote.s32 $0x1  }
0xbe: {  	_ =	sfence.sel $0xFFFF  }
0xbf: {  	[dreg:$0x0] =	wrdreg $0xFFFFFFFF;
	(pc) =	sbr.abs _section_cstart, $3  }
0xc0: {  	[dreg:$0x1] =	wrdreg $0xFFFFFFFF  }
0xc1: {  	_ =	task.clear_ibuf [dreg:s7], $0x2FFFF;
	_ =	strace $0x9FFFFFFF  }
0xc2: {  	(tm) =	ssettm $0x7FFFFFFF  }
0xc3: {  	_ =	shalt  }
tec
execute0_lowered:
.L_overlay_start_1:
0x0: {  	(tag) =	ssettag $0x1  }
0x1: {  	s2 =	rddreg [dreg:$0x0];
	s1 =	srdreg.scid  }
0x2: {  	s0 =	stileid.u32;
	s6 =	rddreg [dreg:$0x1];
	s3 =	simm.s32 $0x0  }
0x3: {  	s10 =	simm.s32 $0x8000;
	s11 =	simm.s32 $0x1;
	s12 =	simm.s32 $0x4000  }
0x4: {  	s13 =	simm.s32 $0x8080;
	s14 =	simm.s32 $0x8480;
	s15 =	simm.s32 $0x8280  }
0x5: {  	s16 =	simm.s32 $0x8680;
	s17 =	simm.s32 $0x80;
	s18 =	simm.s32 $0x400  }
0x6: {  	s5 =	sand.u32 $0x1, s1;
	s4 =	sshll.u32 s0, $0x1;
	s1 =	rddreg [dreg:$0x2]  }
0x7: {  	s19 =	simm.s32 $0x0;
	[smem:$0x7FF] =	sst s3;
	s7 =	sor.u32 s5, s4  }
0x8: {  	s30 =	sshll.u32 s0, $0x7;
	s9 =	ssub.s32 $0x2, s5;
	s8 =	sshll.u32 s7, $0x4  }
0x9: {  	_ =	strace $0x80000050;
	s31 =	sshrl.u32 s9, $0x1;
	s8 =	sor.u32 s30, s8  }
0xa: {  	s4 =	sadd.s32 $0x2A00, s6;
	s9 =	ssub.s32 s9, s31;
	s8 =	sand.u32 $0x670, s8  }
0xb: {  	s5 =	sadd.s32 $0x42A00, s6;
	s9 =	smax.u32 s9, $0x1;
	s8 =	sadd.s32 s8, s6  }
0xc: {  	v0 =	vimm.f32 $0.0e+00;
	v1 =	vlaneseq.u32;
	v2 =	vimm.f32 $1.000000000e+00;
	s6 =	sshll.u32 s7, $0xD;
	s7 =	sadd.s32 $0x42C00, s8;
	s8 =	sadd.s32 $0x43400, s8  }
.LBB2_1:
0xd: {  	[tilespmem:s10], [sflag:$0x1] =	stream.linear.gather [hbm4b:s5+s3], $0x80, $0x38;
	[tilespmem:$0x8880] =	vst v63  }
0xe: {  	_ =	swait.ge [sflag:s11], $0x80  }
0xf: {  	[sflag:s11] =	ssyncset.done $0x0  }
0x10: {  	[sflag:s11] =	ssyncadd.s32 $0xFFFFFF80  }
0x11: {  	[tilespmem:$0x8080] =	vst v0  }
0x12: {  	[tilespmem:$0x8280] =	vst v0  }
0x13: {  	[tilespmem:$0x8480] =	vst v0  }
0x14: {  	[tilespmem:$0x8680] =	vst v0  }
0x15: {  	[tilespmem:$0x8090] =	vst v0  }
0x16: {  	[tilespmem:$0x8290] =	vst v0  }
0x17: {  	[tilespmem:$0x8490] =	vst v0  }
0x18: {  	[tilespmem:$0x8690] =	vst v0  }
0x19: {  	[tilespmem:$0x80A0] =	vst v0  }
0x1a: {  	[tilespmem:$0x82A0] =	vst v0  }
0x1b: {  	[tilespmem:$0x84A0] =	vst v0  }
0x1c: {  	[tilespmem:$0x86A0] =	vst v0  }
0x1d: {  	[tilespmem:$0x80B0] =	vst v0  }
0x1e: {  	[tilespmem:$0x82B0] =	vst v0  }
0x1f: {  	[tilespmem:$0x84B0] =	vst v0  }
0x20: {  	[tilespmem:$0x86B0] =	vst v0  }
0x21: {  	[tilespmem:$0x80C0] =	vst v0  }
0x22: {  	[tilespmem:$0x82C0] =	vst v0  }
0x23: {  	[tilespmem:$0x84C0] =	vst v0  }
0x24: {  	[tilespmem:$0x86C0] =	vst v0  }
0x25: {  	[tilespmem:$0x80D0] =	vst v0  }
0x26: {  	[tilespmem:$0x82D0] =	vst v0  }
0x27: {  	[tilespmem:$0x84D0] =	vst v0  }
0x28: {  	[tilespmem:$0x86D0] =	vst v0  }
0x29: {  	[tilespmem:$0x80E0] =	vst v0  }
0x2a: {  	[tilespmem:$0x82E0] =	vst v0  }
0x2b: {  	[tilespmem:$0x84E0] =	vst v0  }
0x2c: {  	[tilespmem:$0x86E0] =	vst v0  }
0x2d: {  	[tilespmem:$0x80F0] =	vst v0  }
0x2e: {  	[tilespmem:$0x82F0] =	vst v0  }
0x2f: {  	[tilespmem:$0x84F0] =	vst v0  }
0x30: {  	[tilespmem:$0x86F0] =	vst v0  }
0x31: {  	[tilespmem:$0x8100] =	vst v0  }
0x32: {  	[tilespmem:$0x8300] =	vst v0  }
0x33: {  	[tilespmem:$0x8500] =	vst v0  }
0x34: {  	[tilespmem:$0x8700] =	vst v0  }
0x35: {  	[tilespmem:$0x8110] =	vst v0  }
0x36: {  	[tilespmem:$0x8310] =	vst v0  }
0x37: {  	[tilespmem:$0x8510] =	vst v0  }
0x38: {  	[tilespmem:$0x8710] =	vst v0  }
0x39: {  	[tilespmem:$0x8120] =	vst v0  }
0x3a: {  	[tilespmem:$0x8320] =	vst v0  }
0x3b: {  	[tilespmem:$0x8520] =	vst v0  }
0x3c: {  	[tilespmem:$0x8720] =	vst v0  }
0x3d: {  	[tilespmem:$0x8130] =	vst v0  }
0x3e: {  	[tilespmem:$0x8330] =	vst v0  }
0x3f: {  	[tilespmem:$0x8530] =	vst v0  }
0x40: {  	[tilespmem:$0x8730] =	vst v0  }
0x41: {  	[tilespmem:$0x8140] =	vst v0  }
0x42: {  	[tilespmem:$0x8340] =	vst v0  }
0x43: {  	[tilespmem:$0x8540] =	vst v0  }
0x44: {  	[tilespmem:$0x8740] =	vst v0  }
0x45: {  	[tilespmem:$0x8150] =	vst v0  }
0x46: {  	[tilespmem:$0x8350] =	vst v0  }
0x47: {  	[tilespmem:$0x8550] =	vst v0  }
0x48: {  	[tilespmem:$0x8750] =	vst v0  }
0x49: {  	[tilespmem:$0x8160] =	vst v0  }
0x4a: {  	[tilespmem:$0x8360] =	vst v0  }
0x4b: {  	[tilespmem:$0x8560] =	vst v0  }
0x4c: {  	[tilespmem:$0x8760] =	vst v0  }
0x4d: {  	[tilespmem:$0x8170] =	vst v0  }
0x4e: {  	[tilespmem:$0x8370] =	vst v0  }
0x4f: {  	[tilespmem:$0x8570] =	vst v0  }
0x50: {  	[tilespmem:$0x8770] =	vst v0  }
0x51: {  	[tilespmem:$0x8180] =	vst v0  }
0x52: {  	[tilespmem:$0x8380] =	vst v0  }
0x53: {  	[tilespmem:$0x8580] =	vst v0  }
0x54: {  	[tilespmem:$0x8780] =	vst v0  }
0x55: {  	[tilespmem:$0x8190] =	vst v0  }
0x56: {  	[tilespmem:$0x8390] =	vst v0  }
0x57: {  	[tilespmem:$0x8590] =	vst v0  }
0x58: {  	[tilespmem:$0x8790] =	vst v0  }
0x59: {  	[tilespmem:$0x81A0] =	vst v0  }
0x5a: {  	[tilespmem:$0x83A0] =	vst v0  }
0x5b: {  	[tilespmem:$0x85A0] =	vst v0  }
0x5c: {  	[tilespmem:$0x87A0] =	vst v0  }
0x5d: {  	[tilespmem:$0x81B0] =	vst v0  }
0x5e: {  	[tilespmem:$0x83B0] =	vst v0  }
0x5f: {  	[tilespmem:$0x85B0] =	vst v0  }
0x60: {  	[tilespmem:$0x87B0] =	vst v0  }
0x61: {  	[tilespmem:$0x81C0] =	vst v0  }
0x62: {  	[tilespmem:$0x83C0] =	vst v0  }
0x63: {  	[tilespmem:$0x85C0] =	vst v0  }
0x64: {  	[tilespmem:$0x87C0] =	vst v0  }
0x65: {  	[tilespmem:$0x81D0] =	vst v0  }
0x66: {  	[tilespmem:$0x83D0] =	vst v0  }
0x67: {  	[tilespmem:$0x85D0] =	vst v0  }
0x68: {  	[tilespmem:$0x87D0] =	vst v0  }
0x69: {  	[tilespmem:$0x81E0] =	vst v0  }
0x6a: {  	[tilespmem:$0x83E0] =	vst v0  }
0x6b: {  	[tilespmem:$0x85E0] =	vst v0  }
0x6c: {  	[tilespmem:$0x87E0] =	vst v0  }
0x6d: {  	[tilespmem:$0x81F0] =	vst v0  }
0x6e: {  	[tilespmem:$0x83F0] =	vst v0  }
0x6f: {  	[tilespmem:$0x85F0] =	vst v0  }
0x70: {  	[tilespmem:$0x87F0] =	vst v0  }
0x71: {  	[tilespmem:$0x8200] =	vst v0  }
0x72: {  	[tilespmem:$0x8400] =	vst v0  }
0x73: {  	[tilespmem:$0x8600] =	vst v0  }
0x74: {  	[tilespmem:$0x8800] =	vst v0  }
0x75: {  	[tilespmem:$0x8210] =	vst v0  }
0x76: {  	[tilespmem:$0x8410] =	vst v0  }
0x77: {  	[tilespmem:$0x8610] =	vst v0  }
0x78: {  	[tilespmem:$0x8810] =	vst v0  }
0x79: {  	[tilespmem:$0x8220] =	vst v0  }
0x7a: {  	[tilespmem:$0x8420] =	vst v0  }
0x7b: {  	[tilespmem:$0x8620] =	vst v0  }
0x7c: {  	[tilespmem:$0x8820] =	vst v0  }
0x7d: {  	[tilespmem:$0x8230] =	vst v0  }
0x7e: {  	[tilespmem:$0x8430] =	vst v0  }
0x7f: {  	[tilespmem:$0x8630] =	vst v0  }
0x80: {  	[tilespmem:$0x8830] =	vst v0  }
0x81: {  	[tilespmem:$0x8240] =	vst v0  }
0x82: {  	[tilespmem:$0x8440] =	vst v0  }
0x83: {  	[tilespmem:$0x8640] =	vst v0  }
0x84: {  	[tilespmem:$0x8840] =	vst v0  }
0x85: {  	[tilespmem:$0x8250] =	vst v0  }
0x86: {  	[tilespmem:$0x8450] =	vst v0  }
0x87: {  	[tilespmem:$0x8650] =	vst v0  }
0x88: {  	[tilespmem:$0x8850] =	vst v0  }
0x89: {  	[tilespmem:$0x8260] =	vst v0  }
0x8a: {  	[tilespmem:$0x8460] =	vst v0  }
0x8b: {  	[tilespmem:$0x8660] =	vst v0  }
0x8c: {  	[tilespmem:$0x8860] =	vst v0  }
0x8d: {  	[tilespmem:$0x8270] =	vst v0  }
0x8e: {  	[tilespmem:$0x8470] =	vst v0  }
0x8f: {  	[tilespmem:$0x8670] =	vst v0  }
0x90: {  	s20 =	simm.s32 $0x0;
	v3 =	vld [tilespmem:$0x8000];
	[tilespmem:$0x8870] =	vst v0  }
.LBB2_2:
0x91: {  	s21 =	sshll.u32 s20, $0xB  }
0x92: {  	s22 =	sadd.s32 s6, s21  }
0x93: {  	s21 =	simm.s32 $0x0;
	s23 =	sadd.s32 s2, s22  }
0x94: {  	[tilespmem:s21], [sflag:$0x1] =	stream.linear.gather [hbm4b:s23+s21], $0x4000, $0x38;
	[tilespmem:$0x8880] =	vst v63  }
0x95: {  	_ =	swait.ge [sflag:s11], $0x4000  }
0x96: {  	[sflag:s11] =	ssyncset.done $0x0  }
0x97: {  	s22 =	sadd.s32 s4, s22;
	[sflag:s11] =	ssyncadd.s32 $0xFFFFC000  }
0x98: {  	[tilespmem:s12], [sflag:$0x1] =	stream.linear.gather [hbm4b:s22+s21], $0x4000, $0x38;
	[tilespmem:$0x8880] =	vst v63  }
0x99: {  	_ =	swait.ge [sflag:s11], $0x4000  }
0x9a: {  	[sflag:s11] =	ssyncset.done $0x0  }
0x9b: {  	s22 =	simm.s32 $0x0;
	[sflag:s11] =	ssyncadd.s32 $0xFFFFC000  }
.LBB2_3:
0x9c: {  	s23 =	sand.u32 $0x3000, s22;
	s24 =	sand.u32 $0x380, s21  }
0x9d: {  	s23 =	sor.u32 s24, s23  }
0x9e: {  	v4 =	vld [tilespmem:s23+$0x0]  }
0x9f: {  	v5 =	vld [tilespmem:s23+$0x4000];
	_ =	sdelay $0x4  }
0xa0: {  	vm0 =	vge.f32 v5, v3;
	v4 =	vshll.u32 v4, $0x4  }
0xa1: {  	v4 =	vor.u32 v1, v4;
	_ =	sdelay $0x4  }
0xa2: {  	[tilespmem:v4+s13+$0x0] =	vst.idx.add.f32.msk vm0, v2  }
0xa3: {  	[tilespmem:v4+s14+$0x0] =	vst.idx.add.f32.msk vm0, v5  }
0xa4: {  	v4 =	vld [tilespmem:s23+$0x10]  }
0xa5: {  	v5 =	vld [tilespmem:s23+$0x4010];
	_ =	sdelay $0x4  }
0xa6: {  	vm9 =	vge.f32 v5, v3;
	v4 =	vshll.u32 v4, $0x4  }
0xa7: {  	v4 =	vor.u32 v1, v4;
	_ =	sdelay $0x4  }
0xa8: {  	[tilespmem:v4+s15+$0x0] =	vst.idx.add.f32.msk vm9, v2  }
0xa9: {  	[tilespmem:v4+s16+$0x0] =	vst.idx.add.f32.msk vm9, v5  }
0xaa: {  	v4 =	vld [tilespmem:s23+$0x20]  }
0xab: {  	v5 =	vld [tilespmem:s23+$0x4020];
	_ =	sdelay $0x4  }
0xac: {  	vm10 =	vge.f32 v5, v3;
	v4 =	vshll.u32 v4, $0x4  }
0xad: {  	v4 =	vor.u32 v1, v4;
	_ =	sdelay $0x4  }
0xae: {  	[tilespmem:v4+s13+$0x0] =	vst.idx.add.f32.msk vm10, v2  }
0xaf: {  	[tilespmem:v4+s14+$0x0] =	vst.idx.add.f32.msk vm10, v5  }
0xb0: {  	v4 =	vld [tilespmem:s23+$0x30]  }
0xb1: {  	v5 =	vld [tilespmem:s23+$0x4030];
	_ =	sdelay $0x4  }
0xb2: {  	vm11 =	vge.f32 v5, v3;
	v4 =	vshll.u32 v4, $0x4  }
0xb3: {  	v4 =	vor.u32 v1, v4;
	_ =	sdelay $0x4  }
0xb4: {  	[tilespmem:v4+s15+$0x0] =	vst.idx.add.f32.msk vm11, v2  }
0xb5: {  	[tilespmem:v4+s16+$0x0] =	vst.idx.add.f32.msk vm11, v5  }
0xb6: {  	v4 =	vld [tilespmem:s23+$0x40]  }
0xb7: {  	v5 =	vld [tilespmem:s23+$0x4040];
	_ =	sdelay $0x4  }
0xb8: {  	vm12 =	vge.f32 v5, v3;
	v4 =	vshll.u32 v4, $0x4  }
0xb9: {  	v4 =	vor.u32 v1, v4;
	_ =	sdelay $0x4  }
0xba: {  	[tilespmem:v4+s13+$0x0] =	vst.idx.add.f32.msk vm12, v2  }
0xbb: {  	[tilespmem:v4+s14+$0x0] =	vst.idx.add.f32.msk vm12, v5  }
0xbc: {  	v4 =	vld [tilespmem:s23+$0x50]  }
0xbd: {  	v5 =	vld [tilespmem:s23+$0x4050];
	_ =	sdelay $0x4  }
0xbe: {  	vm13 =	vge.f32 v5, v3;
	v4 =	vshll.u32 v4, $0x4  }
0xbf: {  	v4 =	vor.u32 v1, v4;
	_ =	sdelay $0x4  }
0xc0: {  	[tilespmem:v4+s15+$0x0] =	vst.idx.add.f32.msk vm13, v2  }
0xc1: {  	[tilespmem:v4+s16+$0x0] =	vst.idx.add.f32.msk vm13, v5  }
0xc2: {  	v4 =	vld [tilespmem:s23+$0x60]  }
0xc3: {  	v5 =	vld [tilespmem:s23+$0x4060];
	_ =	sdelay $0x4  }
0xc4: {  	vm14 =	vge.f32 v5, v3;
	v4 =	vshll.u32 v4, $0x4  }
0xc5: {  	v4 =	vor.u32 v1, v4;
	_ =	sdelay $0x4  }
0xc6: {  	[tilespmem:v4+s13+$0x0] =	vst.idx.add.f32.msk vm14, v2  }
0xc7: {  	[tilespmem:v4+s14+$0x0] =	vst.idx.add.f32.msk vm14, v5  }
0xc8: {  	v4 =	vld [tilespmem:s23+$0x70]  }
0xc9: {  	v5 =	vld [tilespmem:s23+$0x4070];
	_ =	sdelay $0x4  }
0xca: {  	vm15 =	vge.f32 v5, v3;
	v4 =	vshll.u32 v4, $0x4  }
0xcb: {  	v4 =	vor.u32 v1, v4;
	_ =	sdelay $0x4  }
0xcc: {  	[tilespmem:v4+s15+$0x0] =	vst.idx.add.f32.msk vm15, v2  }
0xcd: {  	[tilespmem:v4+s16+$0x0] =	vst.idx.add.f32.msk vm15, v5  }
0xce: {  	v4 =	vld [tilespmem:s23+$0x400]  }
0xcf: {  	v5 =	vld [tilespmem:s23+$0x4400];
	_ =	sdelay $0x4  }
0xd0: {  	vm4 =	vge.f32 v5, v3;
	v4 =	vshll.u32 v4, $0x4  }
0xd1: {  	v4 =	vor.u32 v1, v4;
	_ =	sdelay $0x4  }
0xd2: {  	[tilespmem:v4+s13+$0x0] =	vst.idx.add.f32.msk vm4, v2  }
0xd3: {  	[tilespmem:v4+s14+$0x0] =	vst.idx.add.f32.msk vm4, v5  }
0xd4: {  	v4 =	vld [tilespmem:s23+$0x410]  }
0xd5: {  	v5 =	vld [tilespmem:s23+$0x4410];
	_ =	sdelay $0x4  }
0xd6: {  	vm5 =	vge.f32 v5, v3;
	v4 =	vshll.u32 v4, $0x4  }
0xd7: {  	v4 =	vor.u32 v1, v4;
	_ =	sdelay $0x4  }
0xd8: {  	[tilespmem:v4+s15+$0x0] =	vst.idx.add.f32.msk vm5, v2  }
0xd9: {  	[tilespmem:v4+s16+$0x0] =	vst.idx.add.f32.msk vm5, v5  }
0xda: {  	v4 =	vld [tilespmem:s23+$0x420]  }
0xdb: {  	v5 =	vld [tilespmem:s23+$0x4420];
	_ =	sdelay $0x4  }
0xdc: {  	vm6 =	vge.f32 v5, v3;
	v4 =	vshll.u32 v4, $0x4  }
0xdd: {  	v4 =	vor.u32 v1, v4;
	_ =	sdelay $0x4  }
0xde: {  	[tilespmem:v4+s13+$0x0] =	vst.idx.add.f32.msk vm6, v2  }
0xdf: {  	[tilespmem:v4+s14+$0x0] =	vst.idx.add.f32.msk vm6, v5  }
0xe0: {  	v4 =	vld [tilespmem:s23+$0x430]  }
0xe1: {  	v5 =	vld [tilespmem:s23+$0x4430];
	_ =	sdelay $0x4  }
0xe2: {  	vm7 =	vge.f32 v5, v3;
	v4 =	vshll.u32 v4, $0x4  }
0xe3: {  	v4 =	vor.u32 v1, v4;
	_ =	sdelay $0x4  }
0xe4: {  	[tilespmem:v4+s15+$0x0] =	vst.idx.add.f32.msk vm7, v2  }
0xe5: {  	[tilespmem:v4+s16+$0x0] =	vst.idx.add.f32.msk vm7, v5  }
0xe6: {  	v4 =	vld [tilespmem:s23+$0x440]  }
0xe7: {  	v5 =	vld [tilespmem:s23+$0x4440];
	_ =	sdelay $0x4  }
0xe8: {  	vm8 =	vge.f32 v5, v3;
	v4 =	vshll.u32 v4, $0x4  }
0xe9: {  	v4 =	vor.u32 v1, v4;
	_ =	sdelay $0x4  }
0xea: {  	[tilespmem:v4+s13+$0x0] =	vst.idx.add.f32.msk vm8, v2  }
0xeb: {  	[tilespmem:v4+s14+$0x0] =	vst.idx.add.f32.msk vm8, v5  }
0xec: {  	v4 =	vld [tilespmem:s23+$0x450]  }
0xed: {  	v5 =	vld [tilespmem:s23+$0x4450];
	_ =	sdelay $0x4  }
0xee: {  	vm9 =	vge.f32 v5, v3;
	v4 =	vshll.u32 v4, $0x4  }
0xef: {  	v4 =	vor.u32 v1, v4;
	_ =	sdelay $0x4  }
0xf0: {  	[tilespmem:v4+s15+$0x0] =	vst.idx.add.f32.msk vm9, v2  }
0xf1: {  	[tilespmem:v4+s16+$0x0] =	vst.idx.add.f32.msk vm9, v5  }
0xf2: {  	v4 =	vld [tilespmem:s23+$0x460]  }
0xf3: {  	v5 =	vld [tilespmem:s23+$0x4460];
	_ =	sdelay $0x4  }
0xf4: {  	vm10 =	vge.f32 v5, v3;
	v4 =	vshll.u32 v4, $0x4  }
0xf5: {  	v4 =	vor.u32 v1, v4;
	_ =	sdelay $0x4  }
0xf6: {  	[tilespmem:v4+s13+$0x0] =	vst.idx.add.f32.msk vm10, v2  }
0xf7: {  	[tilespmem:v4+s14+$0x0] =	vst.idx.add.f32.msk vm10, v5  }
0xf8: {  	v4 =	vld [tilespmem:s23+$0x470]  }
0xf9: {  	v5 =	vld [tilespmem:s23+$0x4470];
	_ =	sdelay $0x4  }
0xfa: {  	vm11 =	vge.f32 v5, v3;
	v4 =	vshll.u32 v4, $0x4  }
0xfb: {  	v4 =	vor.u32 v1, v4;
	_ =	sdelay $0x4  }
0xfc: {  	[tilespmem:v4+s15+$0x0] =	vst.idx.add.f32.msk vm11, v2  }
0xfd: {  	[tilespmem:v4+s16+$0x0] =	vst.idx.add.f32.msk vm11, v5  }
0xfe: {  	v4 =	vld [tilespmem:s23+$0x800]  }
0xff: {  	v5 =	vld [tilespmem:s23+$0x4800];
	_ =	sdelay $0x4  }
0x100: {  	vm12 =	vge.f32 v5, v3;
	v4 =	vshll.u32 v4, $0x4  }
0x101: {  	v4 =	vor.u32 v1, v4;
	_ =	sdelay $0x4  }
0x102: {  	[tilespmem:v4+s13+$0x0] =	vst.idx.add.f32.msk vm12, v2  }
0x103: {  	[tilespmem:v4+s14+$0x0] =	vst.idx.add.f32.msk vm12, v5  }
0x104: {  	v4 =	vld [tilespmem:s23+$0x810]  }
0x105: {  	v5 =	vld [tilespmem:s23+$0x4810];
	_ =	sdelay $0x4  }
0x106: {  	vm13 =	vge.f32 v5, v3;
	v4 =	vshll.u32 v4, $0x4  }
0x107: {  	v4 =	vor.u32 v1, v4;
	_ =	sdelay $0x4  }
0x108: {  	[tilespmem:v4+s15+$0x0] =	vst.idx.add.f32.msk vm13, v2  }
0x109: {  	[tilespmem:v4+s16+$0x0] =	vst.idx.add.f32.msk vm13, v5  }
0x10a: {  	v4 =	vld [tilespmem:s23+$0x820]  }
0x10b: {  	v5 =	vld [tilespmem:s23+$0x4820];
	_ =	sdelay $0x4  }
0x10c: {  	vm14 =	vge.f32 v5, v3;
	v4 =	vshll.u32 v4, $0x4  }
0x10d: {  	v4 =	vor.u32 v1, v4;
	_ =	sdelay $0x4  }
0x10e: {  	[tilespmem:v4+s13+$0x0] =	vst.idx.add.f32.msk vm14, v2  }
0x10f: {  	[tilespmem:v4+s14+$0x0] =	vst.idx.add.f32.msk vm14, v5  }
0x110: {  	v4 =	vld [tilespmem:s23+$0x830]  }
0x111: {  	v5 =	vld [tilespmem:s23+$0x4830];
	_ =	sdelay $0x4  }
0x112: {  	vm15 =	vge.f32 v5, v3;
	v4 =	vshll.u32 v4, $0x4  }
0x113: {  	v4 =	vor.u32 v1, v4;
	_ =	sdelay $0x4  }
0x114: {  	[tilespmem:v4+s15+$0x0] =	vst.idx.add.f32.msk vm15, v2  }
0x115: {  	[tilespmem:v4+s16+$0x0] =	vst.idx.add.f32.msk vm15, v5  }
0x116: {  	v4 =	vld [tilespmem:s23+$0x840]  }
0x117: {  	v5 =	vld [tilespmem:s23+$0x4840];
	_ =	sdelay $0x4  }
0x118: {  	vm4 =	vge.f32 v5, v3;
	v4 =	vshll.u32 v4, $0x4  }
0x119: {  	v4 =	vor.u32 v1, v4;
	_ =	sdelay $0x4  }
0x11a: {  	[tilespmem:v4+s13+$0x0] =	vst.idx.add.f32.msk vm4, v2  }
0x11b: {  	[tilespmem:v4+s14+$0x0] =	vst.idx.add.f32.msk vm4, v5  }
0x11c: {  	v4 =	vld [tilespmem:s23+$0x850]  }
0x11d: {  	v5 =	vld [tilespmem:s23+$0x4850];
	_ =	sdelay $0x4  }
0x11e: {  	vm5 =	vge.f32 v5, v3;
	v4 =	vshll.u32 v4, $0x4  }
0x11f: {  	v4 =	vor.u32 v1, v4;
	_ =	sdelay $0x4  }
0x120: {  	[tilespmem:v4+s15+$0x0] =	vst.idx.add.f32.msk vm5, v2  }
0x121: {  	[tilespmem:v4+s16+$0x0] =	vst.idx.add.f32.msk vm5, v5  }
0x122: {  	v4 =	vld [tilespmem:s23+$0x860]  }
0x123: {  	v5 =	vld [tilespmem:s23+$0x4860];
	_ =	sdelay $0x4  }
0x124: {  	vm6 =	vge.f32 v5, v3;
	v4 =	vshll.u32 v4, $0x4  }
0x125: {  	v4 =	vor.u32 v1, v4;
	_ =	sdelay $0x4  }
0x126: {  	[tilespmem:v4+s13+$0x0] =	vst.idx.add.f32.msk vm6, v2  }
0x127: {  	[tilespmem:v4+s14+$0x0] =	vst.idx.add.f32.msk vm6, v5  }
0x128: {  	v4 =	vld [tilespmem:s23+$0x870]  }
0x129: {  	v5 =	vld [tilespmem:s23+$0x4870];
	_ =	sdelay $0x4  }
0x12a: {  	vm7 =	vge.f32 v5, v3;
	v4 =	vshll.u32 v4, $0x4  }
0x12b: {  	v4 =	vor.u32 v1, v4;
	_ =	sdelay $0x4  }
0x12c: {  	[tilespmem:v4+s15+$0x0] =	vst.idx.add.f32.msk vm7, v2  }
0x12d: {  	[tilespmem:v4+s16+$0x0] =	vst.idx.add.f32.msk vm7, v5  }
0x12e: {  	v4 =	vld [tilespmem:s23+$0xC00]  }
0x12f: {  	v5 =	vld [tilespmem:s23+$0x4C00];
	_ =	sdelay $0x4  }
0x130: {  	vm8 =	vge.f32 v5, v3;
	v4 =	vshll.u32 v4, $0x4  }
0x131: {  	v4 =	vor.u32 v1, v4;
	_ =	sdelay $0x4  }
0x132: {  	[tilespmem:v4+s13+$0x0] =	vst.idx.add.f32.msk vm8, v2  }
0x133: {  	[tilespmem:v4+s14+$0x0] =	vst.idx.add.f32.msk vm8, v5  }
0x134: {  	v4 =	vld [tilespmem:s23+$0xC10]  }
0x135: {  	v5 =	vld [tilespmem:s23+$0x4C10];
	_ =	sdelay $0x4  }
0x136: {  	vm9 =	vge.f32 v5, v3;
	v4 =	vshll.u32 v4, $0x4  }
0x137: {  	v4 =	vor.u32 v1, v4;
	_ =	sdelay $0x4  }
0x138: {  	[tilespmem:v4+s15+$0x0] =	vst.idx.add.f32.msk vm9, v2  }
0x139: {  	[tilespmem:v4+s16+$0x0] =	vst.idx.add.f32.msk vm9, v5  }
0x13a: {  	v4 =	vld [tilespmem:s23+$0xC20]  }
0x13b: {  	v5 =	vld [tilespmem:s23+$0x4C20];
	_ =	sdelay $0x4  }
0x13c: {  	vm10 =	vge.f32 v5, v3;
	v4 =	vshll.u32 v4, $0x4  }
0x13d: {  	v4 =	vor.u32 v1, v4;
	_ =	sdelay $0x4  }
0x13e: {  	[tilespmem:v4+s13+$0x0] =	vst.idx.add.f32.msk vm10, v2  }
0x13f: {  	[tilespmem:v4+s14+$0x0] =	vst.idx.add.f32.msk vm10, v5  }
0x140: {  	v4 =	vld [tilespmem:s23+$0xC30]  }
0x141: {  	v5 =	vld [tilespmem:s23+$0x4C30];
	_ =	sdelay $0x4  }
0x142: {  	vm11 =	vge.f32 v5, v3;
	v4 =	vshll.u32 v4, $0x4  }
0x143: {  	v4 =	vor.u32 v1, v4;
	_ =	sdelay $0x4  }
0x144: {  	[tilespmem:v4+s15+$0x0] =	vst.idx.add.f32.msk vm11, v2  }
0x145: {  	[tilespmem:v4+s16+$0x0] =	vst.idx.add.f32.msk vm11, v5  }
0x146: {  	v4 =	vld [tilespmem:s23+$0xC40]  }
0x147: {  	v5 =	vld [tilespmem:s23+$0x4C40];
	_ =	sdelay $0x4  }
0x148: {  	vm12 =	vge.f32 v5, v3;
	v4 =	vshll.u32 v4, $0x4  }
0x149: {  	v4 =	vor.u32 v1, v4;
	_ =	sdelay $0x4  }
0x14a: {  	[tilespmem:v4+s13+$0x0] =	vst.idx.add.f32.msk vm12, v2  }
0x14b: {  	[tilespmem:v4+s14+$0x0] =	vst.idx.add.f32.msk vm12, v5  }
0x14c: {  	v4 =	vld [tilespmem:s23+$0xC50]  }
0x14d: {  	v5 =	vld [tilespmem:s23+$0x4C50];
	_ =	sdelay $0x4  }
0x14e: {  	vm13 =	vge.f32 v5, v3;
	v4 =	vshll.u32 v4, $0x4  }
0x14f: {  	v4 =	vor.u32 v1, v4;
	_ =	sdelay $0x4  }
0x150: {  	[tilespmem:v4+s15+$0x0] =	vst.idx.add.f32.msk vm13, v2  }
0x151: {  	[tilespmem:v4+s16+$0x0] =	vst.idx.add.f32.msk vm13, v5  }
0x152: {  	v4 =	vld [tilespmem:s23+$0xC60]  }
0x153: {  	v5 =	vld [tilespmem:s23+$0x4C60];
	_ =	sdelay $0x4  }
0x154: {  	vm14 =	vge.f32 v5, v3;
	v4 =	vshll.u32 v4, $0x4  }
0x155: {  	v4 =	vor.u32 v1, v4;
	_ =	sdelay $0x4  }
0x156: {  	[tilespmem:v4+s13+$0x0] =	vst.idx.add.f32.msk vm14, v2  }
0x157: {  	[tilespmem:v4+s14+$0x0] =	vst.idx.add.f32.msk vm14, v5  }
0x158: {  	v4 =	vld [tilespmem:s23+$0xC70]  }
0x159: {  	v5 =	vld [tilespmem:s23+$0x4C70];
	_ =	sdelay $0x4  }
0x15a: {  	vm15 =	vge.f32 v5, v3;
	v4 =	vshll.u32 v4, $0x4  }
0x15b: {  	v4 =	vor.u32 v1, v4  }
0x15c: {  	p0 =	sne.s32 s22, $0x3E00  }
.Ltmp0:
0x15d: {  	_ = 	snop;
	(pc) =	sbr.rel @p0 .LBB2_3-.Ltmp0, $3  }
0x15e: {  	_ =	sdelay $0x1  }
0x15f: {  	[tilespmem:v4+s15+$0x0] =	vst.idx.add.f32.msk vm15, v2  }
0x160: {  	s21 =	sadd.s32 $0x80, s21;
	s22 =	sadd.s32 $0x200, s22;
	[tilespmem:v4+s16+$0x0] =	vst.idx.add.f32.msk vm15, v5  }
0x161: {  	s20 =	sadd.s32 $0x1, s20  }
0x162: {  	p0 =	sne.s32 s20, $0x4  }
.Ltmp1:
0x163: {  	_ = 	snop;
	(pc) =	sbr.rel @p0 .LBB2_2-.Ltmp1, $1  }
0x164: {  	_ =	sdelay $0x3  }
0x165: {  	s20 =	simm.s32 $0x80C0  }
0x166: {  	s21 =	simm.s32 $0x82C0;
	v3 =	vld [tilespmem:s20+$0xFFFFFFC0]  }
0x167: {  	v4 =	vld [tilespmem:s21+$0xFFFFFFC0];
	_ =	sdelay $0x4  }
0x168: {  	v3 =	vadd.f32 v4, v3;
	_ =	sdelay $0x1  }
0x169: {  	s23 =	simm.s32 $0x86C0;
	[tilespmem:s20+$0xFFFFFFC0] =	vst v3  }
0x16a: {  	s22 =	simm.s32 $0x84C0;
	v3 =	vld [tilespmem:s23+$0xFFFFFFC0]  }
0x16b: {  	v4 =	vld [tilespmem:s22+$0xFFFFFFC0];
	_ =	sdelay $0x4  }
0x16c: {  	v3 =	vadd.f32 v3, v4;
	_ =	sdelay $0x1  }
0x16d: {  	[tilespmem:s22+$0xFFFFFFC0] =	vst v3  }
0x16e: {  	v3 =	vld [tilespmem:s20+$0xFFFFFFD0]  }
0x16f: {  	v4 =	vld [tilespmem:s21+$0xFFFFFFD0];
	_ =	sdelay $0x4  }
0x170: {  	v3 =	vadd.f32 v4, v3;
	_ =	sdelay $0x1  }
0x171: {  	[tilespmem:s20+$0xFFFFFFD0] =	vst v3  }
0x172: {  	v3 =	vld [tilespmem:s22+$0xFFFFFFD0]  }
0x173: {  	v4 =	vld [tilespmem:s23+$0xFFFFFFD0];
	_ =	sdelay $0x4  }
0x174: {  	v3 =	vadd.f32 v4, v3;
	_ =	sdelay $0x1  }
0x175: {  	[tilespmem:s22+$0xFFFFFFD0] =	vst v3  }
0x176: {  	v3 =	vld [tilespmem:s20+$0xFFFFFFE0]  }
0x177: {  	v4 =	vld [tilespmem:s21+$0xFFFFFFE0];
	_ =	sdelay $0x4  }
0x178: {  	v3 =	vadd.f32 v4, v3;
	_ =	sdelay $0x1  }
0x179: {  	[tilespmem:s20+$0xFFFFFFE0] =	vst v3  }
0x17a: {  	v3 =	vld [tilespmem:s22+$0xFFFFFFE0]  }
0x17b: {  	v4 =	vld [tilespmem:s23+$0xFFFFFFE0];
	_ =	sdelay $0x4  }
0x17c: {  	v3 =	vadd.f32 v4, v3;
	_ =	sdelay $0x1  }
0x17d: {  	[tilespmem:s22+$0xFFFFFFE0] =	vst v3  }
0x17e: {  	v3 =	vld [tilespmem:s20+$0xFFFFFFF0]  }
0x17f: {  	v4 =	vld [tilespmem:s21+$0xFFFFFFF0];
	_ =	sdelay $0x4  }
0x180: {  	v3 =	vadd.f32 v4, v3;
	_ =	sdelay $0x1  }
0x181: {  	[tilespmem:s20+$0xFFFFFFF0] =	vst v3  }
0x182: {  	v3 =	vld [tilespmem:s22+$0xFFFFFFF0]  }
0x183: {  	v4 =	vld [tilespmem:s23+$0xFFFFFFF0];
	_ =	sdelay $0x4  }
0x184: {  	v3 =	vadd.f32 v4, v3;
	_ =	sdelay $0x1  }
0x185: {  	[tilespmem:s22+$0xFFFFFFF0] =	vst v3  }
0x186: {  	v3 =	vld [tilespmem:s20+$0x0]  }
0x187: {  	v4 =	vld [tilespmem:s21+$0x0];
	_ =	sdelay $0x4  }
0x188: {  	v3 =	vadd.f32 v4, v3;
	_ =	sdelay $0x1  }
0x189: {  	[tilespmem:s20+$0x0] =	vst v3  }
0x18a: {  	v3 =	vld [tilespmem:s22+$0x0]  }
0x18b: {  	v4 =	vld [tilespmem:s23+$0x0];
	_ =	sdelay $0x4  }
0x18c: {  	v3 =	vadd.f32 v4, v3;
	_ =	sdelay $0x1  }
0x18d: {  	[tilespmem:s22+$0x0] =	vst v3  }
0x18e: {  	v3 =	vld [tilespmem:s20+$0x10]  }
0x18f: {  	v4 =	vld [tilespmem:s21+$0x10];
	_ =	sdelay $0x4  }
0x190: {  	v3 =	vadd.f32 v4, v3;
	_ =	sdelay $0x1  }
0x191: {  	[tilespmem:s20+$0x10] =	vst v3  }
0x192: {  	v3 =	vld [tilespmem:s22+$0x10]  }
0x193: {  	v4 =	vld [tilespmem:s23+$0x10];
	_ =	sdelay $0x4  }
0x194: {  	v3 =	vadd.f32 v4, v3;
	_ =	sdelay $0x1  }
0x195: {  	[tilespmem:s22+$0x10] =	vst v3  }
0x196: {  	v3 =	vld [tilespmem:s20+$0x20]  }
0x197: {  	v4 =	vld [tilespmem:s21+$0x20];
	_ =	sdelay $0x4  }
0x198: {  	v3 =	vadd.f32 v4, v3;
	_ =	sdelay $0x1  }
0x199: {  	[tilespmem:s20+$0x20] =	vst v3  }
0x19a: {  	v3 =	vld [tilespmem:s22+$0x20]  }
0x19b: {  	v4 =	vld [tilespmem:s23+$0x20];
	_ =	sdelay $0x4  }
0x19c: {  	v3 =	vadd.f32 v4, v3;
	_ =	sdelay $0x1  }
0x19d: {  	[tilespmem:s22+$0x20] =	vst v3  }
0x19e: {  	s24 =	simm.s32 $0x0;
	v3 =	vld [tilespmem:s20+$0x30]  }
0x19f: {  	s25 =	simm.s32 $0x8540;
	s28 =	simm.s32 $0x8740;
	s26 =	simm.s32 $0x80C0;
	v4 =	vld [tilespmem:s21+$0x30]  }
.LBB2_6:
0x1a0: {  	s24 =	sadd.s32 $0x8, s24;
	s20 =	sadd.s32 $0x80, s20;
	s21 =	sadd.s32 $0x80, s21  }
0x1a1: {  	p0 =	slt.u32 s24, $0x18;
	_ =	sdelay $0x2  }
0x1a2: {  	v3 =	vadd.f32 v4, v3;
	_ =	sdelay $0x1  }
0x1a3: {  	[tilespmem:s26+$0x30] =	vst v3;
	s26 =	smov.u32 s20  }
0x1a4: {  	v3 =	vld [tilespmem:s22+$0x30]  }
0x1a5: {  	v4 =	vld [tilespmem:s23+$0x30];
	s23 =	smov.u32 s28;
	_ =	sdelay $0x4  }
0x1a6: {  	v3 =	vadd.f32 v4, v3;
	_ =	sdelay $0x1  }
0x1a7: {  	[tilespmem:s22+$0x30] =	vst v3;
	s22 =	smov.u32 s25  }
0x1a8: {  	v3 =	vld [tilespmem:s20+$0xFFFFFFC0]  }
0x1a9: {  	v4 =	vld [tilespmem:s21+$0xFFFFFFC0];
	_ =	sdelay $0x4  }
0x1aa: {  	v3 =	vadd.f32 v4, v3;
	_ =	sdelay $0x1  }
0x1ab: {  	[tilespmem:s20+$0xFFFFFFC0] =	vst v3  }
0x1ac: {  	v3 =	vld [tilespmem:s28+$0xFFFFFFC0]  }
0x1ad: {  	v4 =	vld [tilespmem:s25+$0xFFFFFFC0];
	_ =	sdelay $0x4  }
0x1ae: {  	v3 =	vadd.f32 v3, v4;
	_ =	sdelay $0x1  }
0x1af: {  	[tilespmem:s25+$0xFFFFFFC0] =	vst v3  }
0x1b0: {  	v3 =	vld [tilespmem:s20+$0xFFFFFFD0]  }
0x1b1: {  	v4 =	vld [tilespmem:s21+$0xFFFFFFD0];
	_ =	sdelay $0x4  }
0x1b2: {  	v3 =	vadd.f32 v4, v3;
	_ =	sdelay $0x1  }
0x1b3: {  	[tilespmem:s20+$0xFFFFFFD0] =	vst v3  }
0x1b4: {  	v3 =	vld [tilespmem:s25+$0xFFFFFFD0]  }
0x1b5: {  	v4 =	vld [tilespmem:s28+$0xFFFFFFD0];
	_ =	sdelay $0x4  }
0x1b6: {  	v3 =	vadd.f32 v4, v3;
	_ =	sdelay $0x1  }
0x1b7: {  	[tilespmem:s25+$0xFFFFFFD0] =	vst v3  }
0x1b8: {  	v3 =	vld [tilespmem:s20+$0xFFFFFFE0]  }
0x1b9: {  	v4 =	vld [tilespmem:s21+$0xFFFFFFE0];
	_ =	sdelay $0x4  }
0x1ba: {  	v3 =	vadd.f32 v4, v3;
	_ =	sdelay $0x1  }
0x1bb: {  	[tilespmem:s20+$0xFFFFFFE0] =	vst v3  }
0x1bc: {  	v3 =	vld [tilespmem:s25+$0xFFFFFFE0]  }
0x1bd: {  	v4 =	vld [tilespmem:s28+$0xFFFFFFE0];
	_ =	sdelay $0x4  }
0x1be: {  	v3 =	vadd.f32 v4, v3;
	_ =	sdelay $0x1  }
0x1bf: {  	[tilespmem:s25+$0xFFFFFFE0] =	vst v3  }
0x1c0: {  	v3 =	vld [tilespmem:s20+$0xFFFFFFF0]  }
0x1c1: {  	v4 =	vld [tilespmem:s21+$0xFFFFFFF0];
	_ =	sdelay $0x4  }
0x1c2: {  	v3 =	vadd.f32 v4, v3;
	_ =	sdelay $0x1  }
0x1c3: {  	[tilespmem:s20+$0xFFFFFFF0] =	vst v3  }
0x1c4: {  	v3 =	vld [tilespmem:s25+$0xFFFFFFF0]  }
0x1c5: {  	v4 =	vld [tilespmem:s28+$0xFFFFFFF0];
	_ =	sdelay $0x4  }
0x1c6: {  	v3 =	vadd.f32 v4, v3;
	_ =	sdelay $0x1  }
0x1c7: {  	[tilespmem:s25+$0xFFFFFFF0] =	vst v3  }
0x1c8: {  	v3 =	vld [tilespmem:s20+$0x0]  }
0x1c9: {  	v4 =	vld [tilespmem:s21+$0x0];
	_ =	sdelay $0x4  }
0x1ca: {  	v3 =	vadd.f32 v4, v3;
	_ =	sdelay $0x1  }
0x1cb: {  	[tilespmem:s20+$0x0] =	vst v3  }
0x1cc: {  	v3 =	vld [tilespmem:s25+$0x0]  }
0x1cd: {  	v4 =	vld [tilespmem:s28+$0x0];
	_ =	sdelay $0x4  }
0x1ce: {  	v3 =	vadd.f32 v4, v3;
	_ =	sdelay $0x1  }
0x1cf: {  	[tilespmem:s25+$0x0] =	vst v3  }
0x1d0: {  	v3 =	vld [tilespmem:s20+$0x10]  }
0x1d1: {  	v4 =	vld [tilespmem:s21+$0x10];
	_ =	sdelay $0x4  }
0x1d2: {  	v3 =	vadd.f32 v4, v3;
	_ =	sdelay $0x1  }
0x1d3: {  	[tilespmem:s20+$0x10] =	vst v3  }
0x1d4: {  	v3 =	vld [tilespmem:s25+$0x10]  }
0x1d5: {  	v4 =	vld [tilespmem:s28+$0x10];
	_ =	sdelay $0x4  }
0x1d6: {  	v3 =	vadd.f32 v4, v3;
	_ =	sdelay $0x1  }
0x1d7: {  	[tilespmem:s25+$0x10] =	vst v3  }
0x1d8: {  	v3 =	vld [tilespmem:s20+$0x20]  }
0x1d9: {  	v4 =	vld [tilespmem:s21+$0x20];
	_ =	sdelay $0x4  }
0x1da: {  	v3 =	vadd.f32 v4, v3;
	_ =	sdelay $0x1  }
0x1db: {  	[tilespmem:s20+$0x20] =	vst v3  }
0x1dc: {  	v3 =	vld [tilespmem:s25+$0x20]  }
0x1dd: {  	v4 =	vld [tilespmem:s28+$0x20];
	_ =	sdelay $0x4  }
.Ltmp2:
0x1de: {  	v3 =	vadd.f32 v4, v3;
	(pc) =	sbr.rel @p0 .LBB2_6-.Ltmp2, $4  }
0x1df: {  	_ = 	snop  }
0x1e0: {  	[tilespmem:s25+$0x20] =	vst v3  }
0x1e1: {  	v3 =	vld [tilespmem:s20+$0x30]  }
0x1e2: {  	s28 =	sadd.s32 $0x80, s28;
	s25 =	sadd.s32 $0x80, s25;
	v4 =	vld [tilespmem:s21+$0x30]  }
0x1e3: {  	_ =	sdelay $0x3  }
0x1e4: {  	v3 =	vadd.f32 v4, v3;
	_ =	sdelay $0x1  }
0x1e5: {  	[tilespmem:s26+$0x30] =	vst v3  }
0x1e6: {  	v3 =	vld [tilespmem:s22+$0x30]  }
0x1e7: {  	v63 =	vld [tilespmem:s23+$0x30];
	_ =	sdelay $0x4  }
0x1e8: {  	v3 =	vadd.f32 v63, v3;
	_ =	sdelay $0x1  }
0x1e9: {  	[tilespmem:s22+$0x30] =	vst v3  }
0x1ea: {  	[hbm4b:s7+s17] =	stream.strided.scatter [tilespmem:s13], [sflag:$0x1], $0x200, s18, s17, $0x38;
	[tilespmem:$0x8880] =	vst v63  }
0x1eb: {  	s19 =	sadd.s32 $0x1, s19;
	_ =	swait.ge [sflag:s11], $0x200  }
0x1ec: {  	p0 =	sne.s32 s19, s9;
	[sflag:s11] =	ssyncset.done $0x0  }
.Ltmp3:
0x1ed: {  	[sflag:s11] =	ssyncadd.s32 $0xFFFFFE00;
	(pc) =	sbr.rel @p0 .LBB2_1-.Ltmp3, $4  }
0x1ee: {  	[hbm4b:s8+s17] =	stream.strided.scatter [tilespmem:s14], [sflag:$0x1], $0x200, s18, s17, $0x38;
	[tilespmem:$0x8880] =	vst v63  }
0x1ef: {  	_ =	swait.ge [sflag:s11], $0x200  }
0x1f0: {  	[sflag:s11] =	ssyncset.done $0x0  }
0x1f1: {  	[sflag:s11] =	ssyncadd.s32 $0xFFFFFE00  }
0x1f2: {  	_ =	sfence.sel $0x180000  }
0x1f3: {  	[bflag:$0x0] =	sbarrier.arrive $0xFFFF  }
0x1f4: {  	p0 =	sne.s32 s0, $0x0;
	_ =	strace $0x90000050  }
0x1f5: {  	s0 =	sadd.s32 @!p0 $0x100000, s1;
	[bflag:$0x2] =	sbarrier.arrive $0xFFFF  }
0x1f6: {  	[sflag:s0] =	ssyncadd.tile.s32 @!p0 $0x1;
	_ =	shalt  }
.Lfunc_end2:
_tile_overlayer_lowered:
.L_overlay_start_2:
0x1f7: {  	(tag) =	ssettag $0x2  }
0x1f8: {  	s0 =	rddreg [dreg:$0x0];
	s2 =	stileid.u32  }
0x1f9: {  	s1 =	rddreg [dreg:$0x1];
	p0 =	sne.s32 s2, $0x0  }
0x1fa: {  	s3 =	rddreg [dreg:$0x2];
	[bflag:$0x3] =	sbarrier.arrive $0xFFFF;
	s2 =	simm.s32 @!p0 $0x1C01  }
0x1fb: {  	[timem:s3], [sflag:s2] =	dma.local @!p0 [hbm:s0], s1  }
0x1fc: {  	s0 =	simm.s32 @!p0 $0x1  }
0x1fd: {  	_ =	swait.ge @!p0 [sflag:s0], s1  }
0x1fe: {  	s1 =	ssub.s32 @!p0 $0x0, s1;
	[sflag:s0] =	ssyncset.done @!p0 $0x0  }
0x1ff: {  	[sflag:s0] =	ssyncadd.s32 @!p0 s1  }
0x200: {  	[bflag:$0x3] =	sbarrier.arrive $0xFFFF  }
0x201: {  	_ =	shalt  }

</sc_bundles>
